<compile_context>
chip_gen: v7x
topology: tpu7x:2x2x1
jax: 0.10.2.dev20260603
libtpu: 0.0.44.dev20260713+nightly
codegen_flags: <defaults>
</compile_context>

<pallas_src>
import functools

import jax
import jax.numpy as jnp
from jax import lax
from jax.experimental import pallas as pl
from jax.experimental.pallas import tpu as pltpu
from jax.experimental.pallas import tpu_sc as plsc

NC = 2
NS = 16
K = 128


def _round_up(a, b):
    return -(-a // b) * b


def _sc_agg(h0, h1, src3, dst3, zrows, n_pad):
    nhalf = dst3.shape[2]
    nchunk = 2 * nhalf
    ept = nchunk * K
    rpt = zrows.shape[0]
    half = h0.shape[1]
    mesh = plsc.VectorSubcoreMesh(
        core_axis_name="c", subcore_axis_name="s", num_cores=NC, num_subcores=NS
    )

    @functools.partial(
        pl.kernel,
        out_type=jax.ShapeDtypeStruct((NC, n_pad, half), jnp.float32),
        mesh=mesh,
        scratch_types=[
            pltpu.VMEM((ept,), jnp.int32),
            pltpu.VMEM((nhalf, K), jnp.int32),
            pltpu.VMEM((2, K, half), jnp.float32),
            pltpu.VMEM_SHARED((n_pad, half), jnp.float32),
            pltpu.SemaphoreType.DMA,
            pltpu.SemaphoreType.DMA,
        ],
    )
    def agg(h0_hbm, h1_hbm, src_hbm, dst_hbm, z_hbm, out_hbm,
            sidx, didx, rows, acc, sem0, sem1):
        cid = lax.axis_index("c")
        sid = lax.axis_index("s")
        pltpu.sync_copy(src_hbm.at[pl.ds(sid * ept, ept)], sidx)
        pltpu.sync_copy(z_hbm, acc.at[pl.ds(sid * rpt, rpt)])
        plsc.subcore_barrier()

        def run(tab):
            pltpu.async_copy(tab.at[sidx.at[pl.ds(0, K)]], rows.at[0], sem0)
            pltpu.async_copy(tab.at[sidx.at[pl.ds(K, K)]], rows.at[1], sem1)
            sems = (sem0, sem1)

            for hidx in range(2):
                pltpu.sync_copy(dst_hbm.at[sid, hidx], didx)

                def chunk_pair(p, _):
                    for b in range(2):
                        lch = p * 2 + b
                        ch = hidx * nhalf + lch
                        pltpu.make_async_copy(
                            tab.at[sidx.at[pl.ds(ch * K, K)]], rows.at[b],
                            sems[b]
                        ).wait()
                        pltpu.sync_copy(rows.at[b], acc.at[didx.at[lch]],
                                        add=True)

                        @pl.when(ch + 2 < nchunk)
                        def _():
                            pltpu.async_copy(
                                tab.at[sidx.at[pl.ds((ch + 2) * K, K)]],
                                rows.at[b], sems[b]
                            )
                    return _

                lax.fori_loop(0, nhalf // 2, chunk_pair, None)

        @pl.when(cid == 0)
        def _():
            run(h0_hbm)

        @pl.when(cid == 1)
        def _():
            run(h1_hbm)

        plsc.subcore_barrier()
        pltpu.sync_copy(
            acc.at[pl.ds(sid * rpt, rpt)],
            out_hbm.at[cid, pl.ds(sid * rpt, rpt)],
        )

    return agg(h0, h1, src3, dst3, zrows)


def _tc_conv(h0, h1, agg, w1, b1, w2, b2, scale, shift, epsv, rowb):
    n, half = h0.shape
    d = 2 * half
    grid = (n // rowb,)

    def body(eps_ref, h0_ref, h1_ref, a_ref, w1_ref, b1_ref, w2_ref, b2_ref,
             sc_ref, sh_ref, o0_ref, o1_ref):
        h = jnp.concatenate([h0_ref[...], h1_ref[...]], axis=1)
        a = jnp.concatenate([a_ref[0], a_ref[1]], axis=1)
        z = eps_ref[0, 0] * h + a
        z = jnp.maximum(
            jnp.dot(z, w1_ref[...], preferred_element_type=jnp.float32)
            + b1_ref[...], 0.0)
        z = jnp.maximum(
            jnp.dot(z, w2_ref[...], preferred_element_type=jnp.float32)
            + b2_ref[...], 0.0)
        z = z * sc_ref[...] + sh_ref[...]
        o0_ref[...] = z[:, :half]
        o1_ref[...] = z[:, half:]

    return pl.pallas_call(
        body,
        grid=grid,
        in_specs=[
            pl.BlockSpec(memory_space=pltpu.SMEM),
            pl.BlockSpec((rowb, half), lambda i: (i, 0)),
            pl.BlockSpec((rowb, half), lambda i: (i, 0)),
            pl.BlockSpec((NC, rowb, half), lambda i: (0, i, 0)),
            pl.BlockSpec((d, d), lambda i: (0, 0)),
            pl.BlockSpec((1, d), lambda i: (0, 0)),
            pl.BlockSpec((d, d), lambda i: (0, 0)),
            pl.BlockSpec((1, d), lambda i: (0, 0)),
            pl.BlockSpec((1, d), lambda i: (0, 0)),
            pl.BlockSpec((1, d), lambda i: (0, 0)),
        ],
        out_specs=[
            pl.BlockSpec((rowb, half), lambda i: (i, 0)),
            pl.BlockSpec((rowb, half), lambda i: (i, 0)),
        ],
        out_shape=[jax.ShapeDtypeStruct((n, half), jnp.float32)] * 2,
    )(epsv, h0, h1, agg, w1, b1, w2, b2, scale, shift)


def _tc_mlp(h0, h1, wbs, rowb):
    n, half = h0.shape
    d = 2 * half
    nout = wbs[-1][0].shape[1]
    grid = (n // rowb,)
    nl = len(wbs)

    def body(h0_ref, h1_ref, *refs):
        o_ref = refs[-1]
        z = jnp.concatenate([h0_ref[...], h1_ref[...]], axis=1)
        for i in range(nl):
            w_ref, b_ref = refs[2 * i], refs[2 * i + 1]
            z = jnp.dot(z, w_ref[...], preferred_element_type=jnp.float32) \
                + b_ref[...]
            if i < nl - 1:
                z = jnp.maximum(z, 0.0)
        o_ref[...] = z

    in_specs = [
        pl.BlockSpec((rowb, half), lambda i: (i, 0)),
        pl.BlockSpec((rowb, half), lambda i: (i, 0)),
    ]
    args = [h0, h1]
    for w, b in wbs:
        in_specs.append(pl.BlockSpec(w.shape, lambda i: (0, 0)))
        in_specs.append(pl.BlockSpec((1, b.shape[1]), lambda i: (0, 0)))
        args.append(w)
        args.append(b)

    return pl.pallas_call(
        body,
        grid=grid,
        in_specs=in_specs,
        out_specs=pl.BlockSpec((rowb, nout), lambda i: (i, 0)),
        out_shape=jax.ShapeDtypeStruct((n, nout), jnp.float32),
    )(*args)


def kernel(x, edge_index, params):
    n, d = x.shape
    e = edge_index.shape[1]
    half = d // 2

    ept = _round_up(-(-e // NS), 4 * K)
    ep = ept * NS
    nchunk = ept // K
    rpt = _round_up(-(-(n + 1) // NS), 8)
    n_pad = rpt * NS
    padn = ep - e
    pad_src = (jnp.arange(padn, dtype=jnp.int32) * 37) % n
    pad_dst = n + (jnp.arange(padn, dtype=jnp.int32) % (n_pad - n))
    src3 = jnp.concatenate([edge_index[0], pad_src])
    dst3 = jnp.concatenate([edge_index[1], pad_dst]).reshape(
        NS, 2, nchunk // 2, K)
    zrows = jnp.zeros((rpt, half), jnp.float32)

    rowb = 400 if n % 400 == 0 else 8

    h0 = x[:, :half]
    h1 = x[:, half:]
    for p in params["convs"]:
        agg = _sc_agg(h0, h1, src3, dst3, zrows, n_pad)
        epsv = jnp.reshape(1.0 + p["eps"], (1, 1)).astype(jnp.float32)
        scale = (p["gamma"] / jnp.sqrt(1.0 + 1e-5)).reshape(1, d)
        shift = p["beta"].reshape(1, d)
        h0, h1 = _tc_conv(h0, h1, agg, p["W1"], p["b1"].reshape(1, -1),
                          p["W2"], p["b2"].reshape(1, -1), scale, shift,
                          epsv, rowb)

    wbs = [(lp["W"], lp["b"].reshape(1, -1)) for lp in params["mlp"]]
    return _tc_mlp(h0, h1, wbs, rowb)

# --- scband reference (transcript-rebuilt; emitter-appended) ---
"""Pipeline reference for scband-gin-44555990729009 (READ-ONLY COPY).

The authoritative reference and input builder live on the scoring server;
editing this copy changes nothing except your own understanding.
"""

import jax, jax.numpy as jnp
import numpy as np

N = 10000
E = 160000
D = 256
H = 256
OUT = 256
NUM_LAYERS = 3


def _linear(k, nin, nout):
    kw, _ = jax.random.split(k)
    bound = 1.0 / np.sqrt(nin)
    W = jax.random.uniform(kw, (nin, nout), jnp.float32, -bound, bound)
    b = jnp.zeros((nout,), jnp.float32)
    return W, b


def setup_inputs(seed: int = 0) -> dict:
    key = jax.random.key(seed)
    ks = jax.random.split(key, 32)
    x = jax.random.normal(ks[0], (N, D), jnp.float32)
    edge_index = jax.random.randint(ks[1], (2, E), 0, N, dtype=jnp.int32)
    convs = []
    kidx = 2
    for li in range(NUM_LAYERS):
        nin = D if li == 0 else H
        W1, b1 = _linear(ks[kidx], nin, H); kidx += 1
        W2, b2 = _linear(ks[kidx], H, H); kidx += 1
        convs.append({
            'W1': W1, 'b1': b1, 'W2': W2, 'b2': b2,
            'gamma': jnp.ones((H,), jnp.float32),
            'beta': jnp.zeros((H,), jnp.float32),
            'eps': jnp.float32(0.0),
        })
    mlp = []
    dims = [(H, H), (H, H), (H, H), (H, OUT)]
    for (ni, no) in dims:
        W, b = _linear(ks[kidx], ni, no); kidx += 1
        mlp.append({'W': W, 'b': b})
    params = {'convs': convs, 'mlp': mlp}
    return {'x': x, 'edge_index': edge_index, 'params': params}


def _bn_eval(z, gamma, beta):
    # BatchNorm1d in eval mode with default running stats (mean=0, var=1)
    return (z - 0.0) / jnp.sqrt(1.0 + 1e-5) * gamma + beta


def reference(x, edge_index, params):
    src = edge_index[0]
    dst = edge_index[1]
    h = x
    for p in params['convs']:
        # GINConv: nn((1+eps)*x + sum_{j in N(i)} x_j)
        agg = jax.ops.segment_sum(jnp.take(h, src, axis=0), dst, num_segments=N)
        z = (1.0 + p['eps']) * h + agg
        z = jax.nn.relu(z @ p['W1'] + p['b1'])
        z = jax.nn.relu(z @ p['W2'] + p['b2'])
        h = _bn_eval(z, p['gamma'], p['beta'])
    # dropout p=0.2 in eval mode -> identity
    n_mlp = len(params['mlp'])
    for i, lp in enumerate(params['mlp']):
        h = h @ lp['W'] + lp['b']
        if i < n_mlp - 1:
            h = jax.nn.relu(h)
    return h

if __name__ == "__main__":
    import jax
    _d = setup_inputs()
    print(jax.jit(kernel)(*tuple(_d.values())))

</pallas_src>

<mosaic_0001>
#map = affine_map<(d0, d1) -> (0, 0)>
#map1 = affine_map<(d0, d1) -> (0)>
#map2 = affine_map<(d0, d1) -> (0, 0, 0, 0)>
#map3 = affine_map<(d0, d1) -> (0, 0, 0)>
module attributes {stable_mosaic.version = 14 : i64} {
  func.func @agg(%arg0: i32, %arg1: i32, %arg2: memref<10000x128xf32, #tpu.memory_space<hbm>>, %arg3: memref<10000x128xf32, #tpu.memory_space<hbm>>, %arg4: memref<163840xi32, #tpu.memory_space<hbm>>, %arg5: memref<16x2x40x128xi32, #tpu.memory_space<hbm>>, %arg6: memref<632x128xf32, #tpu.memory_space<hbm>>, %arg7: memref<2x10112x128xf32, #tpu.memory_space<hbm>>, %arg8: memref<10240xi32, #tpu.memory_space<vmem>>, %arg9: memref<40x128xi32, #tpu.memory_space<vmem>>, %arg10: memref<2x128x128xf32, #tpu.memory_space<vmem>>, %arg11: memref<10112x128xf32, #tpu.memory_space<vmem_shared>>, %arg12: memref<!tpu.dma_semaphore, #tpu.memory_space<semaphore_mem>>, %arg13: memref<!tpu.dma_semaphore, #tpu.memory_space<semaphore_mem>>) attributes {dimension_semantics = [#tpu.dimension_semantics<core_parallel>, #tpu.dimension_semantics<subcore_parallel>], iteration_bounds = array<i64: 2, 16>, scalar_prefetch = 0 : i64, scratch_operands = 6 : i64, tpu.core_type = #tpu.core_type<sc_vector_subcore>, window_params = [{transform_indices = #map}, {transform_indices = #map}, {transform_indices = #map1}, {transform_indices = #map2}, {transform_indices = #map}, {transform_indices = #map3}]} {
    %mul3A = arith.constant 10240 : i32
    %mul3A_0 = arith.muli %arg1, %mul3A : i32
    "tpu.region"() ({
      %run_scoped3A = tpu.sem_alloc : memref<!tpu.dma_semaphore, #tpu.memory_space<semaphore_mem>>
      %dma_start3A = tpu.memref_slice %arg4[%mul3A_0] : memref<163840xi32, #tpu.memory_space<hbm>> -> memref<10240xi32, #tpu.memory_space<hbm>>
      %dma_start3A_15 = tpu.memref_slice %arg4[%mul3A_0] : memref<163840xi32, #tpu.memory_space<hbm>> -> memref<10240xi32, #tpu.memory_space<hbm>>
      tpu.enqueue_dma source(%dma_start3A_15 : memref<10240xi32, #tpu.memory_space<hbm>>) target(%arg8 : memref<10240xi32, #tpu.memory_space<vmem>>) target_semaphore(%run_scoped3A : memref<!tpu.dma_semaphore, #tpu.memory_space<semaphore_mem>>)
      %dma_wait3A = tpu.memref_slice %arg4[%mul3A_0] : memref<163840xi32, #tpu.memory_space<hbm>> -> memref<10240xi32, #tpu.memory_space<hbm>>
      %dma_wait3A_16 = tpu.memref_slice %arg4[%mul3A_0] : memref<163840xi32, #tpu.memory_space<hbm>> -> memref<10240xi32, #tpu.memory_space<hbm>>
      tpu.wait_dma2 semaphore(%run_scoped3A : memref<!tpu.dma_semaphore, #tpu.memory_space<semaphore_mem>>) src(%dma_wait3A_16 : memref<10240xi32, #tpu.memory_space<hbm>>) dst(%arg8 : memref<10240xi32, #tpu.memory_space<vmem>>)
      tpu.yield
    }) : () -> ()
    %mul3A_1 = arith.constant 632 : i32
    %mul3A_2 = arith.muli %arg1, %mul3A_1 : i32
    "tpu.region"() ({
      %run_scoped3A = tpu.sem_alloc : memref<!tpu.dma_semaphore, #tpu.memory_space<semaphore_mem>>
      %dma_start3A = arith.constant 0 : i32
      %dma_start3A_15 = tpu.memref_slice %arg11[%mul3A_2, %dma_start3A] : memref<10112x128xf32, #tpu.memory_space<vmem_shared>> -> memref<632x128xf32, #tpu.memory_space<vmem_shared>>
      tpu.enqueue_dma source(%arg6 : memref<632x128xf32, #tpu.memory_space<hbm>>) target(%dma_start3A_15 : memref<632x128xf32, #tpu.memory_space<vmem_shared>>) target_semaphore(%run_scoped3A : memref<!tpu.dma_semaphore, #tpu.memory_space<semaphore_mem>>)
      %dma_wait3A = arith.constant 0 : i32
      %dma_wait3A_16 = tpu.memref_slice %arg11[%mul3A_2, %dma_wait3A] : memref<10112x128xf32, #tpu.memory_space<vmem_shared>> -> memref<632x128xf32, #tpu.memory_space<vmem_shared>>
      tpu.wait_dma2 semaphore(%run_scoped3A : memref<!tpu.dma_semaphore, #tpu.memory_space<semaphore_mem>>) src(%arg6 : memref<632x128xf32, #tpu.memory_space<hbm>>) dst(%dma_wait3A_16 : memref<632x128xf32, #tpu.memory_space<vmem_shared>>)
      tpu.yield
    }) : () -> ()
    %barrier3A = arith.constant 0 : index
    tpu.barrier barrier_id(%barrier3A)
    %eq3A = arith.constant 0 : i32
    %eq3A_3 = arith.cmpi eq, %arg0, %eq3A : i32
    %convert_element_type3A = arith.extui %eq3A_3 : i1 to i32
    %cond3A = arith.constant 0 : i32
    %cond3A_4 = arith.cmpi ne, %convert_element_type3A, %cond3A : i32
    scf.if %cond3A_4 {
      %dma_start3A = arith.constant 0 : i32
      %dma_start3A_15 = arith.constant 0 : i32
      %dma_start3A_16 = arith.constant 0 : i32
      %dma_start3A_17 = tpu.memref_slice %arg10[%dma_start3A, %dma_start3A_15, %dma_start3A_16] : memref<2x128x128xf32, #tpu.memory_space<vmem>> -> memref<1x128x128xf32, #tpu.memory_space<vmem>>
      %dma_start3A_18 = tpu.memref_squeeze %dma_start3A_17 : memref<1x128x128xf32, #tpu.memory_space<vmem>> -> memref<128x128xf32, #tpu.memory_space<vmem>>
      %dma_start3A_19 = arith.constant 0 : i32
      %dma_start3A_20 = tpu.memref_slice %arg8[%dma_start3A_19] : memref<10240xi32, #tpu.memory_space<vmem>> -> memref<128xi32, #tpu.memory_space<vmem>>
      %dma_start3A_21 = arith.constant 0 : i32
      %dma_start3A_22 = arith.constant 0 : i32
      %dma_start3A_23 = tpu.memref_slice %arg2[%dma_start3A_21, %dma_start3A_22] : memref<10000x128xf32, #tpu.memory_space<hbm>> -> memref<10000x128xf32, #tpu.memory_space<hbm>>
      tpu.enqueue_indirect_dma source(%dma_start3A_23 : memref<10000x128xf32, #tpu.memory_space<hbm>>) target(%dma_start3A_18 : memref<128x128xf32, #tpu.memory_space<vmem>>) offsets(%dma_start3A_20 : memref<128xi32, #tpu.memory_space<vmem>>) semaphore(%arg12 : memref<!tpu.dma_semaphore, #tpu.memory_space<semaphore_mem>>)
      %dma_start3A_24 = arith.constant 1 : i32
      %dma_start3A_25 = arith.constant 0 : i32
      %dma_start3A_26 = arith.constant 0 : i32
      %dma_start3A_27 = tpu.memref_slice %arg10[%dma_start3A_24, %dma_start3A_25, %dma_start3A_26] : memref<2x128x128xf32, #tpu.memory_space<vmem>> -> memref<1x128x128xf32, #tpu.memory_space<vmem>>
      %dma_start3A_28 = tpu.memref_squeeze %dma_start3A_27 : memref<1x128x128xf32, #tpu.memory_space<vmem>> -> memref<128x128xf32, #tpu.memory_space<vmem>>
      %dma_start3A_29 = arith.constant 128 : i32
      %dma_start3A_30 = tpu.memref_slice %arg8[%dma_start3A_29] : memref<10240xi32, #tpu.memory_space<vmem>> -> memref<128xi32, #tpu.memory_space<vmem>>
      %dma_start3A_31 = arith.constant 0 : i32
      %dma_start3A_32 = arith.constant 0 : i32
      %dma_start3A_33 = tpu.memref_slice %arg2[%dma_start3A_31, %dma_start3A_32] : memref<10000x128xf32, #tpu.memory_space<hbm>> -> memref<10000x128xf32, #tpu.memory_space<hbm>>
      tpu.enqueue_indirect_dma source(%dma_start3A_33 : memref<10000x128xf32, #tpu.memory_space<hbm>>) target(%dma_start3A_28 : memref<128x128xf32, #tpu.memory_space<vmem>>) offsets(%dma_start3A_30 : memref<128xi32, #tpu.memory_space<vmem>>) semaphore(%arg13 : memref<!tpu.dma_semaphore, #tpu.memory_space<semaphore_mem>>)
      %run_scoped3A = arith.constant 0 : i32
      "tpu.region"() ({
        %run_scoped3A_44 = tpu.sem_alloc : memref<!tpu.dma_semaphore, #tpu.memory_space<semaphore_mem>>
        %dma_start3A_45 = arith.constant 0 : i32
        %dma_start3A_46 = arith.constant 0 : i32
        %dma_start3A_47 = tpu.memref_slice %arg5[%arg1, %run_scoped3A, %dma_start3A_45, %dma_start3A_46] : memref<16x2x40x128xi32, #tpu.memory_space<hbm>> -> memref<1x1x40x128xi32, #tpu.memory_space<hbm>>
        %dma_start3A_48 = tpu.memref_squeeze %dma_start3A_47 : memref<1x1x40x128xi32, #tpu.memory_space<hbm>> -> memref<40x128xi32, #tpu.memory_space<hbm>>
        %dma_start3A_49 = arith.constant 0 : i32
        %dma_start3A_50 = arith.constant 0 : i32
        %dma_start3A_51 = tpu.memref_slice %arg5[%arg1, %run_scoped3A, %dma_start3A_49, %dma_start3A_50] : memref<16x2x40x128xi32, #tpu.memory_space<hbm>> -> memref<1x1x40x128xi32, #tpu.memory_space<hbm>>
        %dma_start3A_52 = tpu.memref_squeeze %dma_start3A_51 : memref<1x1x40x128xi32, #tpu.memory_space<hbm>> -> memref<40x128xi32, #tpu.memory_space<hbm>>
        tpu.enqueue_dma source(%dma_start3A_52 : memref<40x128xi32, #tpu.memory_space<hbm>>) target(%arg9 : memref<40x128xi32, #tpu.memory_space<vmem>>) target_semaphore(%run_scoped3A_44 : memref<!tpu.dma_semaphore, #tpu.memory_space<semaphore_mem>>)
        %dma_wait3A = arith.constant 0 : i32
        %dma_wait3A_53 = arith.constant 0 : i32
        %dma_wait3A_54 = tpu.memref_slice %arg5[%arg1, %run_scoped3A, %dma_wait3A, %dma_wait3A_53] : memref<16x2x40x128xi32, #tpu.memory_space<hbm>> -> memref<1x1x40x128xi32, #tpu.memory_space<hbm>>
        %dma_wait3A_55 = tpu.memref_squeeze %dma_wait3A_54 : memref<1x1x40x128xi32, #tpu.memory_space<hbm>> -> memref<40x128xi32, #tpu.memory_space<hbm>>
        %dma_wait3A_56 = arith.constant 0 : i32
        %dma_wait3A_57 = arith.constant 0 : i32
        %dma_wait3A_58 = tpu.memref_slice %arg5[%arg1, %run_scoped3A, %dma_wait3A_56, %dma_wait3A_57] : memref<16x2x40x128xi32, #tpu.memory_space<hbm>> -> memref<1x1x40x128xi32, #tpu.memory_space<hbm>>
        %dma_wait3A_59 = tpu.memref_squeeze %dma_wait3A_58 : memref<1x1x40x128xi32, #tpu.memory_space<hbm>> -> memref<40x128xi32, #tpu.memory_space<hbm>>
        tpu.wait_dma2 semaphore(%run_scoped3A_44 : memref<!tpu.dma_semaphore, #tpu.memory_space<semaphore_mem>>) src(%dma_wait3A_59 : memref<40x128xi32, #tpu.memory_space<hbm>>) dst(%arg9 : memref<40x128xi32, #tpu.memory_space<vmem>>)
        tpu.yield
      }) : () -> ()
      %scan3A = arith.constant 0 : i32
      %scan3A_34 = arith.constant 20 : i32
      %scan3A_35 = arith.addi %scan3A, %scan3A_34 : i32
      %scan3A_36 = arith.constant 1 : i32
      scf.for %scan3A_44 = %scan3A to %scan3A_35 step %scan3A_36  : i32 {
        %mul3A_45 = arith.constant 2 : i32
        %mul3A_46 = arith.muli %scan3A_44, %mul3A_45 : i32
        %add3A = arith.constant 0 : i32
        %add3A_47 = arith.addi %mul3A_46, %add3A : i32
        %add3A_48 = arith.constant 0 : i32
        %add3A_49 = arith.addi %add3A_48, %add3A_47 : i32
        %mul3A_50 = arith.constant 128 : i32
        %mul3A_51 = arith.muli %add3A_49, %mul3A_50 : i32
        %dma_wait3A = arith.constant 0 : i32
        %dma_wait3A_52 = arith.constant 0 : i32
        %dma_wait3A_53 = arith.constant 0 : i32
        %dma_wait3A_54 = tpu.memref_slice %arg10[%dma_wait3A, %dma_wait3A_52, %dma_wait3A_53] : memref<2x128x128xf32, #tpu.memory_space<vmem>> -> memref<1x128x128xf32, #tpu.memory_space<vmem>>
        %dma_wait3A_55 = tpu.memref_squeeze %dma_wait3A_54 : memref<1x128x128xf32, #tpu.memory_space<vmem>> -> memref<128x128xf32, #tpu.memory_space<vmem>>
        %dma_wait3A_56 = tpu.memref_slice %arg8[%mul3A_51] : memref<10240xi32, #tpu.memory_space<vmem>> -> memref<128xi32, #tpu.memory_space<vmem>>
        %dma_wait3A_57 = arith.constant 0 : i32
        %dma_wait3A_58 = arith.constant 0 : i32
        %dma_wait3A_59 = tpu.memref_slice %arg2[%dma_wait3A_57, %dma_wait3A_58] : memref<10000x128xf32, #tpu.memory_space<hbm>> -> memref<10000x128xf32, #tpu.memory_space<hbm>>
        tpu.wait_indirect_dma semaphore(%arg12 : memref<!tpu.dma_semaphore, #tpu.memory_space<semaphore_mem>>) src(%dma_wait3A_59 : memref<10000x128xf32, #tpu.memory_space<hbm>>) dst(%dma_wait3A_55 : memref<128x128xf32, #tpu.memory_space<vmem>>)
        %run_scoped3A_60 = arith.constant 0 : i32
        "tpu.region"() ({
          %run_scoped3A_92 = tpu.sem_alloc : memref<!tpu.dma_semaphore, #tpu.memory_space<semaphore_mem>>
          %dma_start3A_93 = arith.constant 0 : i32
          %dma_start3A_94 = arith.constant 0 : i32
          %dma_start3A_95 = tpu.memref_slice %arg10[%run_scoped3A_60, %dma_start3A_93, %dma_start3A_94] : memref<2x128x128xf32, #tpu.memory_space<vmem>> -> memref<1x128x128xf32, #tpu.memory_space<vmem>>
          %dma_start3A_96 = tpu.memref_squeeze %dma_start3A_95 : memref<1x128x128xf32, #tpu.memory_space<vmem>> -> memref<128x128xf32, #tpu.memory_space<vmem>>
          %dma_start3A_97 = arith.constant 0 : i32
          %dma_start3A_98 = tpu.memref_slice %arg9[%add3A_47, %dma_start3A_97] : memref<40x128xi32, #tpu.memory_space<vmem>> -> memref<1x128xi32, #tpu.memory_space<vmem>>
          %dma_start3A_99 = tpu.memref_squeeze %dma_start3A_98 : memref<1x128xi32, #tpu.memory_space<vmem>> -> memref<128xi32, #tpu.memory_space<vmem>>
          %dma_start3A_100 = arith.constant 0 : i32
          %dma_start3A_101 = arith.constant 0 : i32
          %dma_start3A_102 = tpu.memref_slice %arg11[%dma_start3A_100, %dma_start3A_101] : memref<10112x128xf32, #tpu.memory_space<vmem_shared>> -> memref<10112x128xf32, #tpu.memory_space<vmem_shared>>
          tpu.enqueue_indirect_dma source(%dma_start3A_96 : memref<128x128xf32, #tpu.memory_space<vmem>>) target(%dma_start3A_102 : memref<10112x128xf32, #tpu.memory_space<vmem_shared>>) offsets(%dma_start3A_99 : memref<128xi32, #tpu.memory_space<vmem>>) semaphore(%run_scoped3A_92 : memref<!tpu.dma_semaphore, #tpu.memory_space<semaphore_mem>>) {add = true}
          %dma_wait3A_103 = arith.constant 0 : i32
          %dma_wait3A_104 = arith.constant 0 : i32
          %dma_wait3A_105 = tpu.memref_slice %arg10[%run_scoped3A_60, %dma_wait3A_103, %dma_wait3A_104] : memref<2x128x128xf32, #tpu.memory_space<vmem>> -> memref<1x128x128xf32, #tpu.memory_space<vmem>>
          %dma_wait3A_106 = tpu.memref_squeeze %dma_wait3A_105 : memref<1x128x128xf32, #tpu.memory_space<vmem>> -> memref<128x128xf32, #tpu.memory_space<vmem>>
          %dma_wait3A_107 = arith.constant 0 : i32
          %dma_wait3A_108 = tpu.memref_slice %arg9[%add3A_47, %dma_wait3A_107] : memref<40x128xi32, #tpu.memory_space<vmem>> -> memref<1x128xi32, #tpu.memory_space<vmem>>
          %dma_wait3A_109 = tpu.memref_squeeze %dma_wait3A_108 : memref<1x128xi32, #tpu.memory_space<vmem>> -> memref<128xi32, #tpu.memory_space<vmem>>
          %dma_wait3A_110 = arith.constant 0 : i32
          %dma_wait3A_111 = arith.constant 0 : i32
          %dma_wait3A_112 = tpu.memref_slice %arg11[%dma_wait3A_110, %dma_wait3A_111] : memref<10112x128xf32, #tpu.memory_space<vmem_shared>> -> memref<10112x128xf32, #tpu.memory_space<vmem_shared>>
          tpu.wait_indirect_dma semaphore(%run_scoped3A_92 : memref<!tpu.dma_semaphore, #tpu.memory_space<semaphore_mem>>) src(%dma_wait3A_106 : memref<128x128xf32, #tpu.memory_space<vmem>>) dst(%dma_wait3A_112 : memref<10112x128xf32, #tpu.memory_space<vmem_shared>>)
          tpu.yield
        }) : () -> ()
        %add3A_61 = arith.constant 2 : i32
        %add3A_62 = arith.addi %add3A_49, %add3A_61 : i32
        %lt3A = arith.constant 80 : i32
        %lt3A_63 = arith.cmpi slt, %add3A_62, %lt3A : i32
        %convert_element_type3A_64 = arith.extui %lt3A_63 : i1 to i32
        %cond3A_65 = arith.constant 0 : i32
        %cond3A_66 = arith.cmpi ne, %convert_element_type3A_64, %cond3A_65 : i32
        scf.if %cond3A_66 {
          %add3A_92 = arith.constant 2 : i32
          %add3A_93 = arith.addi %add3A_49, %add3A_92 : i32
          %mul3A_94 = arith.constant 128 : i32
          %mul3A_95 = arith.muli %add3A_93, %mul3A_94 : i32
          %dma_start3A_96 = arith.constant 0 : i32
          %dma_start3A_97 = arith.constant 0 : i32
          %dma_start3A_98 = arith.constant 0 : i32
          %dma_start3A_99 = tpu.memref_slice %arg10[%dma_start3A_96, %dma_start3A_97, %dma_start3A_98] : memref<2x128x128xf32, #tpu.memory_space<vmem>> -> memref<1x128x128xf32, #tpu.memory_space<vmem>>
          %dma_start3A_100 = tpu.memref_squeeze %dma_start3A_99 : memref<1x128x128xf32, #tpu.memory_space<vmem>> -> memref<128x128xf32, #tpu.memory_space<vmem>>
          %dma_start3A_101 = tpu.memref_slice %arg8[%mul3A_95] : memref<10240xi32, #tpu.memory_space<vmem>> -> memref<128xi32, #tpu.memory_space<vmem>>
          %dma_start3A_102 = arith.constant 0 : i32
          %dma_start3A_103 = arith.constant 0 : i32
          %dma_start3A_104 = tpu.memref_slice %arg2[%dma_start3A_102, %dma_start3A_103] : memref<10000x128xf32, #tpu.memory_space<hbm>> -> memref<10000x128xf32, #tpu.memory_space<hbm>>
          tpu.enqueue_indirect_dma source(%dma_start3A_104 : memref<10000x128xf32, #tpu.memory_space<hbm>>) target(%dma_start3A_100 : memref<128x128xf32, #tpu.memory_space<vmem>>) offsets(%dma_start3A_101 : memref<128xi32, #tpu.memory_space<vmem>>) semaphore(%arg12 : memref<!tpu.dma_semaphore, #tpu.memory_space<semaphore_mem>>)
        } else {
        }
        %mul3A_67 = arith.constant 2 : i32
        %mul3A_68 = arith.muli %scan3A_44, %mul3A_67 : i32
        %add3A_69 = arith.constant 1 : i32
        %add3A_70 = arith.addi %mul3A_68, %add3A_69 : i32
        %add3A_71 = arith.constant 0 : i32
        %add3A_72 = arith.addi %add3A_71, %add3A_70 : i32
        %mul3A_73 = arith.constant 128 : i32
        %mul3A_74 = arith.muli %add3A_72, %mul3A_73 : i32
        %dma_wait3A_75 = arith.constant 1 : i32
        %dma_wait3A_76 = arith.constant 0 : i32
        %dma_wait3A_77 = arith.constant 0 : i32
        %dma_wait3A_78 = tpu.memref_slice %arg10[%dma_wait3A_75, %dma_wait3A_76, %dma_wait3A_77] : memref<2x128x128xf32, #tpu.memory_space<vmem>> -> memref<1x128x128xf32, #tpu.memory_space<vmem>>
        %dma_wait3A_79 = tpu.memref_squeeze %dma_wait3A_78 : memref<1x128x128xf32, #tpu.memory_space<vmem>> -> memref<128x128xf32, #tpu.memory_space<vmem>>
        %dma_wait3A_80 = tpu.memref_slice %arg8[%mul3A_74] : memref<10240xi32, #tpu.memory_space<vmem>> -> memref<128xi32, #tpu.memory_space<vmem>>
        %dma_wait3A_81 = arith.constant 0 : i32
        %dma_wait3A_82 = arith.constant 0 : i32
        %dma_wait3A_83 = tpu.memref_slice %arg2[%dma_wait3A_81, %dma_wait3A_82] : memref<10000x128xf32, #tpu.memory_space<hbm>> -> memref<10000x128xf32, #tpu.memory_space<hbm>>
        tpu.wait_indirect_dma semaphore(%arg13 : memref<!tpu.dma_semaphore, #tpu.memory_space<semaphore_mem>>) src(%dma_wait3A_83 : memref<10000x128xf32, #tpu.memory_space<hbm>>) dst(%dma_wait3A_79 : memref<128x128xf32, #tpu.memory_space<vmem>>)
        %run_scoped3A_84 = arith.constant 1 : i32
        "tpu.region"() ({
          %run_scoped3A_92 = tpu.sem_alloc : memref<!tpu.dma_semaphore, #tpu.memory_space<semaphore_mem>>
          %dma_start3A_93 = arith.constant 0 : i32
          %dma_start3A_94 = arith.constant 0 : i32
          %dma_start3A_95 = tpu.memref_slice %arg10[%run_scoped3A_84, %dma_start3A_93, %dma_start3A_94] : memref<2x128x128xf32, #tpu.memory_space<vmem>> -> memref<1x128x128xf32, #tpu.memory_space<vmem>>
          %dma_start3A_96 = tpu.memref_squeeze %dma_start3A_95 : memref<1x128x128xf32, #tpu.memory_space<vmem>> -> memref<128x128xf32, #tpu.memory_space<vmem>>
          %dma_start3A_97 = arith.constant 0 : i32
          %dma_start3A_98 = tpu.memref_slice %arg9[%add3A_70, %dma_start3A_97] : memref<40x128xi32, #tpu.memory_space<vmem>> -> memref<1x128xi32, #tpu.memory_space<vmem>>
          %dma_start3A_99 = tpu.memref_squeeze %dma_start3A_98 : memref<1x128xi32, #tpu.memory_space<vmem>> -> memref<128xi32, #tpu.memory_space<vmem>>
          %dma_start3A_100 = arith.constant 0 : i32
          %dma_start3A_101 = arith.constant 0 : i32
          %dma_start3A_102 = tpu.memref_slice %arg11[%dma_start3A_100, %dma_start3A_101] : memref<10112x128xf32, #tpu.memory_space<vmem_shared>> -> memref<10112x128xf32, #tpu.memory_space<vmem_shared>>
          tpu.enqueue_indirect_dma source(%dma_start3A_96 : memref<128x128xf32, #tpu.memory_space<vmem>>) target(%dma_start3A_102 : memref<10112x128xf32, #tpu.memory_space<vmem_shared>>) offsets(%dma_start3A_99 : memref<128xi32, #tpu.memory_space<vmem>>) semaphore(%run_scoped3A_92 : memref<!tpu.dma_semaphore, #tpu.memory_space<semaphore_mem>>) {add = true}
          %dma_wait3A_103 = arith.constant 0 : i32
          %dma_wait3A_104 = arith.constant 0 : i32
          %dma_wait3A_105 = tpu.memref_slice %arg10[%run_scoped3A_84, %dma_wait3A_103, %dma_wait3A_104] : memref<2x128x128xf32, #tpu.memory_space<vmem>> -> memref<1x128x128xf32, #tpu.memory_space<vmem>>
          %dma_wait3A_106 = tpu.memref_squeeze %dma_wait3A_105 : memref<1x128x128xf32, #tpu.memory_space<vmem>> -> memref<128x128xf32, #tpu.memory_space<vmem>>
          %dma_wait3A_107 = arith.constant 0 : i32
          %dma_wait3A_108 = tpu.memref_slice %arg9[%add3A_70, %dma_wait3A_107] : memref<40x128xi32, #tpu.memory_space<vmem>> -> memref<1x128xi32, #tpu.memory_space<vmem>>
          %dma_wait3A_109 = tpu.memref_squeeze %dma_wait3A_108 : memref<1x128xi32, #tpu.memory_space<vmem>> -> memref<128xi32, #tpu.memory_space<vmem>>
          %dma_wait3A_110 = arith.constant 0 : i32
          %dma_wait3A_111 = arith.constant 0 : i32
          %dma_wait3A_112 = tpu.memref_slice %arg11[%dma_wait3A_110, %dma_wait3A_111] : memref<10112x128xf32, #tpu.memory_space<vmem_shared>> -> memref<10112x128xf32, #tpu.memory_space<vmem_shared>>
          tpu.wait_indirect_dma semaphore(%run_scoped3A_92 : memref<!tpu.dma_semaphore, #tpu.memory_space<semaphore_mem>>) src(%dma_wait3A_106 : memref<128x128xf32, #tpu.memory_space<vmem>>) dst(%dma_wait3A_112 : memref<10112x128xf32, #tpu.memory_space<vmem_shared>>)
          tpu.yield
        }) : () -> ()
        %add3A_85 = arith.constant 2 : i32
        %add3A_86 = arith.addi %add3A_72, %add3A_85 : i32
        %lt3A_87 = arith.constant 80 : i32
        %lt3A_88 = arith.cmpi slt, %add3A_86, %lt3A_87 : i32
        %convert_element_type3A_89 = arith.extui %lt3A_88 : i1 to i32
        %cond3A_90 = arith.constant 0 : i32
        %cond3A_91 = arith.cmpi ne, %convert_element_type3A_89, %cond3A_90 : i32
        scf.if %cond3A_91 {
          %add3A_92 = arith.constant 2 : i32
          %add3A_93 = arith.addi %add3A_72, %add3A_92 : i32
          %mul3A_94 = arith.constant 128 : i32
          %mul3A_95 = arith.muli %add3A_93, %mul3A_94 : i32
          %dma_start3A_96 = arith.constant 1 : i32
          %dma_start3A_97 = arith.constant 0 : i32
          %dma_start3A_98 = arith.constant 0 : i32
          %dma_start3A_99 = tpu.memref_slice %arg10[%dma_start3A_96, %dma_start3A_97, %dma_start3A_98] : memref<2x128x128xf32, #tpu.memory_space<vmem>> -> memref<1x128x128xf32, #tpu.memory_space<vmem>>
          %dma_start3A_100 = tpu.memref_squeeze %dma_start3A_99 : memref<1x128x128xf32, #tpu.memory_space<vmem>> -> memref<128x128xf32, #tpu.memory_space<vmem>>
          %dma_start3A_101 = tpu.memref_slice %arg8[%mul3A_95] : memref<10240xi32, #tpu.memory_space<vmem>> -> memref<128xi32, #tpu.memory_space<vmem>>
          %dma_start3A_102 = arith.constant 0 : i32
          %dma_start3A_103 = arith.constant 0 : i32
          %dma_start3A_104 = tpu.memref_slice %arg2[%dma_start3A_102, %dma_start3A_103] : memref<10000x128xf32, #tpu.memory_space<hbm>> -> memref<10000x128xf32, #tpu.memory_space<hbm>>
          tpu.enqueue_indirect_dma source(%dma_start3A_104 : memref<10000x128xf32, #tpu.memory_space<hbm>>) target(%dma_start3A_100 : memref<128x128xf32, #tpu.memory_space<vmem>>) offsets(%dma_start3A_101 : memref<128xi32, #tpu.memory_space<vmem>>) semaphore(%arg13 : memref<!tpu.dma_semaphore, #tpu.memory_space<semaphore_mem>>)
        } else {
        }
      }
      %scan3A_37 = arith.constant 20 : i32
      %run_scoped3A_38 = arith.constant 1 : i32
      "tpu.region"() ({
        %run_scoped3A_44 = tpu.sem_alloc : memref<!tpu.dma_semaphore, #tpu.memory_space<semaphore_mem>>
        %dma_start3A_45 = arith.constant 0 : i32
        %dma_start3A_46 = arith.constant 0 : i32
        %dma_start3A_47 = tpu.memref_slice %arg5[%arg1, %run_scoped3A_38, %dma_start3A_45, %dma_start3A_46] : memref<16x2x40x128xi32, #tpu.memory_space<hbm>> -> memref<1x1x40x128xi32, #tpu.memory_space<hbm>>
        %dma_start3A_48 = tpu.memref_squeeze %dma_start3A_47 : memref<1x1x40x128xi32, #tpu.memory_space<hbm>> -> memref<40x128xi32, #tpu.memory_space<hbm>>
        %dma_start3A_49 = arith.constant 0 : i32
        %dma_start3A_50 = arith.constant 0 : i32
        %dma_start3A_51 = tpu.memref_slice %arg5[%arg1, %run_scoped3A_38, %dma_start3A_49, %dma_start3A_50] : memref<16x2x40x128xi32, #tpu.memory_space<hbm>> -> memref<1x1x40x128xi32, #tpu.memory_space<hbm>>
        %dma_start3A_52 = tpu.memref_squeeze %dma_start3A_51 : memref<1x1x40x128xi32, #tpu.memory_space<hbm>> -> memref<40x128xi32, #tpu.memory_space<hbm>>
        tpu.enqueue_dma source(%dma_start3A_52 : memref<40x128xi32, #tpu.memory_space<hbm>>) target(%arg9 : memref<40x128xi32, #tpu.memory_space<vmem>>) target_semaphore(%run_scoped3A_44 : memref<!tpu.dma_semaphore, #tpu.memory_space<semaphore_mem>>)
        %dma_wait3A = arith.constant 0 : i32
        %dma_wait3A_53 = arith.constant 0 : i32
        %dma_wait3A_54 = tpu.memref_slice %arg5[%arg1, %run_scoped3A_38, %dma_wait3A, %dma_wait3A_53] : memref<16x2x40x128xi32, #tpu.memory_space<hbm>> -> memref<1x1x40x128xi32, #tpu.memory_space<hbm>>
        %dma_wait3A_55 = tpu.memref_squeeze %dma_wait3A_54 : memref<1x1x40x128xi32, #tpu.memory_space<hbm>> -> memref<40x128xi32, #tpu.memory_space<hbm>>
        %dma_wait3A_56 = arith.constant 0 : i32
        %dma_wait3A_57 = arith.constant 0 : i32
        %dma_wait3A_58 = tpu.memref_slice %arg5[%arg1, %run_scoped3A_38, %dma_wait3A_56, %dma_wait3A_57] : memref<16x2x40x128xi32, #tpu.memory_space<hbm>> -> memref<1x1x40x128xi32, #tpu.memory_space<hbm>>
        %dma_wait3A_59 = tpu.memref_squeeze %dma_wait3A_58 : memref<1x1x40x128xi32, #tpu.memory_space<hbm>> -> memref<40x128xi32, #tpu.memory_space<hbm>>
        tpu.wait_dma2 semaphore(%run_scoped3A_44 : memref<!tpu.dma_semaphore, #tpu.memory_space<semaphore_mem>>) src(%dma_wait3A_59 : memref<40x128xi32, #tpu.memory_space<hbm>>) dst(%arg9 : memref<40x128xi32, #tpu.memory_space<vmem>>)
        tpu.yield
      }) : () -> ()
      %scan3A_39 = arith.constant 0 : i32
      %scan3A_40 = arith.constant 20 : i32
      %scan3A_41 = arith.addi %scan3A_39, %scan3A_40 : i32
      %scan3A_42 = arith.constant 1 : i32
      scf.for %scan3A_44 = %scan3A_39 to %scan3A_41 step %scan3A_42  : i32 {
        %mul3A_45 = arith.constant 2 : i32
        %mul3A_46 = arith.muli %scan3A_44, %mul3A_45 : i32
        %add3A = arith.constant 0 : i32
        %add3A_47 = arith.addi %mul3A_46, %add3A : i32
        %add3A_48 = arith.constant 40 : i32
        %add3A_49 = arith.addi %add3A_48, %add3A_47 : i32
        %mul3A_50 = arith.constant 128 : i32
        %mul3A_51 = arith.muli %add3A_49, %mul3A_50 : i32
        %dma_wait3A = arith.constant 0 : i32
        %dma_wait3A_52 = arith.constant 0 : i32
        %dma_wait3A_53 = arith.constant 0 : i32
        %dma_wait3A_54 = tpu.memref_slice %arg10[%dma_wait3A, %dma_wait3A_52, %dma_wait3A_53] : memref<2x128x128xf32, #tpu.memory_space<vmem>> -> memref<1x128x128xf32, #tpu.memory_space<vmem>>
        %dma_wait3A_55 = tpu.memref_squeeze %dma_wait3A_54 : memref<1x128x128xf32, #tpu.memory_space<vmem>> -> memref<128x128xf32, #tpu.memory_space<vmem>>
        %dma_wait3A_56 = tpu.memref_slice %arg8[%mul3A_51] : memref<10240xi32, #tpu.memory_space<vmem>> -> memref<128xi32, #tpu.memory_space<vmem>>
        %dma_wait3A_57 = arith.constant 0 : i32
        %dma_wait3A_58 = arith.constant 0 : i32
        %dma_wait3A_59 = tpu.memref_slice %arg2[%dma_wait3A_57, %dma_wait3A_58] : memref<10000x128xf32, #tpu.memory_space<hbm>> -> memref<10000x128xf32, #tpu.memory_space<hbm>>
        tpu.wait_indirect_dma semaphore(%arg12 : memref<!tpu.dma_semaphore, #tpu.memory_space<semaphore_mem>>) src(%dma_wait3A_59 : memref<10000x128xf32, #tpu.memory_space<hbm>>) dst(%dma_wait3A_55 : memref<128x128xf32, #tpu.memory_space<vmem>>)
        %run_scoped3A_60 = arith.constant 0 : i32
        "tpu.region"() ({
          %run_scoped3A_92 = tpu.sem_alloc : memref<!tpu.dma_semaphore, #tpu.memory_space<semaphore_mem>>
          %dma_start3A_93 = arith.constant 0 : i32
          %dma_start3A_94 = arith.constant 0 : i32
          %dma_start3A_95 = tpu.memref_slice %arg10[%run_scoped3A_60, %dma_start3A_93, %dma_start3A_94] : memref<2x128x128xf32, #tpu.memory_space<vmem>> -> memref<1x128x128xf32, #tpu.memory_space<vmem>>
          %dma_start3A_96 = tpu.memref_squeeze %dma_start3A_95 : memref<1x128x128xf32, #tpu.memory_space<vmem>> -> memref<128x128xf32, #tpu.memory_space<vmem>>
          %dma_start3A_97 = arith.constant 0 : i32
          %dma_start3A_98 = tpu.memref_slice %arg9[%add3A_47, %dma_start3A_97] : memref<40x128xi32, #tpu.memory_space<vmem>> -> memref<1x128xi32, #tpu.memory_space<vmem>>
          %dma_start3A_99 = tpu.memref_squeeze %dma_start3A_98 : memref<1x128xi32, #tpu.memory_space<vmem>> -> memref<128xi32, #tpu.memory_space<vmem>>
          %dma_start3A_100 = arith.constant 0 : i32
          %dma_start3A_101 = arith.constant 0 : i32
          %dma_start3A_102 = tpu.memref_slice %arg11[%dma_start3A_100, %dma_start3A_101] : memref<10112x128xf32, #tpu.memory_space<vmem_shared>> -> memref<10112x128xf32, #tpu.memory_space<vmem_shared>>
          tpu.enqueue_indirect_dma source(%dma_start3A_96 : memref<128x128xf32, #tpu.memory_space<vmem>>) target(%dma_start3A_102 : memref<10112x128xf32, #tpu.memory_space<vmem_shared>>) offsets(%dma_start3A_99 : memref<128xi32, #tpu.memory_space<vmem>>) semaphore(%run_scoped3A_92 : memref<!tpu.dma_semaphore, #tpu.memory_space<semaphore_mem>>) {add = true}
          %dma_wait3A_103 = arith.constant 0 : i32
          %dma_wait3A_104 = arith.constant 0 : i32
          %dma_wait3A_105 = tpu.memref_slice %arg10[%run_scoped3A_60, %dma_wait3A_103, %dma_wait3A_104] : memref<2x128x128xf32, #tpu.memory_space<vmem>> -> memref<1x128x128xf32, #tpu.memory_space<vmem>>
          %dma_wait3A_106 = tpu.memref_squeeze %dma_wait3A_105 : memref<1x128x128xf32, #tpu.memory_space<vmem>> -> memref<128x128xf32, #tpu.memory_space<vmem>>
          %dma_wait3A_107 = arith.constant 0 : i32
          %dma_wait3A_108 = tpu.memref_slice %arg9[%add3A_47, %dma_wait3A_107] : memref<40x128xi32, #tpu.memory_space<vmem>> -> memref<1x128xi32, #tpu.memory_space<vmem>>
          %dma_wait3A_109 = tpu.memref_squeeze %dma_wait3A_108 : memref<1x128xi32, #tpu.memory_space<vmem>> -> memref<128xi32, #tpu.memory_space<vmem>>
          %dma_wait3A_110 = arith.constant 0 : i32
          %dma_wait3A_111 = arith.constant 0 : i32
          %dma_wait3A_112 = tpu.memref_slice %arg11[%dma_wait3A_110, %dma_wait3A_111] : memref<10112x128xf32, #tpu.memory_space<vmem_shared>> -> memref<10112x128xf32, #tpu.memory_space<vmem_shared>>
          tpu.wait_indirect_dma semaphore(%run_scoped3A_92 : memref<!tpu.dma_semaphore, #tpu.memory_space<semaphore_mem>>) src(%dma_wait3A_106 : memref<128x128xf32, #tpu.memory_space<vmem>>) dst(%dma_wait3A_112 : memref<10112x128xf32, #tpu.memory_space<vmem_shared>>)
          tpu.yield
        }) : () -> ()
        %add3A_61 = arith.constant 2 : i32
        %add3A_62 = arith.addi %add3A_49, %add3A_61 : i32
        %lt3A = arith.constant 80 : i32
        %lt3A_63 = arith.cmpi slt, %add3A_62, %lt3A : i32
        %convert_element_type3A_64 = arith.extui %lt3A_63 : i1 to i32
        %cond3A_65 = arith.constant 0 : i32
        %cond3A_66 = arith.cmpi ne, %convert_element_type3A_64, %cond3A_65 : i32
        scf.if %cond3A_66 {
          %add3A_92 = arith.constant 2 : i32
          %add3A_93 = arith.addi %add3A_49, %add3A_92 : i32
          %mul3A_94 = arith.constant 128 : i32
          %mul3A_95 = arith.muli %add3A_93, %mul3A_94 : i32
          %dma_start3A_96 = arith.constant 0 : i32
          %dma_start3A_97 = arith.constant 0 : i32
          %dma_start3A_98 = arith.constant 0 : i32
          %dma_start3A_99 = tpu.memref_slice %arg10[%dma_start3A_96, %dma_start3A_97, %dma_start3A_98] : memref<2x128x128xf32, #tpu.memory_space<vmem>> -> memref<1x128x128xf32, #tpu.memory_space<vmem>>
          %dma_start3A_100 = tpu.memref_squeeze %dma_start3A_99 : memref<1x128x128xf32, #tpu.memory_space<vmem>> -> memref<128x128xf32, #tpu.memory_space<vmem>>
          %dma_start3A_101 = tpu.memref_slice %arg8[%mul3A_95] : memref<10240xi32, #tpu.memory_space<vmem>> -> memref<128xi32, #tpu.memory_space<vmem>>
          %dma_start3A_102 = arith.constant 0 : i32
          %dma_start3A_103 = arith.constant 0 : i32
          %dma_start3A_104 = tpu.memref_slice %arg2[%dma_start3A_102, %dma_start3A_103] : memref<10000x128xf32, #tpu.memory_space<hbm>> -> memref<10000x128xf32, #tpu.memory_space<hbm>>
          tpu.enqueue_indirect_dma source(%dma_start3A_104 : memref<10000x128xf32, #tpu.memory_space<hbm>>) target(%dma_start3A_100 : memref<128x128xf32, #tpu.memory_space<vmem>>) offsets(%dma_start3A_101 : memref<128xi32, #tpu.memory_space<vmem>>) semaphore(%arg12 : memref<!tpu.dma_semaphore, #tpu.memory_space<semaphore_mem>>)
        } else {
        }
        %mul3A_67 = arith.constant 2 : i32
        %mul3A_68 = arith.muli %scan3A_44, %mul3A_67 : i32
        %add3A_69 = arith.constant 1 : i32
        %add3A_70 = arith.addi %mul3A_68, %add3A_69 : i32
        %add3A_71 = arith.constant 40 : i32
        %add3A_72 = arith.addi %add3A_71, %add3A_70 : i32
        %mul3A_73 = arith.constant 128 : i32
        %mul3A_74 = arith.muli %add3A_72, %mul3A_73 : i32
        %dma_wait3A_75 = arith.constant 1 : i32
        %dma_wait3A_76 = arith.constant 0 : i32
        %dma_wait3A_77 = arith.constant 0 : i32
        %dma_wait3A_78 = tpu.memref_slice %arg10[%dma_wait3A_75, %dma_wait3A_76, %dma_wait3A_77] : memref<2x128x128xf32, #tpu.memory_space<vmem>> -> memref<1x128x128xf32, #tpu.memory_space<vmem>>
        %dma_wait3A_79 = tpu.memref_squeeze %dma_wait3A_78 : memref<1x128x128xf32, #tpu.memory_space<vmem>> -> memref<128x128xf32, #tpu.memory_space<vmem>>
        %dma_wait3A_80 = tpu.memref_slice %arg8[%mul3A_74] : memref<10240xi32, #tpu.memory_space<vmem>> -> memref<128xi32, #tpu.memory_space<vmem>>
        %dma_wait3A_81 = arith.constant 0 : i32
        %dma_wait3A_82 = arith.constant 0 : i32
        %dma_wait3A_83 = tpu.memref_slice %arg2[%dma_wait3A_81, %dma_wait3A_82] : memref<10000x128xf32, #tpu.memory_space<hbm>> -> memref<10000x128xf32, #tpu.memory_space<hbm>>
        tpu.wait_indirect_dma semaphore(%arg13 : memref<!tpu.dma_semaphore, #tpu.memory_space<semaphore_mem>>) src(%dma_wait3A_83 : memref<10000x128xf32, #tpu.memory_space<hbm>>) dst(%dma_wait3A_79 : memref<128x128xf32, #tpu.memory_space<vmem>>)
        %run_scoped3A_84 = arith.constant 1 : i32
        "tpu.region"() ({
          %run_scoped3A_92 = tpu.sem_alloc : memref<!tpu.dma_semaphore, #tpu.memory_space<semaphore_mem>>
          %dma_start3A_93 = arith.constant 0 : i32
          %dma_start3A_94 = arith.constant 0 : i32
          %dma_start3A_95 = tpu.memref_slice %arg10[%run_scoped3A_84, %dma_start3A_93, %dma_start3A_94] : memref<2x128x128xf32, #tpu.memory_space<vmem>> -> memref<1x128x128xf32, #tpu.memory_space<vmem>>
          %dma_start3A_96 = tpu.memref_squeeze %dma_start3A_95 : memref<1x128x128xf32, #tpu.memory_space<vmem>> -> memref<128x128xf32, #tpu.memory_space<vmem>>
          %dma_start3A_97 = arith.constant 0 : i32
          %dma_start3A_98 = tpu.memref_slice %arg9[%add3A_70, %dma_start3A_97] : memref<40x128xi32, #tpu.memory_space<vmem>> -> memref<1x128xi32, #tpu.memory_space<vmem>>
          %dma_start3A_99 = tpu.memref_squeeze %dma_start3A_98 : memref<1x128xi32, #tpu.memory_space<vmem>> -> memref<128xi32, #tpu.memory_space<vmem>>
          %dma_start3A_100 = arith.constant 0 : i32
          %dma_start3A_101 = arith.constant 0 : i32
          %dma_start3A_102 = tpu.memref_slice %arg11[%dma_start3A_100, %dma_start3A_101] : memref<10112x128xf32, #tpu.memory_space<vmem_shared>> -> memref<10112x128xf32, #tpu.memory_space<vmem_shared>>
          tpu.enqueue_indirect_dma source(%dma_start3A_96 : memref<128x128xf32, #tpu.memory_space<vmem>>) target(%dma_start3A_102 : memref<10112x128xf32, #tpu.memory_space<vmem_shared>>) offsets(%dma_start3A_99 : memref<128xi32, #tpu.memory_space<vmem>>) semaphore(%run_scoped3A_92 : memref<!tpu.dma_semaphore, #tpu.memory_space<semaphore_mem>>) {add = true}
          %dma_wait3A_103 = arith.constant 0 : i32
          %dma_wait3A_104 = arith.constant 0 : i32
          %dma_wait3A_105 = tpu.memref_slice %arg10[%run_scoped3A_84, %dma_wait3A_103, %dma_wait3A_104] : memref<2x128x128xf32, #tpu.memory_space<vmem>> -> memref<1x128x128xf32, #tpu.memory_space<vmem>>
          %dma_wait3A_106 = tpu.memref_squeeze %dma_wait3A_105 : memref<1x128x128xf32, #tpu.memory_space<vmem>> -> memref<128x128xf32, #tpu.memory_space<vmem>>
          %dma_wait3A_107 = arith.constant 0 : i32
          %dma_wait3A_108 = tpu.memref_slice %arg9[%add3A_70, %dma_wait3A_107] : memref<40x128xi32, #tpu.memory_space<vmem>> -> memref<1x128xi32, #tpu.memory_space<vmem>>
          %dma_wait3A_109 = tpu.memref_squeeze %dma_wait3A_108 : memref<1x128xi32, #tpu.memory_space<vmem>> -> memref<128xi32, #tpu.memory_space<vmem>>
          %dma_wait3A_110 = arith.constant 0 : i32
          %dma_wait3A_111 = arith.constant 0 : i32
          %dma_wait3A_112 = tpu.memref_slice %arg11[%dma_wait3A_110, %dma_wait3A_111] : memref<10112x128xf32, #tpu.memory_space<vmem_shared>> -> memref<10112x128xf32, #tpu.memory_space<vmem_shared>>
          tpu.wait_indirect_dma semaphore(%run_scoped3A_92 : memref<!tpu.dma_semaphore, #tpu.memory_space<semaphore_mem>>) src(%dma_wait3A_106 : memref<128x128xf32, #tpu.memory_space<vmem>>) dst(%dma_wait3A_112 : memref<10112x128xf32, #tpu.memory_space<vmem_shared>>)
          tpu.yield
        }) : () -> ()
        %add3A_85 = arith.constant 2 : i32
        %add3A_86 = arith.addi %add3A_72, %add3A_85 : i32
        %lt3A_87 = arith.constant 80 : i32
        %lt3A_88 = arith.cmpi slt, %add3A_86, %lt3A_87 : i32
        %convert_element_type3A_89 = arith.extui %lt3A_88 : i1 to i32
        %cond3A_90 = arith.constant 0 : i32
        %cond3A_91 = arith.cmpi ne, %convert_element_type3A_89, %cond3A_90 : i32
        scf.if %cond3A_91 {
          %add3A_92 = arith.constant 2 : i32
          %add3A_93 = arith.addi %add3A_72, %add3A_92 : i32
          %mul3A_94 = arith.constant 128 : i32
          %mul3A_95 = arith.muli %add3A_93, %mul3A_94 : i32
          %dma_start3A_96 = arith.constant 1 : i32
          %dma_start3A_97 = arith.constant 0 : i32
          %dma_start3A_98 = arith.constant 0 : i32
          %dma_start3A_99 = tpu.memref_slice %arg10[%dma_start3A_96, %dma_start3A_97, %dma_start3A_98] : memref<2x128x128xf32, #tpu.memory_space<vmem>> -> memref<1x128x128xf32, #tpu.memory_space<vmem>>
          %dma_start3A_100 = tpu.memref_squeeze %dma_start3A_99 : memref<1x128x128xf32, #tpu.memory_space<vmem>> -> memref<128x128xf32, #tpu.memory_space<vmem>>
          %dma_start3A_101 = tpu.memref_slice %arg8[%mul3A_95] : memref<10240xi32, #tpu.memory_space<vmem>> -> memref<128xi32, #tpu.memory_space<vmem>>
          %dma_start3A_102 = arith.constant 0 : i32
          %dma_start3A_103 = arith.constant 0 : i32
          %dma_start3A_104 = tpu.memref_slice %arg2[%dma_start3A_102, %dma_start3A_103] : memref<10000x128xf32, #tpu.memory_space<hbm>> -> memref<10000x128xf32, #tpu.memory_space<hbm>>
          tpu.enqueue_indirect_dma source(%dma_start3A_104 : memref<10000x128xf32, #tpu.memory_space<hbm>>) target(%dma_start3A_100 : memref<128x128xf32, #tpu.memory_space<vmem>>) offsets(%dma_start3A_101 : memref<128xi32, #tpu.memory_space<vmem>>) semaphore(%arg13 : memref<!tpu.dma_semaphore, #tpu.memory_space<semaphore_mem>>)
        } else {
        }
      }
      %scan3A_43 = arith.constant 20 : i32
    } else {
    }
    %eq3A_5 = arith.constant 1 : i32
    %eq3A_6 = arith.cmpi eq, %arg0, %eq3A_5 : i32
    %convert_element_type3A_7 = arith.extui %eq3A_6 : i1 to i32
    %cond3A_8 = arith.constant 0 : i32
    %cond3A_9 = arith.cmpi ne, %convert_element_type3A_7, %cond3A_8 : i32
    scf.if %cond3A_9 {
      %dma_start3A = arith.constant 0 : i32
      %dma_start3A_15 = arith.constant 0 : i32
      %dma_start3A_16 = arith.constant 0 : i32
      %dma_start3A_17 = tpu.memref_slice %arg10[%dma_start3A, %dma_start3A_15, %dma_start3A_16] : memref<2x128x128xf32, #tpu.memory_space<vmem>> -> memref<1x128x128xf32, #tpu.memory_space<vmem>>
      %dma_start3A_18 = tpu.memref_squeeze %dma_start3A_17 : memref<1x128x128xf32, #tpu.memory_space<vmem>> -> memref<128x128xf32, #tpu.memory_space<vmem>>
      %dma_start3A_19 = arith.constant 0 : i32
      %dma_start3A_20 = tpu.memref_slice %arg8[%dma_start3A_19] : memref<10240xi32, #tpu.memory_space<vmem>> -> memref<128xi32, #tpu.memory_space<vmem>>
      %dma_start3A_21 = arith.constant 0 : i32
      %dma_start3A_22 = arith.constant 0 : i32
      %dma_start3A_23 = tpu.memref_slice %arg3[%dma_start3A_21, %dma_start3A_22] : memref<10000x128xf32, #tpu.memory_space<hbm>> -> memref<10000x128xf32, #tpu.memory_space<hbm>>
      tpu.enqueue_indirect_dma source(%dma_start3A_23 : memref<10000x128xf32, #tpu.memory_space<hbm>>) target(%dma_start3A_18 : memref<128x128xf32, #tpu.memory_space<vmem>>) offsets(%dma_start3A_20 : memref<128xi32, #tpu.memory_space<vmem>>) semaphore(%arg12 : memref<!tpu.dma_semaphore, #tpu.memory_space<semaphore_mem>>)
      %dma_start3A_24 = arith.constant 1 : i32
      %dma_start3A_25 = arith.constant 0 : i32
      %dma_start3A_26 = arith.constant 0 : i32
      %dma_start3A_27 = tpu.memref_slice %arg10[%dma_start3A_24, %dma_start3A_25, %dma_start3A_26] : memref<2x128x128xf32, #tpu.memory_space<vmem>> -> memref<1x128x128xf32, #tpu.memory_space<vmem>>
      %dma_start3A_28 = tpu.memref_squeeze %dma_start3A_27 : memref<1x128x128xf32, #tpu.memory_space<vmem>> -> memref<128x128xf32, #tpu.memory_space<vmem>>
      %dma_start3A_29 = arith.constant 128 : i32
      %dma_start3A_30 = tpu.memref_slice %arg8[%dma_start3A_29] : memref<10240xi32, #tpu.memory_space<vmem>> -> memref<128xi32, #tpu.memory_space<vmem>>
      %dma_start3A_31 = arith.constant 0 : i32
      %dma_start3A_32 = arith.constant 0 : i32
      %dma_start3A_33 = tpu.memref_slice %arg3[%dma_start3A_31, %dma_start3A_32] : memref<10000x128xf32, #tpu.memory_space<hbm>> -> memref<10000x128xf32, #tpu.memory_space<hbm>>
      tpu.enqueue_indirect_dma source(%dma_start3A_33 : memref<10000x128xf32, #tpu.memory_space<hbm>>) target(%dma_start3A_28 : memref<128x128xf32, #tpu.memory_space<vmem>>) offsets(%dma_start3A_30 : memref<128xi32, #tpu.memory_space<vmem>>) semaphore(%arg13 : memref<!tpu.dma_semaphore, #tpu.memory_space<semaphore_mem>>)
      %run_scoped3A = arith.constant 0 : i32
      "tpu.region"() ({
        %run_scoped3A_44 = tpu.sem_alloc : memref<!tpu.dma_semaphore, #tpu.memory_space<semaphore_mem>>
        %dma_start3A_45 = arith.constant 0 : i32
        %dma_start3A_46 = arith.constant 0 : i32
        %dma_start3A_47 = tpu.memref_slice %arg5[%arg1, %run_scoped3A, %dma_start3A_45, %dma_start3A_46] : memref<16x2x40x128xi32, #tpu.memory_space<hbm>> -> memref<1x1x40x128xi32, #tpu.memory_space<hbm>>
        %dma_start3A_48 = tpu.memref_squeeze %dma_start3A_47 : memref<1x1x40x128xi32, #tpu.memory_space<hbm>> -> memref<40x128xi32, #tpu.memory_space<hbm>>
        %dma_start3A_49 = arith.constant 0 : i32
        %dma_start3A_50 = arith.constant 0 : i32
        %dma_start3A_51 = tpu.memref_slice %arg5[%arg1, %run_scoped3A, %dma_start3A_49, %dma_start3A_50] : memref<16x2x40x128xi32, #tpu.memory_space<hbm>> -> memref<1x1x40x128xi32, #tpu.memory_space<hbm>>
        %dma_start3A_52 = tpu.memref_squeeze %dma_start3A_51 : memref<1x1x40x128xi32, #tpu.memory_space<hbm>> -> memref<40x128xi32, #tpu.memory_space<hbm>>
        tpu.enqueue_dma source(%dma_start3A_52 : memref<40x128xi32, #tpu.memory_space<hbm>>) target(%arg9 : memref<40x128xi32, #tpu.memory_space<vmem>>) target_semaphore(%run_scoped3A_44 : memref<!tpu.dma_semaphore, #tpu.memory_space<semaphore_mem>>)
        %dma_wait3A = arith.constant 0 : i32
        %dma_wait3A_53 = arith.constant 0 : i32
        %dma_wait3A_54 = tpu.memref_slice %arg5[%arg1, %run_scoped3A, %dma_wait3A, %dma_wait3A_53] : memref<16x2x40x128xi32, #tpu.memory_space<hbm>> -> memref<1x1x40x128xi32, #tpu.memory_space<hbm>>
        %dma_wait3A_55 = tpu.memref_squeeze %dma_wait3A_54 : memref<1x1x40x128xi32, #tpu.memory_space<hbm>> -> memref<40x128xi32, #tpu.memory_space<hbm>>
        %dma_wait3A_56 = arith.constant 0 : i32
        %dma_wait3A_57 = arith.constant 0 : i32
        %dma_wait3A_58 = tpu.memref_slice %arg5[%arg1, %run_scoped3A, %dma_wait3A_56, %dma_wait3A_57] : memref<16x2x40x128xi32, #tpu.memory_space<hbm>> -> memref<1x1x40x128xi32, #tpu.memory_space<hbm>>
        %dma_wait3A_59 = tpu.memref_squeeze %dma_wait3A_58 : memref<1x1x40x128xi32, #tpu.memory_space<hbm>> -> memref<40x128xi32, #tpu.memory_space<hbm>>
        tpu.wait_dma2 semaphore(%run_scoped3A_44 : memref<!tpu.dma_semaphore, #tpu.memory_space<semaphore_mem>>) src(%dma_wait3A_59 : memref<40x128xi32, #tpu.memory_space<hbm>>) dst(%arg9 : memref<40x128xi32, #tpu.memory_space<vmem>>)
        tpu.yield
      }) : () -> ()
      %scan3A = arith.constant 0 : i32
      %scan3A_34 = arith.constant 20 : i32
      %scan3A_35 = arith.addi %scan3A, %scan3A_34 : i32
      %scan3A_36 = arith.constant 1 : i32
      scf.for %scan3A_44 = %scan3A to %scan3A_35 step %scan3A_36  : i32 {
        %mul3A_45 = arith.constant 2 : i32
        %mul3A_46 = arith.muli %scan3A_44, %mul3A_45 : i32
        %add3A = arith.constant 0 : i32
        %add3A_47 = arith.addi %mul3A_46, %add3A : i32
        %add3A_48 = arith.constant 0 : i32
        %add3A_49 = arith.addi %add3A_48, %add3A_47 : i32
        %mul3A_50 = arith.constant 128 : i32
        %mul3A_51 = arith.muli %add3A_49, %mul3A_50 : i32
        %dma_wait3A = arith.constant 0 : i32
        %dma_wait3A_52 = arith.constant 0 : i32
        %dma_wait3A_53 = arith.constant 0 : i32
        %dma_wait3A_54 = tpu.memref_slice %arg10[%dma_wait3A, %dma_wait3A_52, %dma_wait3A_53] : memref<2x128x128xf32, #tpu.memory_space<vmem>> -> memref<1x128x128xf32, #tpu.memory_space<vmem>>
        %dma_wait3A_55 = tpu.memref_squeeze %dma_wait3A_54 : memref<1x128x128xf32, #tpu.memory_space<vmem>> -> memref<128x128xf32, #tpu.memory_space<vmem>>
        %dma_wait3A_56 = tpu.memref_slice %arg8[%mul3A_51] : memref<10240xi32, #tpu.memory_space<vmem>> -> memref<128xi32, #tpu.memory_space<vmem>>
        %dma_wait3A_57 = arith.constant 0 : i32
        %dma_wait3A_58 = arith.constant 0 : i32
        %dma_wait3A_59 = tpu.memref_slice %arg3[%dma_wait3A_57, %dma_wait3A_58] : memref<10000x128xf32, #tpu.memory_space<hbm>> -> memref<10000x128xf32, #tpu.memory_space<hbm>>
        tpu.wait_indirect_dma semaphore(%arg12 : memref<!tpu.dma_semaphore, #tpu.memory_space<semaphore_mem>>) src(%dma_wait3A_59 : memref<10000x128xf32, #tpu.memory_space<hbm>>) dst(%dma_wait3A_55 : memref<128x128xf32, #tpu.memory_space<vmem>>)
        %run_scoped3A_60 = arith.constant 0 : i32
        "tpu.region"() ({
          %run_scoped3A_92 = tpu.sem_alloc : memref<!tpu.dma_semaphore, #tpu.memory_space<semaphore_mem>>
          %dma_start3A_93 = arith.constant 0 : i32
          %dma_start3A_94 = arith.constant 0 : i32
          %dma_start3A_95 = tpu.memref_slice %arg10[%run_scoped3A_60, %dma_start3A_93, %dma_start3A_94] : memref<2x128x128xf32, #tpu.memory_space<vmem>> -> memref<1x128x128xf32, #tpu.memory_space<vmem>>
          %dma_start3A_96 = tpu.memref_squeeze %dma_start3A_95 : memref<1x128x128xf32, #tpu.memory_space<vmem>> -> memref<128x128xf32, #tpu.memory_space<vmem>>
          %dma_start3A_97 = arith.constant 0 : i32
          %dma_start3A_98 = tpu.memref_slice %arg9[%add3A_47, %dma_start3A_97] : memref<40x128xi32, #tpu.memory_space<vmem>> -> memref<1x128xi32, #tpu.memory_space<vmem>>
          %dma_start3A_99 = tpu.memref_squeeze %dma_start3A_98 : memref<1x128xi32, #tpu.memory_space<vmem>> -> memref<128xi32, #tpu.memory_space<vmem>>
          %dma_start3A_100 = arith.constant 0 : i32
          %dma_start3A_101 = arith.constant 0 : i32
          %dma_start3A_102 = tpu.memref_slice %arg11[%dma_start3A_100, %dma_start3A_101] : memref<10112x128xf32, #tpu.memory_space<vmem_shared>> -> memref<10112x128xf32, #tpu.memory_space<vmem_shared>>
          tpu.enqueue_indirect_dma source(%dma_start3A_96 : memref<128x128xf32, #tpu.memory_space<vmem>>) target(%dma_start3A_102 : memref<10112x128xf32, #tpu.memory_space<vmem_shared>>) offsets(%dma_start3A_99 : memref<128xi32, #tpu.memory_space<vmem>>) semaphore(%run_scoped3A_92 : memref<!tpu.dma_semaphore, #tpu.memory_space<semaphore_mem>>) {add = true}
          %dma_wait3A_103 = arith.constant 0 : i32
          %dma_wait3A_104 = arith.constant 0 : i32
          %dma_wait3A_105 = tpu.memref_slice %arg10[%run_scoped3A_60, %dma_wait3A_103, %dma_wait3A_104] : memref<2x128x128xf32, #tpu.memory_space<vmem>> -> memref<1x128x128xf32, #tpu.memory_space<vmem>>
          %dma_wait3A_106 = tpu.memref_squeeze %dma_wait3A_105 : memref<1x128x128xf32, #tpu.memory_space<vmem>> -> memref<128x128xf32, #tpu.memory_space<vmem>>
          %dma_wait3A_107 = arith.constant 0 : i32
          %dma_wait3A_108 = tpu.memref_slice %arg9[%add3A_47, %dma_wait3A_107] : memref<40x128xi32, #tpu.memory_space<vmem>> -> memref<1x128xi32, #tpu.memory_space<vmem>>
          %dma_wait3A_109 = tpu.memref_squeeze %dma_wait3A_108 : memref<1x128xi32, #tpu.memory_space<vmem>> -> memref<128xi32, #tpu.memory_space<vmem>>
          %dma_wait3A_110 = arith.constant 0 : i32
          %dma_wait3A_111 = arith.constant 0 : i32
          %dma_wait3A_112 = tpu.memref_slice %arg11[%dma_wait3A_110, %dma_wait3A_111] : memref<10112x128xf32, #tpu.memory_space<vmem_shared>> -> memref<10112x128xf32, #tpu.memory_space<vmem_shared>>
          tpu.wait_indirect_dma semaphore(%run_scoped3A_92 : memref<!tpu.dma_semaphore, #tpu.memory_space<semaphore_mem>>) src(%dma_wait3A_106 : memref<128x128xf32, #tpu.memory_space<vmem>>) dst(%dma_wait3A_112 : memref<10112x128xf32, #tpu.memory_space<vmem_shared>>)
          tpu.yield
        }) : () -> ()
        %add3A_61 = arith.constant 2 : i32
        %add3A_62 = arith.addi %add3A_49, %add3A_61 : i32
        %lt3A = arith.constant 80 : i32
        %lt3A_63 = arith.cmpi slt, %add3A_62, %lt3A : i32
        %convert_element_type3A_64 = arith.extui %lt3A_63 : i1 to i32
        %cond3A_65 = arith.constant 0 : i32
        %cond3A_66 = arith.cmpi ne, %convert_element_type3A_64, %cond3A_65 : i32
        scf.if %cond3A_66 {
          %add3A_92 = arith.constant 2 : i32
          %add3A_93 = arith.addi %add3A_49, %add3A_92 : i32
          %mul3A_94 = arith.constant 128 : i32
          %mul3A_95 = arith.muli %add3A_93, %mul3A_94 : i32
          %dma_start3A_96 = arith.constant 0 : i32
          %dma_start3A_97 = arith.constant 0 : i32
          %dma_start3A_98 = arith.constant 0 : i32
          %dma_start3A_99 = tpu.memref_slice %arg10[%dma_start3A_96, %dma_start3A_97, %dma_start3A_98] : memref<2x128x128xf32, #tpu.memory_space<vmem>> -> memref<1x128x128xf32, #tpu.memory_space<vmem>>
          %dma_start3A_100 = tpu.memref_squeeze %dma_start3A_99 : memref<1x128x128xf32, #tpu.memory_space<vmem>> -> memref<128x128xf32, #tpu.memory_space<vmem>>
          %dma_start3A_101 = tpu.memref_slice %arg8[%mul3A_95] : memref<10240xi32, #tpu.memory_space<vmem>> -> memref<128xi32, #tpu.memory_space<vmem>>
          %dma_start3A_102 = arith.constant 0 : i32
          %dma_start3A_103 = arith.constant 0 : i32
          %dma_start3A_104 = tpu.memref_slice %arg3[%dma_start3A_102, %dma_start3A_103] : memref<10000x128xf32, #tpu.memory_space<hbm>> -> memref<10000x128xf32, #tpu.memory_space<hbm>>
          tpu.enqueue_indirect_dma source(%dma_start3A_104 : memref<10000x128xf32, #tpu.memory_space<hbm>>) target(%dma_start3A_100 : memref<128x128xf32, #tpu.memory_space<vmem>>) offsets(%dma_start3A_101 : memref<128xi32, #tpu.memory_space<vmem>>) semaphore(%arg12 : memref<!tpu.dma_semaphore, #tpu.memory_space<semaphore_mem>>)
        } else {
        }
        %mul3A_67 = arith.constant 2 : i32
        %mul3A_68 = arith.muli %scan3A_44, %mul3A_67 : i32
        %add3A_69 = arith.constant 1 : i32
        %add3A_70 = arith.addi %mul3A_68, %add3A_69 : i32
        %add3A_71 = arith.constant 0 : i32
        %add3A_72 = arith.addi %add3A_71, %add3A_70 : i32
        %mul3A_73 = arith.constant 128 : i32
        %mul3A_74 = arith.muli %add3A_72, %mul3A_73 : i32
        %dma_wait3A_75 = arith.constant 1 : i32
        %dma_wait3A_76 = arith.constant 0 : i32
        %dma_wait3A_77 = arith.constant 0 : i32
        %dma_wait3A_78 = tpu.memref_slice %arg10[%dma_wait3A_75, %dma_wait3A_76, %dma_wait3A_77] : memref<2x128x128xf32, #tpu.memory_space<vmem>> -> memref<1x128x128xf32, #tpu.memory_space<vmem>>
        %dma_wait3A_79 = tpu.memref_squeeze %dma_wait3A_78 : memref<1x128x128xf32, #tpu.memory_space<vmem>> -> memref<128x128xf32, #tpu.memory_space<vmem>>
        %dma_wait3A_80 = tpu.memref_slice %arg8[%mul3A_74] : memref<10240xi32, #tpu.memory_space<vmem>> -> memref<128xi32, #tpu.memory_space<vmem>>
        %dma_wait3A_81 = arith.constant 0 : i32
        %dma_wait3A_82 = arith.constant 0 : i32
        %dma_wait3A_83 = tpu.memref_slice %arg3[%dma_wait3A_81, %dma_wait3A_82] : memref<10000x128xf32, #tpu.memory_space<hbm>> -> memref<10000x128xf32, #tpu.memory_space<hbm>>
        tpu.wait_indirect_dma semaphore(%arg13 : memref<!tpu.dma_semaphore, #tpu.memory_space<semaphore_mem>>) src(%dma_wait3A_83 : memref<10000x128xf32, #tpu.memory_space<hbm>>) dst(%dma_wait3A_79 : memref<128x128xf32, #tpu.memory_space<vmem>>)
        %run_scoped3A_84 = arith.constant 1 : i32
        "tpu.region"() ({
          %run_scoped3A_92 = tpu.sem_alloc : memref<!tpu.dma_semaphore, #tpu.memory_space<semaphore_mem>>
          %dma_start3A_93 = arith.constant 0 : i32
          %dma_start3A_94 = arith.constant 0 : i32
          %dma_start3A_95 = tpu.memref_slice %arg10[%run_scoped3A_84, %dma_start3A_93, %dma_start3A_94] : memref<2x128x128xf32, #tpu.memory_space<vmem>> -> memref<1x128x128xf32, #tpu.memory_space<vmem>>
          %dma_start3A_96 = tpu.memref_squeeze %dma_start3A_95 : memref<1x128x128xf32, #tpu.memory_space<vmem>> -> memref<128x128xf32, #tpu.memory_space<vmem>>
          %dma_start3A_97 = arith.constant 0 : i32
          %dma_start3A_98 = tpu.memref_slice %arg9[%add3A_70, %dma_start3A_97] : memref<40x128xi32, #tpu.memory_space<vmem>> -> memref<1x128xi32, #tpu.memory_space<vmem>>
          %dma_start3A_99 = tpu.memref_squeeze %dma_start3A_98 : memref<1x128xi32, #tpu.memory_space<vmem>> -> memref<128xi32, #tpu.memory_space<vmem>>
          %dma_start3A_100 = arith.constant 0 : i32
          %dma_start3A_101 = arith.constant 0 : i32
          %dma_start3A_102 = tpu.memref_slice %arg11[%dma_start3A_100, %dma_start3A_101] : memref<10112x128xf32, #tpu.memory_space<vmem_shared>> -> memref<10112x128xf32, #tpu.memory_space<vmem_shared>>
          tpu.enqueue_indirect_dma source(%dma_start3A_96 : memref<128x128xf32, #tpu.memory_space<vmem>>) target(%dma_start3A_102 : memref<10112x128xf32, #tpu.memory_space<vmem_shared>>) offsets(%dma_start3A_99 : memref<128xi32, #tpu.memory_space<vmem>>) semaphore(%run_scoped3A_92 : memref<!tpu.dma_semaphore, #tpu.memory_space<semaphore_mem>>) {add = true}
          %dma_wait3A_103 = arith.constant 0 : i32
          %dma_wait3A_104 = arith.constant 0 : i32
          %dma_wait3A_105 = tpu.memref_slice %arg10[%run_scoped3A_84, %dma_wait3A_103, %dma_wait3A_104] : memref<2x128x128xf32, #tpu.memory_space<vmem>> -> memref<1x128x128xf32, #tpu.memory_space<vmem>>
          %dma_wait3A_106 = tpu.memref_squeeze %dma_wait3A_105 : memref<1x128x128xf32, #tpu.memory_space<vmem>> -> memref<128x128xf32, #tpu.memory_space<vmem>>
          %dma_wait3A_107 = arith.constant 0 : i32
          %dma_wait3A_108 = tpu.memref_slice %arg9[%add3A_70, %dma_wait3A_107] : memref<40x128xi32, #tpu.memory_space<vmem>> -> memref<1x128xi32, #tpu.memory_space<vmem>>
          %dma_wait3A_109 = tpu.memref_squeeze %dma_wait3A_108 : memref<1x128xi32, #tpu.memory_space<vmem>> -> memref<128xi32, #tpu.memory_space<vmem>>
          %dma_wait3A_110 = arith.constant 0 : i32
          %dma_wait3A_111 = arith.constant 0 : i32
          %dma_wait3A_112 = tpu.memref_slice %arg11[%dma_wait3A_110, %dma_wait3A_111] : memref<10112x128xf32, #tpu.memory_space<vmem_shared>> -> memref<10112x128xf32, #tpu.memory_space<vmem_shared>>
          tpu.wait_indirect_dma semaphore(%run_scoped3A_92 : memref<!tpu.dma_semaphore, #tpu.memory_space<semaphore_mem>>) src(%dma_wait3A_106 : memref<128x128xf32, #tpu.memory_space<vmem>>) dst(%dma_wait3A_112 : memref<10112x128xf32, #tpu.memory_space<vmem_shared>>)
          tpu.yield
        }) : () -> ()
        %add3A_85 = arith.constant 2 : i32
        %add3A_86 = arith.addi %add3A_72, %add3A_85 : i32
        %lt3A_87 = arith.constant 80 : i32
        %lt3A_88 = arith.cmpi slt, %add3A_86, %lt3A_87 : i32
        %convert_element_type3A_89 = arith.extui %lt3A_88 : i1 to i32
        %cond3A_90 = arith.constant 0 : i32
        %cond3A_91 = arith.cmpi ne, %convert_element_type3A_89, %cond3A_90 : i32
        scf.if %cond3A_91 {
          %add3A_92 = arith.constant 2 : i32
          %add3A_93 = arith.addi %add3A_72, %add3A_92 : i32
          %mul3A_94 = arith.constant 128 : i32
          %mul3A_95 = arith.muli %add3A_93, %mul3A_94 : i32
          %dma_start3A_96 = arith.constant 1 : i32
          %dma_start3A_97 = arith.constant 0 : i32
          %dma_start3A_98 = arith.constant 0 : i32
          %dma_start3A_99 = tpu.memref_slice %arg10[%dma_start3A_96, %dma_start3A_97, %dma_start3A_98] : memref<2x128x128xf32, #tpu.memory_space<vmem>> -> memref<1x128x128xf32, #tpu.memory_space<vmem>>
          %dma_start3A_100 = tpu.memref_squeeze %dma_start3A_99 : memref<1x128x128xf32, #tpu.memory_space<vmem>> -> memref<128x128xf32, #tpu.memory_space<vmem>>
          %dma_start3A_101 = tpu.memref_slice %arg8[%mul3A_95] : memref<10240xi32, #tpu.memory_space<vmem>> -> memref<128xi32, #tpu.memory_space<vmem>>
          %dma_start3A_102 = arith.constant 0 : i32
          %dma_start3A_103 = arith.constant 0 : i32
          %dma_start3A_104 = tpu.memref_slice %arg3[%dma_start3A_102, %dma_start3A_103] : memref<10000x128xf32, #tpu.memory_space<hbm>> -> memref<10000x128xf32, #tpu.memory_space<hbm>>
          tpu.enqueue_indirect_dma source(%dma_start3A_104 : memref<10000x128xf32, #tpu.memory_space<hbm>>) target(%dma_start3A_100 : memref<128x128xf32, #tpu.memory_space<vmem>>) offsets(%dma_start3A_101 : memref<128xi32, #tpu.memory_space<vmem>>) semaphore(%arg13 : memref<!tpu.dma_semaphore, #tpu.memory_space<semaphore_mem>>)
        } else {
        }
      }
      %scan3A_37 = arith.constant 20 : i32
      %run_scoped3A_38 = arith.constant 1 : i32
      "tpu.region"() ({
        %run_scoped3A_44 = tpu.sem_alloc : memref<!tpu.dma_semaphore, #tpu.memory_space<semaphore_mem>>
        %dma_start3A_45 = arith.constant 0 : i32
        %dma_start3A_46 = arith.constant 0 : i32
        %dma_start3A_47 = tpu.memref_slice %arg5[%arg1, %run_scoped3A_38, %dma_start3A_45, %dma_start3A_46] : memref<16x2x40x128xi32, #tpu.memory_space<hbm>> -> memref<1x1x40x128xi32, #tpu.memory_space<hbm>>
        %dma_start3A_48 = tpu.memref_squeeze %dma_start3A_47 : memref<1x1x40x128xi32, #tpu.memory_space<hbm>> -> memref<40x128xi32, #tpu.memory_space<hbm>>
        %dma_start3A_49 = arith.constant 0 : i32
        %dma_start3A_50 = arith.constant 0 : i32
        %dma_start3A_51 = tpu.memref_slice %arg5[%arg1, %run_scoped3A_38, %dma_start3A_49, %dma_start3A_50] : memref<16x2x40x128xi32, #tpu.memory_space<hbm>> -> memref<1x1x40x128xi32, #tpu.memory_space<hbm>>
        %dma_start3A_52 = tpu.memref_squeeze %dma_start3A_51 : memref<1x1x40x128xi32, #tpu.memory_space<hbm>> -> memref<40x128xi32, #tpu.memory_space<hbm>>
        tpu.enqueue_dma source(%dma_start3A_52 : memref<40x128xi32, #tpu.memory_space<hbm>>) target(%arg9 : memref<40x128xi32, #tpu.memory_space<vmem>>) target_semaphore(%run_scoped3A_44 : memref<!tpu.dma_semaphore, #tpu.memory_space<semaphore_mem>>)
        %dma_wait3A = arith.constant 0 : i32
        %dma_wait3A_53 = arith.constant 0 : i32
        %dma_wait3A_54 = tpu.memref_slice %arg5[%arg1, %run_scoped3A_38, %dma_wait3A, %dma_wait3A_53] : memref<16x2x40x128xi32, #tpu.memory_space<hbm>> -> memref<1x1x40x128xi32, #tpu.memory_space<hbm>>
        %dma_wait3A_55 = tpu.memref_squeeze %dma_wait3A_54 : memref<1x1x40x128xi32, #tpu.memory_space<hbm>> -> memref<40x128xi32, #tpu.memory_space<hbm>>
        %dma_wait3A_56 = arith.constant 0 : i32
        %dma_wait3A_57 = arith.constant 0 : i32
        %dma_wait3A_58 = tpu.memref_slice %arg5[%arg1, %run_scoped3A_38, %dma_wait3A_56, %dma_wait3A_57] : memref<16x2x40x128xi32, #tpu.memory_space<hbm>> -> memref<1x1x40x128xi32, #tpu.memory_space<hbm>>
        %dma_wait3A_59 = tpu.memref_squeeze %dma_wait3A_58 : memref<1x1x40x128xi32, #tpu.memory_space<hbm>> -> memref<40x128xi32, #tpu.memory_space<hbm>>
        tpu.wait_dma2 semaphore(%run_scoped3A_44 : memref<!tpu.dma_semaphore, #tpu.memory_space<semaphore_mem>>) src(%dma_wait3A_59 : memref<40x128xi32, #tpu.memory_space<hbm>>) dst(%arg9 : memref<40x128xi32, #tpu.memory_space<vmem>>)
        tpu.yield
      }) : () -> ()
      %scan3A_39 = arith.constant 0 : i32
      %scan3A_40 = arith.constant 20 : i32
      %scan3A_41 = arith.addi %scan3A_39, %scan3A_40 : i32
      %scan3A_42 = arith.constant 1 : i32
      scf.for %scan3A_44 = %scan3A_39 to %scan3A_41 step %scan3A_42  : i32 {
        %mul3A_45 = arith.constant 2 : i32
        %mul3A_46 = arith.muli %scan3A_44, %mul3A_45 : i32
        %add3A = arith.constant 0 : i32
        %add3A_47 = arith.addi %mul3A_46, %add3A : i32
        %add3A_48 = arith.constant 40 : i32
        %add3A_49 = arith.addi %add3A_48, %add3A_47 : i32
        %mul3A_50 = arith.constant 128 : i32
        %mul3A_51 = arith.muli %add3A_49, %mul3A_50 : i32
        %dma_wait3A = arith.constant 0 : i32
        %dma_wait3A_52 = arith.constant 0 : i32
        %dma_wait3A_53 = arith.constant 0 : i32
        %dma_wait3A_54 = tpu.memref_slice %arg10[%dma_wait3A, %dma_wait3A_52, %dma_wait3A_53] : memref<2x128x128xf32, #tpu.memory_space<vmem>> -> memref<1x128x128xf32, #tpu.memory_space<vmem>>
        %dma_wait3A_55 = tpu.memref_squeeze %dma_wait3A_54 : memref<1x128x128xf32, #tpu.memory_space<vmem>> -> memref<128x128xf32, #tpu.memory_space<vmem>>
        %dma_wait3A_56 = tpu.memref_slice %arg8[%mul3A_51] : memref<10240xi32, #tpu.memory_space<vmem>> -> memref<128xi32, #tpu.memory_space<vmem>>
        %dma_wait3A_57 = arith.constant 0 : i32
        %dma_wait3A_58 = arith.constant 0 : i32
        %dma_wait3A_59 = tpu.memref_slice %arg3[%dma_wait3A_57, %dma_wait3A_58] : memref<10000x128xf32, #tpu.memory_space<hbm>> -> memref<10000x128xf32, #tpu.memory_space<hbm>>
        tpu.wait_indirect_dma semaphore(%arg12 : memref<!tpu.dma_semaphore, #tpu.memory_space<semaphore_mem>>) src(%dma_wait3A_59 : memref<10000x128xf32, #tpu.memory_space<hbm>>) dst(%dma_wait3A_55 : memref<128x128xf32, #tpu.memory_space<vmem>>)
        %run_scoped3A_60 = arith.constant 0 : i32
        "tpu.region"() ({
          %run_scoped3A_92 = tpu.sem_alloc : memref<!tpu.dma_semaphore, #tpu.memory_space<semaphore_mem>>
          %dma_start3A_93 = arith.constant 0 : i32
          %dma_start3A_94 = arith.constant 0 : i32
          %dma_start3A_95 = tpu.memref_slice %arg10[%run_scoped3A_60, %dma_start3A_93, %dma_start3A_94] : memref<2x128x128xf32, #tpu.memory_space<vmem>> -> memref<1x128x128xf32, #tpu.memory_space<vmem>>
          %dma_start3A_96 = tpu.memref_squeeze %dma_start3A_95 : memref<1x128x128xf32, #tpu.memory_space<vmem>> -> memref<128x128xf32, #tpu.memory_space<vmem>>
          %dma_start3A_97 = arith.constant 0 : i32
          %dma_start3A_98 = tpu.memref_slice %arg9[%add3A_47, %dma_start3A_97] : memref<40x128xi32, #tpu.memory_space<vmem>> -> memref<1x128xi32, #tpu.memory_space<vmem>>
          %dma_start3A_99 = tpu.memref_squeeze %dma_start3A_98 : memref<1x128xi32, #tpu.memory_space<vmem>> -> memref<128xi32, #tpu.memory_space<vmem>>
          %dma_start3A_100 = arith.constant 0 : i32
          %dma_start3A_101 = arith.constant 0 : i32
          %dma_start3A_102 = tpu.memref_slice %arg11[%dma_start3A_100, %dma_start3A_101] : memref<10112x128xf32, #tpu.memory_space<vmem_shared>> -> memref<10112x128xf32, #tpu.memory_space<vmem_shared>>
          tpu.enqueue_indirect_dma source(%dma_start3A_96 : memref<128x128xf32, #tpu.memory_space<vmem>>) target(%dma_start3A_102 : memref<10112x128xf32, #tpu.memory_space<vmem_shared>>) offsets(%dma_start3A_99 : memref<128xi32, #tpu.memory_space<vmem>>) semaphore(%run_scoped3A_92 : memref<!tpu.dma_semaphore, #tpu.memory_space<semaphore_mem>>) {add = true}
          %dma_wait3A_103 = arith.constant 0 : i32
          %dma_wait3A_104 = arith.constant 0 : i32
          %dma_wait3A_105 = tpu.memref_slice %arg10[%run_scoped3A_60, %dma_wait3A_103, %dma_wait3A_104] : memref<2x128x128xf32, #tpu.memory_space<vmem>> -> memref<1x128x128xf32, #tpu.memory_space<vmem>>
          %dma_wait3A_106 = tpu.memref_squeeze %dma_wait3A_105 : memref<1x128x128xf32, #tpu.memory_space<vmem>> -> memref<128x128xf32, #tpu.memory_space<vmem>>
          %dma_wait3A_107 = arith.constant 0 : i32
          %dma_wait3A_108 = tpu.memref_slice %arg9[%add3A_47, %dma_wait3A_107] : memref<40x128xi32, #tpu.memory_space<vmem>> -> memref<1x128xi32, #tpu.memory_space<vmem>>
          %dma_wait3A_109 = tpu.memref_squeeze %dma_wait3A_108 : memref<1x128xi32, #tpu.memory_space<vmem>> -> memref<128xi32, #tpu.memory_space<vmem>>
          %dma_wait3A_110 = arith.constant 0 : i32
          %dma_wait3A_111 = arith.constant 0 : i32
          %dma_wait3A_112 = tpu.memref_slice %arg11[%dma_wait3A_110, %dma_wait3A_111] : memref<10112x128xf32, #tpu.memory_space<vmem_shared>> -> memref<10112x128xf32, #tpu.memory_space<vmem_shared>>
          tpu.wait_indirect_dma semaphore(%run_scoped3A_92 : memref<!tpu.dma_semaphore, #tpu.memory_space<semaphore_mem>>) src(%dma_wait3A_106 : memref<128x128xf32, #tpu.memory_space<vmem>>) dst(%dma_wait3A_112 : memref<10112x128xf32, #tpu.memory_space<vmem_shared>>)
          tpu.yield
        }) : () -> ()
        %add3A_61 = arith.constant 2 : i32
        %add3A_62 = arith.addi %add3A_49, %add3A_61 : i32
        %lt3A = arith.constant 80 : i32
        %lt3A_63 = arith.cmpi slt, %add3A_62, %lt3A : i32
        %convert_element_type3A_64 = arith.extui %lt3A_63 : i1 to i32
        %cond3A_65 = arith.constant 0 : i32
        %cond3A_66 = arith.cmpi ne, %convert_element_type3A_64, %cond3A_65 : i32
        scf.if %cond3A_66 {
          %add3A_92 = arith.constant 2 : i32
          %add3A_93 = arith.addi %add3A_49, %add3A_92 : i32
          %mul3A_94 = arith.constant 128 : i32
          %mul3A_95 = arith.muli %add3A_93, %mul3A_94 : i32
          %dma_start3A_96 = arith.constant 0 : i32
          %dma_start3A_97 = arith.constant 0 : i32
          %dma_start3A_98 = arith.constant 0 : i32
          %dma_start3A_99 = tpu.memref_slice %arg10[%dma_start3A_96, %dma_start3A_97, %dma_start3A_98] : memref<2x128x128xf32, #tpu.memory_space<vmem>> -> memref<1x128x128xf32, #tpu.memory_space<vmem>>
          %dma_start3A_100 = tpu.memref_squeeze %dma_start3A_99 : memref<1x128x128xf32, #tpu.memory_space<vmem>> -> memref<128x128xf32, #tpu.memory_space<vmem>>
          %dma_start3A_101 = tpu.memref_slice %arg8[%mul3A_95] : memref<10240xi32, #tpu.memory_space<vmem>> -> memref<128xi32, #tpu.memory_space<vmem>>
          %dma_start3A_102 = arith.constant 0 : i32
          %dma_start3A_103 = arith.constant 0 : i32
          %dma_start3A_104 = tpu.memref_slice %arg3[%dma_start3A_102, %dma_start3A_103] : memref<10000x128xf32, #tpu.memory_space<hbm>> -> memref<10000x128xf32, #tpu.memory_space<hbm>>
          tpu.enqueue_indirect_dma source(%dma_start3A_104 : memref<10000x128xf32, #tpu.memory_space<hbm>>) target(%dma_start3A_100 : memref<128x128xf32, #tpu.memory_space<vmem>>) offsets(%dma_start3A_101 : memref<128xi32, #tpu.memory_space<vmem>>) semaphore(%arg12 : memref<!tpu.dma_semaphore, #tpu.memory_space<semaphore_mem>>)
        } else {
        }
        %mul3A_67 = arith.constant 2 : i32
        %mul3A_68 = arith.muli %scan3A_44, %mul3A_67 : i32
        %add3A_69 = arith.constant 1 : i32
        %add3A_70 = arith.addi %mul3A_68, %add3A_69 : i32
        %add3A_71 = arith.constant 40 : i32
        %add3A_72 = arith.addi %add3A_71, %add3A_70 : i32
        %mul3A_73 = arith.constant 128 : i32
        %mul3A_74 = arith.muli %add3A_72, %mul3A_73 : i32
        %dma_wait3A_75 = arith.constant 1 : i32
        %dma_wait3A_76 = arith.constant 0 : i32
        %dma_wait3A_77 = arith.constant 0 : i32
        %dma_wait3A_78 = tpu.memref_slice %arg10[%dma_wait3A_75, %dma_wait3A_76, %dma_wait3A_77] : memref<2x128x128xf32, #tpu.memory_space<vmem>> -> memref<1x128x128xf32, #tpu.memory_space<vmem>>
        %dma_wait3A_79 = tpu.memref_squeeze %dma_wait3A_78 : memref<1x128x128xf32, #tpu.memory_space<vmem>> -> memref<128x128xf32, #tpu.memory_space<vmem>>
        %dma_wait3A_80 = tpu.memref_slice %arg8[%mul3A_74] : memref<10240xi32, #tpu.memory_space<vmem>> -> memref<128xi32, #tpu.memory_space<vmem>>
        %dma_wait3A_81 = arith.constant 0 : i32
        %dma_wait3A_82 = arith.constant 0 : i32
        %dma_wait3A_83 = tpu.memref_slice %arg3[%dma_wait3A_81, %dma_wait3A_82] : memref<10000x128xf32, #tpu.memory_space<hbm>> -> memref<10000x128xf32, #tpu.memory_space<hbm>>
        tpu.wait_indirect_dma semaphore(%arg13 : memref<!tpu.dma_semaphore, #tpu.memory_space<semaphore_mem>>) src(%dma_wait3A_83 : memref<10000x128xf32, #tpu.memory_space<hbm>>) dst(%dma_wait3A_79 : memref<128x128xf32, #tpu.memory_space<vmem>>)
        %run_scoped3A_84 = arith.constant 1 : i32
        "tpu.region"() ({
          %run_scoped3A_92 = tpu.sem_alloc : memref<!tpu.dma_semaphore, #tpu.memory_space<semaphore_mem>>
          %dma_start3A_93 = arith.constant 0 : i32
          %dma_start3A_94 = arith.constant 0 : i32
          %dma_start3A_95 = tpu.memref_slice %arg10[%run_scoped3A_84, %dma_start3A_93, %dma_start3A_94] : memref<2x128x128xf32, #tpu.memory_space<vmem>> -> memref<1x128x128xf32, #tpu.memory_space<vmem>>
          %dma_start3A_96 = tpu.memref_squeeze %dma_start3A_95 : memref<1x128x128xf32, #tpu.memory_space<vmem>> -> memref<128x128xf32, #tpu.memory_space<vmem>>
          %dma_start3A_97 = arith.constant 0 : i32
          %dma_start3A_98 = tpu.memref_slice %arg9[%add3A_70, %dma_start3A_97] : memref<40x128xi32, #tpu.memory_space<vmem>> -> memref<1x128xi32, #tpu.memory_space<vmem>>
          %dma_start3A_99 = tpu.memref_squeeze %dma_start3A_98 : memref<1x128xi32, #tpu.memory_space<vmem>> -> memref<128xi32, #tpu.memory_space<vmem>>
          %dma_start3A_100 = arith.constant 0 : i32
          %dma_start3A_101 = arith.constant 0 : i32
          %dma_start3A_102 = tpu.memref_slice %arg11[%dma_start3A_100, %dma_start3A_101] : memref<10112x128xf32, #tpu.memory_space<vmem_shared>> -> memref<10112x128xf32, #tpu.memory_space<vmem_shared>>
          tpu.enqueue_indirect_dma source(%dma_start3A_96 : memref<128x128xf32, #tpu.memory_space<vmem>>) target(%dma_start3A_102 : memref<10112x128xf32, #tpu.memory_space<vmem_shared>>) offsets(%dma_start3A_99 : memref<128xi32, #tpu.memory_space<vmem>>) semaphore(%run_scoped3A_92 : memref<!tpu.dma_semaphore, #tpu.memory_space<semaphore_mem>>) {add = true}
          %dma_wait3A_103 = arith.constant 0 : i32
          %dma_wait3A_104 = arith.constant 0 : i32
          %dma_wait3A_105 = tpu.memref_slice %arg10[%run_scoped3A_84, %dma_wait3A_103, %dma_wait3A_104] : memref<2x128x128xf32, #tpu.memory_space<vmem>> -> memref<1x128x128xf32, #tpu.memory_space<vmem>>
          %dma_wait3A_106 = tpu.memref_squeeze %dma_wait3A_105 : memref<1x128x128xf32, #tpu.memory_space<vmem>> -> memref<128x128xf32, #tpu.memory_space<vmem>>
          %dma_wait3A_107 = arith.constant 0 : i32
          %dma_wait3A_108 = tpu.memref_slice %arg9[%add3A_70, %dma_wait3A_107] : memref<40x128xi32, #tpu.memory_space<vmem>> -> memref<1x128xi32, #tpu.memory_space<vmem>>
          %dma_wait3A_109 = tpu.memref_squeeze %dma_wait3A_108 : memref<1x128xi32, #tpu.memory_space<vmem>> -> memref<128xi32, #tpu.memory_space<vmem>>
          %dma_wait3A_110 = arith.constant 0 : i32
          %dma_wait3A_111 = arith.constant 0 : i32
          %dma_wait3A_112 = tpu.memref_slice %arg11[%dma_wait3A_110, %dma_wait3A_111] : memref<10112x128xf32, #tpu.memory_space<vmem_shared>> -> memref<10112x128xf32, #tpu.memory_space<vmem_shared>>
          tpu.wait_indirect_dma semaphore(%run_scoped3A_92 : memref<!tpu.dma_semaphore, #tpu.memory_space<semaphore_mem>>) src(%dma_wait3A_106 : memref<128x128xf32, #tpu.memory_space<vmem>>) dst(%dma_wait3A_112 : memref<10112x128xf32, #tpu.memory_space<vmem_shared>>)
          tpu.yield
        }) : () -> ()
        %add3A_85 = arith.constant 2 : i32
        %add3A_86 = arith.addi %add3A_72, %add3A_85 : i32
        %lt3A_87 = arith.constant 80 : i32
        %lt3A_88 = arith.cmpi slt, %add3A_86, %lt3A_87 : i32
        %convert_element_type3A_89 = arith.extui %lt3A_88 : i1 to i32
        %cond3A_90 = arith.constant 0 : i32
        %cond3A_91 = arith.cmpi ne, %convert_element_type3A_89, %cond3A_90 : i32
        scf.if %cond3A_91 {
          %add3A_92 = arith.constant 2 : i32
          %add3A_93 = arith.addi %add3A_72, %add3A_92 : i32
          %mul3A_94 = arith.constant 128 : i32
          %mul3A_95 = arith.muli %add3A_93, %mul3A_94 : i32
          %dma_start3A_96 = arith.constant 1 : i32
          %dma_start3A_97 = arith.constant 0 : i32
          %dma_start3A_98 = arith.constant 0 : i32
          %dma_start3A_99 = tpu.memref_slice %arg10[%dma_start3A_96, %dma_start3A_97, %dma_start3A_98] : memref<2x128x128xf32, #tpu.memory_space<vmem>> -> memref<1x128x128xf32, #tpu.memory_space<vmem>>
          %dma_start3A_100 = tpu.memref_squeeze %dma_start3A_99 : memref<1x128x128xf32, #tpu.memory_space<vmem>> -> memref<128x128xf32, #tpu.memory_space<vmem>>
          %dma_start3A_101 = tpu.memref_slice %arg8[%mul3A_95] : memref<10240xi32, #tpu.memory_space<vmem>> -> memref<128xi32, #tpu.memory_space<vmem>>
          %dma_start3A_102 = arith.constant 0 : i32
          %dma_start3A_103 = arith.constant 0 : i32
          %dma_start3A_104 = tpu.memref_slice %arg3[%dma_start3A_102, %dma_start3A_103] : memref<10000x128xf32, #tpu.memory_space<hbm>> -> memref<10000x128xf32, #tpu.memory_space<hbm>>
          tpu.enqueue_indirect_dma source(%dma_start3A_104 : memref<10000x128xf32, #tpu.memory_space<hbm>>) target(%dma_start3A_100 : memref<128x128xf32, #tpu.memory_space<vmem>>) offsets(%dma_start3A_101 : memref<128xi32, #tpu.memory_space<vmem>>) semaphore(%arg13 : memref<!tpu.dma_semaphore, #tpu.memory_space<semaphore_mem>>)
        } else {
        }
      }
      %scan3A_43 = arith.constant 20 : i32
    } else {
    }
    %barrier3A_10 = arith.constant 0 : index
    tpu.barrier barrier_id(%barrier3A_10)
    %mul3A_11 = arith.constant 632 : i32
    %mul3A_12 = arith.muli %arg1, %mul3A_11 : i32
    %mul3A_13 = arith.constant 632 : i32
    %mul3A_14 = arith.muli %arg1, %mul3A_13 : i32
    "tpu.region"() ({
      %run_scoped3A = tpu.sem_alloc : memref<!tpu.dma_semaphore, #tpu.memory_space<semaphore_mem>>
      %dma_start3A = arith.constant 0 : i32
      %dma_start3A_15 = tpu.memref_slice %arg7[%arg0, %mul3A_14, %dma_start3A] : memref<2x10112x128xf32, #tpu.memory_space<hbm>> -> memref<1x632x128xf32, #tpu.memory_space<hbm>>
      %dma_start3A_16 = tpu.memref_squeeze %dma_start3A_15 : memref<1x632x128xf32, #tpu.memory_space<hbm>> -> memref<632x128xf32, #tpu.memory_space<hbm>>
      %dma_start3A_17 = arith.constant 0 : i32
      %dma_start3A_18 = tpu.memref_slice %arg11[%mul3A_12, %dma_start3A_17] : memref<10112x128xf32, #tpu.memory_space<vmem_shared>> -> memref<632x128xf32, #tpu.memory_space<vmem_shared>>
      tpu.enqueue_dma source(%dma_start3A_18 : memref<632x128xf32, #tpu.memory_space<vmem_shared>>) target(%dma_start3A_16 : memref<632x128xf32, #tpu.memory_space<hbm>>) target_semaphore(%run_scoped3A : memref<!tpu.dma_semaphore, #tpu.memory_space<semaphore_mem>>)
      %dma_wait3A = arith.constant 0 : i32
      %dma_wait3A_19 = tpu.memref_slice %arg7[%arg0, %mul3A_14, %dma_wait3A] : memref<2x10112x128xf32, #tpu.memory_space<hbm>> -> memref<1x632x128xf32, #tpu.memory_space<hbm>>
      %dma_wait3A_20 = tpu.memref_squeeze %dma_wait3A_19 : memref<1x632x128xf32, #tpu.memory_space<hbm>> -> memref<632x128xf32, #tpu.memory_space<hbm>>
      %dma_wait3A_21 = arith.constant 0 : i32
      %dma_wait3A_22 = tpu.memref_slice %arg11[%mul3A_12, %dma_wait3A_21] : memref<10112x128xf32, #tpu.memory_space<vmem_shared>> -> memref<632x128xf32, #tpu.memory_space<vmem_shared>>
      tpu.wait_dma2 semaphore(%run_scoped3A : memref<!tpu.dma_semaphore, #tpu.memory_space<semaphore_mem>>) src(%dma_wait3A_22 : memref<632x128xf32, #tpu.memory_space<vmem_shared>>) dst(%dma_wait3A_20 : memref<632x128xf32, #tpu.memory_space<hbm>>)
      tpu.yield
    }) : () -> ()
    return
  }
}

#map = affine_map<(d0, d1) -> (0, 0)>
#map1 = affine_map<(d0, d1) -> (0)>
#map2 = affine_map<(d0, d1) -> (0, 0, 0, 0)>
#map3 = affine_map<(d0, d1) -> (0, 0, 0)>
module attributes {stable_mosaic.version = 14 : i64} {
  func.func @agg(%arg0: i32, %arg1: i32, %arg2: memref<10000x128xf32, #tpu.memory_space<hbm>>, %arg3: memref<10000x128xf32, #tpu.memory_space<hbm>>, %arg4: memref<163840xi32, #tpu.memory_space<hbm>>, %arg5: memref<16x2x40x128xi32, #tpu.memory_space<hbm>>, %arg6: memref<632x128xf32, #tpu.memory_space<hbm>>, %arg7: memref<2x10112x128xf32, #tpu.memory_space<hbm>>, %arg8: memref<10240xi32, #tpu.memory_space<vmem>>, %arg9: memref<40x128xi32, #tpu.memory_space<vmem>>, %arg10: memref<2x128x128xf32, #tpu.memory_space<vmem>>, %arg11: memref<10112x128xf32, #tpu.memory_space<vmem_shared>>, %arg12: memref<!tpu.dma_semaphore, #tpu.memory_space<semaphore_mem>>, %arg13: memref<!tpu.dma_semaphore, #tpu.memory_space<semaphore_mem>>) attributes {dimension_semantics = [#tpu.dimension_semantics<core_parallel>, #tpu.dimension_semantics<subcore_parallel>], iteration_bounds = array<i64: 2, 16>, scalar_prefetch = 0 : i64, scratch_operands = 6 : i64, tpu.core_type = #tpu.core_type<sc_vector_subcore>, window_params = [{transform_indices = #map}, {transform_indices = #map}, {transform_indices = #map1}, {transform_indices = #map2}, {transform_indices = #map}, {transform_indices = #map3}]} {
    %mul3A = arith.constant 10240 : i32
    %mul3A_0 = arith.muli %arg1, %mul3A : i32
    "tpu.region"() ({
      %run_scoped3A = tpu.sem_alloc : memref<!tpu.dma_semaphore, #tpu.memory_space<semaphore_mem>>
      %dma_start3A = tpu.memref_slice %arg4[%mul3A_0] : memref<163840xi32, #tpu.memory_space<hbm>> -> memref<10240xi32, #tpu.memory_space<hbm>>
      %dma_start3A_15 = tpu.memref_slice %arg4[%mul3A_0] : memref<163840xi32, #tpu.memory_space<hbm>> -> memref<10240xi32, #tpu.memory_space<hbm>>
      tpu.enqueue_dma source(%dma_start3A_15 : memref<10240xi32, #tpu.memory_space<hbm>>) target(%arg8 : memref<10240xi32, #tpu.memory_space<vmem>>) target_semaphore(%run_scoped3A : memref<!tpu.dma_semaphore, #tpu.memory_space<semaphore_mem>>)
      %dma_wait3A = tpu.memref_slice %arg4[%mul3A_0] : memref<163840xi32, #tpu.memory_space<hbm>> -> memref<10240xi32, #tpu.memory_space<hbm>>
      %dma_wait3A_16 = tpu.memref_slice %arg4[%mul3A_0] : memref<163840xi32, #tpu.memory_space<hbm>> -> memref<10240xi32, #tpu.memory_space<hbm>>
      tpu.wait_dma2 semaphore(%run_scoped3A : memref<!tpu.dma_semaphore, #tpu.memory_space<semaphore_mem>>) src(%dma_wait3A_16 : memref<10240xi32, #tpu.memory_space<hbm>>) dst(%arg8 : memref<10240xi32, #tpu.memory_space<vmem>>)
      tpu.yield
    }) : () -> ()
    %mul3A_1 = arith.constant 632 : i32
    %mul3A_2 = arith.muli %arg1, %mul3A_1 : i32
    "tpu.region"() ({
      %run_scoped3A = tpu.sem_alloc : memref<!tpu.dma_semaphore, #tpu.memory_space<semaphore_mem>>
      %dma_start3A = arith.constant 0 : i32
      %dma_start3A_15 = tpu.memref_slice %arg11[%mul3A_2, %dma_start3A] : memref<10112x128xf32, #tpu.memory_space<vmem_shared>> -> memref<632x128xf32, #tpu.memory_space<vmem_shared>>
      tpu.enqueue_dma source(%arg6 : memref<632x128xf32, #tpu.memory_space<hbm>>) target(%dma_start3A_15 : memref<632x128xf32, #tpu.memory_space<vmem_shared>>) target_semaphore(%run_scoped3A : memref<!tpu.dma_semaphore, #tpu.memory_space<semaphore_mem>>)
      %dma_wait3A = arith.constant 0 : i32
      %dma_wait3A_16 = tpu.memref_slice %arg11[%mul3A_2, %dma_wait3A] : memref<10112x128xf32, #tpu.memory_space<vmem_shared>> -> memref<632x128xf32, #tpu.memory_space<vmem_shared>>
      tpu.wait_dma2 semaphore(%run_scoped3A : memref<!tpu.dma_semaphore, #tpu.memory_space<semaphore_mem>>) src(%arg6 : memref<632x128xf32, #tpu.memory_space<hbm>>) dst(%dma_wait3A_16 : memref<632x128xf32, #tpu.memory_space<vmem_shared>>)
      tpu.yield
    }) : () -> ()
    %barrier3A = arith.constant 0 : index
    tpu.barrier barrier_id(%barrier3A)
    %eq3A = arith.constant 0 : i32
    %eq3A_3 = arith.cmpi eq, %arg0, %eq3A : i32
    %convert_element_type3A = arith.extui %eq3A_3 : i1 to i32
    %cond3A = arith.constant 0 : i32
    %cond3A_4 = arith.cmpi ne, %convert_element_type3A, %cond3A : i32
    scf.if %cond3A_4 {
      %dma_start3A = arith.constant 0 : i32
      %dma_start3A_15 = arith.constant 0 : i32
      %dma_start3A_16 = arith.constant 0 : i32
      %dma_start3A_17 = tpu.memref_slice %arg10[%dma_start3A, %dma_start3A_15, %dma_start3A_16] : memref<2x128x128xf32, #tpu.memory_space<vmem>> -> memref<1x128x128xf32, #tpu.memory_space<vmem>>
      %dma_start3A_18 = tpu.memref_squeeze %dma_start3A_17 : memref<1x128x128xf32, #tpu.memory_space<vmem>> -> memref<128x128xf32, #tpu.memory_space<vmem>>
      %dma_start3A_19 = arith.constant 0 : i32
      %dma_start3A_20 = tpu.memref_slice %arg8[%dma_start3A_19] : memref<10240xi32, #tpu.memory_space<vmem>> -> memref<128xi32, #tpu.memory_space<vmem>>
      %dma_start3A_21 = arith.constant 0 : i32
      %dma_start3A_22 = arith.constant 0 : i32
      %dma_start3A_23 = tpu.memref_slice %arg2[%dma_start3A_21, %dma_start3A_22] : memref<10000x128xf32, #tpu.memory_space<hbm>> -> memref<10000x128xf32, #tpu.memory_space<hbm>>
      tpu.enqueue_indirect_dma source(%dma_start3A_23 : memref<10000x128xf32, #tpu.memory_space<hbm>>) target(%dma_start3A_18 : memref<128x128xf32, #tpu.memory_space<vmem>>) offsets(%dma_start3A_20 : memref<128xi32, #tpu.memory_space<vmem>>) semaphore(%arg12 : memref<!tpu.dma_semaphore, #tpu.memory_space<semaphore_mem>>)
      %dma_start3A_24 = arith.constant 1 : i32
      %dma_start3A_25 = arith.constant 0 : i32
      %dma_start3A_26 = arith.constant 0 : i32
      %dma_start3A_27 = tpu.memref_slice %arg10[%dma_start3A_24, %dma_start3A_25, %dma_start3A_26] : memref<2x128x128xf32, #tpu.memory_space<vmem>> -> memref<1x128x128xf32, #tpu.memory_space<vmem>>
      %dma_start3A_28 = tpu.memref_squeeze %dma_start3A_27 : memref<1x128x128xf32, #tpu.memory_space<vmem>> -> memref<128x128xf32, #tpu.memory_space<vmem>>
      %dma_start3A_29 = arith.constant 128 : i32
      %dma_start3A_30 = tpu.memref_slice %arg8[%dma_start3A_29] : memref<10240xi32, #tpu.memory_space<vmem>> -> memref<128xi32, #tpu.memory_space<vmem>>
      %dma_start3A_31 = arith.constant 0 : i32
      %dma_start3A_32 = arith.constant 0 : i32
      %dma_start3A_33 = tpu.memref_slice %arg2[%dma_start3A_31, %dma_start3A_32] : memref<10000x128xf32, #tpu.memory_space<hbm>> -> memref<10000x128xf32, #tpu.memory_space<hbm>>
      tpu.enqueue_indirect_dma source(%dma_start3A_33 : memref<10000x128xf32, #tpu.memory_space<hbm>>) target(%dma_start3A_28 : memref<128x128xf32, #tpu.memory_space<vmem>>) offsets(%dma_start3A_30 : memref<128xi32, #tpu.memory_space<vmem>>) semaphore(%arg13 : memref<!tpu.dma_semaphore, #tpu.memory_space<semaphore_mem>>)
      %run_scoped3A = arith.constant 0 : i32
      "tpu.region"() ({
        %run_scoped3A_44 = tpu.sem_alloc : memref<!tpu.dma_semaphore, #tpu.memory_space<semaphore_mem>>
        %dma_start3A_45 = arith.constant 0 : i32
        %dma_start3A_46 = arith.constant 0 : i32
        %dma_start3A_47 = tpu.memref_slice %arg5[%arg1, %run_scoped3A, %dma_start3A_45, %dma_start3A_46] : memref<16x2x40x128xi32, #tpu.memory_space<hbm>> -> memref<1x1x40x128xi32, #tpu.memory_space<hbm>>
        %dma_start3A_48 = tpu.memref_squeeze %dma_start3A_47 : memref<1x1x40x128xi32, #tpu.memory_space<hbm>> -> memref<40x128xi32, #tpu.memory_space<hbm>>
        %dma_start3A_49 = arith.constant 0 : i32
        %dma_start3A_50 = arith.constant 0 : i32
        %dma_start3A_51 = tpu.memref_slice %arg5[%arg1, %run_scoped3A, %dma_start3A_49, %dma_start3A_50] : memref<16x2x40x128xi32, #tpu.memory_space<hbm>> -> memref<1x1x40x128xi32, #tpu.memory_space<hbm>>
        %dma_start3A_52 = tpu.memref_squeeze %dma_start3A_51 : memref<1x1x40x128xi32, #tpu.memory_space<hbm>> -> memref<40x128xi32, #tpu.memory_space<hbm>>
        tpu.enqueue_dma source(%dma_start3A_52 : memref<40x128xi32, #tpu.memory_space<hbm>>) target(%arg9 : memref<40x128xi32, #tpu.memory_space<vmem>>) target_semaphore(%run_scoped3A_44 : memref<!tpu.dma_semaphore, #tpu.memory_space<semaphore_mem>>)
        %dma_wait3A = arith.constant 0 : i32
        %dma_wait3A_53 = arith.constant 0 : i32
        %dma_wait3A_54 = tpu.memref_slice %arg5[%arg1, %run_scoped3A, %dma_wait3A, %dma_wait3A_53] : memref<16x2x40x128xi32, #tpu.memory_space<hbm>> -> memref<1x1x40x128xi32, #tpu.memory_space<hbm>>
        %dma_wait3A_55 = tpu.memref_squeeze %dma_wait3A_54 : memref<1x1x40x128xi32, #tpu.memory_space<hbm>> -> memref<40x128xi32, #tpu.memory_space<hbm>>
        %dma_wait3A_56 = arith.constant 0 : i32
        %dma_wait3A_57 = arith.constant 0 : i32
        %dma_wait3A_58 = tpu.memref_slice %arg5[%arg1, %run_scoped3A, %dma_wait3A_56, %dma_wait3A_57] : memref<16x2x40x128xi32, #tpu.memory_space<hbm>> -> memref<1x1x40x128xi32, #tpu.memory_space<hbm>>
        %dma_wait3A_59 = tpu.memref_squeeze %dma_wait3A_58 : memref<1x1x40x128xi32, #tpu.memory_space<hbm>> -> memref<40x128xi32, #tpu.memory_space<hbm>>
        tpu.wait_dma2 semaphore(%run_scoped3A_44 : memref<!tpu.dma_semaphore, #tpu.memory_space<semaphore_mem>>) src(%dma_wait3A_59 : memref<40x128xi32, #tpu.memory_space<hbm>>) dst(%arg9 : memref<40x128xi32, #tpu.memory_space<vmem>>)
        tpu.yield
      }) : () -> ()
      %scan3A = arith.constant 0 : i32
      %scan3A_34 = arith.constant 20 : i32
      %scan3A_35 = arith.addi %scan3A, %scan3A_34 : i32
      %scan3A_36 = arith.constant 1 : i32
      scf.for %scan3A_44 = %scan3A to %scan3A_35 step %scan3A_36  : i32 {
        %mul3A_45 = arith.constant 2 : i32
        %mul3A_46 = arith.muli %scan3A_44, %mul3A_45 : i32
        %add3A = arith.constant 0 : i32
        %add3A_47 = arith.addi %mul3A_46, %add3A : i32
        %add3A_48 = arith.constant 0 : i32
        %add3A_49 = arith.addi %add3A_48, %add3A_47 : i32
        %mul3A_50 = arith.constant 128 : i32
        %mul3A_51 = arith.muli %add3A_49, %mul3A_50 : i32
        %dma_wait3A = arith.constant 0 : i32
        %dma_wait3A_52 = arith.constant 0 : i32
        %dma_wait3A_53 = arith.constant 0 : i32
        %dma_wait3A_54 = tpu.memref_slice %arg10[%dma_wait3A, %dma_wait3A_52, %dma_wait3A_53] : memref<2x128x128xf32, #tpu.memory_space<vmem>> -> memref<1x128x128xf32, #tpu.memory_space<vmem>>
        %dma_wait3A_55 = tpu.memref_squeeze %dma_wait3A_54 : memref<1x128x128xf32, #tpu.memory_space<vmem>> -> memref<128x128xf32, #tpu.memory_space<vmem>>
        %dma_wait3A_56 = tpu.memref_slice %arg8[%mul3A_51] : memref<10240xi32, #tpu.memory_space<vmem>> -> memref<128xi32, #tpu.memory_space<vmem>>
        %dma_wait3A_57 = arith.constant 0 : i32
        %dma_wait3A_58 = arith.constant 0 : i32
        %dma_wait3A_59 = tpu.memref_slice %arg2[%dma_wait3A_57, %dma_wait3A_58] : memref<10000x128xf32, #tpu.memory_space<hbm>> -> memref<10000x128xf32, #tpu.memory_space<hbm>>
        tpu.wait_indirect_dma semaphore(%arg12 : memref<!tpu.dma_semaphore, #tpu.memory_space<semaphore_mem>>) src(%dma_wait3A_59 : memref<10000x128xf32, #tpu.memory_space<hbm>>) dst(%dma_wait3A_55 : memref<128x128xf32, #tpu.memory_space<vmem>>)
        %run_scoped3A_60 = arith.constant 0 : i32
        "tpu.region"() ({
          %run_scoped3A_92 = tpu.sem_alloc : memref<!tpu.dma_semaphore, #tpu.memory_space<semaphore_mem>>
          %dma_start3A_93 = arith.constant 0 : i32
          %dma_start3A_94 = arith.constant 0 : i32
          %dma_start3A_95 = tpu.memref_slice %arg10[%run_scoped3A_60, %dma_start3A_93, %dma_start3A_94] : memref<2x128x128xf32, #tpu.memory_space<vmem>> -> memref<1x128x128xf32, #tpu.memory_space<vmem>>
          %dma_start3A_96 = tpu.memref_squeeze %dma_start3A_95 : memref<1x128x128xf32, #tpu.memory_space<vmem>> -> memref<128x128xf32, #tpu.memory_space<vmem>>
          %dma_start3A_97 = arith.constant 0 : i32
          %dma_start3A_98 = tpu.memref_slice %arg9[%add3A_47, %dma_start3A_97] : memref<40x128xi32, #tpu.memory_space<vmem>> -> memref<1x128xi32, #tpu.memory_space<vmem>>
          %dma_start3A_99 = tpu.memref_squeeze %dma_start3A_98 : memref<1x128xi32, #tpu.memory_space<vmem>> -> memref<128xi32, #tpu.memory_space<vmem>>
          %dma_start3A_100 = arith.constant 0 : i32
          %dma_start3A_101 = arith.constant 0 : i32
          %dma_start3A_102 = tpu.memref_slice %arg11[%dma_start3A_100, %dma_start3A_101] : memref<10112x128xf32, #tpu.memory_space<vmem_shared>> -> memref<10112x128xf32, #tpu.memory_space<vmem_shared>>
          tpu.enqueue_indirect_dma source(%dma_start3A_96 : memref<128x128xf32, #tpu.memory_space<vmem>>) target(%dma_start3A_102 : memref<10112x128xf32, #tpu.memory_space<vmem_shared>>) offsets(%dma_start3A_99 : memref<128xi32, #tpu.memory_space<vmem>>) semaphore(%run_scoped3A_92 : memref<!tpu.dma_semaphore, #tpu.memory_space<semaphore_mem>>) {add = true}
          %dma_wait3A_103 = arith.constant 0 : i32
          %dma_wait3A_104 = arith.constant 0 : i32
          %dma_wait3A_105 = tpu.memref_slice %arg10[%run_scoped3A_60, %dma_wait3A_103, %dma_wait3A_104] : memref<2x128x128xf32, #tpu.memory_space<vmem>> -> memref<1x128x128xf32, #tpu.memory_space<vmem>>
          %dma_wait3A_106 = tpu.memref_squeeze %dma_wait3A_105 : memref<1x128x128xf32, #tpu.memory_space<vmem>> -> memref<128x128xf32, #tpu.memory_space<vmem>>
          %dma_wait3A_107 = arith.constant 0 : i32
          %dma_wait3A_108 = tpu.memref_slice %arg9[%add3A_47, %dma_wait3A_107] : memref<40x128xi32, #tpu.memory_space<vmem>> -> memref<1x128xi32, #tpu.memory_space<vmem>>
          %dma_wait3A_109 = tpu.memref_squeeze %dma_wait3A_108 : memref<1x128xi32, #tpu.memory_space<vmem>> -> memref<128xi32, #tpu.memory_space<vmem>>
          %dma_wait3A_110 = arith.constant 0 : i32
          %dma_wait3A_111 = arith.constant 0 : i32
          %dma_wait3A_112 = tpu.memref_slice %arg11[%dma_wait3A_110, %dma_wait3A_111] : memref<10112x128xf32, #tpu.memory_space<vmem_shared>> -> memref<10112x128xf32, #tpu.memory_space<vmem_shared>>
          tpu.wait_indirect_dma semaphore(%run_scoped3A_92 : memref<!tpu.dma_semaphore, #tpu.memory_space<semaphore_mem>>) src(%dma_wait3A_106 : memref<128x128xf32, #tpu.memory_space<vmem>>) dst(%dma_wait3A_112 : memref<10112x128xf32, #tpu.memory_space<vmem_shared>>)
          tpu.yield
        }) : () -> ()
        %add3A_61 = arith.constant 2 : i32
        %add3A_62 = arith.addi %add3A_49, %add3A_61 : i32
        %lt3A = arith.constant 80 : i32
        %lt3A_63 = arith.cmpi slt, %add3A_62, %lt3A : i32
        %convert_element_type3A_64 = arith.extui %lt3A_63 : i1 to i32
        %cond3A_65 = arith.constant 0 : i32
        %cond3A_66 = arith.cmpi ne, %convert_element_type3A_64, %cond3A_65 : i32
        scf.if %cond3A_66 {
          %add3A_92 = arith.constant 2 : i32
          %add3A_93 = arith.addi %add3A_49, %add3A_92 : i32
          %mul3A_94 = arith.constant 128 : i32
          %mul3A_95 = arith.muli %add3A_93, %mul3A_94 : i32
          %dma_start3A_96 = arith.constant 0 : i32
          %dma_start3A_97 = arith.constant 0 : i32
          %dma_start3A_98 = arith.constant 0 : i32
          %dma_start3A_99 = tpu.memref_slice %arg10[%dma_start3A_96, %dma_start3A_97, %dma_start3A_98] : memref<2x128x128xf32, #tpu.memory_space<vmem>> -> memref<1x128x128xf32, #tpu.memory_space<vmem>>
          %dma_start3A_100 = tpu.memref_squeeze %dma_start3A_99 : memref<1x128x128xf32, #tpu.memory_space<vmem>> -> memref<128x128xf32, #tpu.memory_space<vmem>>
          %dma_start3A_101 = tpu.memref_slice %arg8[%mul3A_95] : memref<10240xi32, #tpu.memory_space<vmem>> -> memref<128xi32, #tpu.memory_space<vmem>>
          %dma_start3A_102 = arith.constant 0 : i32
          %dma_start3A_103 = arith.constant 0 : i32
          %dma_start3A_104 = tpu.memref_slice %arg2[%dma_start3A_102, %dma_start3A_103] : memref<10000x128xf32, #tpu.memory_space<hbm>> -> memref<10000x128xf32, #tpu.memory_space<hbm>>
          tpu.enqueue_indirect_dma source(%dma_start3A_104 : memref<10000x128xf32, #tpu.memory_space<hbm>>) target(%dma_start3A_100 : memref<128x128xf32, #tpu.memory_space<vmem>>) offsets(%dma_start3A_101 : memref<128xi32, #tpu.memory_space<vmem>>) semaphore(%arg12 : memref<!tpu.dma_semaphore, #tpu.memory_space<semaphore_mem>>)
        } else {
        }
        %mul3A_67 = arith.constant 2 : i32
        %mul3A_68 = arith.muli %scan3A_44, %mul3A_67 : i32
        %add3A_69 = arith.constant 1 : i32
        %add3A_70 = arith.addi %mul3A_68, %add3A_69 : i32
        %add3A_71 = arith.constant 0 : i32
        %add3A_72 = arith.addi %add3A_71, %add3A_70 : i32
        %mul3A_73 = arith.constant 128 : i32
        %mul3A_74 = arith.muli %add3A_72, %mul3A_73 : i32
        %dma_wait3A_75 = arith.constant 1 : i32
        %dma_wait3A_76 = arith.constant 0 : i32
        %dma_wait3A_77 = arith.constant 0 : i32
        %dma_wait3A_78 = tpu.memref_slice %arg10[%dma_wait3A_75, %dma_wait3A_76, %dma_wait3A_77] : memref<2x128x128xf32, #tpu.memory_space<vmem>> -> memref<1x128x128xf32, #tpu.memory_space<vmem>>
        %dma_wait3A_79 = tpu.memref_squeeze %dma_wait3A_78 : memref<1x128x128xf32, #tpu.memory_space<vmem>> -> memref<128x128xf32, #tpu.memory_space<vmem>>
        %dma_wait3A_80 = tpu.memref_slice %arg8[%mul3A_74] : memref<10240xi32, #tpu.memory_space<vmem>> -> memref<128xi32, #tpu.memory_space<vmem>>
        %dma_wait3A_81 = arith.constant 0 : i32
        %dma_wait3A_82 = arith.constant 0 : i32
        %dma_wait3A_83 = tpu.memref_slice %arg2[%dma_wait3A_81, %dma_wait3A_82] : memref<10000x128xf32, #tpu.memory_space<hbm>> -> memref<10000x128xf32, #tpu.memory_space<hbm>>
        tpu.wait_indirect_dma semaphore(%arg13 : memref<!tpu.dma_semaphore, #tpu.memory_space<semaphore_mem>>) src(%dma_wait3A_83 : memref<10000x128xf32, #tpu.memory_space<hbm>>) dst(%dma_wait3A_79 : memref<128x128xf32, #tpu.memory_space<vmem>>)
        %run_scoped3A_84 = arith.constant 1 : i32
        "tpu.region"() ({
          %run_scoped3A_92 = tpu.sem_alloc : memref<!tpu.dma_semaphore, #tpu.memory_space<semaphore_mem>>
          %dma_start3A_93 = arith.constant 0 : i32
          %dma_start3A_94 = arith.constant 0 : i32
          %dma_start3A_95 = tpu.memref_slice %arg10[%run_scoped3A_84, %dma_start3A_93, %dma_start3A_94] : memref<2x128x128xf32, #tpu.memory_space<vmem>> -> memref<1x128x128xf32, #tpu.memory_space<vmem>>
          %dma_start3A_96 = tpu.memref_squeeze %dma_start3A_95 : memref<1x128x128xf32, #tpu.memory_space<vmem>> -> memref<128x128xf32, #tpu.memory_space<vmem>>
          %dma_start3A_97 = arith.constant 0 : i32
          %dma_start3A_98 = tpu.memref_slice %arg9[%add3A_70, %dma_start3A_97] : memref<40x128xi32, #tpu.memory_space<vmem>> -> memref<1x128xi32, #tpu.memory_space<vmem>>
          %dma_start3A_99 = tpu.memref_squeeze %dma_start3A_98 : memref<1x128xi32, #tpu.memory_space<vmem>> -> memref<128xi32, #tpu.memory_space<vmem>>
          %dma_start3A_100 = arith.constant 0 : i32
          %dma_start3A_101 = arith.constant 0 : i32
          %dma_start3A_102 = tpu.memref_slice %arg11[%dma_start3A_100, %dma_start3A_101] : memref<10112x128xf32, #tpu.memory_space<vmem_shared>> -> memref<10112x128xf32, #tpu.memory_space<vmem_shared>>
          tpu.enqueue_indirect_dma source(%dma_start3A_96 : memref<128x128xf32, #tpu.memory_space<vmem>>) target(%dma_start3A_102 : memref<10112x128xf32, #tpu.memory_space<vmem_shared>>) offsets(%dma_start3A_99 : memref<128xi32, #tpu.memory_space<vmem>>) semaphore(%run_scoped3A_92 : memref<!tpu.dma_semaphore, #tpu.memory_space<semaphore_mem>>) {add = true}
          %dma_wait3A_103 = arith.constant 0 : i32
          %dma_wait3A_104 = arith.constant 0 : i32
          %dma_wait3A_105 = tpu.memref_slice %arg10[%run_scoped3A_84, %dma_wait3A_103, %dma_wait3A_104] : memref<2x128x128xf32, #tpu.memory_space<vmem>> -> memref<1x128x128xf32, #tpu.memory_space<vmem>>
          %dma_wait3A_106 = tpu.memref_squeeze %dma_wait3A_105 : memref<1x128x128xf32, #tpu.memory_space<vmem>> -> memref<128x128xf32, #tpu.memory_space<vmem>>
          %dma_wait3A_107 = arith.constant 0 : i32
          %dma_wait3A_108 = tpu.memref_slice %arg9[%add3A_70, %dma_wait3A_107] : memref<40x128xi32, #tpu.memory_space<vmem>> -> memref<1x128xi32, #tpu.memory_space<vmem>>
          %dma_wait3A_109 = tpu.memref_squeeze %dma_wait3A_108 : memref<1x128xi32, #tpu.memory_space<vmem>> -> memref<128xi32, #tpu.memory_space<vmem>>
          %dma_wait3A_110 = arith.constant 0 : i32
          %dma_wait3A_111 = arith.constant 0 : i32
          %dma_wait3A_112 = tpu.memref_slice %arg11[%dma_wait3A_110, %dma_wait3A_111] : memref<10112x128xf32, #tpu.memory_space<vmem_shared>> -> memref<10112x128xf32, #tpu.memory_space<vmem_shared>>
          tpu.wait_indirect_dma semaphore(%run_scoped3A_92 : memref<!tpu.dma_semaphore, #tpu.memory_space<semaphore_mem>>) src(%dma_wait3A_106 : memref<128x128xf32, #tpu.memory_space<vmem>>) dst(%dma_wait3A_112 : memref<10112x128xf32, #tpu.memory_space<vmem_shared>>)
          tpu.yield
        }) : () -> ()
        %add3A_85 = arith.constant 2 : i32
        %add3A_86 = arith.addi %add3A_72, %add3A_85 : i32
        %lt3A_87 = arith.constant 80 : i32
        %lt3A_88 = arith.cmpi slt, %add3A_86, %lt3A_87 : i32
        %convert_element_type3A_89 = arith.extui %lt3A_88 : i1 to i32
        %cond3A_90 = arith.constant 0 : i32
        %cond3A_91 = arith.cmpi ne, %convert_element_type3A_89, %cond3A_90 : i32
        scf.if %cond3A_91 {
          %add3A_92 = arith.constant 2 : i32
          %add3A_93 = arith.addi %add3A_72, %add3A_92 : i32
          %mul3A_94 = arith.constant 128 : i32
          %mul3A_95 = arith.muli %add3A_93, %mul3A_94 : i32
          %dma_start3A_96 = arith.constant 1 : i32
          %dma_start3A_97 = arith.constant 0 : i32
          %dma_start3A_98 = arith.constant 0 : i32
          %dma_start3A_99 = tpu.memref_slice %arg10[%dma_start3A_96, %dma_start3A_97, %dma_start3A_98] : memref<2x128x128xf32, #tpu.memory_space<vmem>> -> memref<1x128x128xf32, #tpu.memory_space<vmem>>
          %dma_start3A_100 = tpu.memref_squeeze %dma_start3A_99 : memref<1x128x128xf32, #tpu.memory_space<vmem>> -> memref<128x128xf32, #tpu.memory_space<vmem>>
          %dma_start3A_101 = tpu.memref_slice %arg8[%mul3A_95] : memref<10240xi32, #tpu.memory_space<vmem>> -> memref<128xi32, #tpu.memory_space<vmem>>
          %dma_start3A_102 = arith.constant 0 : i32
          %dma_start3A_103 = arith.constant 0 : i32
          %dma_start3A_104 = tpu.memref_slice %arg2[%dma_start3A_102, %dma_start3A_103] : memref<10000x128xf32, #tpu.memory_space<hbm>> -> memref<10000x128xf32, #tpu.memory_space<hbm>>
          tpu.enqueue_indirect_dma source(%dma_start3A_104 : memref<10000x128xf32, #tpu.memory_space<hbm>>) target(%dma_start3A_100 : memref<128x128xf32, #tpu.memory_space<vmem>>) offsets(%dma_start3A_101 : memref<128xi32, #tpu.memory_space<vmem>>) semaphore(%arg13 : memref<!tpu.dma_semaphore, #tpu.memory_space<semaphore_mem>>)
        } else {
        }
      }
      %scan3A_37 = arith.constant 20 : i32
      %run_scoped3A_38 = arith.constant 1 : i32
      "tpu.region"() ({
        %run_scoped3A_44 = tpu.sem_alloc : memref<!tpu.dma_semaphore, #tpu.memory_space<semaphore_mem>>
        %dma_start3A_45 = arith.constant 0 : i32
        %dma_start3A_46 = arith.constant 0 : i32
        %dma_start3A_47 = tpu.memref_slice %arg5[%arg1, %run_scoped3A_38, %dma_start3A_45, %dma_start3A_46] : memref<16x2x40x128xi32, #tpu.memory_space<hbm>> -> memref<1x1x40x128xi32, #tpu.memory_space<hbm>>
        %dma_start3A_48 = tpu.memref_squeeze %dma_start3A_47 : memref<1x1x40x128xi32, #tpu.memory_space<hbm>> -> memref<40x128xi32, #tpu.memory_space<hbm>>
        %dma_start3A_49 = arith.constant 0 : i32
        %dma_start3A_50 = arith.constant 0 : i32
        %dma_start3A_51 = tpu.memref_slice %arg5[%arg1, %run_scoped3A_38, %dma_start3A_49, %dma_start3A_50] : memref<16x2x40x128xi32, #tpu.memory_space<hbm>> -> memref<1x1x40x128xi32, #tpu.memory_space<hbm>>
        %dma_start3A_52 = tpu.memref_squeeze %dma_start3A_51 : memref<1x1x40x128xi32, #tpu.memory_space<hbm>> -> memref<40x128xi32, #tpu.memory_space<hbm>>
        tpu.enqueue_dma source(%dma_start3A_52 : memref<40x128xi32, #tpu.memory_space<hbm>>) target(%arg9 : memref<40x128xi32, #tpu.memory_space<vmem>>) target_semaphore(%run_scoped3A_44 : memref<!tpu.dma_semaphore, #tpu.memory_space<semaphore_mem>>)
        %dma_wait3A = arith.constant 0 : i32
        %dma_wait3A_53 = arith.constant 0 : i32
        %dma_wait3A_54 = tpu.memref_slice %arg5[%arg1, %run_scoped3A_38, %dma_wait3A, %dma_wait3A_53] : memref<16x2x40x128xi32, #tpu.memory_space<hbm>> -> memref<1x1x40x128xi32, #tpu.memory_space<hbm>>
        %dma_wait3A_55 = tpu.memref_squeeze %dma_wait3A_54 : memref<1x1x40x128xi32, #tpu.memory_space<hbm>> -> memref<40x128xi32, #tpu.memory_space<hbm>>
        %dma_wait3A_56 = arith.constant 0 : i32
        %dma_wait3A_57 = arith.constant 0 : i32
        %dma_wait3A_58 = tpu.memref_slice %arg5[%arg1, %run_scoped3A_38, %dma_wait3A_56, %dma_wait3A_57] : memref<16x2x40x128xi32, #tpu.memory_space<hbm>> -> memref<1x1x40x128xi32, #tpu.memory_space<hbm>>
        %dma_wait3A_59 = tpu.memref_squeeze %dma_wait3A_58 : memref<1x1x40x128xi32, #tpu.memory_space<hbm>> -> memref<40x128xi32, #tpu.memory_space<hbm>>
        tpu.wait_dma2 semaphore(%run_scoped3A_44 : memref<!tpu.dma_semaphore, #tpu.memory_space<semaphore_mem>>) src(%dma_wait3A_59 : memref<40x128xi32, #tpu.memory_space<hbm>>) dst(%arg9 : memref<40x128xi32, #tpu.memory_space<vmem>>)
        tpu.yield
      }) : () -> ()
      %scan3A_39 = arith.constant 0 : i32
      %scan3A_40 = arith.constant 20 : i32
      %scan3A_41 = arith.addi %scan3A_39, %scan3A_40 : i32
      %scan3A_42 = arith.constant 1 : i32
      scf.for %scan3A_44 = %scan3A_39 to %scan3A_41 step %scan3A_42  : i32 {
        %mul3A_45 = arith.constant 2 : i32
        %mul3A_46 = arith.muli %scan3A_44, %mul3A_45 : i32
        %add3A = arith.constant 0 : i32
        %add3A_47 = arith.addi %mul3A_46, %add3A : i32
        %add3A_48 = arith.constant 40 : i32
        %add3A_49 = arith.addi %add3A_48, %add3A_47 : i32
        %mul3A_50 = arith.constant 128 : i32
        %mul3A_51 = arith.muli %add3A_49, %mul3A_50 : i32
        %dma_wait3A = arith.constant 0 : i32
        %dma_wait3A_52 = arith.constant 0 : i32
        %dma_wait3A_53 = arith.constant 0 : i32
        %dma_wait3A_54 = tpu.memref_slice %arg10[%dma_wait3A, %dma_wait3A_52, %dma_wait3A_53] : memref<2x128x128xf32, #tpu.memory_space<vmem>> -> memref<1x128x128xf32, #tpu.memory_space<vmem>>
        %dma_wait3A_55 = tpu.memref_squeeze %dma_wait3A_54 : memref<1x128x128xf32, #tpu.memory_space<vmem>> -> memref<128x128xf32, #tpu.memory_space<vmem>>
        %dma_wait3A_56 = tpu.memref_slice %arg8[%mul3A_51] : memref<10240xi32, #tpu.memory_space<vmem>> -> memref<128xi32, #tpu.memory_space<vmem>>
        %dma_wait3A_57 = arith.constant 0 : i32
        %dma_wait3A_58 = arith.constant 0 : i32
        %dma_wait3A_59 = tpu.memref_slice %arg2[%dma_wait3A_57, %dma_wait3A_58] : memref<10000x128xf32, #tpu.memory_space<hbm>> -> memref<10000x128xf32, #tpu.memory_space<hbm>>
        tpu.wait_indirect_dma semaphore(%arg12 : memref<!tpu.dma_semaphore, #tpu.memory_space<semaphore_mem>>) src(%dma_wait3A_59 : memref<10000x128xf32, #tpu.memory_space<hbm>>) dst(%dma_wait3A_55 : memref<128x128xf32, #tpu.memory_space<vmem>>)
        %run_scoped3A_60 = arith.constant 0 : i32
        "tpu.region"() ({
          %run_scoped3A_92 = tpu.sem_alloc : memref<!tpu.dma_semaphore, #tpu.memory_space<semaphore_mem>>
          %dma_start3A_93 = arith.constant 0 : i32
          %dma_start3A_94 = arith.constant 0 : i32
          %dma_start3A_95 = tpu.memref_slice %arg10[%run_scoped3A_60, %dma_start3A_93, %dma_start3A_94] : memref<2x128x128xf32, #tpu.memory_space<vmem>> -> memref<1x128x128xf32, #tpu.memory_space<vmem>>
          %dma_start3A_96 = tpu.memref_squeeze %dma_start3A_95 : memref<1x128x128xf32, #tpu.memory_space<vmem>> -> memref<128x128xf32, #tpu.memory_space<vmem>>
          %dma_start3A_97 = arith.constant 0 : i32
          %dma_start3A_98 = tpu.memref_slice %arg9[%add3A_47, %dma_start3A_97] : memref<40x128xi32, #tpu.memory_space<vmem>> -> memref<1x128xi32, #tpu.memory_space<vmem>>
          %dma_start3A_99 = tpu.memref_squeeze %dma_start3A_98 : memref<1x128xi32, #tpu.memory_space<vmem>> -> memref<128xi32, #tpu.memory_space<vmem>>
          %dma_start3A_100 = arith.constant 0 : i32
          %dma_start3A_101 = arith.constant 0 : i32
          %dma_start3A_102 = tpu.memref_slice %arg11[%dma_start3A_100, %dma_start3A_101] : memref<10112x128xf32, #tpu.memory_space<vmem_shared>> -> memref<10112x128xf32, #tpu.memory_space<vmem_shared>>
          tpu.enqueue_indirect_dma source(%dma_start3A_96 : memref<128x128xf32, #tpu.memory_space<vmem>>) target(%dma_start3A_102 : memref<10112x128xf32, #tpu.memory_space<vmem_shared>>) offsets(%dma_start3A_99 : memref<128xi32, #tpu.memory_space<vmem>>) semaphore(%run_scoped3A_92 : memref<!tpu.dma_semaphore, #tpu.memory_space<semaphore_mem>>) {add = true}
          %dma_wait3A_103 = arith.constant 0 : i32
          %dma_wait3A_104 = arith.constant 0 : i32
          %dma_wait3A_105 = tpu.memref_slice %arg10[%run_scoped3A_60, %dma_wait3A_103, %dma_wait3A_104] : memref<2x128x128xf32, #tpu.memory_space<vmem>> -> memref<1x128x128xf32, #tpu.memory_space<vmem>>
          %dma_wait3A_106 = tpu.memref_squeeze %dma_wait3A_105 : memref<1x128x128xf32, #tpu.memory_space<vmem>> -> memref<128x128xf32, #tpu.memory_space<vmem>>
          %dma_wait3A_107 = arith.constant 0 : i32
          %dma_wait3A_108 = tpu.memref_slice %arg9[%add3A_47, %dma_wait3A_107] : memref<40x128xi32, #tpu.memory_space<vmem>> -> memref<1x128xi32, #tpu.memory_space<vmem>>
          %dma_wait3A_109 = tpu.memref_squeeze %dma_wait3A_108 : memref<1x128xi32, #tpu.memory_space<vmem>> -> memref<128xi32, #tpu.memory_space<vmem>>
          %dma_wait3A_110 = arith.constant 0 : i32
          %dma_wait3A_111 = arith.constant 0 : i32
          %dma_wait3A_112 = tpu.memref_slice %arg11[%dma_wait3A_110, %dma_wait3A_111] : memref<10112x128xf32, #tpu.memory_space<vmem_shared>> -> memref<10112x128xf32, #tpu.memory_space<vmem_shared>>
          tpu.wait_indirect_dma semaphore(%run_scoped3A_92 : memref<!tpu.dma_semaphore, #tpu.memory_space<semaphore_mem>>) src(%dma_wait3A_106 : memref<128x128xf32, #tpu.memory_space<vmem>>) dst(%dma_wait3A_112 : memref<10112x128xf32, #tpu.memory_space<vmem_shared>>)
          tpu.yield
        }) : () -> ()
        %add3A_61 = arith.constant 2 : i32
        %add3A_62 = arith.addi %add3A_49, %add3A_61 : i32
        %lt3A = arith.constant 80 : i32
        %lt3A_63 = arith.cmpi slt, %add3A_62, %lt3A : i32
        %convert_element_type3A_64 = arith.extui %lt3A_63 : i1 to i32
        %cond3A_65 = arith.constant 0 : i32
        %cond3A_66 = arith.cmpi ne, %convert_element_type3A_64, %cond3A_65 : i32
        scf.if %cond3A_66 {
          %add3A_92 = arith.constant 2 : i32
          %add3A_93 = arith.addi %add3A_49, %add3A_92 : i32
          %mul3A_94 = arith.constant 128 : i32
          %mul3A_95 = arith.muli %add3A_93, %mul3A_94 : i32
          %dma_start3A_96 = arith.constant 0 : i32
          %dma_start3A_97 = arith.constant 0 : i32
          %dma_start3A_98 = arith.constant 0 : i32
          %dma_start3A_99 = tpu.memref_slice %arg10[%dma_start3A_96, %dma_start3A_97, %dma_start3A_98] : memref<2x128x128xf32, #tpu.memory_space<vmem>> -> memref<1x128x128xf32, #tpu.memory_space<vmem>>
          %dma_start3A_100 = tpu.memref_squeeze %dma_start3A_99 : memref<1x128x128xf32, #tpu.memory_space<vmem>> -> memref<128x128xf32, #tpu.memory_space<vmem>>
          %dma_start3A_101 = tpu.memref_slice %arg8[%mul3A_95] : memref<10240xi32, #tpu.memory_space<vmem>> -> memref<128xi32, #tpu.memory_space<vmem>>
          %dma_start3A_102 = arith.constant 0 : i32
          %dma_start3A_103 = arith.constant 0 : i32
          %dma_start3A_104 = tpu.memref_slice %arg2[%dma_start3A_102, %dma_start3A_103] : memref<10000x128xf32, #tpu.memory_space<hbm>> -> memref<10000x128xf32, #tpu.memory_space<hbm>>
          tpu.enqueue_indirect_dma source(%dma_start3A_104 : memref<10000x128xf32, #tpu.memory_space<hbm>>) target(%dma_start3A_100 : memref<128x128xf32, #tpu.memory_space<vmem>>) offsets(%dma_start3A_101 : memref<128xi32, #tpu.memory_space<vmem>>) semaphore(%arg12 : memref<!tpu.dma_semaphore, #tpu.memory_space<semaphore_mem>>)
        } else {
        }
        %mul3A_67 = arith.constant 2 : i32
        %mul3A_68 = arith.muli %scan3A_44, %mul3A_67 : i32
        %add3A_69 = arith.constant 1 : i32
        %add3A_70 = arith.addi %mul3A_68, %add3A_69 : i32
        %add3A_71 = arith.constant 40 : i32
        %add3A_72 = arith.addi %add3A_71, %add3A_70 : i32
        %mul3A_73 = arith.constant 128 : i32
        %mul3A_74 = arith.muli %add3A_72, %mul3A_73 : i32
        %dma_wait3A_75 = arith.constant 1 : i32
        %dma_wait3A_76 = arith.constant 0 : i32
        %dma_wait3A_77 = arith.constant 0 : i32
        %dma_wait3A_78 = tpu.memref_slice %arg10[%dma_wait3A_75, %dma_wait3A_76, %dma_wait3A_77] : memref<2x128x128xf32, #tpu.memory_space<vmem>> -> memref<1x128x128xf32, #tpu.memory_space<vmem>>
        %dma_wait3A_79 = tpu.memref_squeeze %dma_wait3A_78 : memref<1x128x128xf32, #tpu.memory_space<vmem>> -> memref<128x128xf32, #tpu.memory_space<vmem>>
        %dma_wait3A_80 = tpu.memref_slice %arg8[%mul3A_74] : memref<10240xi32, #tpu.memory_space<vmem>> -> memref<128xi32, #tpu.memory_space<vmem>>
        %dma_wait3A_81 = arith.constant 0 : i32
        %dma_wait3A_82 = arith.constant 0 : i32
        %dma_wait3A_83 = tpu.memref_slice %arg2[%dma_wait3A_81, %dma_wait3A_82] : memref<10000x128xf32, #tpu.memory_space<hbm>> -> memref<10000x128xf32, #tpu.memory_space<hbm>>
        tpu.wait_indirect_dma semaphore(%arg13 : memref<!tpu.dma_semaphore, #tpu.memory_space<semaphore_mem>>) src(%dma_wait3A_83 : memref<10000x128xf32, #tpu.memory_space<hbm>>) dst(%dma_wait3A_79 : memref<128x128xf32, #tpu.memory_space<vmem>>)
        %run_scoped3A_84 = arith.constant 1 : i32
        "tpu.region"() ({
          %run_scoped3A_92 = tpu.sem_alloc : memref<!tpu.dma_semaphore, #tpu.memory_space<semaphore_mem>>
          %dma_start3A_93 = arith.constant 0 : i32
          %dma_start3A_94 = arith.constant 0 : i32
          %dma_start3A_95 = tpu.memref_slice %arg10[%run_scoped3A_84, %dma_start3A_93, %dma_start3A_94] : memref<2x128x128xf32, #tpu.memory_space<vmem>> -> memref<1x128x128xf32, #tpu.memory_space<vmem>>
          %dma_start3A_96 = tpu.memref_squeeze %dma_start3A_95 : memref<1x128x128xf32, #tpu.memory_space<vmem>> -> memref<128x128xf32, #tpu.memory_space<vmem>>
          %dma_start3A_97 = arith.constant 0 : i32
          %dma_start3A_98 = tpu.memref_slice %arg9[%add3A_70, %dma_start3A_97] : memref<40x128xi32, #tpu.memory_space<vmem>> -> memref<1x128xi32, #tpu.memory_space<vmem>>
          %dma_start3A_99 = tpu.memref_squeeze %dma_start3A_98 : memref<1x128xi32, #tpu.memory_space<vmem>> -> memref<128xi32, #tpu.memory_space<vmem>>
          %dma_start3A_100 = arith.constant 0 : i32
          %dma_start3A_101 = arith.constant 0 : i32
          %dma_start3A_102 = tpu.memref_slice %arg11[%dma_start3A_100, %dma_start3A_101] : memref<10112x128xf32, #tpu.memory_space<vmem_shared>> -> memref<10112x128xf32, #tpu.memory_space<vmem_shared>>
          tpu.enqueue_indirect_dma source(%dma_start3A_96 : memref<128x128xf32, #tpu.memory_space<vmem>>) target(%dma_start3A_102 : memref<10112x128xf32, #tpu.memory_space<vmem_shared>>) offsets(%dma_start3A_99 : memref<128xi32, #tpu.memory_space<vmem>>) semaphore(%run_scoped3A_92 : memref<!tpu.dma_semaphore, #tpu.memory_space<semaphore_mem>>) {add = true}
          %dma_wait3A_103 = arith.constant 0 : i32
          %dma_wait3A_104 = arith.constant 0 : i32
          %dma_wait3A_105 = tpu.memref_slice %arg10[%run_scoped3A_84, %dma_wait3A_103, %dma_wait3A_104] : memref<2x128x128xf32, #tpu.memory_space<vmem>> -> memref<1x128x128xf32, #tpu.memory_space<vmem>>
          %dma_wait3A_106 = tpu.memref_squeeze %dma_wait3A_105 : memref<1x128x128xf32, #tpu.memory_space<vmem>> -> memref<128x128xf32, #tpu.memory_space<vmem>>
          %dma_wait3A_107 = arith.constant 0 : i32
          %dma_wait3A_108 = tpu.memref_slice %arg9[%add3A_70, %dma_wait3A_107] : memref<40x128xi32, #tpu.memory_space<vmem>> -> memref<1x128xi32, #tpu.memory_space<vmem>>
          %dma_wait3A_109 = tpu.memref_squeeze %dma_wait3A_108 : memref<1x128xi32, #tpu.memory_space<vmem>> -> memref<128xi32, #tpu.memory_space<vmem>>
          %dma_wait3A_110 = arith.constant 0 : i32
          %dma_wait3A_111 = arith.constant 0 : i32
          %dma_wait3A_112 = tpu.memref_slice %arg11[%dma_wait3A_110, %dma_wait3A_111] : memref<10112x128xf32, #tpu.memory_space<vmem_shared>> -> memref<10112x128xf32, #tpu.memory_space<vmem_shared>>
          tpu.wait_indirect_dma semaphore(%run_scoped3A_92 : memref<!tpu.dma_semaphore, #tpu.memory_space<semaphore_mem>>) src(%dma_wait3A_106 : memref<128x128xf32, #tpu.memory_space<vmem>>) dst(%dma_wait3A_112 : memref<10112x128xf32, #tpu.memory_space<vmem_shared>>)
          tpu.yield
        }) : () -> ()
        %add3A_85 = arith.constant 2 : i32
        %add3A_86 = arith.addi %add3A_72, %add3A_85 : i32
        %lt3A_87 = arith.constant 80 : i32
        %lt3A_88 = arith.cmpi slt, %add3A_86, %lt3A_87 : i32
        %convert_element_type3A_89 = arith.extui %lt3A_88 : i1 to i32
        %cond3A_90 = arith.constant 0 : i32
        %cond3A_91 = arith.cmpi ne, %convert_element_type3A_89, %cond3A_90 : i32
        scf.if %cond3A_91 {
          %add3A_92 = arith.constant 2 : i32
          %add3A_93 = arith.addi %add3A_72, %add3A_92 : i32
          %mul3A_94 = arith.constant 128 : i32
          %mul3A_95 = arith.muli %add3A_93, %mul3A_94 : i32
          %dma_start3A_96 = arith.constant 1 : i32
          %dma_start3A_97 = arith.constant 0 : i32
          %dma_start3A_98 = arith.constant 0 : i32
          %dma_start3A_99 = tpu.memref_slice %arg10[%dma_start3A_96, %dma_start3A_97, %dma_start3A_98] : memref<2x128x128xf32, #tpu.memory_space<vmem>> -> memref<1x128x128xf32, #tpu.memory_space<vmem>>
          %dma_start3A_100 = tpu.memref_squeeze %dma_start3A_99 : memref<1x128x128xf32, #tpu.memory_space<vmem>> -> memref<128x128xf32, #tpu.memory_space<vmem>>
          %dma_start3A_101 = tpu.memref_slice %arg8[%mul3A_95] : memref<10240xi32, #tpu.memory_space<vmem>> -> memref<128xi32, #tpu.memory_space<vmem>>
          %dma_start3A_102 = arith.constant 0 : i32
          %dma_start3A_103 = arith.constant 0 : i32
          %dma_start3A_104 = tpu.memref_slice %arg2[%dma_start3A_102, %dma_start3A_103] : memref<10000x128xf32, #tpu.memory_space<hbm>> -> memref<10000x128xf32, #tpu.memory_space<hbm>>
          tpu.enqueue_indirect_dma source(%dma_start3A_104 : memref<10000x128xf32, #tpu.memory_space<hbm>>) target(%dma_start3A_100 : memref<128x128xf32, #tpu.memory_space<vmem>>) offsets(%dma_start3A_101 : memref<128xi32, #tpu.memory_space<vmem>>) semaphore(%arg13 : memref<!tpu.dma_semaphore, #tpu.memory_space<semaphore_mem>>)
        } else {
        }
      }
      %scan3A_43 = arith.constant 20 : i32
    } else {
    }
    %eq3A_5 = arith.constant 1 : i32
    %eq3A_6 = arith.cmpi eq, %arg0, %eq3A_5 : i32
    %convert_element_type3A_7 = arith.extui %eq3A_6 : i1 to i32
    %cond3A_8 = arith.constant 0 : i32
    %cond3A_9 = arith.cmpi ne, %convert_element_type3A_7, %cond3A_8 : i32
    scf.if %cond3A_9 {
      %dma_start3A = arith.constant 0 : i32
      %dma_start3A_15 = arith.constant 0 : i32
      %dma_start3A_16 = arith.constant 0 : i32
      %dma_start3A_17 = tpu.memref_slice %arg10[%dma_start3A, %dma_start3A_15, %dma_start3A_16] : memref<2x128x128xf32, #tpu.memory_space<vmem>> -> memref<1x128x128xf32, #tpu.memory_space<vmem>>
      %dma_start3A_18 = tpu.memref_squeeze %dma_start3A_17 : memref<1x128x128xf32, #tpu.memory_space<vmem>> -> memref<128x128xf32, #tpu.memory_space<vmem>>
      %dma_start3A_19 = arith.constant 0 : i32
      %dma_start3A_20 = tpu.memref_slice %arg8[%dma_start3A_19] : memref<10240xi32, #tpu.memory_space<vmem>> -> memref<128xi32, #tpu.memory_space<vmem>>
      %dma_start3A_21 = arith.constant 0 : i32
      %dma_start3A_22 = arith.constant 0 : i32
      %dma_start3A_23 = tpu.memref_slice %arg3[%dma_start3A_21, %dma_start3A_22] : memref<10000x128xf32, #tpu.memory_space<hbm>> -> memref<10000x128xf32, #tpu.memory_space<hbm>>
      tpu.enqueue_indirect_dma source(%dma_start3A_23 : memref<10000x128xf32, #tpu.memory_space<hbm>>) target(%dma_start3A_18 : memref<128x128xf32, #tpu.memory_space<vmem>>) offsets(%dma_start3A_20 : memref<128xi32, #tpu.memory_space<vmem>>) semaphore(%arg12 : memref<!tpu.dma_semaphore, #tpu.memory_space<semaphore_mem>>)
      %dma_start3A_24 = arith.constant 1 : i32
      %dma_start3A_25 = arith.constant 0 : i32
      %dma_start3A_26 = arith.constant 0 : i32
      %dma_start3A_27 = tpu.memref_slice %arg10[%dma_start3A_24, %dma_start3A_25, %dma_start3A_26] : memref<2x128x128xf32, #tpu.memory_space<vmem>> -> memref<1x128x128xf32, #tpu.memory_space<vmem>>
      %dma_start3A_28 = tpu.memref_squeeze %dma_start3A_27 : memref<1x128x128xf32, #tpu.memory_space<vmem>> -> memref<128x128xf32, #tpu.memory_space<vmem>>
      %dma_start3A_29 = arith.constant 128 : i32
      %dma_start3A_30 = tpu.memref_slice %arg8[%dma_start3A_29] : memref<10240xi32, #tpu.memory_space<vmem>> -> memref<128xi32, #tpu.memory_space<vmem>>
      %dma_start3A_31 = arith.constant 0 : i32
      %dma_start3A_32 = arith.constant 0 : i32
      %dma_start3A_33 = tpu.memref_slice %arg3[%dma_start3A_31, %dma_start3A_32] : memref<10000x128xf32, #tpu.memory_space<hbm>> -> memref<10000x128xf32, #tpu.memory_space<hbm>>
      tpu.enqueue_indirect_dma source(%dma_start3A_33 : memref<10000x128xf32, #tpu.memory_space<hbm>>) target(%dma_start3A_28 : memref<128x128xf32, #tpu.memory_space<vmem>>) offsets(%dma_start3A_30 : memref<128xi32, #tpu.memory_space<vmem>>) semaphore(%arg13 : memref<!tpu.dma_semaphore, #tpu.memory_space<semaphore_mem>>)
      %run_scoped3A = arith.constant 0 : i32
      "tpu.region"() ({
        %run_scoped3A_44 = tpu.sem_alloc : memref<!tpu.dma_semaphore, #tpu.memory_space<semaphore_mem>>
        %dma_start3A_45 = arith.constant 0 : i32
        %dma_start3A_46 = arith.constant 0 : i32
        %dma_start3A_47 = tpu.memref_slice %arg5[%arg1, %run_scoped3A, %dma_start3A_45, %dma_start3A_46] : memref<16x2x40x128xi32, #tpu.memory_space<hbm>> -> memref<1x1x40x128xi32, #tpu.memory_space<hbm>>
        %dma_start3A_48 = tpu.memref_squeeze %dma_start3A_47 : memref<1x1x40x128xi32, #tpu.memory_space<hbm>> -> memref<40x128xi32, #tpu.memory_space<hbm>>
        %dma_start3A_49 = arith.constant 0 : i32
        %dma_start3A_50 = arith.constant 0 : i32
        %dma_start3A_51 = tpu.memref_slice %arg5[%arg1, %run_scoped3A, %dma_start3A_49, %dma_start3A_50] : memref<16x2x40x128xi32, #tpu.memory_space<hbm>> -> memref<1x1x40x128xi32, #tpu.memory_space<hbm>>
        %dma_start3A_52 = tpu.memref_squeeze %dma_start3A_51 : memref<1x1x40x128xi32, #tpu.memory_space<hbm>> -> memref<40x128xi32, #tpu.memory_space<hbm>>
        tpu.enqueue_dma source(%dma_start3A_52 : memref<40x128xi32, #tpu.memory_space<hbm>>) target(%arg9 : memref<40x128xi32, #tpu.memory_space<vmem>>) target_semaphore(%run_scoped3A_44 : memref<!tpu.dma_semaphore, #tpu.memory_space<semaphore_mem>>)
        %dma_wait3A = arith.constant 0 : i32
        %dma_wait3A_53 = arith.constant 0 : i32
        %dma_wait3A_54 = tpu.memref_slice %arg5[%arg1, %run_scoped3A, %dma_wait3A, %dma_wait3A_53] : memref<16x2x40x128xi32, #tpu.memory_space<hbm>> -> memref<1x1x40x128xi32, #tpu.memory_space<hbm>>
        %dma_wait3A_55 = tpu.memref_squeeze %dma_wait3A_54 : memref<1x1x40x128xi32, #tpu.memory_space<hbm>> -> memref<40x128xi32, #tpu.memory_space<hbm>>
        %dma_wait3A_56 = arith.constant 0 : i32
        %dma_wait3A_57 = arith.constant 0 : i32
        %dma_wait3A_58 = tpu.memref_slice %arg5[%arg1, %run_scoped3A, %dma_wait3A_56, %dma_wait3A_57] : memref<16x2x40x128xi32, #tpu.memory_space<hbm>> -> memref<1x1x40x128xi32, #tpu.memory_space<hbm>>
        %dma_wait3A_59 = tpu.memref_squeeze %dma_wait3A_58 : memref<1x1x40x128xi32, #tpu.memory_space<hbm>> -> memref<40x128xi32, #tpu.memory_space<hbm>>
        tpu.wait_dma2 semaphore(%run_scoped3A_44 : memref<!tpu.dma_semaphore, #tpu.memory_space<semaphore_mem>>) src(%dma_wait3A_59 : memref<40x128xi32, #tpu.memory_space<hbm>>) dst(%arg9 : memref<40x128xi32, #tpu.memory_space<vmem>>)
        tpu.yield
      }) : () -> ()
      %scan3A = arith.constant 0 : i32
      %scan3A_34 = arith.constant 20 : i32
      %scan3A_35 = arith.addi %scan3A, %scan3A_34 : i32
      %scan3A_36 = arith.constant 1 : i32
      scf.for %scan3A_44 = %scan3A to %scan3A_35 step %scan3A_36  : i32 {
        %mul3A_45 = arith.constant 2 : i32
        %mul3A_46 = arith.muli %scan3A_44, %mul3A_45 : i32
        %add3A = arith.constant 0 : i32
        %add3A_47 = arith.addi %mul3A_46, %add3A : i32
        %add3A_48 = arith.constant 0 : i32
        %add3A_49 = arith.addi %add3A_48, %add3A_47 : i32
        %mul3A_50 = arith.constant 128 : i32
        %mul3A_51 = arith.muli %add3A_49, %mul3A_50 : i32
        %dma_wait3A = arith.constant 0 : i32
        %dma_wait3A_52 = arith.constant 0 : i32
        %dma_wait3A_53 = arith.constant 0 : i32
        %dma_wait3A_54 = tpu.memref_slice %arg10[%dma_wait3A, %dma_wait3A_52, %dma_wait3A_53] : memref<2x128x128xf32, #tpu.memory_space<vmem>> -> memref<1x128x128xf32, #tpu.memory_space<vmem>>
        %dma_wait3A_55 = tpu.memref_squeeze %dma_wait3A_54 : memref<1x128x128xf32, #tpu.memory_space<vmem>> -> memref<128x128xf32, #tpu.memory_space<vmem>>
        %dma_wait3A_56 = tpu.memref_slice %arg8[%mul3A_51] : memref<10240xi32, #tpu.memory_space<vmem>> -> memref<128xi32, #tpu.memory_space<vmem>>
        %dma_wait3A_57 = arith.constant 0 : i32
        %dma_wait3A_58 = arith.constant 0 : i32
        %dma_wait3A_59 = tpu.memref_slice %arg3[%dma_wait3A_57, %dma_wait3A_58] : memref<10000x128xf32, #tpu.memory_space<hbm>> -> memref<10000x128xf32, #tpu.memory_space<hbm>>
        tpu.wait_indirect_dma semaphore(%arg12 : memref<!tpu.dma_semaphore, #tpu.memory_space<semaphore_mem>>) src(%dma_wait3A_59 : memref<10000x128xf32, #tpu.memory_space<hbm>>) dst(%dma_wait3A_55 : memref<128x128xf32, #tpu.memory_space<vmem>>)
        %run_scoped3A_60 = arith.constant 0 : i32
        "tpu.region"() ({
          %run_scoped3A_92 = tpu.sem_alloc : memref<!tpu.dma_semaphore, #tpu.memory_space<semaphore_mem>>
          %dma_start3A_93 = arith.constant 0 : i32
          %dma_start3A_94 = arith.constant 0 : i32
          %dma_start3A_95 = tpu.memref_slice %arg10[%run_scoped3A_60, %dma_start3A_93, %dma_start3A_94] : memref<2x128x128xf32, #tpu.memory_space<vmem>> -> memref<1x128x128xf32, #tpu.memory_space<vmem>>
          %dma_start3A_96 = tpu.memref_squeeze %dma_start3A_95 : memref<1x128x128xf32, #tpu.memory_space<vmem>> -> memref<128x128xf32, #tpu.memory_space<vmem>>
          %dma_start3A_97 = arith.constant 0 : i32
          %dma_start3A_98 = tpu.memref_slice %arg9[%add3A_47, %dma_start3A_97] : memref<40x128xi32, #tpu.memory_space<vmem>> -> memref<1x128xi32, #tpu.memory_space<vmem>>
          %dma_start3A_99 = tpu.memref_squeeze %dma_start3A_98 : memref<1x128xi32, #tpu.memory_space<vmem>> -> memref<128xi32, #tpu.memory_space<vmem>>
          %dma_start3A_100 = arith.constant 0 : i32
          %dma_start3A_101 = arith.constant 0 : i32
          %dma_start3A_102 = tpu.memref_slice %arg11[%dma_start3A_100, %dma_start3A_101] : memref<10112x128xf32, #tpu.memory_space<vmem_shared>> -> memref<10112x128xf32, #tpu.memory_space<vmem_shared>>
          tpu.enqueue_indirect_dma source(%dma_start3A_96 : memref<128x128xf32, #tpu.memory_space<vmem>>) target(%dma_start3A_102 : memref<10112x128xf32, #tpu.memory_space<vmem_shared>>) offsets(%dma_start3A_99 : memref<128xi32, #tpu.memory_space<vmem>>) semaphore(%run_scoped3A_92 : memref<!tpu.dma_semaphore, #tpu.memory_space<semaphore_mem>>) {add = true}
          %dma_wait3A_103 = arith.constant 0 : i32
          %dma_wait3A_104 = arith.constant 0 : i32
          %dma_wait3A_105 = tpu.memref_slice %arg10[%run_scoped3A_60, %dma_wait3A_103, %dma_wait3A_104] : memref<2x128x128xf32, #tpu.memory_space<vmem>> -> memref<1x128x128xf32, #tpu.memory_space<vmem>>
          %dma_wait3A_106 = tpu.memref_squeeze %dma_wait3A_105 : memref<1x128x128xf32, #tpu.memory_space<vmem>> -> memref<128x128xf32, #tpu.memory_space<vmem>>
          %dma_wait3A_107 = arith.constant 0 : i32
          %dma_wait3A_108 = tpu.memref_slice %arg9[%add3A_47, %dma_wait3A_107] : memref<40x128xi32, #tpu.memory_space<vmem>> -> memref<1x128xi32, #tpu.memory_space<vmem>>
          %dma_wait3A_109 = tpu.memref_squeeze %dma_wait3A_108 : memref<1x128xi32, #tpu.memory_space<vmem>> -> memref<128xi32, #tpu.memory_space<vmem>>
          %dma_wait3A_110 = arith.constant 0 : i32
          %dma_wait3A_111 = arith.constant 0 : i32
          %dma_wait3A_112 = tpu.memref_slice %arg11[%dma_wait3A_110, %dma_wait3A_111] : memref<10112x128xf32, #tpu.memory_space<vmem_shared>> -> memref<10112x128xf32, #tpu.memory_space<vmem_shared>>
          tpu.wait_indirect_dma semaphore(%run_scoped3A_92 : memref<!tpu.dma_semaphore, #tpu.memory_space<semaphore_mem>>) src(%dma_wait3A_106 : memref<128x128xf32, #tpu.memory_space<vmem>>) dst(%dma_wait3A_112 : memref<10112x128xf32, #tpu.memory_space<vmem_shared>>)
          tpu.yield
        }) : () -> ()
        %add3A_61 = arith.constant 2 : i32
        %add3A_62 = arith.addi %add3A_49, %add3A_61 : i32
        %lt3A = arith.constant 80 : i32
        %lt3A_63 = arith.cmpi slt, %add3A_62, %lt3A : i32
        %convert_element_type3A_64 = arith.extui %lt3A_63 : i1 to i32
        %cond3A_65 = arith.constant 0 : i32
        %cond3A_66 = arith.cmpi ne, %convert_element_type3A_64, %cond3A_65 : i32
        scf.if %cond3A_66 {
          %add3A_92 = arith.constant 2 : i32
          %add3A_93 = arith.addi %add3A_49, %add3A_92 : i32
          %mul3A_94 = arith.constant 128 : i32
          %mul3A_95 = arith.muli %add3A_93, %mul3A_94 : i32
          %dma_start3A_96 = arith.constant 0 : i32
          %dma_start3A_97 = arith.constant 0 : i32
          %dma_start3A_98 = arith.constant 0 : i32
          %dma_start3A_99 = tpu.memref_slice %arg10[%dma_start3A_96, %dma_start3A_97, %dma_start3A_98] : memref<2x128x128xf32, #tpu.memory_space<vmem>> -> memref<1x128x128xf32, #tpu.memory_space<vmem>>
          %dma_start3A_100 = tpu.memref_squeeze %dma_start3A_99 : memref<1x128x128xf32, #tpu.memory_space<vmem>> -> memref<128x128xf32, #tpu.memory_space<vmem>>
          %dma_start3A_101 = tpu.memref_slice %arg8[%mul3A_95] : memref<10240xi32, #tpu.memory_space<vmem>> -> memref<128xi32, #tpu.memory_space<vmem>>
          %dma_start3A_102 = arith.constant 0 : i32
          %dma_start3A_103 = arith.constant 0 : i32
          %dma_start3A_104 = tpu.memref_slice %arg3[%dma_start3A_102, %dma_start3A_103] : memref<10000x128xf32, #tpu.memory_space<hbm>> -> memref<10000x128xf32, #tpu.memory_space<hbm>>
          tpu.enqueue_indirect_dma source(%dma_start3A_104 : memref<10000x128xf32, #tpu.memory_space<hbm>>) target(%dma_start3A_100 : memref<128x128xf32, #tpu.memory_space<vmem>>) offsets(%dma_start3A_101 : memref<128xi32, #tpu.memory_space<vmem>>) semaphore(%arg12 : memref<!tpu.dma_semaphore, #tpu.memory_space<semaphore_mem>>)
        } else {
        }
        %mul3A_67 = arith.constant 2 : i32
        %mul3A_68 = arith.muli %scan3A_44, %mul3A_67 : i32
        %add3A_69 = arith.constant 1 : i32
        %add3A_70 = arith.addi %mul3A_68, %add3A_69 : i32
        %add3A_71 = arith.constant 0 : i32
        %add3A_72 = arith.addi %add3A_71, %add3A_70 : i32
        %mul3A_73 = arith.constant 128 : i32
        %mul3A_74 = arith.muli %add3A_72, %mul3A_73 : i32
        %dma_wait3A_75 = arith.constant 1 : i32
        %dma_wait3A_76 = arith.constant 0 : i32
        %dma_wait3A_77 = arith.constant 0 : i32
        %dma_wait3A_78 = tpu.memref_slice %arg10[%dma_wait3A_75, %dma_wait3A_76, %dma_wait3A_77] : memref<2x128x128xf32, #tpu.memory_space<vmem>> -> memref<1x128x128xf32, #tpu.memory_space<vmem>>
        %dma_wait3A_79 = tpu.memref_squeeze %dma_wait3A_78 : memref<1x128x128xf32, #tpu.memory_space<vmem>> -> memref<128x128xf32, #tpu.memory_space<vmem>>
        %dma_wait3A_80 = tpu.memref_slice %arg8[%mul3A_74] : memref<10240xi32, #tpu.memory_space<vmem>> -> memref<128xi32, #tpu.memory_space<vmem>>
        %dma_wait3A_81 = arith.constant 0 : i32
        %dma_wait3A_82 = arith.constant 0 : i32
        %dma_wait3A_83 = tpu.memref_slice %arg3[%dma_wait3A_81, %dma_wait3A_82] : memref<10000x128xf32, #tpu.memory_space<hbm>> -> memref<10000x128xf32, #tpu.memory_space<hbm>>
        tpu.wait_indirect_dma semaphore(%arg13 : memref<!tpu.dma_semaphore, #tpu.memory_space<semaphore_mem>>) src(%dma_wait3A_83 : memref<10000x128xf32, #tpu.memory_space<hbm>>) dst(%dma_wait3A_79 : memref<128x128xf32, #tpu.memory_space<vmem>>)
        %run_scoped3A_84 = arith.constant 1 : i32
        "tpu.region"() ({
          %run_scoped3A_92 = tpu.sem_alloc : memref<!tpu.dma_semaphore, #tpu.memory_space<semaphore_mem>>
          %dma_start3A_93 = arith.constant 0 : i32
          %dma_start3A_94 = arith.constant 0 : i32
          %dma_start3A_95 = tpu.memref_slice %arg10[%run_scoped3A_84, %dma_start3A_93, %dma_start3A_94] : memref<2x128x128xf32, #tpu.memory_space<vmem>> -> memref<1x128x128xf32, #tpu.memory_space<vmem>>
          %dma_start3A_96 = tpu.memref_squeeze %dma_start3A_95 : memref<1x128x128xf32, #tpu.memory_space<vmem>> -> memref<128x128xf32, #tpu.memory_space<vmem>>
          %dma_start3A_97 = arith.constant 0 : i32
          %dma_start3A_98 = tpu.memref_slice %arg9[%add3A_70, %dma_start3A_97] : memref<40x128xi32, #tpu.memory_space<vmem>> -> memref<1x128xi32, #tpu.memory_space<vmem>>
          %dma_start3A_99 = tpu.memref_squeeze %dma_start3A_98 : memref<1x128xi32, #tpu.memory_space<vmem>> -> memref<128xi32, #tpu.memory_space<vmem>>
          %dma_start3A_100 = arith.constant 0 : i32
          %dma_start3A_101 = arith.constant 0 : i32
          %dma_start3A_102 = tpu.memref_slice %arg11[%dma_start3A_100, %dma_start3A_101] : memref<10112x128xf32, #tpu.memory_space<vmem_shared>> -> memref<10112x128xf32, #tpu.memory_space<vmem_shared>>
          tpu.enqueue_indirect_dma source(%dma_start3A_96 : memref<128x128xf32, #tpu.memory_space<vmem>>) target(%dma_start3A_102 : memref<10112x128xf32, #tpu.memory_space<vmem_shared>>) offsets(%dma_start3A_99 : memref<128xi32, #tpu.memory_space<vmem>>) semaphore(%run_scoped3A_92 : memref<!tpu.dma_semaphore, #tpu.memory_space<semaphore_mem>>) {add = true}
          %dma_wait3A_103 = arith.constant 0 : i32
          %dma_wait3A_104 = arith.constant 0 : i32
          %dma_wait3A_105 = tpu.memref_slice %arg10[%run_scoped3A_84, %dma_wait3A_103, %dma_wait3A_104] : memref<2x128x128xf32, #tpu.memory_space<vmem>> -> memref<1x128x128xf32, #tpu.memory_space<vmem>>
          %dma_wait3A_106 = tpu.memref_squeeze %dma_wait3A_105 : memref<1x128x128xf32, #tpu.memory_space<vmem>> -> memref<128x128xf32, #tpu.memory_space<vmem>>
          %dma_wait3A_107 = arith.constant 0 : i32
          %dma_wait3A_108 = tpu.memref_slice %arg9[%add3A_70, %dma_wait3A_107] : memref<40x128xi32, #tpu.memory_space<vmem>> -> memref<1x128xi32, #tpu.memory_space<vmem>>
          %dma_wait3A_109 = tpu.memref_squeeze %dma_wait3A_108 : memref<1x128xi32, #tpu.memory_space<vmem>> -> memref<128xi32, #tpu.memory_space<vmem>>
          %dma_wait3A_110 = arith.constant 0 : i32
          %dma_wait3A_111 = arith.constant 0 : i32
          %dma_wait3A_112 = tpu.memref_slice %arg11[%dma_wait3A_110, %dma_wait3A_111] : memref<10112x128xf32, #tpu.memory_space<vmem_shared>> -> memref<10112x128xf32, #tpu.memory_space<vmem_shared>>
          tpu.wait_indirect_dma semaphore(%run_scoped3A_92 : memref<!tpu.dma_semaphore, #tpu.memory_space<semaphore_mem>>) src(%dma_wait3A_106 : memref<128x128xf32, #tpu.memory_space<vmem>>) dst(%dma_wait3A_112 : memref<10112x128xf32, #tpu.memory_space<vmem_shared>>)
          tpu.yield
        }) : () -> ()
        %add3A_85 = arith.constant 2 : i32
        %add3A_86 = arith.addi %add3A_72, %add3A_85 : i32
        %lt3A_87 = arith.constant 80 : i32
        %lt3A_88 = arith.cmpi slt, %add3A_86, %lt3A_87 : i32
        %convert_element_type3A_89 = arith.extui %lt3A_88 : i1 to i32
        %cond3A_90 = arith.constant 0 : i32
        %cond3A_91 = arith.cmpi ne, %convert_element_type3A_89, %cond3A_90 : i32
        scf.if %cond3A_91 {
          %add3A_92 = arith.constant 2 : i32
          %add3A_93 = arith.addi %add3A_72, %add3A_92 : i32
          %mul3A_94 = arith.constant 128 : i32
          %mul3A_95 = arith.muli %add3A_93, %mul3A_94 : i32
          %dma_start3A_96 = arith.constant 1 : i32
          %dma_start3A_97 = arith.constant 0 : i32
          %dma_start3A_98 = arith.constant 0 : i32
          %dma_start3A_99 = tpu.memref_slice %arg10[%dma_start3A_96, %dma_start3A_97, %dma_start3A_98] : memref<2x128x128xf32, #tpu.memory_space<vmem>> -> memref<1x128x128xf32, #tpu.memory_space<vmem>>
          %dma_start3A_100 = tpu.memref_squeeze %dma_start3A_99 : memref<1x128x128xf32, #tpu.memory_space<vmem>> -> memref<128x128xf32, #tpu.memory_space<vmem>>
          %dma_start3A_101 = tpu.memref_slice %arg8[%mul3A_95] : memref<10240xi32, #tpu.memory_space<vmem>> -> memref<128xi32, #tpu.memory_space<vmem>>
          %dma_start3A_102 = arith.constant 0 : i32
          %dma_start3A_103 = arith.constant 0 : i32
          %dma_start3A_104 = tpu.memref_slice %arg3[%dma_start3A_102, %dma_start3A_103] : memref<10000x128xf32, #tpu.memory_space<hbm>> -> memref<10000x128xf32, #tpu.memory_space<hbm>>
          tpu.enqueue_indirect_dma source(%dma_start3A_104 : memref<10000x128xf32, #tpu.memory_space<hbm>>) target(%dma_start3A_100 : memref<128x128xf32, #tpu.memory_space<vmem>>) offsets(%dma_start3A_101 : memref<128xi32, #tpu.memory_space<vmem>>) semaphore(%arg13 : memref<!tpu.dma_semaphore, #tpu.memory_space<semaphore_mem>>)
        } else {
        }
      }
      %scan3A_37 = arith.constant 20 : i32
      %run_scoped3A_38 = arith.constant 1 : i32
      "tpu.region"() ({
        %run_scoped3A_44 = tpu.sem_alloc : memref<!tpu.dma_semaphore, #tpu.memory_space<semaphore_mem>>
        %dma_start3A_45 = arith.constant 0 : i32
        %dma_start3A_46 = arith.constant 0 : i32
        %dma_start3A_47 = tpu.memref_slice %arg5[%arg1, %run_scoped3A_38, %dma_start3A_45, %dma_start3A_46] : memref<16x2x40x128xi32, #tpu.memory_space<hbm>> -> memref<1x1x40x128xi32, #tpu.memory_space<hbm>>
        %dma_start3A_48 = tpu.memref_squeeze %dma_start3A_47 : memref<1x1x40x128xi32, #tpu.memory_space<hbm>> -> memref<40x128xi32, #tpu.memory_space<hbm>>
        %dma_start3A_49 = arith.constant 0 : i32
        %dma_start3A_50 = arith.constant 0 : i32
        %dma_start3A_51 = tpu.memref_slice %arg5[%arg1, %run_scoped3A_38, %dma_start3A_49, %dma_start3A_50] : memref<16x2x40x128xi32, #tpu.memory_space<hbm>> -> memref<1x1x40x128xi32, #tpu.memory_space<hbm>>
        %dma_start3A_52 = tpu.memref_squeeze %dma_start3A_51 : memref<1x1x40x128xi32, #tpu.memory_space<hbm>> -> memref<40x128xi32, #tpu.memory_space<hbm>>
        tpu.enqueue_dma source(%dma_start3A_52 : memref<40x128xi32, #tpu.memory_space<hbm>>) target(%arg9 : memref<40x128xi32, #tpu.memory_space<vmem>>) target_semaphore(%run_scoped3A_44 : memref<!tpu.dma_semaphore, #tpu.memory_space<semaphore_mem>>)
        %dma_wait3A = arith.constant 0 : i32
        %dma_wait3A_53 = arith.constant 0 : i32
        %dma_wait3A_54 = tpu.memref_slice %arg5[%arg1, %run_scoped3A_38, %dma_wait3A, %dma_wait3A_53] : memref<16x2x40x128xi32, #tpu.memory_space<hbm>> -> memref<1x1x40x128xi32, #tpu.memory_space<hbm>>
        %dma_wait3A_55 = tpu.memref_squeeze %dma_wait3A_54 : memref<1x1x40x128xi32, #tpu.memory_space<hbm>> -> memref<40x128xi32, #tpu.memory_space<hbm>>
        %dma_wait3A_56 = arith.constant 0 : i32
        %dma_wait3A_57 = arith.constant 0 : i32
        %dma_wait3A_58 = tpu.memref_slice %arg5[%arg1, %run_scoped3A_38, %dma_wait3A_56, %dma_wait3A_57] : memref<16x2x40x128xi32, #tpu.memory_space<hbm>> -> memref<1x1x40x128xi32, #tpu.memory_space<hbm>>
        %dma_wait3A_59 = tpu.memref_squeeze %dma_wait3A_58 : memref<1x1x40x128xi32, #tpu.memory_space<hbm>> -> memref<40x128xi32, #tpu.memory_space<hbm>>
        tpu.wait_dma2 semaphore(%run_scoped3A_44 : memref<!tpu.dma_semaphore, #tpu.memory_space<semaphore_mem>>) src(%dma_wait3A_59 : memref<40x128xi32, #tpu.memory_space<hbm>>) dst(%arg9 : memref<40x128xi32, #tpu.memory_space<vmem>>)
        tpu.yield
      }) : () -> ()
      %scan3A_39 = arith.constant 0 : i32
      %scan3A_40 = arith.constant 20 : i32
      %scan3A_41 = arith.addi %scan3A_39, %scan3A_40 : i32
      %scan3A_42 = arith.constant 1 : i32
      scf.for %scan3A_44 = %scan3A_39 to %scan3A_41 step %scan3A_42  : i32 {
        %mul3A_45 = arith.constant 2 : i32
        %mul3A_46 = arith.muli %scan3A_44, %mul3A_45 : i32
        %add3A = arith.constant 0 : i32
        %add3A_47 = arith.addi %mul3A_46, %add3A : i32
        %add3A_48 = arith.constant 40 : i32
        %add3A_49 = arith.addi %add3A_48, %add3A_47 : i32
        %mul3A_50 = arith.constant 128 : i32
        %mul3A_51 = arith.muli %add3A_49, %mul3A_50 : i32
        %dma_wait3A = arith.constant 0 : i32
        %dma_wait3A_52 = arith.constant 0 : i32
        %dma_wait3A_53 = arith.constant 0 : i32
        %dma_wait3A_54 = tpu.memref_slice %arg10[%dma_wait3A, %dma_wait3A_52, %dma_wait3A_53] : memref<2x128x128xf32, #tpu.memory_space<vmem>> -> memref<1x128x128xf32, #tpu.memory_space<vmem>>
        %dma_wait3A_55 = tpu.memref_squeeze %dma_wait3A_54 : memref<1x128x128xf32, #tpu.memory_space<vmem>> -> memref<128x128xf32, #tpu.memory_space<vmem>>
        %dma_wait3A_56 = tpu.memref_slice %arg8[%mul3A_51] : memref<10240xi32, #tpu.memory_space<vmem>> -> memref<128xi32, #tpu.memory_space<vmem>>
        %dma_wait3A_57 = arith.constant 0 : i32
        %dma_wait3A_58 = arith.constant 0 : i32
        %dma_wait3A_59 = tpu.memref_slice %arg3[%dma_wait3A_57, %dma_wait3A_58] : memref<10000x128xf32, #tpu.memory_space<hbm>> -> memref<10000x128xf32, #tpu.memory_space<hbm>>
        tpu.wait_indirect_dma semaphore(%arg12 : memref<!tpu.dma_semaphore, #tpu.memory_space<semaphore_mem>>) src(%dma_wait3A_59 : memref<10000x128xf32, #tpu.memory_space<hbm>>) dst(%dma_wait3A_55 : memref<128x128xf32, #tpu.memory_space<vmem>>)
        %run_scoped3A_60 = arith.constant 0 : i32
        "tpu.region"() ({
          %run_scoped3A_92 = tpu.sem_alloc : memref<!tpu.dma_semaphore, #tpu.memory_space<semaphore_mem>>
          %dma_start3A_93 = arith.constant 0 : i32
          %dma_start3A_94 = arith.constant 0 : i32
          %dma_start3A_95 = tpu.memref_slice %arg10[%run_scoped3A_60, %dma_start3A_93, %dma_start3A_94] : memref<2x128x128xf32, #tpu.memory_space<vmem>> -> memref<1x128x128xf32, #tpu.memory_space<vmem>>
          %dma_start3A_96 = tpu.memref_squeeze %dma_start3A_95 : memref<1x128x128xf32, #tpu.memory_space<vmem>> -> memref<128x128xf32, #tpu.memory_space<vmem>>
          %dma_start3A_97 = arith.constant 0 : i32
          %dma_start3A_98 = tpu.memref_slice %arg9[%add3A_47, %dma_start3A_97] : memref<40x128xi32, #tpu.memory_space<vmem>> -> memref<1x128xi32, #tpu.memory_space<vmem>>
          %dma_start3A_99 = tpu.memref_squeeze %dma_start3A_98 : memref<1x128xi32, #tpu.memory_space<vmem>> -> memref<128xi32, #tpu.memory_space<vmem>>
          %dma_start3A_100 = arith.constant 0 : i32
          %dma_start3A_101 = arith.constant 0 : i32
          %dma_start3A_102 = tpu.memref_slice %arg11[%dma_start3A_100, %dma_start3A_101] : memref<10112x128xf32, #tpu.memory_space<vmem_shared>> -> memref<10112x128xf32, #tpu.memory_space<vmem_shared>>
          tpu.enqueue_indirect_dma source(%dma_start3A_96 : memref<128x128xf32, #tpu.memory_space<vmem>>) target(%dma_start3A_102 : memref<10112x128xf32, #tpu.memory_space<vmem_shared>>) offsets(%dma_start3A_99 : memref<128xi32, #tpu.memory_space<vmem>>) semaphore(%run_scoped3A_92 : memref<!tpu.dma_semaphore, #tpu.memory_space<semaphore_mem>>) {add = true}
          %dma_wait3A_103 = arith.constant 0 : i32
          %dma_wait3A_104 = arith.constant 0 : i32
          %dma_wait3A_105 = tpu.memref_slice %arg10[%run_scoped3A_60, %dma_wait3A_103, %dma_wait3A_104] : memref<2x128x128xf32, #tpu.memory_space<vmem>> -> memref<1x128x128xf32, #tpu.memory_space<vmem>>
          %dma_wait3A_106 = tpu.memref_squeeze %dma_wait3A_105 : memref<1x128x128xf32, #tpu.memory_space<vmem>> -> memref<128x128xf32, #tpu.memory_space<vmem>>
          %dma_wait3A_107 = arith.constant 0 : i32
          %dma_wait3A_108 = tpu.memref_slice %arg9[%add3A_47, %dma_wait3A_107] : memref<40x128xi32, #tpu.memory_space<vmem>> -> memref<1x128xi32, #tpu.memory_space<vmem>>
          %dma_wait3A_109 = tpu.memref_squeeze %dma_wait3A_108 : memref<1x128xi32, #tpu.memory_space<vmem>> -> memref<128xi32, #tpu.memory_space<vmem>>
          %dma_wait3A_110 = arith.constant 0 : i32
          %dma_wait3A_111 = arith.constant 0 : i32
          %dma_wait3A_112 = tpu.memref_slice %arg11[%dma_wait3A_110, %dma_wait3A_111] : memref<10112x128xf32, #tpu.memory_space<vmem_shared>> -> memref<10112x128xf32, #tpu.memory_space<vmem_shared>>
          tpu.wait_indirect_dma semaphore(%run_scoped3A_92 : memref<!tpu.dma_semaphore, #tpu.memory_space<semaphore_mem>>) src(%dma_wait3A_106 : memref<128x128xf32, #tpu.memory_space<vmem>>) dst(%dma_wait3A_112 : memref<10112x128xf32, #tpu.memory_space<vmem_shared>>)
          tpu.yield
        }) : () -> ()
        %add3A_61 = arith.constant 2 : i32
        %add3A_62 = arith.addi %add3A_49, %add3A_61 : i32
        %lt3A = arith.constant 80 : i32
        %lt3A_63 = arith.cmpi slt, %add3A_62, %lt3A : i32
        %convert_element_type3A_64 = arith.extui %lt3A_63 : i1 to i32
        %cond3A_65 = arith.constant 0 : i32
        %cond3A_66 = arith.cmpi ne, %convert_element_type3A_64, %cond3A_65 : i32
        scf.if %cond3A_66 {
          %add3A_92 = arith.constant 2 : i32
          %add3A_93 = arith.addi %add3A_49, %add3A_92 : i32
          %mul3A_94 = arith.constant 128 : i32
          %mul3A_95 = arith.muli %add3A_93, %mul3A_94 : i32
          %dma_start3A_96 = arith.constant 0 : i32
          %dma_start3A_97 = arith.constant 0 : i32
          %dma_start3A_98 = arith.constant 0 : i32
          %dma_start3A_99 = tpu.memref_slice %arg10[%dma_start3A_96, %dma_start3A_97, %dma_start3A_98] : memref<2x128x128xf32, #tpu.memory_space<vmem>> -> memref<1x128x128xf32, #tpu.memory_space<vmem>>
          %dma_start3A_100 = tpu.memref_squeeze %dma_start3A_99 : memref<1x128x128xf32, #tpu.memory_space<vmem>> -> memref<128x128xf32, #tpu.memory_space<vmem>>
          %dma_start3A_101 = tpu.memref_slice %arg8[%mul3A_95] : memref<10240xi32, #tpu.memory_space<vmem>> -> memref<128xi32, #tpu.memory_space<vmem>>
          %dma_start3A_102 = arith.constant 0 : i32
          %dma_start3A_103 = arith.constant 0 : i32
          %dma_start3A_104 = tpu.memref_slice %arg3[%dma_start3A_102, %dma_start3A_103] : memref<10000x128xf32, #tpu.memory_space<hbm>> -> memref<10000x128xf32, #tpu.memory_space<hbm>>
          tpu.enqueue_indirect_dma source(%dma_start3A_104 : memref<10000x128xf32, #tpu.memory_space<hbm>>) target(%dma_start3A_100 : memref<128x128xf32, #tpu.memory_space<vmem>>) offsets(%dma_start3A_101 : memref<128xi32, #tpu.memory_space<vmem>>) semaphore(%arg12 : memref<!tpu.dma_semaphore, #tpu.memory_space<semaphore_mem>>)
        } else {
        }
        %mul3A_67 = arith.constant 2 : i32
        %mul3A_68 = arith.muli %scan3A_44, %mul3A_67 : i32
        %add3A_69 = arith.constant 1 : i32
        %add3A_70 = arith.addi %mul3A_68, %add3A_69 : i32
        %add3A_71 = arith.constant 40 : i32
        %add3A_72 = arith.addi %add3A_71, %add3A_70 : i32
        %mul3A_73 = arith.constant 128 : i32
        %mul3A_74 = arith.muli %add3A_72, %mul3A_73 : i32
        %dma_wait3A_75 = arith.constant 1 : i32
        %dma_wait3A_76 = arith.constant 0 : i32
        %dma_wait3A_77 = arith.constant 0 : i32
        %dma_wait3A_78 = tpu.memref_slice %arg10[%dma_wait3A_75, %dma_wait3A_76, %dma_wait3A_77] : memref<2x128x128xf32, #tpu.memory_space<vmem>> -> memref<1x128x128xf32, #tpu.memory_space<vmem>>
        %dma_wait3A_79 = tpu.memref_squeeze %dma_wait3A_78 : memref<1x128x128xf32, #tpu.memory_space<vmem>> -> memref<128x128xf32, #tpu.memory_space<vmem>>
        %dma_wait3A_80 = tpu.memref_slice %arg8[%mul3A_74] : memref<10240xi32, #tpu.memory_space<vmem>> -> memref<128xi32, #tpu.memory_space<vmem>>
        %dma_wait3A_81 = arith.constant 0 : i32
        %dma_wait3A_82 = arith.constant 0 : i32
        %dma_wait3A_83 = tpu.memref_slice %arg3[%dma_wait3A_81, %dma_wait3A_82] : memref<10000x128xf32, #tpu.memory_space<hbm>> -> memref<10000x128xf32, #tpu.memory_space<hbm>>
        tpu.wait_indirect_dma semaphore(%arg13 : memref<!tpu.dma_semaphore, #tpu.memory_space<semaphore_mem>>) src(%dma_wait3A_83 : memref<10000x128xf32, #tpu.memory_space<hbm>>) dst(%dma_wait3A_79 : memref<128x128xf32, #tpu.memory_space<vmem>>)
        %run_scoped3A_84 = arith.constant 1 : i32
        "tpu.region"() ({
          %run_scoped3A_92 = tpu.sem_alloc : memref<!tpu.dma_semaphore, #tpu.memory_space<semaphore_mem>>
          %dma_start3A_93 = arith.constant 0 : i32
          %dma_start3A_94 = arith.constant 0 : i32
          %dma_start3A_95 = tpu.memref_slice %arg10[%run_scoped3A_84, %dma_start3A_93, %dma_start3A_94] : memref<2x128x128xf32, #tpu.memory_space<vmem>> -> memref<1x128x128xf32, #tpu.memory_space<vmem>>
          %dma_start3A_96 = tpu.memref_squeeze %dma_start3A_95 : memref<1x128x128xf32, #tpu.memory_space<vmem>> -> memref<128x128xf32, #tpu.memory_space<vmem>>
          %dma_start3A_97 = arith.constant 0 : i32
          %dma_start3A_98 = tpu.memref_slice %arg9[%add3A_70, %dma_start3A_97] : memref<40x128xi32, #tpu.memory_space<vmem>> -> memref<1x128xi32, #tpu.memory_space<vmem>>
          %dma_start3A_99 = tpu.memref_squeeze %dma_start3A_98 : memref<1x128xi32, #tpu.memory_space<vmem>> -> memref<128xi32, #tpu.memory_space<vmem>>
          %dma_start3A_100 = arith.constant 0 : i32
          %dma_start3A_101 = arith.constant 0 : i32
          %dma_start3A_102 = tpu.memref_slice %arg11[%dma_start3A_100, %dma_start3A_101] : memref<10112x128xf32, #tpu.memory_space<vmem_shared>> -> memref<10112x128xf32, #tpu.memory_space<vmem_shared>>
          tpu.enqueue_indirect_dma source(%dma_start3A_96 : memref<128x128xf32, #tpu.memory_space<vmem>>) target(%dma_start3A_102 : memref<10112x128xf32, #tpu.memory_space<vmem_shared>>) offsets(%dma_start3A_99 : memref<128xi32, #tpu.memory_space<vmem>>) semaphore(%run_scoped3A_92 : memref<!tpu.dma_semaphore, #tpu.memory_space<semaphore_mem>>) {add = true}
          %dma_wait3A_103 = arith.constant 0 : i32
          %dma_wait3A_104 = arith.constant 0 : i32
          %dma_wait3A_105 = tpu.memref_slice %arg10[%run_scoped3A_84, %dma_wait3A_103, %dma_wait3A_104] : memref<2x128x128xf32, #tpu.memory_space<vmem>> -> memref<1x128x128xf32, #tpu.memory_space<vmem>>
          %dma_wait3A_106 = tpu.memref_squeeze %dma_wait3A_105 : memref<1x128x128xf32, #tpu.memory_space<vmem>> -> memref<128x128xf32, #tpu.memory_space<vmem>>
          %dma_wait3A_107 = arith.constant 0 : i32
          %dma_wait3A_108 = tpu.memref_slice %arg9[%add3A_70, %dma_wait3A_107] : memref<40x128xi32, #tpu.memory_space<vmem>> -> memref<1x128xi32, #tpu.memory_space<vmem>>
          %dma_wait3A_109 = tpu.memref_squeeze %dma_wait3A_108 : memref<1x128xi32, #tpu.memory_space<vmem>> -> memref<128xi32, #tpu.memory_space<vmem>>
          %dma_wait3A_110 = arith.constant 0 : i32
          %dma_wait3A_111 = arith.constant 0 : i32
          %dma_wait3A_112 = tpu.memref_slice %arg11[%dma_wait3A_110, %dma_wait3A_111] : memref<10112x128xf32, #tpu.memory_space<vmem_shared>> -> memref<10112x128xf32, #tpu.memory_space<vmem_shared>>
          tpu.wait_indirect_dma semaphore(%run_scoped3A_92 : memref<!tpu.dma_semaphore, #tpu.memory_space<semaphore_mem>>) src(%dma_wait3A_106 : memref<128x128xf32, #tpu.memory_space<vmem>>) dst(%dma_wait3A_112 : memref<10112x128xf32, #tpu.memory_space<vmem_shared>>)
          tpu.yield
        }) : () -> ()
        %add3A_85 = arith.constant 2 : i32
        %add3A_86 = arith.addi %add3A_72, %add3A_85 : i32
        %lt3A_87 = arith.constant 80 : i32
        %lt3A_88 = arith.cmpi slt, %add3A_86, %lt3A_87 : i32
        %convert_element_type3A_89 = arith.extui %lt3A_88 : i1 to i32
        %cond3A_90 = arith.constant 0 : i32
        %cond3A_91 = arith.cmpi ne, %convert_element_type3A_89, %cond3A_90 : i32
        scf.if %cond3A_91 {
          %add3A_92 = arith.constant 2 : i32
          %add3A_93 = arith.addi %add3A_72, %add3A_92 : i32
          %mul3A_94 = arith.constant 128 : i32
          %mul3A_95 = arith.muli %add3A_93, %mul3A_94 : i32
          %dma_start3A_96 = arith.constant 1 : i32
          %dma_start3A_97 = arith.constant 0 : i32
          %dma_start3A_98 = arith.constant 0 : i32
          %dma_start3A_99 = tpu.memref_slice %arg10[%dma_start3A_96, %dma_start3A_97, %dma_start3A_98] : memref<2x128x128xf32, #tpu.memory_space<vmem>> -> memref<1x128x128xf32, #tpu.memory_space<vmem>>
          %dma_start3A_100 = tpu.memref_squeeze %dma_start3A_99 : memref<1x128x128xf32, #tpu.memory_space<vmem>> -> memref<128x128xf32, #tpu.memory_space<vmem>>
          %dma_start3A_101 = tpu.memref_slice %arg8[%mul3A_95] : memref<10240xi32, #tpu.memory_space<vmem>> -> memref<128xi32, #tpu.memory_space<vmem>>
          %dma_start3A_102 = arith.constant 0 : i32
          %dma_start3A_103 = arith.constant 0 : i32
          %dma_start3A_104 = tpu.memref_slice %arg3[%dma_start3A_102, %dma_start3A_103] : memref<10000x128xf32, #tpu.memory_space<hbm>> -> memref<10000x128xf32, #tpu.memory_space<hbm>>
          tpu.enqueue_indirect_dma source(%dma_start3A_104 : memref<10000x128xf32, #tpu.memory_space<hbm>>) target(%dma_start3A_100 : memref<128x128xf32, #tpu.memory_space<vmem>>) offsets(%dma_start3A_101 : memref<128xi32, #tpu.memory_space<vmem>>) semaphore(%arg13 : memref<!tpu.dma_semaphore, #tpu.memory_space<semaphore_mem>>)
        } else {
        }
      }
      %scan3A_43 = arith.constant 20 : i32
    } else {
    }
    %barrier3A_10 = arith.constant 0 : index
    tpu.barrier barrier_id(%barrier3A_10)
    %mul3A_11 = arith.constant 632 : i32
    %mul3A_12 = arith.muli %arg1, %mul3A_11 : i32
    %mul3A_13 = arith.constant 632 : i32
    %mul3A_14 = arith.muli %arg1, %mul3A_13 : i32
    "tpu.region"() ({
      %run_scoped3A = tpu.sem_alloc : memref<!tpu.dma_semaphore, #tpu.memory_space<semaphore_mem>>
      %dma_start3A = arith.constant 0 : i32
      %dma_start3A_15 = tpu.memref_slice %arg7[%arg0, %mul3A_14, %dma_start3A] : memref<2x10112x128xf32, #tpu.memory_space<hbm>> -> memref<1x632x128xf32, #tpu.memory_space<hbm>>
      %dma_start3A_16 = tpu.memref_squeeze %dma_start3A_15 : memref<1x632x128xf32, #tpu.memory_space<hbm>> -> memref<632x128xf32, #tpu.memory_space<hbm>>
      %dma_start3A_17 = arith.constant 0 : i32
      %dma_start3A_18 = tpu.memref_slice %arg11[%mul3A_12, %dma_start3A_17] : memref<10112x128xf32, #tpu.memory_space<vmem_shared>> -> memref<632x128xf32, #tpu.memory_space<vmem_shared>>
      tpu.enqueue_dma source(%dma_start3A_18 : memref<632x128xf32, #tpu.memory_space<vmem_shared>>) target(%dma_start3A_16 : memref<632x128xf32, #tpu.memory_space<hbm>>) target_semaphore(%run_scoped3A : memref<!tpu.dma_semaphore, #tpu.memory_space<semaphore_mem>>)
      %dma_wait3A = arith.constant 0 : i32
      %dma_wait3A_19 = tpu.memref_slice %arg7[%arg0, %mul3A_14, %dma_wait3A] : memref<2x10112x128xf32, #tpu.memory_space<hbm>> -> memref<1x632x128xf32, #tpu.memory_space<hbm>>
      %dma_wait3A_20 = tpu.memref_squeeze %dma_wait3A_19 : memref<1x632x128xf32, #tpu.memory_space<hbm>> -> memref<632x128xf32, #tpu.memory_space<hbm>>
      %dma_wait3A_21 = arith.constant 0 : i32
      %dma_wait3A_22 = tpu.memref_slice %arg11[%mul3A_12, %dma_wait3A_21] : memref<10112x128xf32, #tpu.memory_space<vmem_shared>> -> memref<632x128xf32, #tpu.memory_space<vmem_shared>>
      tpu.wait_dma2 semaphore(%run_scoped3A : memref<!tpu.dma_semaphore, #tpu.memory_space<semaphore_mem>>) src(%dma_wait3A_22 : memref<632x128xf32, #tpu.memory_space<vmem_shared>>) dst(%dma_wait3A_20 : memref<632x128xf32, #tpu.memory_space<hbm>>)
      tpu.yield
    }) : () -> ()
    return
  }
}

#map = affine_map<(d0, d1) -> (0, 0)>
#map1 = affine_map<(d0, d1) -> (0)>
#map2 = affine_map<(d0, d1) -> (0, 0, 0, 0)>
#map3 = affine_map<(d0, d1) -> (0, 0, 0)>
module attributes {stable_mosaic.version = 14 : i64} {
  func.func @agg(%arg0: i32, %arg1: i32, %arg2: memref<10000x128xf32, #tpu.memory_space<hbm>>, %arg3: memref<10000x128xf32, #tpu.memory_space<hbm>>, %arg4: memref<163840xi32, #tpu.memory_space<hbm>>, %arg5: memref<16x2x40x128xi32, #tpu.memory_space<hbm>>, %arg6: memref<632x128xf32, #tpu.memory_space<hbm>>, %arg7: memref<2x10112x128xf32, #tpu.memory_space<hbm>>, %arg8: memref<10240xi32, #tpu.memory_space<vmem>>, %arg9: memref<40x128xi32, #tpu.memory_space<vmem>>, %arg10: memref<2x128x128xf32, #tpu.memory_space<vmem>>, %arg11: memref<10112x128xf32, #tpu.memory_space<vmem_shared>>, %arg12: memref<!tpu.dma_semaphore, #tpu.memory_space<semaphore_mem>>, %arg13: memref<!tpu.dma_semaphore, #tpu.memory_space<semaphore_mem>>) attributes {dimension_semantics = [#tpu.dimension_semantics<core_parallel>, #tpu.dimension_semantics<subcore_parallel>], iteration_bounds = array<i64: 2, 16>, scalar_prefetch = 0 : i64, scratch_operands = 6 : i64, tpu.core_type = #tpu.core_type<sc_vector_subcore>, window_params = [{transform_indices = #map}, {transform_indices = #map}, {transform_indices = #map1}, {transform_indices = #map2}, {transform_indices = #map}, {transform_indices = #map3}]} {
    %mul3A = arith.constant 10240 : i32
    %mul3A_0 = arith.muli %arg1, %mul3A : i32
    "tpu.region"() ({
      %run_scoped3A = tpu.sem_alloc : memref<!tpu.dma_semaphore, #tpu.memory_space<semaphore_mem>>
      %dma_start3A = tpu.memref_slice %arg4[%mul3A_0] : memref<163840xi32, #tpu.memory_space<hbm>> -> memref<10240xi32, #tpu.memory_space<hbm>>
      %dma_start3A_15 = tpu.memref_slice %arg4[%mul3A_0] : memref<163840xi32, #tpu.memory_space<hbm>> -> memref<10240xi32, #tpu.memory_space<hbm>>
      tpu.enqueue_dma source(%dma_start3A_15 : memref<10240xi32, #tpu.memory_space<hbm>>) target(%arg8 : memref<10240xi32, #tpu.memory_space<vmem>>) target_semaphore(%run_scoped3A : memref<!tpu.dma_semaphore, #tpu.memory_space<semaphore_mem>>)
      %dma_wait3A = tpu.memref_slice %arg4[%mul3A_0] : memref<163840xi32, #tpu.memory_space<hbm>> -> memref<10240xi32, #tpu.memory_space<hbm>>
      %dma_wait3A_16 = tpu.memref_slice %arg4[%mul3A_0] : memref<163840xi32, #tpu.memory_space<hbm>> -> memref<10240xi32, #tpu.memory_space<hbm>>
      tpu.wait_dma2 semaphore(%run_scoped3A : memref<!tpu.dma_semaphore, #tpu.memory_space<semaphore_mem>>) src(%dma_wait3A_16 : memref<10240xi32, #tpu.memory_space<hbm>>) dst(%arg8 : memref<10240xi32, #tpu.memory_space<vmem>>)
      tpu.yield
    }) : () -> ()
    %mul3A_1 = arith.constant 632 : i32
    %mul3A_2 = arith.muli %arg1, %mul3A_1 : i32
    "tpu.region"() ({
      %run_scoped3A = tpu.sem_alloc : memref<!tpu.dma_semaphore, #tpu.memory_space<semaphore_mem>>
      %dma_start3A = arith.constant 0 : i32
      %dma_start3A_15 = tpu.memref_slice %arg11[%mul3A_2, %dma_start3A] : memref<10112x128xf32, #tpu.memory_space<vmem_shared>> -> memref<632x128xf32, #tpu.memory_space<vmem_shared>>
      tpu.enqueue_dma source(%arg6 : memref<632x128xf32, #tpu.memory_space<hbm>>) target(%dma_start3A_15 : memref<632x128xf32, #tpu.memory_space<vmem_shared>>) target_semaphore(%run_scoped3A : memref<!tpu.dma_semaphore, #tpu.memory_space<semaphore_mem>>)
      %dma_wait3A = arith.constant 0 : i32
      %dma_wait3A_16 = tpu.memref_slice %arg11[%mul3A_2, %dma_wait3A] : memref<10112x128xf32, #tpu.memory_space<vmem_shared>> -> memref<632x128xf32, #tpu.memory_space<vmem_shared>>
      tpu.wait_dma2 semaphore(%run_scoped3A : memref<!tpu.dma_semaphore, #tpu.memory_space<semaphore_mem>>) src(%arg6 : memref<632x128xf32, #tpu.memory_space<hbm>>) dst(%dma_wait3A_16 : memref<632x128xf32, #tpu.memory_space<vmem_shared>>)
      tpu.yield
    }) : () -> ()
    %barrier3A = arith.constant 0 : index
    tpu.barrier barrier_id(%barrier3A)
    %eq3A = arith.constant 0 : i32
    %eq3A_3 = arith.cmpi eq, %arg0, %eq3A : i32
    %convert_element_type3A = arith.extui %eq3A_3 : i1 to i32
    %cond3A = arith.constant 0 : i32
    %cond3A_4 = arith.cmpi ne, %convert_element_type3A, %cond3A : i32
    scf.if %cond3A_4 {
      %dma_start3A = arith.constant 0 : i32
      %dma_start3A_15 = arith.constant 0 : i32
      %dma_start3A_16 = arith.constant 0 : i32
      %dma_start3A_17 = tpu.memref_slice %arg10[%dma_start3A, %dma_start3A_15, %dma_start3A_16] : memref<2x128x128xf32, #tpu.memory_space<vmem>> -> memref<1x128x128xf32, #tpu.memory_space<vmem>>
      %dma_start3A_18 = tpu.memref_squeeze %dma_start3A_17 : memref<1x128x128xf32, #tpu.memory_space<vmem>> -> memref<128x128xf32, #tpu.memory_space<vmem>>
      %dma_start3A_19 = arith.constant 0 : i32
      %dma_start3A_20 = tpu.memref_slice %arg8[%dma_start3A_19] : memref<10240xi32, #tpu.memory_space<vmem>> -> memref<128xi32, #tpu.memory_space<vmem>>
      %dma_start3A_21 = arith.constant 0 : i32
      %dma_start3A_22 = arith.constant 0 : i32
      %dma_start3A_23 = tpu.memref_slice %arg2[%dma_start3A_21, %dma_start3A_22] : memref<10000x128xf32, #tpu.memory_space<hbm>> -> memref<10000x128xf32, #tpu.memory_space<hbm>>
      tpu.enqueue_indirect_dma source(%dma_start3A_23 : memref<10000x128xf32, #tpu.memory_space<hbm>>) target(%dma_start3A_18 : memref<128x128xf32, #tpu.memory_space<vmem>>) offsets(%dma_start3A_20 : memref<128xi32, #tpu.memory_space<vmem>>) semaphore(%arg12 : memref<!tpu.dma_semaphore, #tpu.memory_space<semaphore_mem>>)
      %dma_start3A_24 = arith.constant 1 : i32
      %dma_start3A_25 = arith.constant 0 : i32
      %dma_start3A_26 = arith.constant 0 : i32
      %dma_start3A_27 = tpu.memref_slice %arg10[%dma_start3A_24, %dma_start3A_25, %dma_start3A_26] : memref<2x128x128xf32, #tpu.memory_space<vmem>> -> memref<1x128x128xf32, #tpu.memory_space<vmem>>
      %dma_start3A_28 = tpu.memref_squeeze %dma_start3A_27 : memref<1x128x128xf32, #tpu.memory_space<vmem>> -> memref<128x128xf32, #tpu.memory_space<vmem>>
      %dma_start3A_29 = arith.constant 128 : i32
      %dma_start3A_30 = tpu.memref_slice %arg8[%dma_start3A_29] : memref<10240xi32, #tpu.memory_space<vmem>> -> memref<128xi32, #tpu.memory_space<vmem>>
      %dma_start3A_31 = arith.constant 0 : i32
      %dma_start3A_32 = arith.constant 0 : i32
      %dma_start3A_33 = tpu.memref_slice %arg2[%dma_start3A_31, %dma_start3A_32] : memref<10000x128xf32, #tpu.memory_space<hbm>> -> memref<10000x128xf32, #tpu.memory_space<hbm>>
      tpu.enqueue_indirect_dma source(%dma_start3A_33 : memref<10000x128xf32, #tpu.memory_space<hbm>>) target(%dma_start3A_28 : memref<128x128xf32, #tpu.memory_space<vmem>>) offsets(%dma_start3A_30 : memref<128xi32, #tpu.memory_space<vmem>>) semaphore(%arg13 : memref<!tpu.dma_semaphore, #tpu.memory_space<semaphore_mem>>)
      %run_scoped3A = arith.constant 0 : i32
      "tpu.region"() ({
        %run_scoped3A_44 = tpu.sem_alloc : memref<!tpu.dma_semaphore, #tpu.memory_space<semaphore_mem>>
        %dma_start3A_45 = arith.constant 0 : i32
        %dma_start3A_46 = arith.constant 0 : i32
        %dma_start3A_47 = tpu.memref_slice %arg5[%arg1, %run_scoped3A, %dma_start3A_45, %dma_start3A_46] : memref<16x2x40x128xi32, #tpu.memory_space<hbm>> -> memref<1x1x40x128xi32, #tpu.memory_space<hbm>>
        %dma_start3A_48 = tpu.memref_squeeze %dma_start3A_47 : memref<1x1x40x128xi32, #tpu.memory_space<hbm>> -> memref<40x128xi32, #tpu.memory_space<hbm>>
        %dma_start3A_49 = arith.constant 0 : i32
        %dma_start3A_50 = arith.constant 0 : i32
        %dma_start3A_51 = tpu.memref_slice %arg5[%arg1, %run_scoped3A, %dma_start3A_49, %dma_start3A_50] : memref<16x2x40x128xi32, #tpu.memory_space<hbm>> -> memref<1x1x40x128xi32, #tpu.memory_space<hbm>>
        %dma_start3A_52 = tpu.memref_squeeze %dma_start3A_51 : memref<1x1x40x128xi32, #tpu.memory_space<hbm>> -> memref<40x128xi32, #tpu.memory_space<hbm>>
        tpu.enqueue_dma source(%dma_start3A_52 : memref<40x128xi32, #tpu.memory_space<hbm>>) target(%arg9 : memref<40x128xi32, #tpu.memory_space<vmem>>) target_semaphore(%run_scoped3A_44 : memref<!tpu.dma_semaphore, #tpu.memory_space<semaphore_mem>>)
        %dma_wait3A = arith.constant 0 : i32
        %dma_wait3A_53 = arith.constant 0 : i32
        %dma_wait3A_54 = tpu.memref_slice %arg5[%arg1, %run_scoped3A, %dma_wait3A, %dma_wait3A_53] : memref<16x2x40x128xi32, #tpu.memory_space<hbm>> -> memref<1x1x40x128xi32, #tpu.memory_space<hbm>>
        %dma_wait3A_55 = tpu.memref_squeeze %dma_wait3A_54 : memref<1x1x40x128xi32, #tpu.memory_space<hbm>> -> memref<40x128xi32, #tpu.memory_space<hbm>>
        %dma_wait3A_56 = arith.constant 0 : i32
        %dma_wait3A_57 = arith.constant 0 : i32
        %dma_wait3A_58 = tpu.memref_slice %arg5[%arg1, %run_scoped3A, %dma_wait3A_56, %dma_wait3A_57] : memref<16x2x40x128xi32, #tpu.memory_space<hbm>> -> memref<1x1x40x128xi32, #tpu.memory_space<hbm>>
        %dma_wait3A_59 = tpu.memref_squeeze %dma_wait3A_58 : memref<1x1x40x128xi32, #tpu.memory_space<hbm>> -> memref<40x128xi32, #tpu.memory_space<hbm>>
        tpu.wait_dma2 semaphore(%run_scoped3A_44 : memref<!tpu.dma_semaphore, #tpu.memory_space<semaphore_mem>>) src(%dma_wait3A_59 : memref<40x128xi32, #tpu.memory_space<hbm>>) dst(%arg9 : memref<40x128xi32, #tpu.memory_space<vmem>>)
        tpu.yield
      }) : () -> ()
      %scan3A = arith.constant 0 : i32
      %scan3A_34 = arith.constant 20 : i32
      %scan3A_35 = arith.addi %scan3A, %scan3A_34 : i32
      %scan3A_36 = arith.constant 1 : i32
      scf.for %scan3A_44 = %scan3A to %scan3A_35 step %scan3A_36  : i32 {
        %mul3A_45 = arith.constant 2 : i32
        %mul3A_46 = arith.muli %scan3A_44, %mul3A_45 : i32
        %add3A = arith.constant 0 : i32
        %add3A_47 = arith.addi %mul3A_46, %add3A : i32
        %add3A_48 = arith.constant 0 : i32
        %add3A_49 = arith.addi %add3A_48, %add3A_47 : i32
        %mul3A_50 = arith.constant 128 : i32
        %mul3A_51 = arith.muli %add3A_49, %mul3A_50 : i32
        %dma_wait3A = arith.constant 0 : i32
        %dma_wait3A_52 = arith.constant 0 : i32
        %dma_wait3A_53 = arith.constant 0 : i32
        %dma_wait3A_54 = tpu.memref_slice %arg10[%dma_wait3A, %dma_wait3A_52, %dma_wait3A_53] : memref<2x128x128xf32, #tpu.memory_space<vmem>> -> memref<1x128x128xf32, #tpu.memory_space<vmem>>
        %dma_wait3A_55 = tpu.memref_squeeze %dma_wait3A_54 : memref<1x128x128xf32, #tpu.memory_space<vmem>> -> memref<128x128xf32, #tpu.memory_space<vmem>>
        %dma_wait3A_56 = tpu.memref_slice %arg8[%mul3A_51] : memref<10240xi32, #tpu.memory_space<vmem>> -> memref<128xi32, #tpu.memory_space<vmem>>
        %dma_wait3A_57 = arith.constant 0 : i32
        %dma_wait3A_58 = arith.constant 0 : i32
        %dma_wait3A_59 = tpu.memref_slice %arg2[%dma_wait3A_57, %dma_wait3A_58] : memref<10000x128xf32, #tpu.memory_space<hbm>> -> memref<10000x128xf32, #tpu.memory_space<hbm>>
        tpu.wait_indirect_dma semaphore(%arg12 : memref<!tpu.dma_semaphore, #tpu.memory_space<semaphore_mem>>) src(%dma_wait3A_59 : memref<10000x128xf32, #tpu.memory_space<hbm>>) dst(%dma_wait3A_55 : memref<128x128xf32, #tpu.memory_space<vmem>>)
        %run_scoped3A_60 = arith.constant 0 : i32
        "tpu.region"() ({
          %run_scoped3A_92 = tpu.sem_alloc : memref<!tpu.dma_semaphore, #tpu.memory_space<semaphore_mem>>
          %dma_start3A_93 = arith.constant 0 : i32
          %dma_start3A_94 = arith.constant 0 : i32
          %dma_start3A_95 = tpu.memref_slice %arg10[%run_scoped3A_60, %dma_start3A_93, %dma_start3A_94] : memref<2x128x128xf32, #tpu.memory_space<vmem>> -> memref<1x128x128xf32, #tpu.memory_space<vmem>>
          %dma_start3A_96 = tpu.memref_squeeze %dma_start3A_95 : memref<1x128x128xf32, #tpu.memory_space<vmem>> -> memref<128x128xf32, #tpu.memory_space<vmem>>
          %dma_start3A_97 = arith.constant 0 : i32
          %dma_start3A_98 = tpu.memref_slice %arg9[%add3A_47, %dma_start3A_97] : memref<40x128xi32, #tpu.memory_space<vmem>> -> memref<1x128xi32, #tpu.memory_space<vmem>>
          %dma_start3A_99 = tpu.memref_squeeze %dma_start3A_98 : memref<1x128xi32, #tpu.memory_space<vmem>> -> memref<128xi32, #tpu.memory_space<vmem>>
          %dma_start3A_100 = arith.constant 0 : i32
          %dma_start3A_101 = arith.constant 0 : i32
          %dma_start3A_102 = tpu.memref_slice %arg11[%dma_start3A_100, %dma_start3A_101] : memref<10112x128xf32, #tpu.memory_space<vmem_shared>> -> memref<10112x128xf32, #tpu.memory_space<vmem_shared>>
          tpu.enqueue_indirect_dma source(%dma_start3A_96 : memref<128x128xf32, #tpu.memory_space<vmem>>) target(%dma_start3A_102 : memref<10112x128xf32, #tpu.memory_space<vmem_shared>>) offsets(%dma_start3A_99 : memref<128xi32, #tpu.memory_space<vmem>>) semaphore(%run_scoped3A_92 : memref<!tpu.dma_semaphore, #tpu.memory_space<semaphore_mem>>) {add = true}
          %dma_wait3A_103 = arith.constant 0 : i32
          %dma_wait3A_104 = arith.constant 0 : i32
          %dma_wait3A_105 = tpu.memref_slice %arg10[%run_scoped3A_60, %dma_wait3A_103, %dma_wait3A_104] : memref<2x128x128xf32, #tpu.memory_space<vmem>> -> memref<1x128x128xf32, #tpu.memory_space<vmem>>
          %dma_wait3A_106 = tpu.memref_squeeze %dma_wait3A_105 : memref<1x128x128xf32, #tpu.memory_space<vmem>> -> memref<128x128xf32, #tpu.memory_space<vmem>>
          %dma_wait3A_107 = arith.constant 0 : i32
          %dma_wait3A_108 = tpu.memref_slice %arg9[%add3A_47, %dma_wait3A_107] : memref<40x128xi32, #tpu.memory_space<vmem>> -> memref<1x128xi32, #tpu.memory_space<vmem>>
          %dma_wait3A_109 = tpu.memref_squeeze %dma_wait3A_108 : memref<1x128xi32, #tpu.memory_space<vmem>> -> memref<128xi32, #tpu.memory_space<vmem>>
          %dma_wait3A_110 = arith.constant 0 : i32
          %dma_wait3A_111 = arith.constant 0 : i32
          %dma_wait3A_112 = tpu.memref_slice %arg11[%dma_wait3A_110, %dma_wait3A_111] : memref<10112x128xf32, #tpu.memory_space<vmem_shared>> -> memref<10112x128xf32, #tpu.memory_space<vmem_shared>>
          tpu.wait_indirect_dma semaphore(%run_scoped3A_92 : memref<!tpu.dma_semaphore, #tpu.memory_space<semaphore_mem>>) src(%dma_wait3A_106 : memref<128x128xf32, #tpu.memory_space<vmem>>) dst(%dma_wait3A_112 : memref<10112x128xf32, #tpu.memory_space<vmem_shared>>)
          tpu.yield
        }) : () -> ()
        %add3A_61 = arith.constant 2 : i32
        %add3A_62 = arith.addi %add3A_49, %add3A_61 : i32
        %lt3A = arith.constant 80 : i32
        %lt3A_63 = arith.cmpi slt, %add3A_62, %lt3A : i32
        %convert_element_type3A_64 = arith.extui %lt3A_63 : i1 to i32
        %cond3A_65 = arith.constant 0 : i32
        %cond3A_66 = arith.cmpi ne, %convert_element_type3A_64, %cond3A_65 : i32
        scf.if %cond3A_66 {
          %add3A_92 = arith.constant 2 : i32
          %add3A_93 = arith.addi %add3A_49, %add3A_92 : i32
          %mul3A_94 = arith.constant 128 : i32
          %mul3A_95 = arith.muli %add3A_93, %mul3A_94 : i32
          %dma_start3A_96 = arith.constant 0 : i32
          %dma_start3A_97 = arith.constant 0 : i32
          %dma_start3A_98 = arith.constant 0 : i32
          %dma_start3A_99 = tpu.memref_slice %arg10[%dma_start3A_96, %dma_start3A_97, %dma_start3A_98] : memref<2x128x128xf32, #tpu.memory_space<vmem>> -> memref<1x128x128xf32, #tpu.memory_space<vmem>>
          %dma_start3A_100 = tpu.memref_squeeze %dma_start3A_99 : memref<1x128x128xf32, #tpu.memory_space<vmem>> -> memref<128x128xf32, #tpu.memory_space<vmem>>
          %dma_start3A_101 = tpu.memref_slice %arg8[%mul3A_95] : memref<10240xi32, #tpu.memory_space<vmem>> -> memref<128xi32, #tpu.memory_space<vmem>>
          %dma_start3A_102 = arith.constant 0 : i32
          %dma_start3A_103 = arith.constant 0 : i32
          %dma_start3A_104 = tpu.memref_slice %arg2[%dma_start3A_102, %dma_start3A_103] : memref<10000x128xf32, #tpu.memory_space<hbm>> -> memref<10000x128xf32, #tpu.memory_space<hbm>>
          tpu.enqueue_indirect_dma source(%dma_start3A_104 : memref<10000x128xf32, #tpu.memory_space<hbm>>) target(%dma_start3A_100 : memref<128x128xf32, #tpu.memory_space<vmem>>) offsets(%dma_start3A_101 : memref<128xi32, #tpu.memory_space<vmem>>) semaphore(%arg12 : memref<!tpu.dma_semaphore, #tpu.memory_space<semaphore_mem>>)
        } else {
        }
        %mul3A_67 = arith.constant 2 : i32
        %mul3A_68 = arith.muli %scan3A_44, %mul3A_67 : i32
        %add3A_69 = arith.constant 1 : i32
        %add3A_70 = arith.addi %mul3A_68, %add3A_69 : i32
        %add3A_71 = arith.constant 0 : i32
        %add3A_72 = arith.addi %add3A_71, %add3A_70 : i32
        %mul3A_73 = arith.constant 128 : i32
        %mul3A_74 = arith.muli %add3A_72, %mul3A_73 : i32
        %dma_wait3A_75 = arith.constant 1 : i32
        %dma_wait3A_76 = arith.constant 0 : i32
        %dma_wait3A_77 = arith.constant 0 : i32
        %dma_wait3A_78 = tpu.memref_slice %arg10[%dma_wait3A_75, %dma_wait3A_76, %dma_wait3A_77] : memref<2x128x128xf32, #tpu.memory_space<vmem>> -> memref<1x128x128xf32, #tpu.memory_space<vmem>>
        %dma_wait3A_79 = tpu.memref_squeeze %dma_wait3A_78 : memref<1x128x128xf32, #tpu.memory_space<vmem>> -> memref<128x128xf32, #tpu.memory_space<vmem>>
        %dma_wait3A_80 = tpu.memref_slice %arg8[%mul3A_74] : memref<10240xi32, #tpu.memory_space<vmem>> -> memref<128xi32, #tpu.memory_space<vmem>>
        %dma_wait3A_81 = arith.constant 0 : i32
        %dma_wait3A_82 = arith.constant 0 : i32
        %dma_wait3A_83 = tpu.memref_slice %arg2[%dma_wait3A_81, %dma_wait3A_82] : memref<10000x128xf32, #tpu.memory_space<hbm>> -> memref<10000x128xf32, #tpu.memory_space<hbm>>
        tpu.wait_indirect_dma semaphore(%arg13 : memref<!tpu.dma_semaphore, #tpu.memory_space<semaphore_mem>>) src(%dma_wait3A_83 : memref<10000x128xf32, #tpu.memory_space<hbm>>) dst(%dma_wait3A_79 : memref<128x128xf32, #tpu.memory_space<vmem>>)
        %run_scoped3A_84 = arith.constant 1 : i32
        "tpu.region"() ({
          %run_scoped3A_92 = tpu.sem_alloc : memref<!tpu.dma_semaphore, #tpu.memory_space<semaphore_mem>>
          %dma_start3A_93 = arith.constant 0 : i32
          %dma_start3A_94 = arith.constant 0 : i32
          %dma_start3A_95 = tpu.memref_slice %arg10[%run_scoped3A_84, %dma_start3A_93, %dma_start3A_94] : memref<2x128x128xf32, #tpu.memory_space<vmem>> -> memref<1x128x128xf32, #tpu.memory_space<vmem>>
          %dma_start3A_96 = tpu.memref_squeeze %dma_start3A_95 : memref<1x128x128xf32, #tpu.memory_space<vmem>> -> memref<128x128xf32, #tpu.memory_space<vmem>>
          %dma_start3A_97 = arith.constant 0 : i32
          %dma_start3A_98 = tpu.memref_slice %arg9[%add3A_70, %dma_start3A_97] : memref<40x128xi32, #tpu.memory_space<vmem>> -> memref<1x128xi32, #tpu.memory_space<vmem>>
          %dma_start3A_99 = tpu.memref_squeeze %dma_start3A_98 : memref<1x128xi32, #tpu.memory_space<vmem>> -> memref<128xi32, #tpu.memory_space<vmem>>
          %dma_start3A_100 = arith.constant 0 : i32
          %dma_start3A_101 = arith.constant 0 : i32
          %dma_start3A_102 = tpu.memref_slice %arg11[%dma_start3A_100, %dma_start3A_101] : memref<10112x128xf32, #tpu.memory_space<vmem_shared>> -> memref<10112x128xf32, #tpu.memory_space<vmem_shared>>
          tpu.enqueue_indirect_dma source(%dma_start3A_96 : memref<128x128xf32, #tpu.memory_space<vmem>>) target(%dma_start3A_102 : memref<10112x128xf32, #tpu.memory_space<vmem_shared>>) offsets(%dma_start3A_99 : memref<128xi32, #tpu.memory_space<vmem>>) semaphore(%run_scoped3A_92 : memref<!tpu.dma_semaphore, #tpu.memory_space<semaphore_mem>>) {add = true}
          %dma_wait3A_103 = arith.constant 0 : i32
          %dma_wait3A_104 = arith.constant 0 : i32
          %dma_wait3A_105 = tpu.memref_slice %arg10[%run_scoped3A_84, %dma_wait3A_103, %dma_wait3A_104] : memref<2x128x128xf32, #tpu.memory_space<vmem>> -> memref<1x128x128xf32, #tpu.memory_space<vmem>>
          %dma_wait3A_106 = tpu.memref_squeeze %dma_wait3A_105 : memref<1x128x128xf32, #tpu.memory_space<vmem>> -> memref<128x128xf32, #tpu.memory_space<vmem>>
          %dma_wait3A_107 = arith.constant 0 : i32
          %dma_wait3A_108 = tpu.memref_slice %arg9[%add3A_70, %dma_wait3A_107] : memref<40x128xi32, #tpu.memory_space<vmem>> -> memref<1x128xi32, #tpu.memory_space<vmem>>
          %dma_wait3A_109 = tpu.memref_squeeze %dma_wait3A_108 : memref<1x128xi32, #tpu.memory_space<vmem>> -> memref<128xi32, #tpu.memory_space<vmem>>
          %dma_wait3A_110 = arith.constant 0 : i32
          %dma_wait3A_111 = arith.constant 0 : i32
          %dma_wait3A_112 = tpu.memref_slice %arg11[%dma_wait3A_110, %dma_wait3A_111] : memref<10112x128xf32, #tpu.memory_space<vmem_shared>> -> memref<10112x128xf32, #tpu.memory_space<vmem_shared>>
          tpu.wait_indirect_dma semaphore(%run_scoped3A_92 : memref<!tpu.dma_semaphore, #tpu.memory_space<semaphore_mem>>) src(%dma_wait3A_106 : memref<128x128xf32, #tpu.memory_space<vmem>>) dst(%dma_wait3A_112 : memref<10112x128xf32, #tpu.memory_space<vmem_shared>>)
          tpu.yield
        }) : () -> ()
        %add3A_85 = arith.constant 2 : i32
        %add3A_86 = arith.addi %add3A_72, %add3A_85 : i32
        %lt3A_87 = arith.constant 80 : i32
        %lt3A_88 = arith.cmpi slt, %add3A_86, %lt3A_87 : i32
        %convert_element_type3A_89 = arith.extui %lt3A_88 : i1 to i32
        %cond3A_90 = arith.constant 0 : i32
        %cond3A_91 = arith.cmpi ne, %convert_element_type3A_89, %cond3A_90 : i32
        scf.if %cond3A_91 {
          %add3A_92 = arith.constant 2 : i32
          %add3A_93 = arith.addi %add3A_72, %add3A_92 : i32
          %mul3A_94 = arith.constant 128 : i32
          %mul3A_95 = arith.muli %add3A_93, %mul3A_94 : i32
          %dma_start3A_96 = arith.constant 1 : i32
          %dma_start3A_97 = arith.constant 0 : i32
          %dma_start3A_98 = arith.constant 0 : i32
          %dma_start3A_99 = tpu.memref_slice %arg10[%dma_start3A_96, %dma_start3A_97, %dma_start3A_98] : memref<2x128x128xf32, #tpu.memory_space<vmem>> -> memref<1x128x128xf32, #tpu.memory_space<vmem>>
          %dma_start3A_100 = tpu.memref_squeeze %dma_start3A_99 : memref<1x128x128xf32, #tpu.memory_space<vmem>> -> memref<128x128xf32, #tpu.memory_space<vmem>>
          %dma_start3A_101 = tpu.memref_slice %arg8[%mul3A_95] : memref<10240xi32, #tpu.memory_space<vmem>> -> memref<128xi32, #tpu.memory_space<vmem>>
          %dma_start3A_102 = arith.constant 0 : i32
          %dma_start3A_103 = arith.constant 0 : i32
          %dma_start3A_104 = tpu.memref_slice %arg2[%dma_start3A_102, %dma_start3A_103] : memref<10000x128xf32, #tpu.memory_space<hbm>> -> memref<10000x128xf32, #tpu.memory_space<hbm>>
          tpu.enqueue_indirect_dma source(%dma_start3A_104 : memref<10000x128xf32, #tpu.memory_space<hbm>>) target(%dma_start3A_100 : memref<128x128xf32, #tpu.memory_space<vmem>>) offsets(%dma_start3A_101 : memref<128xi32, #tpu.memory_space<vmem>>) semaphore(%arg13 : memref<!tpu.dma_semaphore, #tpu.memory_space<semaphore_mem>>)
        } else {
        }
      }
      %scan3A_37 = arith.constant 20 : i32
      %run_scoped3A_38 = arith.constant 1 : i32
      "tpu.region"() ({
        %run_scoped3A_44 = tpu.sem_alloc : memref<!tpu.dma_semaphore, #tpu.memory_space<semaphore_mem>>
        %dma_start3A_45 = arith.constant 0 : i32
        %dma_start3A_46 = arith.constant 0 : i32
        %dma_start3A_47 = tpu.memref_slice %arg5[%arg1, %run_scoped3A_38, %dma_start3A_45, %dma_start3A_46] : memref<16x2x40x128xi32, #tpu.memory_space<hbm>> -> memref<1x1x40x128xi32, #tpu.memory_space<hbm>>
        %dma_start3A_48 = tpu.memref_squeeze %dma_start3A_47 : memref<1x1x40x128xi32, #tpu.memory_space<hbm>> -> memref<40x128xi32, #tpu.memory_space<hbm>>
        %dma_start3A_49 = arith.constant 0 : i32
        %dma_start3A_50 = arith.constant 0 : i32
        %dma_start3A_51 = tpu.memref_slice %arg5[%arg1, %run_scoped3A_38, %dma_start3A_49, %dma_start3A_50] : memref<16x2x40x128xi32, #tpu.memory_space<hbm>> -> memref<1x1x40x128xi32, #tpu.memory_space<hbm>>
        %dma_start3A_52 = tpu.memref_squeeze %dma_start3A_51 : memref<1x1x40x128xi32, #tpu.memory_space<hbm>> -> memref<40x128xi32, #tpu.memory_space<hbm>>
        tpu.enqueue_dma source(%dma_start3A_52 : memref<40x128xi32, #tpu.memory_space<hbm>>) target(%arg9 : memref<40x128xi32, #tpu.memory_space<vmem>>) target_semaphore(%run_scoped3A_44 : memref<!tpu.dma_semaphore, #tpu.memory_space<semaphore_mem>>)
        %dma_wait3A = arith.constant 0 : i32
        %dma_wait3A_53 = arith.constant 0 : i32
        %dma_wait3A_54 = tpu.memref_slice %arg5[%arg1, %run_scoped3A_38, %dma_wait3A, %dma_wait3A_53] : memref<16x2x40x128xi32, #tpu.memory_space<hbm>> -> memref<1x1x40x128xi32, #tpu.memory_space<hbm>>
        %dma_wait3A_55 = tpu.memref_squeeze %dma_wait3A_54 : memref<1x1x40x128xi32, #tpu.memory_space<hbm>> -> memref<40x128xi32, #tpu.memory_space<hbm>>
        %dma_wait3A_56 = arith.constant 0 : i32
        %dma_wait3A_57 = arith.constant 0 : i32
        %dma_wait3A_58 = tpu.memref_slice %arg5[%arg1, %run_scoped3A_38, %dma_wait3A_56, %dma_wait3A_57] : memref<16x2x40x128xi32, #tpu.memory_space<hbm>> -> memref<1x1x40x128xi32, #tpu.memory_space<hbm>>
        %dma_wait3A_59 = tpu.memref_squeeze %dma_wait3A_58 : memref<1x1x40x128xi32, #tpu.memory_space<hbm>> -> memref<40x128xi32, #tpu.memory_space<hbm>>
        tpu.wait_dma2 semaphore(%run_scoped3A_44 : memref<!tpu.dma_semaphore, #tpu.memory_space<semaphore_mem>>) src(%dma_wait3A_59 : memref<40x128xi32, #tpu.memory_space<hbm>>) dst(%arg9 : memref<40x128xi32, #tpu.memory_space<vmem>>)
        tpu.yield
      }) : () -> ()
      %scan3A_39 = arith.constant 0 : i32
      %scan3A_40 = arith.constant 20 : i32
      %scan3A_41 = arith.addi %scan3A_39, %scan3A_40 : i32
      %scan3A_42 = arith.constant 1 : i32
      scf.for %scan3A_44 = %scan3A_39 to %scan3A_41 step %scan3A_42  : i32 {
        %mul3A_45 = arith.constant 2 : i32
        %mul3A_46 = arith.muli %scan3A_44, %mul3A_45 : i32
        %add3A = arith.constant 0 : i32
        %add3A_47 = arith.addi %mul3A_46, %add3A : i32
        %add3A_48 = arith.constant 40 : i32
        %add3A_49 = arith.addi %add3A_48, %add3A_47 : i32
        %mul3A_50 = arith.constant 128 : i32
        %mul3A_51 = arith.muli %add3A_49, %mul3A_50 : i32
        %dma_wait3A = arith.constant 0 : i32
        %dma_wait3A_52 = arith.constant 0 : i32
        %dma_wait3A_53 = arith.constant 0 : i32
        %dma_wait3A_54 = tpu.memref_slice %arg10[%dma_wait3A, %dma_wait3A_52, %dma_wait3A_53] : memref<2x128x128xf32, #tpu.memory_space<vmem>> -> memref<1x128x128xf32, #tpu.memory_space<vmem>>
        %dma_wait3A_55 = tpu.memref_squeeze %dma_wait3A_54 : memref<1x128x128xf32, #tpu.memory_space<vmem>> -> memref<128x128xf32, #tpu.memory_space<vmem>>
        %dma_wait3A_56 = tpu.memref_slice %arg8[%mul3A_51] : memref<10240xi32, #tpu.memory_space<vmem>> -> memref<128xi32, #tpu.memory_space<vmem>>
        %dma_wait3A_57 = arith.constant 0 : i32
        %dma_wait3A_58 = arith.constant 0 : i32
        %dma_wait3A_59 = tpu.memref_slice %arg2[%dma_wait3A_57, %dma_wait3A_58] : memref<10000x128xf32, #tpu.memory_space<hbm>> -> memref<10000x128xf32, #tpu.memory_space<hbm>>
        tpu.wait_indirect_dma semaphore(%arg12 : memref<!tpu.dma_semaphore, #tpu.memory_space<semaphore_mem>>) src(%dma_wait3A_59 : memref<10000x128xf32, #tpu.memory_space<hbm>>) dst(%dma_wait3A_55 : memref<128x128xf32, #tpu.memory_space<vmem>>)
        %run_scoped3A_60 = arith.constant 0 : i32
        "tpu.region"() ({
          %run_scoped3A_92 = tpu.sem_alloc : memref<!tpu.dma_semaphore, #tpu.memory_space<semaphore_mem>>
          %dma_start3A_93 = arith.constant 0 : i32
          %dma_start3A_94 = arith.constant 0 : i32
          %dma_start3A_95 = tpu.memref_slice %arg10[%run_scoped3A_60, %dma_start3A_93, %dma_start3A_94] : memref<2x128x128xf32, #tpu.memory_space<vmem>> -> memref<1x128x128xf32, #tpu.memory_space<vmem>>
          %dma_start3A_96 = tpu.memref_squeeze %dma_start3A_95 : memref<1x128x128xf32, #tpu.memory_space<vmem>> -> memref<128x128xf32, #tpu.memory_space<vmem>>
          %dma_start3A_97 = arith.constant 0 : i32
          %dma_start3A_98 = tpu.memref_slice %arg9[%add3A_47, %dma_start3A_97] : memref<40x128xi32, #tpu.memory_space<vmem>> -> memref<1x128xi32, #tpu.memory_space<vmem>>
          %dma_start3A_99 = tpu.memref_squeeze %dma_start3A_98 : memref<1x128xi32, #tpu.memory_space<vmem>> -> memref<128xi32, #tpu.memory_space<vmem>>
          %dma_start3A_100 = arith.constant 0 : i32
          %dma_start3A_101 = arith.constant 0 : i32
          %dma_start3A_102 = tpu.memref_slice %arg11[%dma_start3A_100, %dma_start3A_101] : memref<10112x128xf32, #tpu.memory_space<vmem_shared>> -> memref<10112x128xf32, #tpu.memory_space<vmem_shared>>
          tpu.enqueue_indirect_dma source(%dma_start3A_96 : memref<128x128xf32, #tpu.memory_space<vmem>>) target(%dma_start3A_102 : memref<10112x128xf32, #tpu.memory_space<vmem_shared>>) offsets(%dma_start3A_99 : memref<128xi32, #tpu.memory_space<vmem>>) semaphore(%run_scoped3A_92 : memref<!tpu.dma_semaphore, #tpu.memory_space<semaphore_mem>>) {add = true}
          %dma_wait3A_103 = arith.constant 0 : i32
          %dma_wait3A_104 = arith.constant 0 : i32
          %dma_wait3A_105 = tpu.memref_slice %arg10[%run_scoped3A_60, %dma_wait3A_103, %dma_wait3A_104] : memref<2x128x128xf32, #tpu.memory_space<vmem>> -> memref<1x128x128xf32, #tpu.memory_space<vmem>>
          %dma_wait3A_106 = tpu.memref_squeeze %dma_wait3A_105 : memref<1x128x128xf32, #tpu.memory_space<vmem>> -> memref<128x128xf32, #tpu.memory_space<vmem>>
          %dma_wait3A_107 = arith.constant 0 : i32
          %dma_wait3A_108 = tpu.memref_slice %arg9[%add3A_47, %dma_wait3A_107] : memref<40x128xi32, #tpu.memory_space<vmem>> -> memref<1x128xi32, #tpu.memory_space<vmem>>
          %dma_wait3A_109 = tpu.memref_squeeze %dma_wait3A_108 : memref<1x128xi32, #tpu.memory_space<vmem>> -> memref<128xi32, #tpu.memory_space<vmem>>
          %dma_wait3A_110 = arith.constant 0 : i32
          %dma_wait3A_111 = arith.constant 0 : i32
          %dma_wait3A_112 = tpu.memref_slice %arg11[%dma_wait3A_110, %dma_wait3A_111] : memref<10112x128xf32, #tpu.memory_space<vmem_shared>> -> memref<10112x128xf32, #tpu.memory_space<vmem_shared>>
          tpu.wait_indirect_dma semaphore(%run_scoped3A_92 : memref<!tpu.dma_semaphore, #tpu.memory_space<semaphore_mem>>) src(%dma_wait3A_106 : memref<128x128xf32, #tpu.memory_space<vmem>>) dst(%dma_wait3A_112 : memref<10112x128xf32, #tpu.memory_space<vmem_shared>>)
          tpu.yield
        }) : () -> ()
        %add3A_61 = arith.constant 2 : i32
        %add3A_62 = arith.addi %add3A_49, %add3A_61 : i32
        %lt3A = arith.constant 80 : i32
        %lt3A_63 = arith.cmpi slt, %add3A_62, %lt3A : i32
        %convert_element_type3A_64 = arith.extui %lt3A_63 : i1 to i32
        %cond3A_65 = arith.constant 0 : i32
        %cond3A_66 = arith.cmpi ne, %convert_element_type3A_64, %cond3A_65 : i32
        scf.if %cond3A_66 {
          %add3A_92 = arith.constant 2 : i32
          %add3A_93 = arith.addi %add3A_49, %add3A_92 : i32
          %mul3A_94 = arith.constant 128 : i32
          %mul3A_95 = arith.muli %add3A_93, %mul3A_94 : i32
          %dma_start3A_96 = arith.constant 0 : i32
          %dma_start3A_97 = arith.constant 0 : i32
          %dma_start3A_98 = arith.constant 0 : i32
          %dma_start3A_99 = tpu.memref_slice %arg10[%dma_start3A_96, %dma_start3A_97, %dma_start3A_98] : memref<2x128x128xf32, #tpu.memory_space<vmem>> -> memref<1x128x128xf32, #tpu.memory_space<vmem>>
          %dma_start3A_100 = tpu.memref_squeeze %dma_start3A_99 : memref<1x128x128xf32, #tpu.memory_space<vmem>> -> memref<128x128xf32, #tpu.memory_space<vmem>>
          %dma_start3A_101 = tpu.memref_slice %arg8[%mul3A_95] : memref<10240xi32, #tpu.memory_space<vmem>> -> memref<128xi32, #tpu.memory_space<vmem>>
          %dma_start3A_102 = arith.constant 0 : i32
          %dma_start3A_103 = arith.constant 0 : i32
          %dma_start3A_104 = tpu.memref_slice %arg2[%dma_start3A_102, %dma_start3A_103] : memref<10000x128xf32, #tpu.memory_space<hbm>> -> memref<10000x128xf32, #tpu.memory_space<hbm>>
          tpu.enqueue_indirect_dma source(%dma_start3A_104 : memref<10000x128xf32, #tpu.memory_space<hbm>>) target(%dma_start3A_100 : memref<128x128xf32, #tpu.memory_space<vmem>>) offsets(%dma_start3A_101 : memref<128xi32, #tpu.memory_space<vmem>>) semaphore(%arg12 : memref<!tpu.dma_semaphore, #tpu.memory_space<semaphore_mem>>)
        } else {
        }
        %mul3A_67 = arith.constant 2 : i32
        %mul3A_68 = arith.muli %scan3A_44, %mul3A_67 : i32
        %add3A_69 = arith.constant 1 : i32
        %add3A_70 = arith.addi %mul3A_68, %add3A_69 : i32
        %add3A_71 = arith.constant 40 : i32
        %add3A_72 = arith.addi %add3A_71, %add3A_70 : i32
        %mul3A_73 = arith.constant 128 : i32
        %mul3A_74 = arith.muli %add3A_72, %mul3A_73 : i32
        %dma_wait3A_75 = arith.constant 1 : i32
        %dma_wait3A_76 = arith.constant 0 : i32
        %dma_wait3A_77 = arith.constant 0 : i32
        %dma_wait3A_78 = tpu.memref_slice %arg10[%dma_wait3A_75, %dma_wait3A_76, %dma_wait3A_77] : memref<2x128x128xf32, #tpu.memory_space<vmem>> -> memref<1x128x128xf32, #tpu.memory_space<vmem>>
        %dma_wait3A_79 = tpu.memref_squeeze %dma_wait3A_78 : memref<1x128x128xf32, #tpu.memory_space<vmem>> -> memref<128x128xf32, #tpu.memory_space<vmem>>
        %dma_wait3A_80 = tpu.memref_slice %arg8[%mul3A_74] : memref<10240xi32, #tpu.memory_space<vmem>> -> memref<128xi32, #tpu.memory_space<vmem>>
        %dma_wait3A_81 = arith.constant 0 : i32
        %dma_wait3A_82 = arith.constant 0 : i32
        %dma_wait3A_83 = tpu.memref_slice %arg2[%dma_wait3A_81, %dma_wait3A_82] : memref<10000x128xf32, #tpu.memory_space<hbm>> -> memref<10000x128xf32, #tpu.memory_space<hbm>>
        tpu.wait_indirect_dma semaphore(%arg13 : memref<!tpu.dma_semaphore, #tpu.memory_space<semaphore_mem>>) src(%dma_wait3A_83 : memref<10000x128xf32, #tpu.memory_space<hbm>>) dst(%dma_wait3A_79 : memref<128x128xf32, #tpu.memory_space<vmem>>)
        %run_scoped3A_84 = arith.constant 1 : i32
        "tpu.region"() ({
          %run_scoped3A_92 = tpu.sem_alloc : memref<!tpu.dma_semaphore, #tpu.memory_space<semaphore_mem>>
          %dma_start3A_93 = arith.constant 0 : i32
          %dma_start3A_94 = arith.constant 0 : i32
          %dma_start3A_95 = tpu.memref_slice %arg10[%run_scoped3A_84, %dma_start3A_93, %dma_start3A_94] : memref<2x128x128xf32, #tpu.memory_space<vmem>> -> memref<1x128x128xf32, #tpu.memory_space<vmem>>
          %dma_start3A_96 = tpu.memref_squeeze %dma_start3A_95 : memref<1x128x128xf32, #tpu.memory_space<vmem>> -> memref<128x128xf32, #tpu.memory_space<vmem>>
          %dma_start3A_97 = arith.constant 0 : i32
          %dma_start3A_98 = tpu.memref_slice %arg9[%add3A_70, %dma_start3A_97] : memref<40x128xi32, #tpu.memory_space<vmem>> -> memref<1x128xi32, #tpu.memory_space<vmem>>
          %dma_start3A_99 = tpu.memref_squeeze %dma_start3A_98 : memref<1x128xi32, #tpu.memory_space<vmem>> -> memref<128xi32, #tpu.memory_space<vmem>>
          %dma_start3A_100 = arith.constant 0 : i32
          %dma_start3A_101 = arith.constant 0 : i32
          %dma_start3A_102 = tpu.memref_slice %arg11[%dma_start3A_100, %dma_start3A_101] : memref<10112x128xf32, #tpu.memory_space<vmem_shared>> -> memref<10112x128xf32, #tpu.memory_space<vmem_shared>>
          tpu.enqueue_indirect_dma source(%dma_start3A_96 : memref<128x128xf32, #tpu.memory_space<vmem>>) target(%dma_start3A_102 : memref<10112x128xf32, #tpu.memory_space<vmem_shared>>) offsets(%dma_start3A_99 : memref<128xi32, #tpu.memory_space<vmem>>) semaphore(%run_scoped3A_92 : memref<!tpu.dma_semaphore, #tpu.memory_space<semaphore_mem>>) {add = true}
          %dma_wait3A_103 = arith.constant 0 : i32
          %dma_wait3A_104 = arith.constant 0 : i32
          %dma_wait3A_105 = tpu.memref_slice %arg10[%run_scoped3A_84, %dma_wait3A_103, %dma_wait3A_104] : memref<2x128x128xf32, #tpu.memory_space<vmem>> -> memref<1x128x128xf32, #tpu.memory_space<vmem>>
          %dma_wait3A_106 = tpu.memref_squeeze %dma_wait3A_105 : memref<1x128x128xf32, #tpu.memory_space<vmem>> -> memref<128x128xf32, #tpu.memory_space<vmem>>
          %dma_wait3A_107 = arith.constant 0 : i32
          %dma_wait3A_108 = tpu.memref_slice %arg9[%add3A_70, %dma_wait3A_107] : memref<40x128xi32, #tpu.memory_space<vmem>> -> memref<1x128xi32, #tpu.memory_space<vmem>>
          %dma_wait3A_109 = tpu.memref_squeeze %dma_wait3A_108 : memref<1x128xi32, #tpu.memory_space<vmem>> -> memref<128xi32, #tpu.memory_space<vmem>>
          %dma_wait3A_110 = arith.constant 0 : i32
          %dma_wait3A_111 = arith.constant 0 : i32
          %dma_wait3A_112 = tpu.memref_slice %arg11[%dma_wait3A_110, %dma_wait3A_111] : memref<10112x128xf32, #tpu.memory_space<vmem_shared>> -> memref<10112x128xf32, #tpu.memory_space<vmem_shared>>
          tpu.wait_indirect_dma semaphore(%run_scoped3A_92 : memref<!tpu.dma_semaphore, #tpu.memory_space<semaphore_mem>>) src(%dma_wait3A_106 : memref<128x128xf32, #tpu.memory_space<vmem>>) dst(%dma_wait3A_112 : memref<10112x128xf32, #tpu.memory_space<vmem_shared>>)
          tpu.yield
        }) : () -> ()
        %add3A_85 = arith.constant 2 : i32
        %add3A_86 = arith.addi %add3A_72, %add3A_85 : i32
        %lt3A_87 = arith.constant 80 : i32
        %lt3A_88 = arith.cmpi slt, %add3A_86, %lt3A_87 : i32
        %convert_element_type3A_89 = arith.extui %lt3A_88 : i1 to i32
        %cond3A_90 = arith.constant 0 : i32
        %cond3A_91 = arith.cmpi ne, %convert_element_type3A_89, %cond3A_90 : i32
        scf.if %cond3A_91 {
          %add3A_92 = arith.constant 2 : i32
          %add3A_93 = arith.addi %add3A_72, %add3A_92 : i32
          %mul3A_94 = arith.constant 128 : i32
          %mul3A_95 = arith.muli %add3A_93, %mul3A_94 : i32
          %dma_start3A_96 = arith.constant 1 : i32
          %dma_start3A_97 = arith.constant 0 : i32
          %dma_start3A_98 = arith.constant 0 : i32
          %dma_start3A_99 = tpu.memref_slice %arg10[%dma_start3A_96, %dma_start3A_97, %dma_start3A_98] : memref<2x128x128xf32, #tpu.memory_space<vmem>> -> memref<1x128x128xf32, #tpu.memory_space<vmem>>
          %dma_start3A_100 = tpu.memref_squeeze %dma_start3A_99 : memref<1x128x128xf32, #tpu.memory_space<vmem>> -> memref<128x128xf32, #tpu.memory_space<vmem>>
          %dma_start3A_101 = tpu.memref_slice %arg8[%mul3A_95] : memref<10240xi32, #tpu.memory_space<vmem>> -> memref<128xi32, #tpu.memory_space<vmem>>
          %dma_start3A_102 = arith.constant 0 : i32
          %dma_start3A_103 = arith.constant 0 : i32
          %dma_start3A_104 = tpu.memref_slice %arg2[%dma_start3A_102, %dma_start3A_103] : memref<10000x128xf32, #tpu.memory_space<hbm>> -> memref<10000x128xf32, #tpu.memory_space<hbm>>
          tpu.enqueue_indirect_dma source(%dma_start3A_104 : memref<10000x128xf32, #tpu.memory_space<hbm>>) target(%dma_start3A_100 : memref<128x128xf32, #tpu.memory_space<vmem>>) offsets(%dma_start3A_101 : memref<128xi32, #tpu.memory_space<vmem>>) semaphore(%arg13 : memref<!tpu.dma_semaphore, #tpu.memory_space<semaphore_mem>>)
        } else {
        }
      }
      %scan3A_43 = arith.constant 20 : i32
    } else {
    }
    %eq3A_5 = arith.constant 1 : i32
    %eq3A_6 = arith.cmpi eq, %arg0, %eq3A_5 : i32
    %convert_element_type3A_7 = arith.extui %eq3A_6 : i1 to i32
    %cond3A_8 = arith.constant 0 : i32
    %cond3A_9 = arith.cmpi ne, %convert_element_type3A_7, %cond3A_8 : i32
    scf.if %cond3A_9 {
      %dma_start3A = arith.constant 0 : i32
      %dma_start3A_15 = arith.constant 0 : i32
      %dma_start3A_16 = arith.constant 0 : i32
      %dma_start3A_17 = tpu.memref_slice %arg10[%dma_start3A, %dma_start3A_15, %dma_start3A_16] : memref<2x128x128xf32, #tpu.memory_space<vmem>> -> memref<1x128x128xf32, #tpu.memory_space<vmem>>
      %dma_start3A_18 = tpu.memref_squeeze %dma_start3A_17 : memref<1x128x128xf32, #tpu.memory_space<vmem>> -> memref<128x128xf32, #tpu.memory_space<vmem>>
      %dma_start3A_19 = arith.constant 0 : i32
      %dma_start3A_20 = tpu.memref_slice %arg8[%dma_start3A_19] : memref<10240xi32, #tpu.memory_space<vmem>> -> memref<128xi32, #tpu.memory_space<vmem>>
      %dma_start3A_21 = arith.constant 0 : i32
      %dma_start3A_22 = arith.constant 0 : i32
      %dma_start3A_23 = tpu.memref_slice %arg3[%dma_start3A_21, %dma_start3A_22] : memref<10000x128xf32, #tpu.memory_space<hbm>> -> memref<10000x128xf32, #tpu.memory_space<hbm>>
      tpu.enqueue_indirect_dma source(%dma_start3A_23 : memref<10000x128xf32, #tpu.memory_space<hbm>>) target(%dma_start3A_18 : memref<128x128xf32, #tpu.memory_space<vmem>>) offsets(%dma_start3A_20 : memref<128xi32, #tpu.memory_space<vmem>>) semaphore(%arg12 : memref<!tpu.dma_semaphore, #tpu.memory_space<semaphore_mem>>)
      %dma_start3A_24 = arith.constant 1 : i32
      %dma_start3A_25 = arith.constant 0 : i32
      %dma_start3A_26 = arith.constant 0 : i32
      %dma_start3A_27 = tpu.memref_slice %arg10[%dma_start3A_24, %dma_start3A_25, %dma_start3A_26] : memref<2x128x128xf32, #tpu.memory_space<vmem>> -> memref<1x128x128xf32, #tpu.memory_space<vmem>>
      %dma_start3A_28 = tpu.memref_squeeze %dma_start3A_27 : memref<1x128x128xf32, #tpu.memory_space<vmem>> -> memref<128x128xf32, #tpu.memory_space<vmem>>
      %dma_start3A_29 = arith.constant 128 : i32
      %dma_start3A_30 = tpu.memref_slice %arg8[%dma_start3A_29] : memref<10240xi32, #tpu.memory_space<vmem>> -> memref<128xi32, #tpu.memory_space<vmem>>
      %dma_start3A_31 = arith.constant 0 : i32
      %dma_start3A_32 = arith.constant 0 : i32
      %dma_start3A_33 = tpu.memref_slice %arg3[%dma_start3A_31, %dma_start3A_32] : memref<10000x128xf32, #tpu.memory_space<hbm>> -> memref<10000x128xf32, #tpu.memory_space<hbm>>
      tpu.enqueue_indirect_dma source(%dma_start3A_33 : memref<10000x128xf32, #tpu.memory_space<hbm>>) target(%dma_start3A_28 : memref<128x128xf32, #tpu.memory_space<vmem>>) offsets(%dma_start3A_30 : memref<128xi32, #tpu.memory_space<vmem>>) semaphore(%arg13 : memref<!tpu.dma_semaphore, #tpu.memory_space<semaphore_mem>>)
      %run_scoped3A = arith.constant 0 : i32
      "tpu.region"() ({
        %run_scoped3A_44 = tpu.sem_alloc : memref<!tpu.dma_semaphore, #tpu.memory_space<semaphore_mem>>
        %dma_start3A_45 = arith.constant 0 : i32
        %dma_start3A_46 = arith.constant 0 : i32
        %dma_start3A_47 = tpu.memref_slice %arg5[%arg1, %run_scoped3A, %dma_start3A_45, %dma_start3A_46] : memref<16x2x40x128xi32, #tpu.memory_space<hbm>> -> memref<1x1x40x128xi32, #tpu.memory_space<hbm>>
        %dma_start3A_48 = tpu.memref_squeeze %dma_start3A_47 : memref<1x1x40x128xi32, #tpu.memory_space<hbm>> -> memref<40x128xi32, #tpu.memory_space<hbm>>
        %dma_start3A_49 = arith.constant 0 : i32
        %dma_start3A_50 = arith.constant 0 : i32
        %dma_start3A_51 = tpu.memref_slice %arg5[%arg1, %run_scoped3A, %dma_start3A_49, %dma_start3A_50] : memref<16x2x40x128xi32, #tpu.memory_space<hbm>> -> memref<1x1x40x128xi32, #tpu.memory_space<hbm>>
        %dma_start3A_52 = tpu.memref_squeeze %dma_start3A_51 : memref<1x1x40x128xi32, #tpu.memory_space<hbm>> -> memref<40x128xi32, #tpu.memory_space<hbm>>
        tpu.enqueue_dma source(%dma_start3A_52 : memref<40x128xi32, #tpu.memory_space<hbm>>) target(%arg9 : memref<40x128xi32, #tpu.memory_space<vmem>>) target_semaphore(%run_scoped3A_44 : memref<!tpu.dma_semaphore, #tpu.memory_space<semaphore_mem>>)
        %dma_wait3A = arith.constant 0 : i32
        %dma_wait3A_53 = arith.constant 0 : i32
        %dma_wait3A_54 = tpu.memref_slice %arg5[%arg1, %run_scoped3A, %dma_wait3A, %dma_wait3A_53] : memref<16x2x40x128xi32, #tpu.memory_space<hbm>> -> memref<1x1x40x128xi32, #tpu.memory_space<hbm>>
        %dma_wait3A_55 = tpu.memref_squeeze %dma_wait3A_54 : memref<1x1x40x128xi32, #tpu.memory_space<hbm>> -> memref<40x128xi32, #tpu.memory_space<hbm>>
        %dma_wait3A_56 = arith.constant 0 : i32
        %dma_wait3A_57 = arith.constant 0 : i32
        %dma_wait3A_58 = tpu.memref_slice %arg5[%arg1, %run_scoped3A, %dma_wait3A_56, %dma_wait3A_57] : memref<16x2x40x128xi32, #tpu.memory_space<hbm>> -> memref<1x1x40x128xi32, #tpu.memory_space<hbm>>
        %dma_wait3A_59 = tpu.memref_squeeze %dma_wait3A_58 : memref<1x1x40x128xi32, #tpu.memory_space<hbm>> -> memref<40x128xi32, #tpu.memory_space<hbm>>
        tpu.wait_dma2 semaphore(%run_scoped3A_44 : memref<!tpu.dma_semaphore, #tpu.memory_space<semaphore_mem>>) src(%dma_wait3A_59 : memref<40x128xi32, #tpu.memory_space<hbm>>) dst(%arg9 : memref<40x128xi32, #tpu.memory_space<vmem>>)
        tpu.yield
      }) : () -> ()
      %scan3A = arith.constant 0 : i32
      %scan3A_34 = arith.constant 20 : i32
      %scan3A_35 = arith.addi %scan3A, %scan3A_34 : i32
      %scan3A_36 = arith.constant 1 : i32
      scf.for %scan3A_44 = %scan3A to %scan3A_35 step %scan3A_36  : i32 {
        %mul3A_45 = arith.constant 2 : i32
        %mul3A_46 = arith.muli %scan3A_44, %mul3A_45 : i32
        %add3A = arith.constant 0 : i32
        %add3A_47 = arith.addi %mul3A_46, %add3A : i32
        %add3A_48 = arith.constant 0 : i32
        %add3A_49 = arith.addi %add3A_48, %add3A_47 : i32
        %mul3A_50 = arith.constant 128 : i32
        %mul3A_51 = arith.muli %add3A_49, %mul3A_50 : i32
        %dma_wait3A = arith.constant 0 : i32
        %dma_wait3A_52 = arith.constant 0 : i32
        %dma_wait3A_53 = arith.constant 0 : i32
        %dma_wait3A_54 = tpu.memref_slice %arg10[%dma_wait3A, %dma_wait3A_52, %dma_wait3A_53] : memref<2x128x128xf32, #tpu.memory_space<vmem>> -> memref<1x128x128xf32, #tpu.memory_space<vmem>>
        %dma_wait3A_55 = tpu.memref_squeeze %dma_wait3A_54 : memref<1x128x128xf32, #tpu.memory_space<vmem>> -> memref<128x128xf32, #tpu.memory_space<vmem>>
        %dma_wait3A_56 = tpu.memref_slice %arg8[%mul3A_51] : memref<10240xi32, #tpu.memory_space<vmem>> -> memref<128xi32, #tpu.memory_space<vmem>>
        %dma_wait3A_57 = arith.constant 0 : i32
        %dma_wait3A_58 = arith.constant 0 : i32
        %dma_wait3A_59 = tpu.memref_slice %arg3[%dma_wait3A_57, %dma_wait3A_58] : memref<10000x128xf32, #tpu.memory_space<hbm>> -> memref<10000x128xf32, #tpu.memory_space<hbm>>
        tpu.wait_indirect_dma semaphore(%arg12 : memref<!tpu.dma_semaphore, #tpu.memory_space<semaphore_mem>>) src(%dma_wait3A_59 : memref<10000x128xf32, #tpu.memory_space<hbm>>) dst(%dma_wait3A_55 : memref<128x128xf32, #tpu.memory_space<vmem>>)
        %run_scoped3A_60 = arith.constant 0 : i32
        "tpu.region"() ({
          %run_scoped3A_92 = tpu.sem_alloc : memref<!tpu.dma_semaphore, #tpu.memory_space<semaphore_mem>>
          %dma_start3A_93 = arith.constant 0 : i32
          %dma_start3A_94 = arith.constant 0 : i32
          %dma_start3A_95 = tpu.memref_slice %arg10[%run_scoped3A_60, %dma_start3A_93, %dma_start3A_94] : memref<2x128x128xf32, #tpu.memory_space<vmem>> -> memref<1x128x128xf32, #tpu.memory_space<vmem>>
          %dma_start3A_96 = tpu.memref_squeeze %dma_start3A_95 : memref<1x128x128xf32, #tpu.memory_space<vmem>> -> memref<128x128xf32, #tpu.memory_space<vmem>>
          %dma_start3A_97 = arith.constant 0 : i32
          %dma_start3A_98 = tpu.memref_slice %arg9[%add3A_47, %dma_start3A_97] : memref<40x128xi32, #tpu.memory_space<vmem>> -> memref<1x128xi32, #tpu.memory_space<vmem>>
          %dma_start3A_99 = tpu.memref_squeeze %dma_start3A_98 : memref<1x128xi32, #tpu.memory_space<vmem>> -> memref<128xi32, #tpu.memory_space<vmem>>
          %dma_start3A_100 = arith.constant 0 : i32
          %dma_start3A_101 = arith.constant 0 : i32
          %dma_start3A_102 = tpu.memref_slice %arg11[%dma_start3A_100, %dma_start3A_101] : memref<10112x128xf32, #tpu.memory_space<vmem_shared>> -> memref<10112x128xf32, #tpu.memory_space<vmem_shared>>
          tpu.enqueue_indirect_dma source(%dma_start3A_96 : memref<128x128xf32, #tpu.memory_space<vmem>>) target(%dma_start3A_102 : memref<10112x128xf32, #tpu.memory_space<vmem_shared>>) offsets(%dma_start3A_99 : memref<128xi32, #tpu.memory_space<vmem>>) semaphore(%run_scoped3A_92 : memref<!tpu.dma_semaphore, #tpu.memory_space<semaphore_mem>>) {add = true}
          %dma_wait3A_103 = arith.constant 0 : i32
          %dma_wait3A_104 = arith.constant 0 : i32
          %dma_wait3A_105 = tpu.memref_slice %arg10[%run_scoped3A_60, %dma_wait3A_103, %dma_wait3A_104] : memref<2x128x128xf32, #tpu.memory_space<vmem>> -> memref<1x128x128xf32, #tpu.memory_space<vmem>>
          %dma_wait3A_106 = tpu.memref_squeeze %dma_wait3A_105 : memref<1x128x128xf32, #tpu.memory_space<vmem>> -> memref<128x128xf32, #tpu.memory_space<vmem>>
          %dma_wait3A_107 = arith.constant 0 : i32
          %dma_wait3A_108 = tpu.memref_slice %arg9[%add3A_47, %dma_wait3A_107] : memref<40x128xi32, #tpu.memory_space<vmem>> -> memref<1x128xi32, #tpu.memory_space<vmem>>
          %dma_wait3A_109 = tpu.memref_squeeze %dma_wait3A_108 : memref<1x128xi32, #tpu.memory_space<vmem>> -> memref<128xi32, #tpu.memory_space<vmem>>
          %dma_wait3A_110 = arith.constant 0 : i32
          %dma_wait3A_111 = arith.constant 0 : i32
          %dma_wait3A_112 = tpu.memref_slice %arg11[%dma_wait3A_110, %dma_wait3A_111] : memref<10112x128xf32, #tpu.memory_space<vmem_shared>> -> memref<10112x128xf32, #tpu.memory_space<vmem_shared>>
          tpu.wait_indirect_dma semaphore(%run_scoped3A_92 : memref<!tpu.dma_semaphore, #tpu.memory_space<semaphore_mem>>) src(%dma_wait3A_106 : memref<128x128xf32, #tpu.memory_space<vmem>>) dst(%dma_wait3A_112 : memref<10112x128xf32, #tpu.memory_space<vmem_shared>>)
          tpu.yield
        }) : () -> ()
        %add3A_61 = arith.constant 2 : i32
        %add3A_62 = arith.addi %add3A_49, %add3A_61 : i32
        %lt3A = arith.constant 80 : i32
        %lt3A_63 = arith.cmpi slt, %add3A_62, %lt3A : i32
        %convert_element_type3A_64 = arith.extui %lt3A_63 : i1 to i32
        %cond3A_65 = arith.constant 0 : i32
        %cond3A_66 = arith.cmpi ne, %convert_element_type3A_64, %cond3A_65 : i32
        scf.if %cond3A_66 {
          %add3A_92 = arith.constant 2 : i32
          %add3A_93 = arith.addi %add3A_49, %add3A_92 : i32
          %mul3A_94 = arith.constant 128 : i32
          %mul3A_95 = arith.muli %add3A_93, %mul3A_94 : i32
          %dma_start3A_96 = arith.constant 0 : i32
          %dma_start3A_97 = arith.constant 0 : i32
          %dma_start3A_98 = arith.constant 0 : i32
          %dma_start3A_99 = tpu.memref_slice %arg10[%dma_start3A_96, %dma_start3A_97, %dma_start3A_98] : memref<2x128x128xf32, #tpu.memory_space<vmem>> -> memref<1x128x128xf32, #tpu.memory_space<vmem>>
          %dma_start3A_100 = tpu.memref_squeeze %dma_start3A_99 : memref<1x128x128xf32, #tpu.memory_space<vmem>> -> memref<128x128xf32, #tpu.memory_space<vmem>>
          %dma_start3A_101 = tpu.memref_slice %arg8[%mul3A_95] : memref<10240xi32, #tpu.memory_space<vmem>> -> memref<128xi32, #tpu.memory_space<vmem>>
          %dma_start3A_102 = arith.constant 0 : i32
          %dma_start3A_103 = arith.constant 0 : i32
          %dma_start3A_104 = tpu.memref_slice %arg3[%dma_start3A_102, %dma_start3A_103] : memref<10000x128xf32, #tpu.memory_space<hbm>> -> memref<10000x128xf32, #tpu.memory_space<hbm>>
          tpu.enqueue_indirect_dma source(%dma_start3A_104 : memref<10000x128xf32, #tpu.memory_space<hbm>>) target(%dma_start3A_100 : memref<128x128xf32, #tpu.memory_space<vmem>>) offsets(%dma_start3A_101 : memref<128xi32, #tpu.memory_space<vmem>>) semaphore(%arg12 : memref<!tpu.dma_semaphore, #tpu.memory_space<semaphore_mem>>)
        } else {
        }
        %mul3A_67 = arith.constant 2 : i32
        %mul3A_68 = arith.muli %scan3A_44, %mul3A_67 : i32
        %add3A_69 = arith.constant 1 : i32
        %add3A_70 = arith.addi %mul3A_68, %add3A_69 : i32
        %add3A_71 = arith.constant 0 : i32
        %add3A_72 = arith.addi %add3A_71, %add3A_70 : i32
        %mul3A_73 = arith.constant 128 : i32
        %mul3A_74 = arith.muli %add3A_72, %mul3A_73 : i32
        %dma_wait3A_75 = arith.constant 1 : i32
        %dma_wait3A_76 = arith.constant 0 : i32
        %dma_wait3A_77 = arith.constant 0 : i32
        %dma_wait3A_78 = tpu.memref_slice %arg10[%dma_wait3A_75, %dma_wait3A_76, %dma_wait3A_77] : memref<2x128x128xf32, #tpu.memory_space<vmem>> -> memref<1x128x128xf32, #tpu.memory_space<vmem>>
        %dma_wait3A_79 = tpu.memref_squeeze %dma_wait3A_78 : memref<1x128x128xf32, #tpu.memory_space<vmem>> -> memref<128x128xf32, #tpu.memory_space<vmem>>
        %dma_wait3A_80 = tpu.memref_slice %arg8[%mul3A_74] : memref<10240xi32, #tpu.memory_space<vmem>> -> memref<128xi32, #tpu.memory_space<vmem>>
        %dma_wait3A_81 = arith.constant 0 : i32
        %dma_wait3A_82 = arith.constant 0 : i32
        %dma_wait3A_83 = tpu.memref_slice %arg3[%dma_wait3A_81, %dma_wait3A_82] : memref<10000x128xf32, #tpu.memory_space<hbm>> -> memref<10000x128xf32, #tpu.memory_space<hbm>>
        tpu.wait_indirect_dma semaphore(%arg13 : memref<!tpu.dma_semaphore, #tpu.memory_space<semaphore_mem>>) src(%dma_wait3A_83 : memref<10000x128xf32, #tpu.memory_space<hbm>>) dst(%dma_wait3A_79 : memref<128x128xf32, #tpu.memory_space<vmem>>)
        %run_scoped3A_84 = arith.constant 1 : i32
        "tpu.region"() ({
          %run_scoped3A_92 = tpu.sem_alloc : memref<!tpu.dma_semaphore, #tpu.memory_space<semaphore_mem>>
          %dma_start3A_93 = arith.constant 0 : i32
          %dma_start3A_94 = arith.constant 0 : i32
          %dma_start3A_95 = tpu.memref_slice %arg10[%run_scoped3A_84, %dma_start3A_93, %dma_start3A_94] : memref<2x128x128xf32, #tpu.memory_space<vmem>> -> memref<1x128x128xf32, #tpu.memory_space<vmem>>
          %dma_start3A_96 = tpu.memref_squeeze %dma_start3A_95 : memref<1x128x128xf32, #tpu.memory_space<vmem>> -> memref<128x128xf32, #tpu.memory_space<vmem>>
          %dma_start3A_97 = arith.constant 0 : i32
          %dma_start3A_98 = tpu.memref_slice %arg9[%add3A_70, %dma_start3A_97] : memref<40x128xi32, #tpu.memory_space<vmem>> -> memref<1x128xi32, #tpu.memory_space<vmem>>
          %dma_start3A_99 = tpu.memref_squeeze %dma_start3A_98 : memref<1x128xi32, #tpu.memory_space<vmem>> -> memref<128xi32, #tpu.memory_space<vmem>>
          %dma_start3A_100 = arith.constant 0 : i32
          %dma_start3A_101 = arith.constant 0 : i32
          %dma_start3A_102 = tpu.memref_slice %arg11[%dma_start3A_100, %dma_start3A_101] : memref<10112x128xf32, #tpu.memory_space<vmem_shared>> -> memref<10112x128xf32, #tpu.memory_space<vmem_shared>>
          tpu.enqueue_indirect_dma source(%dma_start3A_96 : memref<128x128xf32, #tpu.memory_space<vmem>>) target(%dma_start3A_102 : memref<10112x128xf32, #tpu.memory_space<vmem_shared>>) offsets(%dma_start3A_99 : memref<128xi32, #tpu.memory_space<vmem>>) semaphore(%run_scoped3A_92 : memref<!tpu.dma_semaphore, #tpu.memory_space<semaphore_mem>>) {add = true}
          %dma_wait3A_103 = arith.constant 0 : i32
          %dma_wait3A_104 = arith.constant 0 : i32
          %dma_wait3A_105 = tpu.memref_slice %arg10[%run_scoped3A_84, %dma_wait3A_103, %dma_wait3A_104] : memref<2x128x128xf32, #tpu.memory_space<vmem>> -> memref<1x128x128xf32, #tpu.memory_space<vmem>>
          %dma_wait3A_106 = tpu.memref_squeeze %dma_wait3A_105 : memref<1x128x128xf32, #tpu.memory_space<vmem>> -> memref<128x128xf32, #tpu.memory_space<vmem>>
          %dma_wait3A_107 = arith.constant 0 : i32
          %dma_wait3A_108 = tpu.memref_slice %arg9[%add3A_70, %dma_wait3A_107] : memref<40x128xi32, #tpu.memory_space<vmem>> -> memref<1x128xi32, #tpu.memory_space<vmem>>
          %dma_wait3A_109 = tpu.memref_squeeze %dma_wait3A_108 : memref<1x128xi32, #tpu.memory_space<vmem>> -> memref<128xi32, #tpu.memory_space<vmem>>
          %dma_wait3A_110 = arith.constant 0 : i32
          %dma_wait3A_111 = arith.constant 0 : i32
          %dma_wait3A_112 = tpu.memref_slice %arg11[%dma_wait3A_110, %dma_wait3A_111] : memref<10112x128xf32, #tpu.memory_space<vmem_shared>> -> memref<10112x128xf32, #tpu.memory_space<vmem_shared>>
          tpu.wait_indirect_dma semaphore(%run_scoped3A_92 : memref<!tpu.dma_semaphore, #tpu.memory_space<semaphore_mem>>) src(%dma_wait3A_106 : memref<128x128xf32, #tpu.memory_space<vmem>>) dst(%dma_wait3A_112 : memref<10112x128xf32, #tpu.memory_space<vmem_shared>>)
          tpu.yield
        }) : () -> ()
        %add3A_85 = arith.constant 2 : i32
        %add3A_86 = arith.addi %add3A_72, %add3A_85 : i32
        %lt3A_87 = arith.constant 80 : i32
        %lt3A_88 = arith.cmpi slt, %add3A_86, %lt3A_87 : i32
        %convert_element_type3A_89 = arith.extui %lt3A_88 : i1 to i32
        %cond3A_90 = arith.constant 0 : i32
        %cond3A_91 = arith.cmpi ne, %convert_element_type3A_89, %cond3A_90 : i32
        scf.if %cond3A_91 {
          %add3A_92 = arith.constant 2 : i32
          %add3A_93 = arith.addi %add3A_72, %add3A_92 : i32
          %mul3A_94 = arith.constant 128 : i32
          %mul3A_95 = arith.muli %add3A_93, %mul3A_94 : i32
          %dma_start3A_96 = arith.constant 1 : i32
          %dma_start3A_97 = arith.constant 0 : i32
          %dma_start3A_98 = arith.constant 0 : i32
          %dma_start3A_99 = tpu.memref_slice %arg10[%dma_start3A_96, %dma_start3A_97, %dma_start3A_98] : memref<2x128x128xf32, #tpu.memory_space<vmem>> -> memref<1x128x128xf32, #tpu.memory_space<vmem>>
          %dma_start3A_100 = tpu.memref_squeeze %dma_start3A_99 : memref<1x128x128xf32, #tpu.memory_space<vmem>> -> memref<128x128xf32, #tpu.memory_space<vmem>>
          %dma_start3A_101 = tpu.memref_slice %arg8[%mul3A_95] : memref<10240xi32, #tpu.memory_space<vmem>> -> memref<128xi32, #tpu.memory_space<vmem>>
          %dma_start3A_102 = arith.constant 0 : i32
          %dma_start3A_103 = arith.constant 0 : i32
          %dma_start3A_104 = tpu.memref_slice %arg3[%dma_start3A_102, %dma_start3A_103] : memref<10000x128xf32, #tpu.memory_space<hbm>> -> memref<10000x128xf32, #tpu.memory_space<hbm>>
          tpu.enqueue_indirect_dma source(%dma_start3A_104 : memref<10000x128xf32, #tpu.memory_space<hbm>>) target(%dma_start3A_100 : memref<128x128xf32, #tpu.memory_space<vmem>>) offsets(%dma_start3A_101 : memref<128xi32, #tpu.memory_space<vmem>>) semaphore(%arg13 : memref<!tpu.dma_semaphore, #tpu.memory_space<semaphore_mem>>)
        } else {
        }
      }
      %scan3A_37 = arith.constant 20 : i32
      %run_scoped3A_38 = arith.constant 1 : i32
      "tpu.region"() ({
        %run_scoped3A_44 = tpu.sem_alloc : memref<!tpu.dma_semaphore, #tpu.memory_space<semaphore_mem>>
        %dma_start3A_45 = arith.constant 0 : i32
        %dma_start3A_46 = arith.constant 0 : i32
        %dma_start3A_47 = tpu.memref_slice %arg5[%arg1, %run_scoped3A_38, %dma_start3A_45, %dma_start3A_46] : memref<16x2x40x128xi32, #tpu.memory_space<hbm>> -> memref<1x1x40x128xi32, #tpu.memory_space<hbm>>
        %dma_start3A_48 = tpu.memref_squeeze %dma_start3A_47 : memref<1x1x40x128xi32, #tpu.memory_space<hbm>> -> memref<40x128xi32, #tpu.memory_space<hbm>>
        %dma_start3A_49 = arith.constant 0 : i32
        %dma_start3A_50 = arith.constant 0 : i32
        %dma_start3A_51 = tpu.memref_slice %arg5[%arg1, %run_scoped3A_38, %dma_start3A_49, %dma_start3A_50] : memref<16x2x40x128xi32, #tpu.memory_space<hbm>> -> memref<1x1x40x128xi32, #tpu.memory_space<hbm>>
        %dma_start3A_52 = tpu.memref_squeeze %dma_start3A_51 : memref<1x1x40x128xi32, #tpu.memory_space<hbm>> -> memref<40x128xi32, #tpu.memory_space<hbm>>
        tpu.enqueue_dma source(%dma_start3A_52 : memref<40x128xi32, #tpu.memory_space<hbm>>) target(%arg9 : memref<40x128xi32, #tpu.memory_space<vmem>>) target_semaphore(%run_scoped3A_44 : memref<!tpu.dma_semaphore, #tpu.memory_space<semaphore_mem>>)
        %dma_wait3A = arith.constant 0 : i32
        %dma_wait3A_53 = arith.constant 0 : i32
        %dma_wait3A_54 = tpu.memref_slice %arg5[%arg1, %run_scoped3A_38, %dma_wait3A, %dma_wait3A_53] : memref<16x2x40x128xi32, #tpu.memory_space<hbm>> -> memref<1x1x40x128xi32, #tpu.memory_space<hbm>>
        %dma_wait3A_55 = tpu.memref_squeeze %dma_wait3A_54 : memref<1x1x40x128xi32, #tpu.memory_space<hbm>> -> memref<40x128xi32, #tpu.memory_space<hbm>>
        %dma_wait3A_56 = arith.constant 0 : i32
        %dma_wait3A_57 = arith.constant 0 : i32
        %dma_wait3A_58 = tpu.memref_slice %arg5[%arg1, %run_scoped3A_38, %dma_wait3A_56, %dma_wait3A_57] : memref<16x2x40x128xi32, #tpu.memory_space<hbm>> -> memref<1x1x40x128xi32, #tpu.memory_space<hbm>>
        %dma_wait3A_59 = tpu.memref_squeeze %dma_wait3A_58 : memref<1x1x40x128xi32, #tpu.memory_space<hbm>> -> memref<40x128xi32, #tpu.memory_space<hbm>>
        tpu.wait_dma2 semaphore(%run_scoped3A_44 : memref<!tpu.dma_semaphore, #tpu.memory_space<semaphore_mem>>) src(%dma_wait3A_59 : memref<40x128xi32, #tpu.memory_space<hbm>>) dst(%arg9 : memref<40x128xi32, #tpu.memory_space<vmem>>)
        tpu.yield
      }) : () -> ()
      %scan3A_39 = arith.constant 0 : i32
      %scan3A_40 = arith.constant 20 : i32
      %scan3A_41 = arith.addi %scan3A_39, %scan3A_40 : i32
      %scan3A_42 = arith.constant 1 : i32
      scf.for %scan3A_44 = %scan3A_39 to %scan3A_41 step %scan3A_42  : i32 {
        %mul3A_45 = arith.constant 2 : i32
        %mul3A_46 = arith.muli %scan3A_44, %mul3A_45 : i32
        %add3A = arith.constant 0 : i32
        %add3A_47 = arith.addi %mul3A_46, %add3A : i32
        %add3A_48 = arith.constant 40 : i32
        %add3A_49 = arith.addi %add3A_48, %add3A_47 : i32
        %mul3A_50 = arith.constant 128 : i32
        %mul3A_51 = arith.muli %add3A_49, %mul3A_50 : i32
        %dma_wait3A = arith.constant 0 : i32
        %dma_wait3A_52 = arith.constant 0 : i32
        %dma_wait3A_53 = arith.constant 0 : i32
        %dma_wait3A_54 = tpu.memref_slice %arg10[%dma_wait3A, %dma_wait3A_52, %dma_wait3A_53] : memref<2x128x128xf32, #tpu.memory_space<vmem>> -> memref<1x128x128xf32, #tpu.memory_space<vmem>>
        %dma_wait3A_55 = tpu.memref_squeeze %dma_wait3A_54 : memref<1x128x128xf32, #tpu.memory_space<vmem>> -> memref<128x128xf32, #tpu.memory_space<vmem>>
        %dma_wait3A_56 = tpu.memref_slice %arg8[%mul3A_51] : memref<10240xi32, #tpu.memory_space<vmem>> -> memref<128xi32, #tpu.memory_space<vmem>>
        %dma_wait3A_57 = arith.constant 0 : i32
        %dma_wait3A_58 = arith.constant 0 : i32
        %dma_wait3A_59 = tpu.memref_slice %arg3[%dma_wait3A_57, %dma_wait3A_58] : memref<10000x128xf32, #tpu.memory_space<hbm>> -> memref<10000x128xf32, #tpu.memory_space<hbm>>
        tpu.wait_indirect_dma semaphore(%arg12 : memref<!tpu.dma_semaphore, #tpu.memory_space<semaphore_mem>>) src(%dma_wait3A_59 : memref<10000x128xf32, #tpu.memory_space<hbm>>) dst(%dma_wait3A_55 : memref<128x128xf32, #tpu.memory_space<vmem>>)
        %run_scoped3A_60 = arith.constant 0 : i32
        "tpu.region"() ({
          %run_scoped3A_92 = tpu.sem_alloc : memref<!tpu.dma_semaphore, #tpu.memory_space<semaphore_mem>>
          %dma_start3A_93 = arith.constant 0 : i32
          %dma_start3A_94 = arith.constant 0 : i32
          %dma_start3A_95 = tpu.memref_slice %arg10[%run_scoped3A_60, %dma_start3A_93, %dma_start3A_94] : memref<2x128x128xf32, #tpu.memory_space<vmem>> -> memref<1x128x128xf32, #tpu.memory_space<vmem>>
          %dma_start3A_96 = tpu.memref_squeeze %dma_start3A_95 : memref<1x128x128xf32, #tpu.memory_space<vmem>> -> memref<128x128xf32, #tpu.memory_space<vmem>>
          %dma_start3A_97 = arith.constant 0 : i32
          %dma_start3A_98 = tpu.memref_slice %arg9[%add3A_47, %dma_start3A_97] : memref<40x128xi32, #tpu.memory_space<vmem>> -> memref<1x128xi32, #tpu.memory_space<vmem>>
          %dma_start3A_99 = tpu.memref_squeeze %dma_start3A_98 : memref<1x128xi32, #tpu.memory_space<vmem>> -> memref<128xi32, #tpu.memory_space<vmem>>
          %dma_start3A_100 = arith.constant 0 : i32
          %dma_start3A_101 = arith.constant 0 : i32
          %dma_start3A_102 = tpu.memref_slice %arg11[%dma_start3A_100, %dma_start3A_101] : memref<10112x128xf32, #tpu.memory_space<vmem_shared>> -> memref<10112x128xf32, #tpu.memory_space<vmem_shared>>
          tpu.enqueue_indirect_dma source(%dma_start3A_96 : memref<128x128xf32, #tpu.memory_space<vmem>>) target(%dma_start3A_102 : memref<10112x128xf32, #tpu.memory_space<vmem_shared>>) offsets(%dma_start3A_99 : memref<128xi32, #tpu.memory_space<vmem>>) semaphore(%run_scoped3A_92 : memref<!tpu.dma_semaphore, #tpu.memory_space<semaphore_mem>>) {add = true}
          %dma_wait3A_103 = arith.constant 0 : i32
          %dma_wait3A_104 = arith.constant 0 : i32
          %dma_wait3A_105 = tpu.memref_slice %arg10[%run_scoped3A_60, %dma_wait3A_103, %dma_wait3A_104] : memref<2x128x128xf32, #tpu.memory_space<vmem>> -> memref<1x128x128xf32, #tpu.memory_space<vmem>>
          %dma_wait3A_106 = tpu.memref_squeeze %dma_wait3A_105 : memref<1x128x128xf32, #tpu.memory_space<vmem>> -> memref<128x128xf32, #tpu.memory_space<vmem>>
          %dma_wait3A_107 = arith.constant 0 : i32
          %dma_wait3A_108 = tpu.memref_slice %arg9[%add3A_47, %dma_wait3A_107] : memref<40x128xi32, #tpu.memory_space<vmem>> -> memref<1x128xi32, #tpu.memory_space<vmem>>
          %dma_wait3A_109 = tpu.memref_squeeze %dma_wait3A_108 : memref<1x128xi32, #tpu.memory_space<vmem>> -> memref<128xi32, #tpu.memory_space<vmem>>
          %dma_wait3A_110 = arith.constant 0 : i32
          %dma_wait3A_111 = arith.constant 0 : i32
          %dma_wait3A_112 = tpu.memref_slice %arg11[%dma_wait3A_110, %dma_wait3A_111] : memref<10112x128xf32, #tpu.memory_space<vmem_shared>> -> memref<10112x128xf32, #tpu.memory_space<vmem_shared>>
          tpu.wait_indirect_dma semaphore(%run_scoped3A_92 : memref<!tpu.dma_semaphore, #tpu.memory_space<semaphore_mem>>) src(%dma_wait3A_106 : memref<128x128xf32, #tpu.memory_space<vmem>>) dst(%dma_wait3A_112 : memref<10112x128xf32, #tpu.memory_space<vmem_shared>>)
          tpu.yield
        }) : () -> ()
        %add3A_61 = arith.constant 2 : i32
        %add3A_62 = arith.addi %add3A_49, %add3A_61 : i32
        %lt3A = arith.constant 80 : i32
        %lt3A_63 = arith.cmpi slt, %add3A_62, %lt3A : i32
        %convert_element_type3A_64 = arith.extui %lt3A_63 : i1 to i32
        %cond3A_65 = arith.constant 0 : i32
        %cond3A_66 = arith.cmpi ne, %convert_element_type3A_64, %cond3A_65 : i32
        scf.if %cond3A_66 {
          %add3A_92 = arith.constant 2 : i32
          %add3A_93 = arith.addi %add3A_49, %add3A_92 : i32
          %mul3A_94 = arith.constant 128 : i32
          %mul3A_95 = arith.muli %add3A_93, %mul3A_94 : i32
          %dma_start3A_96 = arith.constant 0 : i32
          %dma_start3A_97 = arith.constant 0 : i32
          %dma_start3A_98 = arith.constant 0 : i32
          %dma_start3A_99 = tpu.memref_slice %arg10[%dma_start3A_96, %dma_start3A_97, %dma_start3A_98] : memref<2x128x128xf32, #tpu.memory_space<vmem>> -> memref<1x128x128xf32, #tpu.memory_space<vmem>>
          %dma_start3A_100 = tpu.memref_squeeze %dma_start3A_99 : memref<1x128x128xf32, #tpu.memory_space<vmem>> -> memref<128x128xf32, #tpu.memory_space<vmem>>
          %dma_start3A_101 = tpu.memref_slice %arg8[%mul3A_95] : memref<10240xi32, #tpu.memory_space<vmem>> -> memref<128xi32, #tpu.memory_space<vmem>>
          %dma_start3A_102 = arith.constant 0 : i32
          %dma_start3A_103 = arith.constant 0 : i32
          %dma_start3A_104 = tpu.memref_slice %arg3[%dma_start3A_102, %dma_start3A_103] : memref<10000x128xf32, #tpu.memory_space<hbm>> -> memref<10000x128xf32, #tpu.memory_space<hbm>>
          tpu.enqueue_indirect_dma source(%dma_start3A_104 : memref<10000x128xf32, #tpu.memory_space<hbm>>) target(%dma_start3A_100 : memref<128x128xf32, #tpu.memory_space<vmem>>) offsets(%dma_start3A_101 : memref<128xi32, #tpu.memory_space<vmem>>) semaphore(%arg12 : memref<!tpu.dma_semaphore, #tpu.memory_space<semaphore_mem>>)
        } else {
        }
        %mul3A_67 = arith.constant 2 : i32
        %mul3A_68 = arith.muli %scan3A_44, %mul3A_67 : i32
        %add3A_69 = arith.constant 1 : i32
        %add3A_70 = arith.addi %mul3A_68, %add3A_69 : i32
        %add3A_71 = arith.constant 40 : i32
        %add3A_72 = arith.addi %add3A_71, %add3A_70 : i32
        %mul3A_73 = arith.constant 128 : i32
        %mul3A_74 = arith.muli %add3A_72, %mul3A_73 : i32
        %dma_wait3A_75 = arith.constant 1 : i32
        %dma_wait3A_76 = arith.constant 0 : i32
        %dma_wait3A_77 = arith.constant 0 : i32
        %dma_wait3A_78 = tpu.memref_slice %arg10[%dma_wait3A_75, %dma_wait3A_76, %dma_wait3A_77] : memref<2x128x128xf32, #tpu.memory_space<vmem>> -> memref<1x128x128xf32, #tpu.memory_space<vmem>>
        %dma_wait3A_79 = tpu.memref_squeeze %dma_wait3A_78 : memref<1x128x128xf32, #tpu.memory_space<vmem>> -> memref<128x128xf32, #tpu.memory_space<vmem>>
        %dma_wait3A_80 = tpu.memref_slice %arg8[%mul3A_74] : memref<10240xi32, #tpu.memory_space<vmem>> -> memref<128xi32, #tpu.memory_space<vmem>>
        %dma_wait3A_81 = arith.constant 0 : i32
        %dma_wait3A_82 = arith.constant 0 : i32
        %dma_wait3A_83 = tpu.memref_slice %arg3[%dma_wait3A_81, %dma_wait3A_82] : memref<10000x128xf32, #tpu.memory_space<hbm>> -> memref<10000x128xf32, #tpu.memory_space<hbm>>
        tpu.wait_indirect_dma semaphore(%arg13 : memref<!tpu.dma_semaphore, #tpu.memory_space<semaphore_mem>>) src(%dma_wait3A_83 : memref<10000x128xf32, #tpu.memory_space<hbm>>) dst(%dma_wait3A_79 : memref<128x128xf32, #tpu.memory_space<vmem>>)
        %run_scoped3A_84 = arith.constant 1 : i32
        "tpu.region"() ({
          %run_scoped3A_92 = tpu.sem_alloc : memref<!tpu.dma_semaphore, #tpu.memory_space<semaphore_mem>>
          %dma_start3A_93 = arith.constant 0 : i32
          %dma_start3A_94 = arith.constant 0 : i32
          %dma_start3A_95 = tpu.memref_slice %arg10[%run_scoped3A_84, %dma_start3A_93, %dma_start3A_94] : memref<2x128x128xf32, #tpu.memory_space<vmem>> -> memref<1x128x128xf32, #tpu.memory_space<vmem>>
          %dma_start3A_96 = tpu.memref_squeeze %dma_start3A_95 : memref<1x128x128xf32, #tpu.memory_space<vmem>> -> memref<128x128xf32, #tpu.memory_space<vmem>>
          %dma_start3A_97 = arith.constant 0 : i32
          %dma_start3A_98 = tpu.memref_slice %arg9[%add3A_70, %dma_start3A_97] : memref<40x128xi32, #tpu.memory_space<vmem>> -> memref<1x128xi32, #tpu.memory_space<vmem>>
          %dma_start3A_99 = tpu.memref_squeeze %dma_start3A_98 : memref<1x128xi32, #tpu.memory_space<vmem>> -> memref<128xi32, #tpu.memory_space<vmem>>
          %dma_start3A_100 = arith.constant 0 : i32
          %dma_start3A_101 = arith.constant 0 : i32
          %dma_start3A_102 = tpu.memref_slice %arg11[%dma_start3A_100, %dma_start3A_101] : memref<10112x128xf32, #tpu.memory_space<vmem_shared>> -> memref<10112x128xf32, #tpu.memory_space<vmem_shared>>
          tpu.enqueue_indirect_dma source(%dma_start3A_96 : memref<128x128xf32, #tpu.memory_space<vmem>>) target(%dma_start3A_102 : memref<10112x128xf32, #tpu.memory_space<vmem_shared>>) offsets(%dma_start3A_99 : memref<128xi32, #tpu.memory_space<vmem>>) semaphore(%run_scoped3A_92 : memref<!tpu.dma_semaphore, #tpu.memory_space<semaphore_mem>>) {add = true}
          %dma_wait3A_103 = arith.constant 0 : i32
          %dma_wait3A_104 = arith.constant 0 : i32
          %dma_wait3A_105 = tpu.memref_slice %arg10[%run_scoped3A_84, %dma_wait3A_103, %dma_wait3A_104] : memref<2x128x128xf32, #tpu.memory_space<vmem>> -> memref<1x128x128xf32, #tpu.memory_space<vmem>>
          %dma_wait3A_106 = tpu.memref_squeeze %dma_wait3A_105 : memref<1x128x128xf32, #tpu.memory_space<vmem>> -> memref<128x128xf32, #tpu.memory_space<vmem>>
          %dma_wait3A_107 = arith.constant 0 : i32
          %dma_wait3A_108 = tpu.memref_slice %arg9[%add3A_70, %dma_wait3A_107] : memref<40x128xi32, #tpu.memory_space<vmem>> -> memref<1x128xi32, #tpu.memory_space<vmem>>
          %dma_wait3A_109 = tpu.memref_squeeze %dma_wait3A_108 : memref<1x128xi32, #tpu.memory_space<vmem>> -> memref<128xi32, #tpu.memory_space<vmem>>
          %dma_wait3A_110 = arith.constant 0 : i32
          %dma_wait3A_111 = arith.constant 0 : i32
          %dma_wait3A_112 = tpu.memref_slice %arg11[%dma_wait3A_110, %dma_wait3A_111] : memref<10112x128xf32, #tpu.memory_space<vmem_shared>> -> memref<10112x128xf32, #tpu.memory_space<vmem_shared>>
          tpu.wait_indirect_dma semaphore(%run_scoped3A_92 : memref<!tpu.dma_semaphore, #tpu.memory_space<semaphore_mem>>) src(%dma_wait3A_106 : memref<128x128xf32, #tpu.memory_space<vmem>>) dst(%dma_wait3A_112 : memref<10112x128xf32, #tpu.memory_space<vmem_shared>>)
          tpu.yield
        }) : () -> ()
        %add3A_85 = arith.constant 2 : i32
        %add3A_86 = arith.addi %add3A_72, %add3A_85 : i32
        %lt3A_87 = arith.constant 80 : i32
        %lt3A_88 = arith.cmpi slt, %add3A_86, %lt3A_87 : i32
        %convert_element_type3A_89 = arith.extui %lt3A_88 : i1 to i32
        %cond3A_90 = arith.constant 0 : i32
        %cond3A_91 = arith.cmpi ne, %convert_element_type3A_89, %cond3A_90 : i32
        scf.if %cond3A_91 {
          %add3A_92 = arith.constant 2 : i32
          %add3A_93 = arith.addi %add3A_72, %add3A_92 : i32
          %mul3A_94 = arith.constant 128 : i32
          %mul3A_95 = arith.muli %add3A_93, %mul3A_94 : i32
          %dma_start3A_96 = arith.constant 1 : i32
          %dma_start3A_97 = arith.constant 0 : i32
          %dma_start3A_98 = arith.constant 0 : i32
          %dma_start3A_99 = tpu.memref_slice %arg10[%dma_start3A_96, %dma_start3A_97, %dma_start3A_98] : memref<2x128x128xf32, #tpu.memory_space<vmem>> -> memref<1x128x128xf32, #tpu.memory_space<vmem>>
          %dma_start3A_100 = tpu.memref_squeeze %dma_start3A_99 : memref<1x128x128xf32, #tpu.memory_space<vmem>> -> memref<128x128xf32, #tpu.memory_space<vmem>>
          %dma_start3A_101 = tpu.memref_slice %arg8[%mul3A_95] : memref<10240xi32, #tpu.memory_space<vmem>> -> memref<128xi32, #tpu.memory_space<vmem>>
          %dma_start3A_102 = arith.constant 0 : i32
          %dma_start3A_103 = arith.constant 0 : i32
          %dma_start3A_104 = tpu.memref_slice %arg3[%dma_start3A_102, %dma_start3A_103] : memref<10000x128xf32, #tpu.memory_space<hbm>> -> memref<10000x128xf32, #tpu.memory_space<hbm>>
          tpu.enqueue_indirect_dma source(%dma_start3A_104 : memref<10000x128xf32, #tpu.memory_space<hbm>>) target(%dma_start3A_100 : memref<128x128xf32, #tpu.memory_space<vmem>>) offsets(%dma_start3A_101 : memref<128xi32, #tpu.memory_space<vmem>>) semaphore(%arg13 : memref<!tpu.dma_semaphore, #tpu.memory_space<semaphore_mem>>)
        } else {
        }
      }
      %scan3A_43 = arith.constant 20 : i32
    } else {
    }
    %barrier3A_10 = arith.constant 0 : index
    tpu.barrier barrier_id(%barrier3A_10)
    %mul3A_11 = arith.constant 632 : i32
    %mul3A_12 = arith.muli %arg1, %mul3A_11 : i32
    %mul3A_13 = arith.constant 632 : i32
    %mul3A_14 = arith.muli %arg1, %mul3A_13 : i32
    "tpu.region"() ({
      %run_scoped3A = tpu.sem_alloc : memref<!tpu.dma_semaphore, #tpu.memory_space<semaphore_mem>>
      %dma_start3A = arith.constant 0 : i32
      %dma_start3A_15 = tpu.memref_slice %arg7[%arg0, %mul3A_14, %dma_start3A] : memref<2x10112x128xf32, #tpu.memory_space<hbm>> -> memref<1x632x128xf32, #tpu.memory_space<hbm>>
      %dma_start3A_16 = tpu.memref_squeeze %dma_start3A_15 : memref<1x632x128xf32, #tpu.memory_space<hbm>> -> memref<632x128xf32, #tpu.memory_space<hbm>>
      %dma_start3A_17 = arith.constant 0 : i32
      %dma_start3A_18 = tpu.memref_slice %arg11[%mul3A_12, %dma_start3A_17] : memref<10112x128xf32, #tpu.memory_space<vmem_shared>> -> memref<632x128xf32, #tpu.memory_space<vmem_shared>>
      tpu.enqueue_dma source(%dma_start3A_18 : memref<632x128xf32, #tpu.memory_space<vmem_shared>>) target(%dma_start3A_16 : memref<632x128xf32, #tpu.memory_space<hbm>>) target_semaphore(%run_scoped3A : memref<!tpu.dma_semaphore, #tpu.memory_space<semaphore_mem>>)
      %dma_wait3A = arith.constant 0 : i32
      %dma_wait3A_19 = tpu.memref_slice %arg7[%arg0, %mul3A_14, %dma_wait3A] : memref<2x10112x128xf32, #tpu.memory_space<hbm>> -> memref<1x632x128xf32, #tpu.memory_space<hbm>>
      %dma_wait3A_20 = tpu.memref_squeeze %dma_wait3A_19 : memref<1x632x128xf32, #tpu.memory_space<hbm>> -> memref<632x128xf32, #tpu.memory_space<hbm>>
      %dma_wait3A_21 = arith.constant 0 : i32
      %dma_wait3A_22 = tpu.memref_slice %arg11[%mul3A_12, %dma_wait3A_21] : memref<10112x128xf32, #tpu.memory_space<vmem_shared>> -> memref<632x128xf32, #tpu.memory_space<vmem_shared>>
      tpu.wait_dma2 semaphore(%run_scoped3A : memref<!tpu.dma_semaphore, #tpu.memory_space<semaphore_mem>>) src(%dma_wait3A_22 : memref<632x128xf32, #tpu.memory_space<vmem_shared>>) dst(%dma_wait3A_20 : memref<632x128xf32, #tpu.memory_space<hbm>>)
      tpu.yield
    }) : () -> ()
    return
  }
}

module attributes {stable_mosaic.version = 14 : i64} {
  func.func @body(%arg0: i32, %arg1: memref<1x1xf32, #tpu.memory_space<smem>>, %arg2: memref<400x128xf32, #tpu.memory_space<vmem>>, %arg3: memref<400x128xf32, #tpu.memory_space<vmem>>, %arg4: memref<2x400x128xf32, #tpu.memory_space<vmem>>, %arg5: memref<256x256xf32, #tpu.memory_space<vmem>>, %arg6: memref<1x256xf32, #tpu.memory_space<vmem>>, %arg7: memref<256x256xf32, #tpu.memory_space<vmem>>, %arg8: memref<1x256xf32, #tpu.memory_space<vmem>>, %arg9: memref<1x256xf32, #tpu.memory_space<vmem>>, %arg10: memref<1x256xf32, #tpu.memory_space<vmem>>, %arg11: memref<400x128xf32, #tpu.memory_space<vmem>>, %arg12: memref<400x128xf32, #tpu.memory_space<vmem>>) attributes {dimension_semantics = [#tpu.dimension_semantics<arbitrary>], iteration_bounds = array<i64: 25>, scalar_prefetch = 0 : i64, scratch_operands = 0 : i64, tpu.core_type = #tpu.core_type<tc>, window_params = [{transform_indices = @transform_0, window_bounds = array<i64: 1, 1>}, {transform_indices = @transform_1, window_bounds = array<i64: 400, 128>}, {transform_indices = @transform_2, window_bounds = array<i64: 400, 128>}, {transform_indices = @transform_3, window_bounds = array<i64: 2, 400, 128>}, {pipeline_mode = #tpu.pipeline_mode<synchronous>, transform_indices = @transform_4, window_bounds = array<i64: 256, 256>}, {pipeline_mode = #tpu.pipeline_mode<synchronous>, transform_indices = @transform_5, window_bounds = array<i64: 1, 256>}, {pipeline_mode = #tpu.pipeline_mode<synchronous>, transform_indices = @transform_6, window_bounds = array<i64: 256, 256>}, {pipeline_mode = #tpu.pipeline_mode<synchronous>, transform_indices = @transform_7, window_bounds = array<i64: 1, 256>}, {pipeline_mode = #tpu.pipeline_mode<synchronous>, transform_indices = @transform_8, window_bounds = array<i64: 1, 256>}, {pipeline_mode = #tpu.pipeline_mode<synchronous>, transform_indices = @transform_9, window_bounds = array<i64: 1, 256>}, {transform_indices = @transform_10, window_bounds = array<i64: 400, 128>}, {transform_indices = @transform_11, window_bounds = array<i64: 400, 128>}]} {
    %get3A = arith.constant 0 : index
    %get3A_0 = arith.constant 0 : index
    %get3A_1 = vector.load %arg2[%get3A, %get3A_0] : memref<400x128xf32, #tpu.memory_space<vmem>>, vector<400x128xf32>
    %get3A_2 = arith.constant 0 : index
    %get3A_3 = arith.constant 0 : index
    %get3A_4 = vector.load %arg3[%get3A_2, %get3A_3] : memref<400x128xf32, #tpu.memory_space<vmem>>, vector<400x128xf32>
    %concatenate3A = tpu.concatenate %get3A_1, %get3A_4 in 1 : vector<400x128xf32>, vector<400x128xf32> -> vector<400x256xf32>
    %get3A_5 = arith.constant 0 : index
    %get3A_6 = arith.constant 0 : index
    %get3A_7 = arith.constant 0 : index
    %get3A_8 = vector.load %arg4[%get3A_5, %get3A_6, %get3A_7] : memref<2x400x128xf32, #tpu.memory_space<vmem>>, vector<1x400x128xf32>
    %get3A_9 = vector.shape_cast %get3A_8 : vector<1x400x128xf32> to vector<400x128xf32>
    %get3A_10 = arith.constant 1 : index
    %get3A_11 = arith.constant 0 : index
    %get3A_12 = arith.constant 0 : index
    %get3A_13 = vector.load %arg4[%get3A_10, %get3A_11, %get3A_12] : memref<2x400x128xf32, #tpu.memory_space<vmem>>, vector<1x400x128xf32>
    %get3A_14 = vector.shape_cast %get3A_13 : vector<1x400x128xf32> to vector<400x128xf32>
    %concatenate3A_15 = tpu.concatenate %get3A_9, %get3A_14 in 1 : vector<400x128xf32>, vector<400x128xf32> -> vector<400x256xf32>
    %get3A_16 = arith.constant 0 : index
    %get3A_17 = arith.constant 0 : index
    %get3A_18 = memref.load %arg1[%get3A_16, %get3A_17] : memref<1x1xf32, #tpu.memory_space<smem>>
    %mul3A = vector.broadcast %get3A_18 : f32 to vector<400x256xf32>
    %mul3A_19 = arith.mulf %mul3A, %concatenate3A : vector<400x256xf32>
    %add3A = arith.addf %mul3A_19, %concatenate3A_15 : vector<400x256xf32>
    %get3A_20 = arith.constant 0 : index
    %get3A_21 = arith.constant 0 : index
    %get3A_22 = vector.load %arg5[%get3A_20, %get3A_21] : memref<256x256xf32, #tpu.memory_space<vmem>>, vector<256x256xf32>
    %dot_general3A = arith.constant dense<0.000000e+00> : vector<400x256xf32>
    %dot_general3A_23 = tpu.matmul %add3A, %get3A_22, %dot_general3A {dimension_numbers = #tpu.dot_dimension_numbers<[1], [0], [0], [1], [0, 0, 1, 1], [], []>, transpose_lhs_hint = false} : vector<400x256xf32>, vector<256x256xf32>, vector<400x256xf32> -> vector<400x256xf32>
    %get3A_24 = arith.constant 0 : index
    %get3A_25 = arith.constant 0 : index
    %get3A_26 = vector.load %arg6[%get3A_24, %get3A_25] : memref<1x256xf32, #tpu.memory_space<vmem>>, vector<1x256xf32>
    %add3A_27 = vector.broadcast %get3A_26 : vector<1x256xf32> to vector<400x256xf32>
    %add3A_28 = arith.addf %dot_general3A_23, %add3A_27 : vector<400x256xf32>
    %max3A = arith.constant 0.000000e+00 : f32
    %max3A_29 = vector.broadcast %max3A : f32 to vector<400x256xf32>
    %max3A_30 = arith.maximumf %add3A_28, %max3A_29 : vector<400x256xf32>
    %get3A_31 = arith.constant 0 : index
    %get3A_32 = arith.constant 0 : index
    %get3A_33 = vector.load %arg7[%get3A_31, %get3A_32] : memref<256x256xf32, #tpu.memory_space<vmem>>, vector<256x256xf32>
    %dot_general3A_34 = arith.constant dense<0.000000e+00> : vector<400x256xf32>
    %dot_general3A_35 = tpu.matmul %max3A_30, %get3A_33, %dot_general3A_34 {dimension_numbers = #tpu.dot_dimension_numbers<[1], [0], [0], [1], [0, 0, 1, 1], [], []>, transpose_lhs_hint = false} : vector<400x256xf32>, vector<256x256xf32>, vector<400x256xf32> -> vector<400x256xf32>
    %get3A_36 = arith.constant 0 : index
    %get3A_37 = arith.constant 0 : index
    %get3A_38 = vector.load %arg8[%get3A_36, %get3A_37] : memref<1x256xf32, #tpu.memory_space<vmem>>, vector<1x256xf32>
    %add3A_39 = vector.broadcast %get3A_38 : vector<1x256xf32> to vector<400x256xf32>
    %add3A_40 = arith.addf %dot_general3A_35, %add3A_39 : vector<400x256xf32>
    %max3A_41 = arith.constant 0.000000e+00 : f32
    %max3A_42 = vector.broadcast %max3A_41 : f32 to vector<400x256xf32>
    %max3A_43 = arith.maximumf %add3A_40, %max3A_42 : vector<400x256xf32>
    %get3A_44 = arith.constant 0 : index
    %get3A_45 = arith.constant 0 : index
    %get3A_46 = vector.load %arg9[%get3A_44, %get3A_45] : memref<1x256xf32, #tpu.memory_space<vmem>>, vector<1x256xf32>
    %mul3A_47 = vector.broadcast %get3A_46 : vector<1x256xf32> to vector<400x256xf32>
    %mul3A_48 = arith.mulf %max3A_43, %mul3A_47 : vector<400x256xf32>
    %get3A_49 = arith.constant 0 : index
    %get3A_50 = arith.constant 0 : index
    %get3A_51 = vector.load %arg10[%get3A_49, %get3A_50] : memref<1x256xf32, #tpu.memory_space<vmem>>, vector<1x256xf32>
    %add3A_52 = vector.broadcast %get3A_51 : vector<1x256xf32> to vector<400x256xf32>
    %add3A_53 = arith.addf %mul3A_48, %add3A_52 : vector<400x256xf32>
    %slice3A = vector.extract_strided_slice %add3A_53 {offsets = [0, 0], sizes = [400, 128], strides = [1, 1]} : vector<400x256xf32> to vector<400x128xf32>
    %swap3A = arith.constant 0 : index
    %swap3A_54 = arith.constant 0 : index
    %swap3A_55 = vector.load %arg11[%swap3A, %swap3A_54] : memref<400x128xf32, #tpu.memory_space<vmem>>, vector<400x128xf32>
    tpu.vector_store %arg11[%swap3A, %swap3A_54], %slice3A {strides = array<i32>} : memref<400x128xf32, #tpu.memory_space<vmem>>, vector<400x128xf32>,
    %slice3A_56 = vector.extract_strided_slice %add3A_53 {offsets = [0, 128], sizes = [400, 128], strides = [1, 1]} : vector<400x256xf32> to vector<400x128xf32>
    %swap3A_57 = arith.constant 0 : index
    %swap3A_58 = arith.constant 0 : index
    %swap3A_59 = vector.load %arg12[%swap3A_57, %swap3A_58] : memref<400x128xf32, #tpu.memory_space<vmem>>, vector<400x128xf32>
    tpu.vector_store %arg12[%swap3A_57, %swap3A_58], %slice3A_56 {strides = array<i32>} : memref<400x128xf32, #tpu.memory_space<vmem>>, vector<400x128xf32>,
    return
  }
  func.func @transform_0(%arg0: i32) -> (i32, i32) {
    %c0_i32 = arith.constant 0 : i32
    %c0_i32_0 = arith.constant 0 : i32
    %c0_i32_1 = arith.constant 0 : i32
    return %c0_i32, %c0_i32_0 : i32, i32
  }
  func.func @transform_1(%arg0: i32) -> (i32, i32) {
    %c0_i32 = arith.constant 0 : i32
    %c0_i32_0 = arith.constant 0 : i32
    return %arg0, %c0_i32 : i32, i32
  }
  func.func @transform_2(%arg0: i32) -> (i32, i32) {
    %c0_i32 = arith.constant 0 : i32
    %c0_i32_0 = arith.constant 0 : i32
    return %arg0, %c0_i32 : i32, i32
  }
  func.func @transform_3(%arg0: i32) -> (i32, i32, i32) {
    %c0_i32 = arith.constant 0 : i32
    %c0_i32_0 = arith.constant 0 : i32
    %c0_i32_1 = arith.constant 0 : i32
    return %c0_i32, %arg0, %c0_i32_0 : i32, i32, i32
  }
  func.func @transform_4(%arg0: i32) -> (i32, i32) {
    %c0_i32 = arith.constant 0 : i32
    %c0_i32_0 = arith.constant 0 : i32
    %c0_i32_1 = arith.constant 0 : i32
    return %c0_i32, %c0_i32_0 : i32, i32
  }
  func.func @transform_5(%arg0: i32) -> (i32, i32) {
    %c0_i32 = arith.constant 0 : i32
    %c0_i32_0 = arith.constant 0 : i32
    %c0_i32_1 = arith.constant 0 : i32
    return %c0_i32, %c0_i32_0 : i32, i32
  }
  func.func @transform_6(%arg0: i32) -> (i32, i32) {
    %c0_i32 = arith.constant 0 : i32
    %c0_i32_0 = arith.constant 0 : i32
    %c0_i32_1 = arith.constant 0 : i32
    return %c0_i32, %c0_i32_0 : i32, i32
  }
  func.func @transform_7(%arg0: i32) -> (i32, i32) {
    %c0_i32 = arith.constant 0 : i32
    %c0_i32_0 = arith.constant 0 : i32
    %c0_i32_1 = arith.constant 0 : i32
    return %c0_i32, %c0_i32_0 : i32, i32
  }
  func.func @transform_8(%arg0: i32) -> (i32, i32) {
    %c0_i32 = arith.constant 0 : i32
    %c0_i32_0 = arith.constant 0 : i32
    %c0_i32_1 = arith.constant 0 : i32
    return %c0_i32, %c0_i32_0 : i32, i32
  }
  func.func @transform_9(%arg0: i32) -> (i32, i32) {
    %c0_i32 = arith.constant 0 : i32
    %c0_i32_0 = arith.constant 0 : i32
    %c0_i32_1 = arith.constant 0 : i32
    return %c0_i32, %c0_i32_0 : i32, i32
  }
  func.func @transform_10(%arg0: i32) -> (i32, i32) {
    %c0_i32 = arith.constant 0 : i32
    %c0_i32_0 = arith.constant 0 : i32
    return %arg0, %c0_i32 : i32, i32
  }
  func.func @transform_11(%arg0: i32) -> (i32, i32) {
    %c0_i32 = arith.constant 0 : i32
    %c0_i32_0 = arith.constant 0 : i32
    return %arg0, %c0_i32 : i32, i32
  }
}

module attributes {stable_mosaic.version = 14 : i64} {
  func.func @body(%arg0: i32, %arg1: memref<400x128xf32, #tpu.memory_space<vmem>>, %arg2: memref<400x128xf32, #tpu.memory_space<vmem>>, %arg3: memref<256x256xf32, #tpu.memory_space<vmem>>, %arg4: memref<1x256xf32, #tpu.memory_space<vmem>>, %arg5: memref<256x256xf32, #tpu.memory_space<vmem>>, %arg6: memref<1x256xf32, #tpu.memory_space<vmem>>, %arg7: memref<256x256xf32, #tpu.memory_space<vmem>>, %arg8: memref<1x256xf32, #tpu.memory_space<vmem>>, %arg9: memref<256x256xf32, #tpu.memory_space<vmem>>, %arg10: memref<1x256xf32, #tpu.memory_space<vmem>>, %arg11: memref<400x256xf32, #tpu.memory_space<vmem>>) attributes {dimension_semantics = [#tpu.dimension_semantics<arbitrary>], iteration_bounds = array<i64: 25>, scalar_prefetch = 0 : i64, scratch_operands = 0 : i64, tpu.core_type = #tpu.core_type<tc>, window_params = [{transform_indices = @transform_0, window_bounds = array<i64: 400, 128>}, {transform_indices = @transform_1, window_bounds = array<i64: 400, 128>}, {pipeline_mode = #tpu.pipeline_mode<synchronous>, transform_indices = @transform_2, window_bounds = array<i64: 256, 256>}, {pipeline_mode = #tpu.pipeline_mode<synchronous>, transform_indices = @transform_3, window_bounds = array<i64: 1, 256>}, {pipeline_mode = #tpu.pipeline_mode<synchronous>, transform_indices = @transform_4, window_bounds = array<i64: 256, 256>}, {pipeline_mode = #tpu.pipeline_mode<synchronous>, transform_indices = @transform_5, window_bounds = array<i64: 1, 256>}, {pipeline_mode = #tpu.pipeline_mode<synchronous>, transform_indices = @transform_6, window_bounds = array<i64: 256, 256>}, {pipeline_mode = #tpu.pipeline_mode<synchronous>, transform_indices = @transform_7, window_bounds = array<i64: 1, 256>}, {pipeline_mode = #tpu.pipeline_mode<synchronous>, transform_indices = @transform_8, window_bounds = array<i64: 256, 256>}, {pipeline_mode = #tpu.pipeline_mode<synchronous>, transform_indices = @transform_9, window_bounds = array<i64: 1, 256>}, {transform_indices = @transform_10, window_bounds = array<i64: 400, 256>}]} {
    %get3A = arith.constant 0 : index
    %get3A_0 = arith.constant 0 : index
    %get3A_1 = vector.load %arg1[%get3A, %get3A_0] : memref<400x128xf32, #tpu.memory_space<vmem>>, vector<400x128xf32>
    %get3A_2 = arith.constant 0 : index
    %get3A_3 = arith.constant 0 : index
    %get3A_4 = vector.load %arg2[%get3A_2, %get3A_3] : memref<400x128xf32, #tpu.memory_space<vmem>>, vector<400x128xf32>
    %concatenate3A = tpu.concatenate %get3A_1, %get3A_4 in 1 : vector<400x128xf32>, vector<400x128xf32> -> vector<400x256xf32>
    %get3A_5 = arith.constant 0 : index
    %get3A_6 = arith.constant 0 : index
    %get3A_7 = vector.load %arg3[%get3A_5, %get3A_6] : memref<256x256xf32, #tpu.memory_space<vmem>>, vector<256x256xf32>
    %dot_general3A = arith.constant dense<0.000000e+00> : vector<400x256xf32>
    %dot_general3A_8 = tpu.matmul %concatenate3A, %get3A_7, %dot_general3A {dimension_numbers = #tpu.dot_dimension_numbers<[1], [0], [0], [1], [0, 0, 1, 1], [], []>, transpose_lhs_hint = false} : vector<400x256xf32>, vector<256x256xf32>, vector<400x256xf32> -> vector<400x256xf32>
    %get3A_9 = arith.constant 0 : index
    %get3A_10 = arith.constant 0 : index
    %get3A_11 = vector.load %arg4[%get3A_9, %get3A_10] : memref<1x256xf32, #tpu.memory_space<vmem>>, vector<1x256xf32>
    %add3A = vector.broadcast %get3A_11 : vector<1x256xf32> to vector<400x256xf32>
    %add3A_12 = arith.addf %dot_general3A_8, %add3A : vector<400x256xf32>
    %max3A = arith.constant 0.000000e+00 : f32
    %max3A_13 = vector.broadcast %max3A : f32 to vector<400x256xf32>
    %max3A_14 = arith.maximumf %add3A_12, %max3A_13 : vector<400x256xf32>
    %get3A_15 = arith.constant 0 : index
    %get3A_16 = arith.constant 0 : index
    %get3A_17 = vector.load %arg5[%get3A_15, %get3A_16] : memref<256x256xf32, #tpu.memory_space<vmem>>, vector<256x256xf32>
    %dot_general3A_18 = arith.constant dense<0.000000e+00> : vector<400x256xf32>
    %dot_general3A_19 = tpu.matmul %max3A_14, %get3A_17, %dot_general3A_18 {dimension_numbers = #tpu.dot_dimension_numbers<[1], [0], [0], [1], [0, 0, 1, 1], [], []>, transpose_lhs_hint = false} : vector<400x256xf32>, vector<256x256xf32>, vector<400x256xf32> -> vector<400x256xf32>
    %get3A_20 = arith.constant 0 : index
    %get3A_21 = arith.constant 0 : index
    %get3A_22 = vector.load %arg6[%get3A_20, %get3A_21] : memref<1x256xf32, #tpu.memory_space<vmem>>, vector<1x256xf32>
    %add3A_23 = vector.broadcast %get3A_22 : vector<1x256xf32> to vector<400x256xf32>
    %add3A_24 = arith.addf %dot_general3A_19, %add3A_23 : vector<400x256xf32>
    %max3A_25 = arith.constant 0.000000e+00 : f32
    %max3A_26 = vector.broadcast %max3A_25 : f32 to vector<400x256xf32>
    %max3A_27 = arith.maximumf %add3A_24, %max3A_26 : vector<400x256xf32>
    %get3A_28 = arith.constant 0 : index
    %get3A_29 = arith.constant 0 : index
    %get3A_30 = vector.load %arg7[%get3A_28, %get3A_29] : memref<256x256xf32, #tpu.memory_space<vmem>>, vector<256x256xf32>
    %dot_general3A_31 = arith.constant dense<0.000000e+00> : vector<400x256xf32>
    %dot_general3A_32 = tpu.matmul %max3A_27, %get3A_30, %dot_general3A_31 {dimension_numbers = #tpu.dot_dimension_numbers<[1], [0], [0], [1], [0, 0, 1, 1], [], []>, transpose_lhs_hint = false} : vector<400x256xf32>, vector<256x256xf32>, vector<400x256xf32> -> vector<400x256xf32>
    %get3A_33 = arith.constant 0 : index
    %get3A_34 = arith.constant 0 : index
    %get3A_35 = vector.load %arg8[%get3A_33, %get3A_34] : memref<1x256xf32, #tpu.memory_space<vmem>>, vector<1x256xf32>
    %add3A_36 = vector.broadcast %get3A_35 : vector<1x256xf32> to vector<400x256xf32>
    %add3A_37 = arith.addf %dot_general3A_32, %add3A_36 : vector<400x256xf32>
    %max3A_38 = arith.constant 0.000000e+00 : f32
    %max3A_39 = vector.broadcast %max3A_38 : f32 to vector<400x256xf32>
    %max3A_40 = arith.maximumf %add3A_37, %max3A_39 : vector<400x256xf32>
    %get3A_41 = arith.constant 0 : index
    %get3A_42 = arith.constant 0 : index
    %get3A_43 = vector.load %arg9[%get3A_41, %get3A_42] : memref<256x256xf32, #tpu.memory_space<vmem>>, vector<256x256xf32>
    %dot_general3A_44 = arith.constant dense<0.000000e+00> : vector<400x256xf32>
    %dot_general3A_45 = tpu.matmul %max3A_40, %get3A_43, %dot_general3A_44 {dimension_numbers = #tpu.dot_dimension_numbers<[1], [0], [0], [1], [0, 0, 1, 1], [], []>, transpose_lhs_hint = false} : vector<400x256xf32>, vector<256x256xf32>, vector<400x256xf32> -> vector<400x256xf32>
    %get3A_46 = arith.constant 0 : index
    %get3A_47 = arith.constant 0 : index
    %get3A_48 = vector.load %arg10[%get3A_46, %get3A_47] : memref<1x256xf32, #tpu.memory_space<vmem>>, vector<1x256xf32>
    %add3A_49 = vector.broadcast %get3A_48 : vector<1x256xf32> to vector<400x256xf32>
    %add3A_50 = arith.addf %dot_general3A_45, %add3A_49 : vector<400x256xf32>
    %swap3A = arith.constant 0 : index
    %swap3A_51 = arith.constant 0 : index
    %swap3A_52 = vector.load %arg11[%swap3A, %swap3A_51] : memref<400x256xf32, #tpu.memory_space<vmem>>, vector<400x256xf32>
    tpu.vector_store %arg11[%swap3A, %swap3A_51], %add3A_50 {strides = array<i32>} : memref<400x256xf32, #tpu.memory_space<vmem>>, vector<400x256xf32>,
    return
  }
  func.func @transform_0(%arg0: i32) -> (i32, i32) {
    %c0_i32 = arith.constant 0 : i32
    %c0_i32_0 = arith.constant 0 : i32
    return %arg0, %c0_i32 : i32, i32
  }
  func.func @transform_1(%arg0: i32) -> (i32, i32) {
    %c0_i32 = arith.constant 0 : i32
    %c0_i32_0 = arith.constant 0 : i32
    return %arg0, %c0_i32 : i32, i32
  }
  func.func @transform_2(%arg0: i32) -> (i32, i32) {
    %c0_i32 = arith.constant 0 : i32
    %c0_i32_0 = arith.constant 0 : i32
    %c0_i32_1 = arith.constant 0 : i32
    return %c0_i32, %c0_i32_0 : i32, i32
  }
  func.func @transform_3(%arg0: i32) -> (i32, i32) {
    %c0_i32 = arith.constant 0 : i32
    %c0_i32_0 = arith.constant 0 : i32
    %c0_i32_1 = arith.constant 0 : i32
    return %c0_i32, %c0_i32_0 : i32, i32
  }
  func.func @transform_4(%arg0: i32) -> (i32, i32) {
    %c0_i32 = arith.constant 0 : i32
    %c0_i32_0 = arith.constant 0 : i32
    %c0_i32_1 = arith.constant 0 : i32
    return %c0_i32, %c0_i32_0 : i32, i32
  }
  func.func @transform_5(%arg0: i32) -> (i32, i32) {
    %c0_i32 = arith.constant 0 : i32
    %c0_i32_0 = arith.constant 0 : i32
    %c0_i32_1 = arith.constant 0 : i32
    return %c0_i32, %c0_i32_0 : i32, i32
  }
  func.func @transform_6(%arg0: i32) -> (i32, i32) {
    %c0_i32 = arith.constant 0 : i32
    %c0_i32_0 = arith.constant 0 : i32
    %c0_i32_1 = arith.constant 0 : i32
    return %c0_i32, %c0_i32_0 : i32, i32
  }
  func.func @transform_7(%arg0: i32) -> (i32, i32) {
    %c0_i32 = arith.constant 0 : i32
    %c0_i32_0 = arith.constant 0 : i32
    %c0_i32_1 = arith.constant 0 : i32
    return %c0_i32, %c0_i32_0 : i32, i32
  }
  func.func @transform_8(%arg0: i32) -> (i32, i32) {
    %c0_i32 = arith.constant 0 : i32
    %c0_i32_0 = arith.constant 0 : i32
    %c0_i32_1 = arith.constant 0 : i32
    return %c0_i32, %c0_i32_0 : i32, i32
  }
  func.func @transform_9(%arg0: i32) -> (i32, i32) {
    %c0_i32 = arith.constant 0 : i32
    %c0_i32_0 = arith.constant 0 : i32
    %c0_i32_1 = arith.constant 0 : i32
    return %c0_i32, %c0_i32_0 : i32, i32
  }
  func.func @transform_10(%arg0: i32) -> (i32, i32) {
    %c0_i32 = arith.constant 0 : i32
    %c0_i32_0 = arith.constant 0 : i32
    return %arg0, %c0_i32 : i32, i32
  }
}

</mosaic_0001>

<sc_bundles>
// kernel: kernel.12.cloned.1.call-start
scs
__scs_entry_jumppad:
0x0: {  	(pc) =	sbr.rel $0x88, $3  }
0x1: {  	(tag) =	ssettag $0x0;
	lr =	simm.s32 $0x1  }
0x2: {  	[smem:$0x3F82] =	sst lr;
	_ =	strace $0xD0000000  }
0x3: {  	_ = 	snop  }
0x4: {  	_ = 	snop  }
0x5: {  	_ = 	snop  }
0x6: {  	_ = 	snop  }
0x7: {  	_ = 	snop  }
__scs_overlays_trampoline_lowered:
0x8: {  	[smem:$0x3F91] =	sst s0  }
0x9: {  	[smem:$0x3F92] =	sst s1  }
0xa: {  	[smem:$0x3F93] =	sst s2  }
0xb: {  	[smem:$0x3F94] =	sst s3  }
0xc: {  	[smem:$0x3F95] =	sst s4  }
0xd: {  	[smem:$0x3F96] =	sst s5  }
0xe: {  	[smem:$0x3F97] =	sst s6  }
0xf: {  	[smem:$0x3F98] =	sst s7  }
0x10: {  	[smem:$0x3F99] =	sst s8  }
0x11: {  	[smem:$0x3F9A] =	sst s9;
	s0 =	simm.s32 @!p0 $0x0  }
0x12: {  	s1 =	sld [smem:$0x3F80];
	s0 =	simm.s32 @p0 $0x1  }
0x13: {  	[smem:$0x3F9B] =	sst s0;
	s0 =	simm.s32 @!p1 $0x0  }
0x14: {  	s2 =	sld [smem:$0x3F7F];
	s0 =	simm.s32 @p1 $0x1  }
0x15: {  	[smem:$0x3F9C] =	sst s0;
	s0 =	simm.s32 @!p2 $0x0  }
0x16: {  	s3 =	sld [smem:$0x3FDB];
	s0 =	simm.s32 @p2 $0x1  }
0x17: {  	s4 =	simm.s32 $0x1BF5;
	[smem:$0x3F9E] =	sst s0  }
0x18: {  	s0 =	sld [smem:$0x3F81];
	_ =	swait.ge [sflag:s4], $0x0  }
0x19: {  	s7 =	sld [smem:$0x3F82]  }
0x1a: {  	s8 =	sadd.s32 $0xFFFFE003, lr  }
0x1b: {  	s9 =	sadd.s32 $0xFFFFFEF7, lr;
	s5 =	simm.s32 $0xFFFFFFFF;
	p2 =	slt.u32 s8, $0xFFFFF086  }
0x1c: {  	p1 =	slt.u32 s9, $0xF7A;
	s5 =	simm.s32 @!p2 $0x0  }
0x1d: {  	s5 =	simm.s32 @p1 $0x1;
	p0 =	seq.s32 s7, s2  }
0x1e: {  	s7 =	smul.u32 @!p0 $0xF7A, s2;
	p2 =	seq.s32 @!p0 s5, $0x0  }
0x1f: {  	s9 =	smul.u32 $0xF7A, s1;
	s8 =	simm.s32 @!p0 $0x1BF5;
	p2 =	por !p2, p0  }
0x20: {  	[sflag:s8] =	ssyncset.s32 @!p0 $0xFFFFF086;
	s6 =	sadd.s32 @!p0 s3, s7;
	s7 =	simm.s32 @!p0 $0x108  }
0x21: {  	s3 =	sadd.s32 s3, s9;
	s6 =	sadd.s32 @!p0 $0x88, s6;
	s7 =	simm.s32 @p2 $0x1082  }
0x22: {  	[simem:s7], [sflag:s8] =	dma.local @!p0 [hbm:s6], $0xF7A  }
0x23: {  	s9 =	sor.u32 $0xD0000000, s2;
	s6 =	simm.s32 $0x108;
	_ =	swait.ge @!p0 [sflag:s8], $0x0  }
0x24: {  	s3 =	sadd.s32 $0x88, s3;
	s6 =	simm.s32 @!p1 $0x1082;
	[sflag:s4] =	ssyncset.s32 $0xFFFFF086  }
0x25: {  	[simem:s6], [sflag:s4] =	dma.local [hbm:s3], $0xF7A  }
0x26: {  	[smem:$0x3F82] =	sst s1;
	(tag) =	ssettag s2;
	_ =	strace s9  }
0x27: {  	s1 =	sld [smem:$0x3F92]  }
0x28: {  	s2 =	sld [smem:$0x3F93]  }
0x29: {  	s4 =	sld [smem:$0x3F95]  }
0x2a: {  	p0 =	seq.s32 s5, $0x0;
	s5 =	sld [smem:$0x3F96]  }
0x2b: {  	s6 =	sld [smem:$0x3F97]  }
0x2c: {  	s7 =	sld [smem:$0x3F98]  }
0x2d: {  	s3 =	simm.s32 $0x108;
	s8 =	sld [smem:$0x3F99]  }
0x2e: {  	s3 =	simm.s32 @!p0 $0x1082;
	s9 =	sld [smem:$0x3F9A]  }
0x2f: {  	lr =	sadd.s32 s0, s3;
	s0 =	sld [smem:$0x3F91]  }
0x30: {  	s3 =	sld [smem:$0x3F94]  }
0x31: {  	[smem:$0x3F9D] =	sst s10  }
0x32: {  	s10 =	sld [smem:$0x3F9B];
	_ =	sdelay $0x3  }
0x33: {  	p0 =	seq.s32 s10, $0x1;
	s10 =	sld [smem:$0x3F9D];
	_ =	sdelay $0x3  }
0x34: {  	[smem:$0x3F9D] =	sst s10  }
0x35: {  	s10 =	sld [smem:$0x3F9C];
	_ =	sdelay $0x3  }
0x36: {  	p1 =	seq.s32 s10, $0x1;
	s10 =	sld [smem:$0x3F9D];
	_ =	sdelay $0x3  }
0x37: {  	[smem:$0x3F9D] =	sst s10  }
0x38: {  	s10 =	sld [smem:$0x3F9E]  }
0x39: {  	_ = 	snop;
	(pc) =	sbr.ind lr, $3  }
0x3a: {  	_ = 	snop  }
0x3b: {  	_ = 	snop  }
0x3c: {  	p2 =	seq.s32 s10, $0x1;
	s10 =	sld [smem:$0x3F9D]  }
0x3d: {  	_ =	shalt  }
0x3e: {  	_ =	shalt  }
0x3f: {  	_ =	shalt  }
0x40: {  	_ =	shalt  }
0x41: {  	_ =	shalt  }
0x42: {  	_ =	shalt  }
0x43: {  	_ =	shalt  }
0x44: {  	_ =	shalt  }
0x45: {  	_ =	shalt  }
0x46: {  	_ =	shalt  }
0x47: {  	_ =	shalt  }
0x48: {  	_ =	shalt  }
0x49: {  	_ =	shalt  }
0x4a: {  	_ =	shalt  }
0x4b: {  	_ =	shalt  }
0x4c: {  	_ =	shalt  }
0x4d: {  	_ =	shalt  }
0x4e: {  	_ =	shalt  }
0x4f: {  	_ =	shalt  }
0x50: {  	_ =	shalt  }
0x51: {  	_ =	shalt  }
0x52: {  	_ =	shalt  }
0x53: {  	_ =	shalt  }
0x54: {  	_ =	shalt  }
0x55: {  	_ =	shalt  }
0x56: {  	_ =	shalt  }
0x57: {  	_ =	shalt  }
0x58: {  	_ =	shalt  }
0x59: {  	_ =	shalt  }
0x5a: {  	_ =	shalt  }
0x5b: {  	_ =	shalt  }
0x5c: {  	_ =	shalt  }
0x5d: {  	_ =	shalt  }
0x5e: {  	_ =	shalt  }
0x5f: {  	_ =	shalt  }
0x60: {  	_ =	shalt  }
0x61: {  	_ =	shalt  }
0x62: {  	_ =	shalt  }
0x63: {  	_ =	shalt  }
0x64: {  	_ =	shalt  }
0x65: {  	_ =	shalt  }
0x66: {  	_ =	shalt  }
0x67: {  	_ =	shalt  }
0x68: {  	_ =	shalt  }
0x69: {  	_ =	shalt  }
0x6a: {  	_ =	shalt  }
0x6b: {  	_ =	shalt  }
0x6c: {  	_ =	shalt  }
0x6d: {  	_ =	shalt  }
0x6e: {  	_ =	shalt  }
0x6f: {  	_ =	shalt  }
0x70: {  	_ =	shalt  }
0x71: {  	_ =	shalt  }
0x72: {  	_ =	shalt  }
0x73: {  	_ =	shalt  }
0x74: {  	_ =	shalt  }
0x75: {  	_ =	shalt  }
0x76: {  	_ =	shalt  }
0x77: {  	_ =	shalt  }
0x78: {  	_ =	shalt  }
0x79: {  	_ =	shalt  }
0x7a: {  	_ =	shalt  }
0x7b: {  	_ =	shalt  }
0x7c: {  	_ =	shalt  }
0x7d: {  	_ =	shalt  }
0x7e: {  	_ =	shalt  }
0x7f: {  	_ =	shalt  }
0x80: {  	_ =	shalt  }
0x81: {  	_ =	shalt  }
0x82: {  	_ =	shalt  }
0x83: {  	_ =	shalt  }
0x84: {  	_ =	shalt  }
0x85: {  	_ =	shalt  }
0x86: {  	_ =	shalt  }
0x87: {  	_ =	shalt  }
.Lfunc_end0:
.L_simem_size_0:
called_computation.1_lowered:
.L_overlay_start_0:
0x88: {  	s2 =	sld [smem:$0x3FD9]  }
0x89: {  	s3 =	sld [smem:$0x3FFE];
	_ =	sdelay $0x1  }
0x8a: {  	s1 =	srdreg.scid  }
0x8b: {  	s0 =	sand.u32 $0x1, s1  }
0x8c: {  	s17 =	sshll.u32 s0, $0xA;
	s2 =	sadd.s32 s3, s2  }
0x8d: {  	s2 =	sadd.s32 s2, s17  }
0x8e: {  	[smem:$0x3FA9] =	sst s2  }
0x8f: {  	_ = 	snop  }
0x90: {  	s2 =	sld [smem:$0x3FD0];
	(tm) =	ssettm $0x1  }
0x91: {  	s18 =	sld [smem:$0x3FFB];
	_ =	sdelay $0x3  }
0x92: {  	_ =	strace s18  }
0x93: {  	s3 =	sld [smem:$0x3FFC];
	_ =	sdelay $0x3  }
0x94: {  	_ =	strace s3  }
0x95: {  	s3 =	sld [smem:$0x3FFD];
	_ =	sdelay $0x3  }
0x96: {  	_ =	strace s3  }
0x97: {  	_ =	strace $0x8FFFFFFF  }
0x98: {  	s19 =	sld [smem:$0x3FDB];
	_ =	sdelay $0x1  }
0x99: {  	s4 =	simm.s32 $_scs_section_size  }
0x9a: {  	s5 =	simm.s32 $_size__tile_overlayer_lowered;
	s6 =	simm.s32 $_tile_overlayer_lowered  }
0x9b: {  	s22 =	simm.s32 $0x1BFF;
	s21 =	sshll.u32 s6, $0x1;
	s3 =	sadd.s32 s4, s19  }
0x9c: {  	s7 =	simm.s32 $0x0;
	s20 =	sshll.u32 s5, $0x1;
	s5 =	sadd.s32 s21, s3  }
0x9d: {  	[timem:s7], [sflag:s22] =	dma.local [hbm:s5], s20  }
0x9e: {  	_ =	swait.ge [sflag:s22], s20  }
0x9f: {  	s4 =	ssub.s32 $0x0, s20;
	[sflag:s22] =	ssyncset.done $0x0  }
0xa0: {  	[sflag:s22] =	ssyncadd.s32 s4;
	_ =	sdelay $0x1  }
0xa1: {  	s23 =	simm.s32 $0x1B8B  }
0xa2: {  	_ =	swait.ge [sflag:s23], $0x1  }
0xa3: {  	[sflag:s23] =	ssyncset.done $0x0  }
0xa4: {  	s25 =	simm.s32 $0x1B8E;
	s24 =	sld [smem:$0x3FFE];
	[sflag:s23] =	ssyncadd.s32 $0xFFFFFFFF  }
0xa5: {  	s26 =	simm.s32 $execute0_lowered;
	[smem:$0x3FD2] =	sst s25  }
0xa6: {  	s5 =	sshll.u32 s26, $0x1;
	_ =	strace $0x80000049;
	[dreg:$0x1] =	wrdreg $0xFFFFFFFF  }
0xa7: {  	s28 =	simm.s32 $_size_execute0_lowered;
	s3 =	sadd.s32 s3, s5;
	[dreg:$0x0] =	wrdreg $0x0  }
0xa8: {  	s5 =	sshll.u32 s28, $0x1;
	[dreg:$0x2] =	wrdreg s3  }
0xa9: {  	[dreg:$0x3] =	wrdreg s5  }
0xaa: {  	[dreg:$0x4] =	wrdreg $0xC0  }
0xab: {  	_ =	task [dreg:s7], $0x5FFFF  }
0xac: {  	[dreg:$0x1] =	wrdreg $0xFFFFFFFF  }
0xad: {  	[dreg:$0x0] =	wrdreg $0x60  }
0xae: {  	[dreg:$0x2] =	wrdreg s2  }
0xaf: {  	[dreg:$0x3] =	wrdreg s24  }
0xb0: {  	[dreg:$0x4] =	wrdreg $0xBC000  }
0xb1: {  	[dreg:$0x5] =	wrdreg $0x9  }
0xb2: {  	_ =	task.clear_ibuf [dreg:s7], $0x6FFFF;
	_ =	strace $0x90000049  }
0xb3: {  	s29 =	simm.s32 $0x9;
	_ =	strace $0x8000004B  }
0xb4: {  	_ =	swait.ge [sflag:s29], $0x1  }
0xb5: {  	[sflag:s29] =	ssyncadd.s32 $0xFFFFFFFF  }
0xb6: {  	_ =	strace $0x9000004B  }
0xb7: {  	_ =	sfence  }
0xb8: {  	s30 =	sld [smem:$0x0];
	_ =	sdelay $0x2  }
0xb9: {  	s31 =	sshll.u32 s1, $0xD;
	s1 =	sshrl.u32 s1, $0x2  }
0xba: {  	s3 =	sand.u32 $0x4000, s31;
	s1 =	sadd.s32 s1, s30  }
0xbb: {  	s0 =	sor.u32 s3, s0;
	s1 =	sshll.u32 s1, $0x11  }
0xbc: {  	s0 =	sor.u32 s1, s0  }
0xbd: {  	s0 =	sadd.s32 $0x8F2B, s0  }
0xbe: {  	[sflag:s0] =	ssyncadd.remote.s32 $0x1  }
0xbf: {  	_ =	sfence.sel $0xFFFF  }
0xc0: {  	[dreg:$0x0] =	wrdreg $0xFFFFFFFF;
	(pc) =	sbr.abs _section_cstart, $3  }
0xc1: {  	[dreg:$0x1] =	wrdreg $0xFFFFFFFF  }
0xc2: {  	_ =	task.clear_ibuf [dreg:s7], $0x2FFFF;
	_ =	strace $0x9FFFFFFF  }
0xc3: {  	(tm) =	ssettm $0x7FFFFFFF  }
tec
execute0_lowered:
.L_overlay_start_1:
0x0: {  	(tag) =	ssettag $0x1  }
0x1: {  	s1 =	rddreg [dreg:$0x0]  }
0x2: {  	s7 =	rddreg [dreg:$0x1]  }
0x3: {  	s0 =	stileid.u32;
	s2 =	srdreg.scid  }
0x4: {  	s3 =	rddreg [dreg:$0x2];
	s4 =	simm.s32 $0x0;
	s15 =	simm.s32 $0x80  }
0x5: {  	s16 =	simm.s32 $0x3C00;
	s17 =	simm.s32 $0x7C00;
	s18 =	simm.s32 $0x2800  }
0x6: {  	s19 =	simm.s32 $0x1;
	s20 =	simm.s32 $0x2;
	s21 =	simm.s32 $0x3B00  }
0x7: {  	s22 =	simm.s32 $0x3B80;
	s23 =	simm.s32 $0x0;
	s6 =	smul.u32 $0x2800, s0  }
0x8: {  	s8 =	sand.u32 $0x1, s2;
	s2 =	rddreg [dreg:$0x3];
	s10 =	smul.u32 $0x13C00, s0  }
0x9: {  	[smem:$0x7FF] =	sst s4;
	s5 =	sadd.s32 $0x6200, s7;
	s28 =	smul.u32 $0x4F000, s0  }
0xa: {  	s31 =	sshll.u32 s0, $0x6;
	s9 =	smul.u32 $0x13C000, s8;
	_ =	strace $0x8000004A  }
0xb: {  	s12 =	ssub.s32 $0x2, s8;
	p0 =	seq.s32 s8, $0x1;
	s6 =	sshrl.u32 s6, $0x3  }
0xc: {  	s29 =	sshrl.u32 s12, $0x1;
	s30 =	sshrl.u32 s28, $0x2;
	s11 =	sadd.s32 s6, s7  }
.Ltmp0:
0xd: {  	s9 =	sadd.s32 s10, s9;
	s6 =	sadd.s32 $0x37400, s7;
	(pc) =	sbr.rel .LBB2_1-.Ltmp0, $4  }
0xe: {  	s12 =	ssub.s32 s12, s29;
	s14 =	sadd.s32 s30, s3;
	s9 =	sshrl.u32 s9, $0x3  }
0xf: {  	s8 =	sadd.s32 $0x32400, s11;
	s14 =	sshrl.u32 s14, $0x3;
	s13 =	sadd.s32 s9, s7  }
0x10: {  	s7 =	sadd.s32 $0x2D400, s11;
	s9 =	sadd.s32 $0x32680, s11;
	s11 =	smax.u32 s12, $0x1  }
0x11: {  	s12 =	simm.s32 $0x3;
	s10 =	sadd.s32 $0x39C00, s13;
	s13 =	sor.u32 $0x1C03, s31  }
.LBB2_11:
0x12: {  	[tilespmem:s17], [sflag:$0x2] =	stream.indirect.gather [hbm4b:s5+s15], $0x80, s25, s15, $0xb8;
	[tilespmem:$0x1F800] =	vst v63  }
.LBB2_12:
0x13: {  	_ =	swait.ge [sflag:s19], $0x4000  }
0x14: {  	[sflag:s19] =	ssyncset.done $0x0  }
0x15: {  	[sflag:s19] =	ssyncadd.s32 $0xFFFFC000  }
0x16: {  	[spmem:s3] =	stream.indirect.scatter.add.f32 [tilespmem:s16], [sflag:$0x3], $0x80, s21, s15, $0xb8;
	[tilespmem:$0x1F800] =	vst v63  }
0x17: {  	_ =	swait.ge [sflag:s12], $0x4000  }
0x18: {  	[sflag:s12] =	ssyncset.done $0x0  }
0x19: {  	[sflag:s12] =	ssyncadd.s32 $0xFFFFC000  }
0x1a: {  	_ =	swait.ge [sflag:s20], $0x4000  }
0x1b: {  	[sflag:s20] =	ssyncset.done $0x0  }
0x1c: {  	[sflag:s20] =	ssyncadd.s32 $0xFFFFC000  }
0x1d: {  	[spmem:s3] =	stream.indirect.scatter.add.f32 [tilespmem:s17], [sflag:$0x3], $0x80, s22, s15, $0xb8;
	[tilespmem:$0x1F800] =	vst v63  }
0x1e: {  	_ =	swait.ge [sflag:s12], $0x4000  }
0x1f: {  	s23 =	sadd.s32 $0x1, s23;
	[sflag:s12] =	ssyncset.done $0x0  }
0x20: {  	p1 =	sne.s32 s23, s11;
	[sflag:s12] =	ssyncadd.s32 $0xFFFFC000  }
.Ltmp1:
0x21: {  	[bflag:$0x0] =	sbarrier.arrive $0xFFFF;
	(pc) =	sbr.rel @!p1 .LBB2_13-.Ltmp1, $4  }
0x22: {  	[hbm:s10], [sflag:s13] =	dma.local [spmem:s14], $0x2780  }
0x23: {  	_ =	swait.ge [sflag:s12], $0x2780  }
0x24: {  	[sflag:s12] =	ssyncset.done $0x0  }
0x25: {  	[sflag:s12] =	ssyncadd.s32 $0xFFFFD880  }
.LBB2_1:
0x26: {  	[tilespmem:s4], [sflag:$0x3] =	stream.linear.gather [hbm4b:s7+s4], $0x2800, $0x38;
	[tilespmem:$0x1F800] =	vst v63  }
0x27: {  	_ =	swait.ge [sflag:s12], $0x2800  }
0x28: {  	[sflag:s12] =	ssyncset.done $0x0  }
0x29: {  	[sflag:s12] =	ssyncadd.s32 $0xFFFFD800  }
0x2a: {  	[spmem:s14], [sflag:s13] =	dma.local [hbm:s6], $0x2780  }
.Ltmp2:
0x2b: {  	_ =	swait.ge [sflag:s12], $0x2780;
	(pc) =	sbr.rel @!p0 .LBB2_2-.Ltmp2, $4  }
0x2c: {  	[sflag:s12] =	ssyncset.done $0x0  }
0x2d: {  	[sflag:s12] =	ssyncadd.s32 $0xFFFFD880  }
0x2e: {  	[bflag:$0x0] =	sbarrier.arrive $0xFFFF  }
0x2f: {  	s24 =	simm.s32 $0x0  }
0x30: {  	[tilespmem:s16], [sflag:$0x1] =	stream.indirect.gather [hbm4b:s5+s15], $0x80, s24, s15, $0xb8;
	[tilespmem:$0x1F800] =	vst v63  }
0x31: {  	_ = 	snop  }
0x32: {  	[tilespmem:s17], [sflag:$0x2] =	stream.indirect.gather [hbm4b:s5+s15], $0x80, s15, s15, $0xb8;
	[tilespmem:$0x1F800] =	vst v63  }
0x33: {  	_ = 	snop  }
0x34: {  	[tilespmem:s18], [sflag:$0x3] =	stream.linear.gather [hbm4b:s8+s24], $0x1400, $0x38;
	[tilespmem:$0x1F800] =	vst v63  }
0x35: {  	_ =	swait.ge [sflag:s12], $0x1400  }
0x36: {  	[sflag:s12] =	ssyncset.done $0x0  }
0x37: {  	[sflag:s12] =	ssyncadd.s32 $0xFFFFEC00  }
0x38: {  	_ =	swait.ge [sflag:s19], $0x4000  }
0x39: {  	[sflag:s19] =	ssyncset.done $0x0  }
0x3a: {  	s29 =	simm.s32 $0x2800;
	[sflag:s19] =	ssyncadd.s32 $0xFFFFC000  }
0x3b: {  	[spmem:s3] =	stream.indirect.scatter.add.f32 [tilespmem:s16], [sflag:$0x3], $0x80, s29, s15, $0xb8;
	[tilespmem:$0x1F800] =	vst v63  }
0x3c: {  	_ =	swait.ge [sflag:s12], $0x4000  }
0x3d: {  	[sflag:s12] =	ssyncset.done $0x0  }
0x3e: {  	s30 =	simm.s32 $0x100;
	[sflag:s12] =	ssyncadd.s32 $0xFFFFC000  }
0x3f: {  	[tilespmem:s16], [sflag:$0x1] =	stream.indirect.gather [hbm4b:s5+s15], $0x80, s30, s15, $0xb8;
	[tilespmem:$0x1F800] =	vst v63  }
0x40: {  	_ =	swait.ge [sflag:s20], $0x4000  }
0x41: {  	[sflag:s20] =	ssyncset.done $0x0  }
0x42: {  	s31 =	simm.s32 $0x2880;
	[sflag:s20] =	ssyncadd.s32 $0xFFFFC000  }
0x43: {  	[spmem:s3] =	stream.indirect.scatter.add.f32 [tilespmem:s17], [sflag:$0x3], $0x80, s31, s15, $0xb8;
	[tilespmem:$0x1F800] =	vst v63  }
0x44: {  	_ =	swait.ge [sflag:s12], $0x4000  }
0x45: {  	[sflag:s12] =	ssyncset.done $0x0  }
0x46: {  	s25 =	simm.s32 $0x180;
	s24 =	simm.s32 $0x400;
	[sflag:s12] =	ssyncadd.s32 $0xFFFFC000  }
.LBB2_8:
0x47: {  	[tilespmem:s17], [sflag:$0x2] =	stream.indirect.gather [hbm4b:s5+s15], $0x80, s25, s15, $0xb8;
	[tilespmem:$0x1F800] =	vst v63  }
0x48: {  	s25 =	smov.u32 s24  }
0x49: {  	p1 =	sne.s32 s24, $0x4C00;
	s24 =	sadd.s32 $0x400, s24;
	_ =	swait.ge [sflag:s19], $0x4000  }
0x4a: {  	s25 =	sshra.s32 s25, $0x2;
	[sflag:s19] =	ssyncset.done $0x0  }
0x4b: {  	s26 =	sadd.s32 $0x2800, s25;
	[sflag:s19] =	ssyncadd.s32 $0xFFFFC000  }
0x4c: {  	[spmem:s3] =	stream.indirect.scatter.add.f32 [tilespmem:s16], [sflag:$0x3], $0x80, s26, s15, $0xb8;
	[tilespmem:$0x1F800] =	vst v63  }
0x4d: {  	_ =	swait.ge [sflag:s12], $0x4000  }
0x4e: {  	[sflag:s12] =	ssyncset.done $0x0  }
0x4f: {  	s26 =	sadd.s32 $0x100, s25;
	[sflag:s12] =	ssyncadd.s32 $0xFFFFC000  }
0x50: {  	[tilespmem:s16], [sflag:$0x1] =	stream.indirect.gather [hbm4b:s5+s15], $0x80, s26, s15, $0xb8;
	[tilespmem:$0x1F800] =	vst v63  }
0x51: {  	_ =	swait.ge [sflag:s20], $0x4000  }
0x52: {  	[sflag:s20] =	ssyncset.done $0x0  }
.Ltmp3:
0x53: {  	s26 =	sadd.s32 $0x2880, s25;
	[sflag:s20] =	ssyncadd.s32 $0xFFFFC000;
	(pc) =	sbr.rel @p1 .LBB2_8-.Ltmp3, $4  }
0x54: {  	[spmem:s3] =	stream.indirect.scatter.add.f32 [tilespmem:s17], [sflag:$0x3], $0x80, s26, s15, $0xb8;
	[tilespmem:$0x1F800] =	vst v63  }
0x55: {  	_ =	swait.ge [sflag:s12], $0x4000  }
0x56: {  	[sflag:s12] =	ssyncset.done $0x0  }
0x57: {  	s25 =	sadd.s32 $0x180, s25;
	[sflag:s12] =	ssyncadd.s32 $0xFFFFC000  }
0x58: {  	[tilespmem:s17], [sflag:$0x2] =	stream.indirect.gather [hbm4b:s5+s15], $0x80, s25, s15, $0xb8;
	[tilespmem:$0x1F800] =	vst v63  }
0x59: {  	s24 =	simm.s32 $0x0  }
0x5a: {  	[tilespmem:s18], [sflag:$0x3] =	stream.linear.gather [hbm4b:s9+s24], $0x1400, $0x38;
	[tilespmem:$0x1F800] =	vst v63  }
0x5b: {  	_ =	swait.ge [sflag:s12], $0x1400  }
0x5c: {  	[sflag:s12] =	ssyncset.done $0x0  }
0x5d: {  	[sflag:s12] =	ssyncadd.s32 $0xFFFFEC00  }
0x5e: {  	_ =	swait.ge [sflag:s19], $0x4000  }
0x5f: {  	[sflag:s19] =	ssyncset.done $0x0  }
0x60: {  	s29 =	simm.s32 $0x2800;
	[sflag:s19] =	ssyncadd.s32 $0xFFFFC000  }
0x61: {  	[spmem:s3] =	stream.indirect.scatter.add.f32 [tilespmem:s16], [sflag:$0x3], $0x80, s29, s15, $0xb8;
	[tilespmem:$0x1F800] =	vst v63  }
0x62: {  	_ =	swait.ge [sflag:s12], $0x4000  }
0x63: {  	[sflag:s12] =	ssyncset.done $0x0  }
0x64: {  	s30 =	simm.s32 $0x1500;
	[sflag:s12] =	ssyncadd.s32 $0xFFFFC000  }
0x65: {  	[tilespmem:s16], [sflag:$0x1] =	stream.indirect.gather [hbm4b:s5+s15], $0x80, s30, s15, $0xb8;
	[tilespmem:$0x1F800] =	vst v63  }
0x66: {  	_ =	swait.ge [sflag:s20], $0x4000  }
0x67: {  	[sflag:s20] =	ssyncset.done $0x0  }
0x68: {  	s31 =	simm.s32 $0x2880;
	[sflag:s20] =	ssyncadd.s32 $0xFFFFC000  }
0x69: {  	[spmem:s3] =	stream.indirect.scatter.add.f32 [tilespmem:s17], [sflag:$0x3], $0x80, s31, s15, $0xb8;
	[tilespmem:$0x1F800] =	vst v63  }
0x6a: {  	_ =	swait.ge [sflag:s12], $0x4000  }
0x6b: {  	[sflag:s12] =	ssyncset.done $0x0  }
0x6c: {  	s25 =	simm.s32 $0x1580;
	s24 =	simm.s32 $0x400;
	[sflag:s12] =	ssyncadd.s32 $0xFFFFC000  }
.LBB2_10:
0x6d: {  	[tilespmem:s17], [sflag:$0x2] =	stream.indirect.gather [hbm4b:s5+s15], $0x80, s25, s15, $0xb8;
	[tilespmem:$0x1F800] =	vst v63  }
0x6e: {  	s25 =	smov.u32 s24  }
0x6f: {  	p1 =	sne.s32 s24, $0x4800;
	s24 =	sadd.s32 $0x400, s24;
	_ =	swait.ge [sflag:s19], $0x4000  }
0x70: {  	s25 =	sshra.s32 s25, $0x2;
	[sflag:s19] =	ssyncset.done $0x0  }
0x71: {  	s26 =	sadd.s32 $0x2800, s25;
	[sflag:s19] =	ssyncadd.s32 $0xFFFFC000  }
0x72: {  	[spmem:s3] =	stream.indirect.scatter.add.f32 [tilespmem:s16], [sflag:$0x3], $0x80, s26, s15, $0xb8;
	[tilespmem:$0x1F800] =	vst v63  }
0x73: {  	_ =	swait.ge [sflag:s12], $0x4000  }
0x74: {  	[sflag:s12] =	ssyncset.done $0x0  }
0x75: {  	s26 =	sadd.s32 $0x1500, s25;
	[sflag:s12] =	ssyncadd.s32 $0xFFFFC000  }
0x76: {  	[tilespmem:s16], [sflag:$0x1] =	stream.indirect.gather [hbm4b:s5+s15], $0x80, s26, s15, $0xb8;
	[tilespmem:$0x1F800] =	vst v63  }
0x77: {  	_ =	swait.ge [sflag:s20], $0x4000  }
0x78: {  	[sflag:s20] =	ssyncset.done $0x0  }
.Ltmp4:
0x79: {  	s26 =	sadd.s32 $0x2880, s25;
	[sflag:s20] =	ssyncadd.s32 $0xFFFFC000;
	(pc) =	sbr.rel @p1 .LBB2_10-.Ltmp4, $4  }
0x7a: {  	[spmem:s3] =	stream.indirect.scatter.add.f32 [tilespmem:s17], [sflag:$0x3], $0x80, s26, s15, $0xb8;
	[tilespmem:$0x1F800] =	vst v63  }
0x7b: {  	_ =	swait.ge [sflag:s12], $0x4000  }
0x7c: {  	[sflag:s12] =	ssyncset.done $0x0  }
0x7d: {  	s25 =	sadd.s32 $0x1580, s25;
	[sflag:s12] =	ssyncadd.s32 $0xFFFFC000  }
.Ltmp5:
0x7e: {  	_ = 	snop;
	(pc) =	sbr.rel .LBB2_11-.Ltmp5, $1  }
0x7f: {  	_ =	sdelay $0x3  }
.LBB2_2:
0x80: {  	[tilespmem:s16], [sflag:$0x1] =	stream.indirect.gather [hbm4b:s1+s15], $0x80, s24, s15, $0xb8;
	[tilespmem:$0x1F800] =	vst v63  }
0x81: {  	_ = 	snop  }
0x82: {  	[tilespmem:s17], [sflag:$0x2] =	stream.indirect.gather [hbm4b:s1+s15], $0x80, s15, s15, $0xb8;
	[tilespmem:$0x1F800] =	vst v63  }
0x83: {  	_ = 	snop  }
0x84: {  	[tilespmem:s18], [sflag:$0x3] =	stream.linear.gather [hbm4b:s8+s24], $0x1400, $0x38;
	[tilespmem:$0x1F800] =	vst v63  }
0x85: {  	_ =	swait.ge [sflag:s12], $0x1400  }
0x86: {  	[sflag:s12] =	ssyncset.done $0x0  }
0x87: {  	[sflag:s12] =	ssyncadd.s32 $0xFFFFEC00  }
0x88: {  	_ =	swait.ge [sflag:s19], $0x4000  }
0x89: {  	[sflag:s19] =	ssyncset.done $0x0  }
0x8a: {  	s29 =	simm.s32 $0x2800;
	[sflag:s19] =	ssyncadd.s32 $0xFFFFC000  }
0x8b: {  	[spmem:s3] =	stream.indirect.scatter.add.f32 [tilespmem:s16], [sflag:$0x3], $0x80, s29, s15, $0xb8;
	[tilespmem:$0x1F800] =	vst v63  }
0x8c: {  	_ =	swait.ge [sflag:s12], $0x4000  }
0x8d: {  	[sflag:s12] =	ssyncset.done $0x0  }
0x8e: {  	s30 =	simm.s32 $0x100;
	[sflag:s12] =	ssyncadd.s32 $0xFFFFC000  }
0x8f: {  	[tilespmem:s16], [sflag:$0x1] =	stream.indirect.gather [hbm4b:s1+s15], $0x80, s30, s15, $0xb8;
	[tilespmem:$0x1F800] =	vst v63  }
0x90: {  	_ =	swait.ge [sflag:s20], $0x4000  }
0x91: {  	[sflag:s20] =	ssyncset.done $0x0  }
0x92: {  	s31 =	simm.s32 $0x2880;
	[sflag:s20] =	ssyncadd.s32 $0xFFFFC000  }
0x93: {  	[spmem:s3] =	stream.indirect.scatter.add.f32 [tilespmem:s17], [sflag:$0x3], $0x80, s31, s15, $0xb8;
	[tilespmem:$0x1F800] =	vst v63  }
0x94: {  	_ =	swait.ge [sflag:s12], $0x4000  }
0x95: {  	[sflag:s12] =	ssyncset.done $0x0  }
0x96: {  	s25 =	simm.s32 $0x180;
	s24 =	simm.s32 $0x400;
	[sflag:s12] =	ssyncadd.s32 $0xFFFFC000  }
.LBB2_3:
0x97: {  	[tilespmem:s17], [sflag:$0x2] =	stream.indirect.gather [hbm4b:s1+s15], $0x80, s25, s15, $0xb8;
	[tilespmem:$0x1F800] =	vst v63  }
0x98: {  	s25 =	smov.u32 s24  }
0x99: {  	p1 =	sne.s32 s24, $0x4C00;
	s24 =	sadd.s32 $0x400, s24;
	_ =	swait.ge [sflag:s19], $0x4000  }
0x9a: {  	s25 =	sshra.s32 s25, $0x2;
	[sflag:s19] =	ssyncset.done $0x0  }
0x9b: {  	s26 =	sadd.s32 $0x2800, s25;
	[sflag:s19] =	ssyncadd.s32 $0xFFFFC000  }
0x9c: {  	[spmem:s3] =	stream.indirect.scatter.add.f32 [tilespmem:s16], [sflag:$0x3], $0x80, s26, s15, $0xb8;
	[tilespmem:$0x1F800] =	vst v63  }
0x9d: {  	_ =	swait.ge [sflag:s12], $0x4000  }
0x9e: {  	[sflag:s12] =	ssyncset.done $0x0  }
0x9f: {  	s26 =	sadd.s32 $0x100, s25;
	[sflag:s12] =	ssyncadd.s32 $0xFFFFC000  }
0xa0: {  	[tilespmem:s16], [sflag:$0x1] =	stream.indirect.gather [hbm4b:s1+s15], $0x80, s26, s15, $0xb8;
	[tilespmem:$0x1F800] =	vst v63  }
0xa1: {  	_ =	swait.ge [sflag:s20], $0x4000  }
0xa2: {  	[sflag:s20] =	ssyncset.done $0x0  }
.Ltmp6:
0xa3: {  	s26 =	sadd.s32 $0x2880, s25;
	[sflag:s20] =	ssyncadd.s32 $0xFFFFC000;
	(pc) =	sbr.rel @p1 .LBB2_3-.Ltmp6, $4  }
0xa4: {  	[spmem:s3] =	stream.indirect.scatter.add.f32 [tilespmem:s17], [sflag:$0x3], $0x80, s26, s15, $0xb8;
	[tilespmem:$0x1F800] =	vst v63  }
0xa5: {  	_ =	swait.ge [sflag:s12], $0x4000  }
0xa6: {  	[sflag:s12] =	ssyncset.done $0x0  }
0xa7: {  	s25 =	sadd.s32 $0x180, s25;
	[sflag:s12] =	ssyncadd.s32 $0xFFFFC000  }
0xa8: {  	[tilespmem:s17], [sflag:$0x2] =	stream.indirect.gather [hbm4b:s1+s15], $0x80, s25, s15, $0xb8;
	[tilespmem:$0x1F800] =	vst v63  }
0xa9: {  	s24 =	simm.s32 $0x0  }
0xaa: {  	[tilespmem:s18], [sflag:$0x3] =	stream.linear.gather [hbm4b:s9+s24], $0x1400, $0x38;
	[tilespmem:$0x1F800] =	vst v63  }
0xab: {  	_ =	swait.ge [sflag:s12], $0x1400  }
0xac: {  	[sflag:s12] =	ssyncset.done $0x0  }
0xad: {  	[sflag:s12] =	ssyncadd.s32 $0xFFFFEC00  }
0xae: {  	_ =	swait.ge [sflag:s19], $0x4000  }
0xaf: {  	[sflag:s19] =	ssyncset.done $0x0  }
0xb0: {  	s29 =	simm.s32 $0x2800;
	[sflag:s19] =	ssyncadd.s32 $0xFFFFC000  }
0xb1: {  	[spmem:s3] =	stream.indirect.scatter.add.f32 [tilespmem:s16], [sflag:$0x3], $0x80, s29, s15, $0xb8;
	[tilespmem:$0x1F800] =	vst v63  }
0xb2: {  	_ =	swait.ge [sflag:s12], $0x4000  }
0xb3: {  	[sflag:s12] =	ssyncset.done $0x0  }
0xb4: {  	s30 =	simm.s32 $0x1500;
	[sflag:s12] =	ssyncadd.s32 $0xFFFFC000  }
0xb5: {  	[tilespmem:s16], [sflag:$0x1] =	stream.indirect.gather [hbm4b:s1+s15], $0x80, s30, s15, $0xb8;
	[tilespmem:$0x1F800] =	vst v63  }
0xb6: {  	_ =	swait.ge [sflag:s20], $0x4000  }
0xb7: {  	[sflag:s20] =	ssyncset.done $0x0  }
0xb8: {  	s31 =	simm.s32 $0x2880;
	[sflag:s20] =	ssyncadd.s32 $0xFFFFC000  }
0xb9: {  	[spmem:s3] =	stream.indirect.scatter.add.f32 [tilespmem:s17], [sflag:$0x3], $0x80, s31, s15, $0xb8;
	[tilespmem:$0x1F800] =	vst v63  }
0xba: {  	_ =	swait.ge [sflag:s12], $0x4000  }
0xbb: {  	[sflag:s12] =	ssyncset.done $0x0  }
0xbc: {  	s25 =	simm.s32 $0x1580;
	s24 =	simm.s32 $0x400;
	[sflag:s12] =	ssyncadd.s32 $0xFFFFC000  }
.LBB2_5:
0xbd: {  	[tilespmem:s17], [sflag:$0x2] =	stream.indirect.gather [hbm4b:s1+s15], $0x80, s25, s15, $0xb8;
	[tilespmem:$0x1F800] =	vst v63  }
0xbe: {  	s25 =	smov.u32 s24  }
0xbf: {  	p1 =	seq.s32 s24, $0x4800;
	s24 =	sadd.s32 $0x400, s24;
	_ =	swait.ge [sflag:s19], $0x4000  }
0xc0: {  	s25 =	sshra.s32 s25, $0x2;
	[sflag:s19] =	ssyncset.done $0x0  }
0xc1: {  	s26 =	sadd.s32 $0x2800, s25;
	[sflag:s19] =	ssyncadd.s32 $0xFFFFC000  }
0xc2: {  	[spmem:s3] =	stream.indirect.scatter.add.f32 [tilespmem:s16], [sflag:$0x3], $0x80, s26, s15, $0xb8;
	[tilespmem:$0x1F800] =	vst v63  }
0xc3: {  	_ =	swait.ge [sflag:s12], $0x4000  }
0xc4: {  	[sflag:s12] =	ssyncset.done $0x0  }
0xc5: {  	s26 =	sadd.s32 $0x1500, s25;
	[sflag:s12] =	ssyncadd.s32 $0xFFFFC000  }
0xc6: {  	[tilespmem:s16], [sflag:$0x1] =	stream.indirect.gather [hbm4b:s1+s15], $0x80, s26, s15, $0xb8;
	[tilespmem:$0x1F800] =	vst v63  }
0xc7: {  	_ =	swait.ge [sflag:s20], $0x4000  }
0xc8: {  	[sflag:s20] =	ssyncset.done $0x0  }
.Ltmp7:
0xc9: {  	s26 =	sadd.s32 $0x2880, s25;
	[sflag:s20] =	ssyncadd.s32 $0xFFFFC000;
	(pc) =	sbr.rel @!p1 .LBB2_5-.Ltmp7, $4  }
0xca: {  	[spmem:s3] =	stream.indirect.scatter.add.f32 [tilespmem:s17], [sflag:$0x3], $0x80, s26, s15, $0xb8;
	[tilespmem:$0x1F800] =	vst v63  }
0xcb: {  	_ =	swait.ge [sflag:s12], $0x4000  }
0xcc: {  	[sflag:s12] =	ssyncset.done $0x0  }
0xcd: {  	s25 =	sadd.s32 $0x1580, s25;
	[sflag:s12] =	ssyncadd.s32 $0xFFFFC000  }
.Ltmp8:
0xce: {  	(pc) =	sbr.rel .LBB2_12-.Ltmp8, $2  }
0xcf: {  	_ =	sdelay $0x2  }
0xd0: {  	[tilespmem:s17], [sflag:$0x2] =	stream.indirect.gather [hbm4b:s1+s15], $0x80, s25, s15, $0xb8;
	[tilespmem:$0x1F800] =	vst v63  }
.LBB2_13:
0xd1: {  	_ =	sfence.sel $0x180000  }
0xd2: {  	[bflag:$0x0] =	sbarrier.arrive $0xFFFF  }
0xd3: {  	p0 =	sne.s32 s0, $0x0;
	_ =	strace $0x9000004A  }
0xd4: {  	s0 =	sadd.s32 @!p0 $0x100000, s2;
	[bflag:$0x2] =	sbarrier.arrive $0xFFFF  }
0xd5: {  	[sflag:s0] =	ssyncadd.tile.s32 @!p0 $0x1;
	_ =	shalt  }
.Lfunc_end2:
_tile_overlayer_lowered:
.L_overlay_start_2:
0xd6: {  	(tag) =	ssettag $0x2  }
0xd7: {  	s0 =	rddreg [dreg:$0x0];
	s2 =	stileid.u32  }
0xd8: {  	s1 =	rddreg [dreg:$0x1];
	p0 =	sne.s32 s2, $0x0  }
0xd9: {  	s3 =	rddreg [dreg:$0x2];
	[bflag:$0x3] =	sbarrier.arrive $0xFFFF;
	s2 =	simm.s32 @!p0 $0x1C03  }
0xda: {  	[timem:s3], [sflag:s2] =	dma.local @!p0 [hbm:s0], s1  }
0xdb: {  	s0 =	simm.s32 @!p0 $0x3  }
0xdc: {  	_ =	swait.ge @!p0 [sflag:s0], s1  }
0xdd: {  	s1 =	ssub.s32 @!p0 $0x0, s1;
	[sflag:s0] =	ssyncset.done @!p0 $0x0  }
0xde: {  	[sflag:s0] =	ssyncadd.s32 @!p0 s1  }
0xdf: {  	[bflag:$0x3] =	sbarrier.arrive $0xFFFF  }
0xe0: {  	_ =	shalt  }

// kernel: kernel.15.cloned.1.call-start
scs
__scs_entry_jumppad:
0x0: {  	(pc) =	sbr.rel $0x88, $3  }
0x1: {  	(tag) =	ssettag $0x0;
	lr =	simm.s32 $0x1  }
0x2: {  	[smem:$0x3F82] =	sst lr;
	_ =	strace $0xD0000000  }
0x3: {  	_ = 	snop  }
0x4: {  	_ = 	snop  }
0x5: {  	_ = 	snop  }
0x6: {  	_ = 	snop  }
0x7: {  	_ = 	snop  }
__scs_overlays_trampoline_lowered:
0x8: {  	[smem:$0x3F91] =	sst s0  }
0x9: {  	[smem:$0x3F92] =	sst s1  }
0xa: {  	[smem:$0x3F93] =	sst s2  }
0xb: {  	[smem:$0x3F94] =	sst s3  }
0xc: {  	[smem:$0x3F95] =	sst s4  }
0xd: {  	[smem:$0x3F96] =	sst s5  }
0xe: {  	[smem:$0x3F97] =	sst s6  }
0xf: {  	[smem:$0x3F98] =	sst s7  }
0x10: {  	[smem:$0x3F99] =	sst s8  }
0x11: {  	[smem:$0x3F9A] =	sst s9;
	s0 =	simm.s32 @!p0 $0x0  }
0x12: {  	s1 =	sld [smem:$0x3F80];
	s0 =	simm.s32 @p0 $0x1  }
0x13: {  	[smem:$0x3F9B] =	sst s0;
	s0 =	simm.s32 @!p1 $0x0  }
0x14: {  	s2 =	sld [smem:$0x3F7F];
	s0 =	simm.s32 @p1 $0x1  }
0x15: {  	[smem:$0x3F9C] =	sst s0;
	s0 =	simm.s32 @!p2 $0x0  }
0x16: {  	s3 =	sld [smem:$0x3FDB];
	s0 =	simm.s32 @p2 $0x1  }
0x17: {  	s4 =	simm.s32 $0x1BF5;
	[smem:$0x3F9E] =	sst s0  }
0x18: {  	s0 =	sld [smem:$0x3F81];
	_ =	swait.ge [sflag:s4], $0x0  }
0x19: {  	s7 =	sld [smem:$0x3F82]  }
0x1a: {  	s8 =	sadd.s32 $0xFFFFE003, lr  }
0x1b: {  	s9 =	sadd.s32 $0xFFFFFEF7, lr;
	s5 =	simm.s32 $0xFFFFFFFF;
	p2 =	slt.u32 s8, $0xFFFFF086  }
0x1c: {  	p1 =	slt.u32 s9, $0xF7A;
	s5 =	simm.s32 @!p2 $0x0  }
0x1d: {  	s5 =	simm.s32 @p1 $0x1;
	p0 =	seq.s32 s7, s2  }
0x1e: {  	s7 =	smul.u32 @!p0 $0xF7A, s2;
	p2 =	seq.s32 @!p0 s5, $0x0  }
0x1f: {  	s9 =	smul.u32 $0xF7A, s1;
	s8 =	simm.s32 @!p0 $0x1BF5;
	p2 =	por !p2, p0  }
0x20: {  	[sflag:s8] =	ssyncset.s32 @!p0 $0xFFFFF086;
	s6 =	sadd.s32 @!p0 s3, s7;
	s7 =	simm.s32 @!p0 $0x108  }
0x21: {  	s3 =	sadd.s32 s3, s9;
	s6 =	sadd.s32 @!p0 $0x88, s6;
	s7 =	simm.s32 @p2 $0x1082  }
0x22: {  	[simem:s7], [sflag:s8] =	dma.local @!p0 [hbm:s6], $0xF7A  }
0x23: {  	s9 =	sor.u32 $0xD0000000, s2;
	s6 =	simm.s32 $0x108;
	_ =	swait.ge @!p0 [sflag:s8], $0x0  }
0x24: {  	s3 =	sadd.s32 $0x88, s3;
	s6 =	simm.s32 @!p1 $0x1082;
	[sflag:s4] =	ssyncset.s32 $0xFFFFF086  }
0x25: {  	[simem:s6], [sflag:s4] =	dma.local [hbm:s3], $0xF7A  }
0x26: {  	[smem:$0x3F82] =	sst s1;
	(tag) =	ssettag s2;
	_ =	strace s9  }
0x27: {  	s1 =	sld [smem:$0x3F92]  }
0x28: {  	s2 =	sld [smem:$0x3F93]  }
0x29: {  	s4 =	sld [smem:$0x3F95]  }
0x2a: {  	p0 =	seq.s32 s5, $0x0;
	s5 =	sld [smem:$0x3F96]  }
0x2b: {  	s6 =	sld [smem:$0x3F97]  }
0x2c: {  	s7 =	sld [smem:$0x3F98]  }
0x2d: {  	s3 =	simm.s32 $0x108;
	s8 =	sld [smem:$0x3F99]  }
0x2e: {  	s3 =	simm.s32 @!p0 $0x1082;
	s9 =	sld [smem:$0x3F9A]  }
0x2f: {  	lr =	sadd.s32 s0, s3;
	s0 =	sld [smem:$0x3F91]  }
0x30: {  	s3 =	sld [smem:$0x3F94]  }
0x31: {  	[smem:$0x3F9D] =	sst s10  }
0x32: {  	s10 =	sld [smem:$0x3F9B];
	_ =	sdelay $0x3  }
0x33: {  	p0 =	seq.s32 s10, $0x1;
	s10 =	sld [smem:$0x3F9D];
	_ =	sdelay $0x3  }
0x34: {  	[smem:$0x3F9D] =	sst s10  }
0x35: {  	s10 =	sld [smem:$0x3F9C];
	_ =	sdelay $0x3  }
0x36: {  	p1 =	seq.s32 s10, $0x1;
	s10 =	sld [smem:$0x3F9D];
	_ =	sdelay $0x3  }
0x37: {  	[smem:$0x3F9D] =	sst s10  }
0x38: {  	s10 =	sld [smem:$0x3F9E]  }
0x39: {  	_ = 	snop;
	(pc) =	sbr.ind lr, $3  }
0x3a: {  	_ = 	snop  }
0x3b: {  	_ = 	snop  }
0x3c: {  	p2 =	seq.s32 s10, $0x1;
	s10 =	sld [smem:$0x3F9D]  }
0x3d: {  	_ =	shalt  }
0x3e: {  	_ =	shalt  }
0x3f: {  	_ =	shalt  }
0x40: {  	_ =	shalt  }
0x41: {  	_ =	shalt  }
0x42: {  	_ =	shalt  }
0x43: {  	_ =	shalt  }
0x44: {  	_ =	shalt  }
0x45: {  	_ =	shalt  }
0x46: {  	_ =	shalt  }
0x47: {  	_ =	shalt  }
0x48: {  	_ =	shalt  }
0x49: {  	_ =	shalt  }
0x4a: {  	_ =	shalt  }
0x4b: {  	_ =	shalt  }
0x4c: {  	_ =	shalt  }
0x4d: {  	_ =	shalt  }
0x4e: {  	_ =	shalt  }
0x4f: {  	_ =	shalt  }
0x50: {  	_ =	shalt  }
0x51: {  	_ =	shalt  }
0x52: {  	_ =	shalt  }
0x53: {  	_ =	shalt  }
0x54: {  	_ =	shalt  }
0x55: {  	_ =	shalt  }
0x56: {  	_ =	shalt  }
0x57: {  	_ =	shalt  }
0x58: {  	_ =	shalt  }
0x59: {  	_ =	shalt  }
0x5a: {  	_ =	shalt  }
0x5b: {  	_ =	shalt  }
0x5c: {  	_ =	shalt  }
0x5d: {  	_ =	shalt  }
0x5e: {  	_ =	shalt  }
0x5f: {  	_ =	shalt  }
0x60: {  	_ =	shalt  }
0x61: {  	_ =	shalt  }
0x62: {  	_ =	shalt  }
0x63: {  	_ =	shalt  }
0x64: {  	_ =	shalt  }
0x65: {  	_ =	shalt  }
0x66: {  	_ =	shalt  }
0x67: {  	_ =	shalt  }
0x68: {  	_ =	shalt  }
0x69: {  	_ =	shalt  }
0x6a: {  	_ =	shalt  }
0x6b: {  	_ =	shalt  }
0x6c: {  	_ =	shalt  }
0x6d: {  	_ =	shalt  }
0x6e: {  	_ =	shalt  }
0x6f: {  	_ =	shalt  }
0x70: {  	_ =	shalt  }
0x71: {  	_ =	shalt  }
0x72: {  	_ =	shalt  }
0x73: {  	_ =	shalt  }
0x74: {  	_ =	shalt  }
0x75: {  	_ =	shalt  }
0x76: {  	_ =	shalt  }
0x77: {  	_ =	shalt  }
0x78: {  	_ =	shalt  }
0x79: {  	_ =	shalt  }
0x7a: {  	_ =	shalt  }
0x7b: {  	_ =	shalt  }
0x7c: {  	_ =	shalt  }
0x7d: {  	_ =	shalt  }
0x7e: {  	_ =	shalt  }
0x7f: {  	_ =	shalt  }
0x80: {  	_ =	shalt  }
0x81: {  	_ =	shalt  }
0x82: {  	_ =	shalt  }
0x83: {  	_ =	shalt  }
0x84: {  	_ =	shalt  }
0x85: {  	_ =	shalt  }
0x86: {  	_ =	shalt  }
0x87: {  	_ =	shalt  }
.Lfunc_end0:
.L_simem_size_0:
called_computation.2_lowered:
.L_overlay_start_0:
0x88: {  	s2 =	sld [smem:$0x3FD9]  }
0x89: {  	s3 =	sld [smem:$0x3FFE];
	_ =	sdelay $0x1  }
0x8a: {  	s1 =	srdreg.scid  }
0x8b: {  	s0 =	sand.u32 $0x1, s1  }
0x8c: {  	s17 =	sshll.u32 s0, $0xA;
	s2 =	sadd.s32 s3, s2  }
0x8d: {  	s2 =	sadd.s32 s2, s17  }
0x8e: {  	[smem:$0x3FA9] =	sst s2  }
0x8f: {  	_ = 	snop  }
0x90: {  	s2 =	sld [smem:$0x3FD0];
	(tm) =	ssettm $0x1  }
0x91: {  	s18 =	sld [smem:$0x3FFB];
	_ =	sdelay $0x3  }
0x92: {  	_ =	strace s18  }
0x93: {  	s3 =	sld [smem:$0x3FFC];
	_ =	sdelay $0x3  }
0x94: {  	_ =	strace s3  }
0x95: {  	s3 =	sld [smem:$0x3FFD];
	_ =	sdelay $0x3  }
0x96: {  	_ =	strace s3  }
0x97: {  	_ =	strace $0x8FFFFFFF  }
0x98: {  	s19 =	sld [smem:$0x3FDB];
	_ =	sdelay $0x1  }
0x99: {  	s4 =	simm.s32 $_scs_section_size  }
0x9a: {  	s5 =	simm.s32 $_size__tile_overlayer_lowered;
	s6 =	simm.s32 $_tile_overlayer_lowered  }
0x9b: {  	s22 =	simm.s32 $0x1BFF;
	s21 =	sshll.u32 s6, $0x1;
	s3 =	sadd.s32 s4, s19  }
0x9c: {  	s7 =	simm.s32 $0x0;
	s20 =	sshll.u32 s5, $0x1;
	s5 =	sadd.s32 s21, s3  }
0x9d: {  	[timem:s7], [sflag:s22] =	dma.local [hbm:s5], s20  }
0x9e: {  	_ =	swait.ge [sflag:s22], s20  }
0x9f: {  	s4 =	ssub.s32 $0x0, s20;
	[sflag:s22] =	ssyncset.done $0x0  }
0xa0: {  	[sflag:s22] =	ssyncadd.s32 s4;
	_ =	sdelay $0x1  }
0xa1: {  	s23 =	simm.s32 $0x1B8B  }
0xa2: {  	_ =	swait.ge [sflag:s23], $0x1  }
0xa3: {  	[sflag:s23] =	ssyncset.done $0x0  }
0xa4: {  	s25 =	simm.s32 $0x1B8E;
	s24 =	sld [smem:$0x3FFE];
	[sflag:s23] =	ssyncadd.s32 $0xFFFFFFFF  }
0xa5: {  	s26 =	simm.s32 $execute0_lowered;
	[smem:$0x3FD2] =	sst s25  }
0xa6: {  	s5 =	sshll.u32 s26, $0x1;
	_ =	strace $0x8000004C;
	[dreg:$0x1] =	wrdreg $0xFFFFFFFF  }
0xa7: {  	s28 =	simm.s32 $_size_execute0_lowered;
	s3 =	sadd.s32 s3, s5;
	[dreg:$0x0] =	wrdreg $0x0  }
0xa8: {  	s5 =	sshll.u32 s28, $0x1;
	[dreg:$0x2] =	wrdreg s3  }
0xa9: {  	[dreg:$0x3] =	wrdreg s5  }
0xaa: {  	[dreg:$0x4] =	wrdreg $0xC0  }
0xab: {  	_ =	task [dreg:s7], $0x5FFFF  }
0xac: {  	[dreg:$0x1] =	wrdreg $0xFFFFFFFF  }
0xad: {  	[dreg:$0x0] =	wrdreg $0x60  }
0xae: {  	[dreg:$0x2] =	wrdreg s2  }
0xaf: {  	[dreg:$0x3] =	wrdreg s24  }
0xb0: {  	[dreg:$0x4] =	wrdreg $0xBC000  }
0xb1: {  	[dreg:$0x5] =	wrdreg $0x9  }
0xb2: {  	_ =	task.clear_ibuf [dreg:s7], $0x6FFFF;
	_ =	strace $0x9000004C  }
0xb3: {  	s29 =	simm.s32 $0x9;
	_ =	strace $0x8000004E  }
0xb4: {  	_ =	swait.ge [sflag:s29], $0x1  }
0xb5: {  	[sflag:s29] =	ssyncadd.s32 $0xFFFFFFFF  }
0xb6: {  	_ =	strace $0x9000004E  }
0xb7: {  	_ =	sfence  }
0xb8: {  	s30 =	sld [smem:$0x0];
	_ =	sdelay $0x2  }
0xb9: {  	s31 =	sshll.u32 s1, $0xD;
	s1 =	sshrl.u32 s1, $0x2  }
0xba: {  	s3 =	sand.u32 $0x4000, s31;
	s1 =	sadd.s32 s1, s30  }
0xbb: {  	s0 =	sor.u32 s3, s0;
	s1 =	sshll.u32 s1, $0x11  }
0xbc: {  	s0 =	sor.u32 s1, s0  }
0xbd: {  	s0 =	sadd.s32 $0x8F2B, s0  }
0xbe: {  	[sflag:s0] =	ssyncadd.remote.s32 $0x1  }
0xbf: {  	_ =	sfence.sel $0xFFFF  }
0xc0: {  	[dreg:$0x0] =	wrdreg $0xFFFFFFFF;
	(pc) =	sbr.abs _section_cstart, $3  }
0xc1: {  	[dreg:$0x1] =	wrdreg $0xFFFFFFFF  }
0xc2: {  	_ =	task.clear_ibuf [dreg:s7], $0x2FFFF;
	_ =	strace $0x9FFFFFFF  }
0xc3: {  	(tm) =	ssettm $0x7FFFFFFF  }
tec
execute0_lowered:
.L_overlay_start_1:
0x0: {  	(tag) =	ssettag $0x1  }
0x1: {  	s1 =	rddreg [dreg:$0x0]  }
0x2: {  	s7 =	rddreg [dreg:$0x1]  }
0x3: {  	s0 =	stileid.u32;
	s2 =	srdreg.scid  }
0x4: {  	s3 =	rddreg [dreg:$0x2];
	s4 =	simm.s32 $0x0;
	s15 =	simm.s32 $0x80  }
0x5: {  	s16 =	simm.s32 $0x3C00;
	s17 =	simm.s32 $0x7C00;
	s18 =	simm.s32 $0x2800  }
0x6: {  	s19 =	simm.s32 $0x1;
	s20 =	simm.s32 $0x2;
	s21 =	simm.s32 $0x3B00  }
0x7: {  	s22 =	simm.s32 $0x3B80;
	s23 =	simm.s32 $0x0;
	s6 =	smul.u32 $0x2800, s0  }
0x8: {  	s8 =	sand.u32 $0x1, s2;
	s2 =	rddreg [dreg:$0x3];
	s10 =	smul.u32 $0x13C00, s0  }
0x9: {  	[smem:$0x7FF] =	sst s4;
	s5 =	sadd.s32 $0x6200, s7;
	s28 =	smul.u32 $0x4F000, s0  }
0xa: {  	s31 =	sshll.u32 s0, $0x6;
	s9 =	smul.u32 $0x13C000, s8;
	_ =	strace $0x8000004D  }
0xb: {  	s12 =	ssub.s32 $0x2, s8;
	p0 =	seq.s32 s8, $0x1;
	s6 =	sshrl.u32 s6, $0x3  }
0xc: {  	s29 =	sshrl.u32 s12, $0x1;
	s30 =	sshrl.u32 s28, $0x2;
	s11 =	sadd.s32 s6, s7  }
.Ltmp0:
0xd: {  	s9 =	sadd.s32 s10, s9;
	s6 =	sadd.s32 $0x37400, s7;
	(pc) =	sbr.rel .LBB2_1-.Ltmp0, $4  }
0xe: {  	s12 =	ssub.s32 s12, s29;
	s14 =	sadd.s32 s30, s3;
	s9 =	sshrl.u32 s9, $0x3  }
0xf: {  	s8 =	sadd.s32 $0x32400, s11;
	s14 =	sshrl.u32 s14, $0x3;
	s13 =	sadd.s32 s9, s7  }
0x10: {  	s7 =	sadd.s32 $0x2D400, s11;
	s9 =	sadd.s32 $0x32680, s11;
	s11 =	smax.u32 s12, $0x1  }
0x11: {  	s12 =	simm.s32 $0x3;
	s10 =	sadd.s32 $0x39C00, s13;
	s13 =	sor.u32 $0x1C03, s31  }
.LBB2_11:
0x12: {  	[tilespmem:s17], [sflag:$0x2] =	stream.indirect.gather [hbm4b:s5+s15], $0x80, s25, s15, $0xb8;
	[tilespmem:$0x1F800] =	vst v63  }
.LBB2_12:
0x13: {  	_ =	swait.ge [sflag:s19], $0x4000  }
0x14: {  	[sflag:s19] =	ssyncset.done $0x0  }
0x15: {  	[sflag:s19] =	ssyncadd.s32 $0xFFFFC000  }
0x16: {  	[spmem:s3] =	stream.indirect.scatter.add.f32 [tilespmem:s16], [sflag:$0x3], $0x80, s21, s15, $0xb8;
	[tilespmem:$0x1F800] =	vst v63  }
0x17: {  	_ =	swait.ge [sflag:s12], $0x4000  }
0x18: {  	[sflag:s12] =	ssyncset.done $0x0  }
0x19: {  	[sflag:s12] =	ssyncadd.s32 $0xFFFFC000  }
0x1a: {  	_ =	swait.ge [sflag:s20], $0x4000  }
0x1b: {  	[sflag:s20] =	ssyncset.done $0x0  }
0x1c: {  	[sflag:s20] =	ssyncadd.s32 $0xFFFFC000  }
0x1d: {  	[spmem:s3] =	stream.indirect.scatter.add.f32 [tilespmem:s17], [sflag:$0x3], $0x80, s22, s15, $0xb8;
	[tilespmem:$0x1F800] =	vst v63  }
0x1e: {  	_ =	swait.ge [sflag:s12], $0x4000  }
0x1f: {  	s23 =	sadd.s32 $0x1, s23;
	[sflag:s12] =	ssyncset.done $0x0  }
0x20: {  	p1 =	sne.s32 s23, s11;
	[sflag:s12] =	ssyncadd.s32 $0xFFFFC000  }
.Ltmp1:
0x21: {  	[bflag:$0x0] =	sbarrier.arrive $0xFFFF;
	(pc) =	sbr.rel @!p1 .LBB2_13-.Ltmp1, $4  }
0x22: {  	[hbm:s10], [sflag:s13] =	dma.local [spmem:s14], $0x2780  }
0x23: {  	_ =	swait.ge [sflag:s12], $0x2780  }
0x24: {  	[sflag:s12] =	ssyncset.done $0x0  }
0x25: {  	[sflag:s12] =	ssyncadd.s32 $0xFFFFD880  }
.LBB2_1:
0x26: {  	[tilespmem:s4], [sflag:$0x3] =	stream.linear.gather [hbm4b:s7+s4], $0x2800, $0x38;
	[tilespmem:$0x1F800] =	vst v63  }
0x27: {  	_ =	swait.ge [sflag:s12], $0x2800  }
0x28: {  	[sflag:s12] =	ssyncset.done $0x0  }
0x29: {  	[sflag:s12] =	ssyncadd.s32 $0xFFFFD800  }
0x2a: {  	[spmem:s14], [sflag:s13] =	dma.local [hbm:s6], $0x2780  }
.Ltmp2:
0x2b: {  	_ =	swait.ge [sflag:s12], $0x2780;
	(pc) =	sbr.rel @!p0 .LBB2_2-.Ltmp2, $4  }
0x2c: {  	[sflag:s12] =	ssyncset.done $0x0  }
0x2d: {  	[sflag:s12] =	ssyncadd.s32 $0xFFFFD880  }
0x2e: {  	[bflag:$0x0] =	sbarrier.arrive $0xFFFF  }
0x2f: {  	s24 =	simm.s32 $0x0  }
0x30: {  	[tilespmem:s16], [sflag:$0x1] =	stream.indirect.gather [hbm4b:s5+s15], $0x80, s24, s15, $0xb8;
	[tilespmem:$0x1F800] =	vst v63  }
0x31: {  	_ = 	snop  }
0x32: {  	[tilespmem:s17], [sflag:$0x2] =	stream.indirect.gather [hbm4b:s5+s15], $0x80, s15, s15, $0xb8;
	[tilespmem:$0x1F800] =	vst v63  }
0x33: {  	_ = 	snop  }
0x34: {  	[tilespmem:s18], [sflag:$0x3] =	stream.linear.gather [hbm4b:s8+s24], $0x1400, $0x38;
	[tilespmem:$0x1F800] =	vst v63  }
0x35: {  	_ =	swait.ge [sflag:s12], $0x1400  }
0x36: {  	[sflag:s12] =	ssyncset.done $0x0  }
0x37: {  	[sflag:s12] =	ssyncadd.s32 $0xFFFFEC00  }
0x38: {  	_ =	swait.ge [sflag:s19], $0x4000  }
0x39: {  	[sflag:s19] =	ssyncset.done $0x0  }
0x3a: {  	s29 =	simm.s32 $0x2800;
	[sflag:s19] =	ssyncadd.s32 $0xFFFFC000  }
0x3b: {  	[spmem:s3] =	stream.indirect.scatter.add.f32 [tilespmem:s16], [sflag:$0x3], $0x80, s29, s15, $0xb8;
	[tilespmem:$0x1F800] =	vst v63  }
0x3c: {  	_ =	swait.ge [sflag:s12], $0x4000  }
0x3d: {  	[sflag:s12] =	ssyncset.done $0x0  }
0x3e: {  	s30 =	simm.s32 $0x100;
	[sflag:s12] =	ssyncadd.s32 $0xFFFFC000  }
0x3f: {  	[tilespmem:s16], [sflag:$0x1] =	stream.indirect.gather [hbm4b:s5+s15], $0x80, s30, s15, $0xb8;
	[tilespmem:$0x1F800] =	vst v63  }
0x40: {  	_ =	swait.ge [sflag:s20], $0x4000  }
0x41: {  	[sflag:s20] =	ssyncset.done $0x0  }
0x42: {  	s31 =	simm.s32 $0x2880;
	[sflag:s20] =	ssyncadd.s32 $0xFFFFC000  }
0x43: {  	[spmem:s3] =	stream.indirect.scatter.add.f32 [tilespmem:s17], [sflag:$0x3], $0x80, s31, s15, $0xb8;
	[tilespmem:$0x1F800] =	vst v63  }
0x44: {  	_ =	swait.ge [sflag:s12], $0x4000  }
0x45: {  	[sflag:s12] =	ssyncset.done $0x0  }
0x46: {  	s25 =	simm.s32 $0x180;
	s24 =	simm.s32 $0x400;
	[sflag:s12] =	ssyncadd.s32 $0xFFFFC000  }
.LBB2_8:
0x47: {  	[tilespmem:s17], [sflag:$0x2] =	stream.indirect.gather [hbm4b:s5+s15], $0x80, s25, s15, $0xb8;
	[tilespmem:$0x1F800] =	vst v63  }
0x48: {  	s25 =	smov.u32 s24  }
0x49: {  	p1 =	sne.s32 s24, $0x4C00;
	s24 =	sadd.s32 $0x400, s24;
	_ =	swait.ge [sflag:s19], $0x4000  }
0x4a: {  	s25 =	sshra.s32 s25, $0x2;
	[sflag:s19] =	ssyncset.done $0x0  }
0x4b: {  	s26 =	sadd.s32 $0x2800, s25;
	[sflag:s19] =	ssyncadd.s32 $0xFFFFC000  }
0x4c: {  	[spmem:s3] =	stream.indirect.scatter.add.f32 [tilespmem:s16], [sflag:$0x3], $0x80, s26, s15, $0xb8;
	[tilespmem:$0x1F800] =	vst v63  }
0x4d: {  	_ =	swait.ge [sflag:s12], $0x4000  }
0x4e: {  	[sflag:s12] =	ssyncset.done $0x0  }
0x4f: {  	s26 =	sadd.s32 $0x100, s25;
	[sflag:s12] =	ssyncadd.s32 $0xFFFFC000  }
0x50: {  	[tilespmem:s16], [sflag:$0x1] =	stream.indirect.gather [hbm4b:s5+s15], $0x80, s26, s15, $0xb8;
	[tilespmem:$0x1F800] =	vst v63  }
0x51: {  	_ =	swait.ge [sflag:s20], $0x4000  }
0x52: {  	[sflag:s20] =	ssyncset.done $0x0  }
.Ltmp3:
0x53: {  	s26 =	sadd.s32 $0x2880, s25;
	[sflag:s20] =	ssyncadd.s32 $0xFFFFC000;
	(pc) =	sbr.rel @p1 .LBB2_8-.Ltmp3, $4  }
0x54: {  	[spmem:s3] =	stream.indirect.scatter.add.f32 [tilespmem:s17], [sflag:$0x3], $0x80, s26, s15, $0xb8;
	[tilespmem:$0x1F800] =	vst v63  }
0x55: {  	_ =	swait.ge [sflag:s12], $0x4000  }
0x56: {  	[sflag:s12] =	ssyncset.done $0x0  }
0x57: {  	s25 =	sadd.s32 $0x180, s25;
	[sflag:s12] =	ssyncadd.s32 $0xFFFFC000  }
0x58: {  	[tilespmem:s17], [sflag:$0x2] =	stream.indirect.gather [hbm4b:s5+s15], $0x80, s25, s15, $0xb8;
	[tilespmem:$0x1F800] =	vst v63  }
0x59: {  	s24 =	simm.s32 $0x0  }
0x5a: {  	[tilespmem:s18], [sflag:$0x3] =	stream.linear.gather [hbm4b:s9+s24], $0x1400, $0x38;
	[tilespmem:$0x1F800] =	vst v63  }
0x5b: {  	_ =	swait.ge [sflag:s12], $0x1400  }
0x5c: {  	[sflag:s12] =	ssyncset.done $0x0  }
0x5d: {  	[sflag:s12] =	ssyncadd.s32 $0xFFFFEC00  }
0x5e: {  	_ =	swait.ge [sflag:s19], $0x4000  }
0x5f: {  	[sflag:s19] =	ssyncset.done $0x0  }
0x60: {  	s29 =	simm.s32 $0x2800;
	[sflag:s19] =	ssyncadd.s32 $0xFFFFC000  }
0x61: {  	[spmem:s3] =	stream.indirect.scatter.add.f32 [tilespmem:s16], [sflag:$0x3], $0x80, s29, s15, $0xb8;
	[tilespmem:$0x1F800] =	vst v63  }
0x62: {  	_ =	swait.ge [sflag:s12], $0x4000  }
0x63: {  	[sflag:s12] =	ssyncset.done $0x0  }
0x64: {  	s30 =	simm.s32 $0x1500;
	[sflag:s12] =	ssyncadd.s32 $0xFFFFC000  }
0x65: {  	[tilespmem:s16], [sflag:$0x1] =	stream.indirect.gather [hbm4b:s5+s15], $0x80, s30, s15, $0xb8;
	[tilespmem:$0x1F800] =	vst v63  }
0x66: {  	_ =	swait.ge [sflag:s20], $0x4000  }
0x67: {  	[sflag:s20] =	ssyncset.done $0x0  }
0x68: {  	s31 =	simm.s32 $0x2880;
	[sflag:s20] =	ssyncadd.s32 $0xFFFFC000  }
0x69: {  	[spmem:s3] =	stream.indirect.scatter.add.f32 [tilespmem:s17], [sflag:$0x3], $0x80, s31, s15, $0xb8;
	[tilespmem:$0x1F800] =	vst v63  }
0x6a: {  	_ =	swait.ge [sflag:s12], $0x4000  }
0x6b: {  	[sflag:s12] =	ssyncset.done $0x0  }
0x6c: {  	s25 =	simm.s32 $0x1580;
	s24 =	simm.s32 $0x400;
	[sflag:s12] =	ssyncadd.s32 $0xFFFFC000  }
.LBB2_10:
0x6d: {  	[tilespmem:s17], [sflag:$0x2] =	stream.indirect.gather [hbm4b:s5+s15], $0x80, s25, s15, $0xb8;
	[tilespmem:$0x1F800] =	vst v63  }
0x6e: {  	s25 =	smov.u32 s24  }
0x6f: {  	p1 =	sne.s32 s24, $0x4800;
	s24 =	sadd.s32 $0x400, s24;
	_ =	swait.ge [sflag:s19], $0x4000  }
0x70: {  	s25 =	sshra.s32 s25, $0x2;
	[sflag:s19] =	ssyncset.done $0x0  }
0x71: {  	s26 =	sadd.s32 $0x2800, s25;
	[sflag:s19] =	ssyncadd.s32 $0xFFFFC000  }
0x72: {  	[spmem:s3] =	stream.indirect.scatter.add.f32 [tilespmem:s16], [sflag:$0x3], $0x80, s26, s15, $0xb8;
	[tilespmem:$0x1F800] =	vst v63  }
0x73: {  	_ =	swait.ge [sflag:s12], $0x4000  }
0x74: {  	[sflag:s12] =	ssyncset.done $0x0  }
0x75: {  	s26 =	sadd.s32 $0x1500, s25;
	[sflag:s12] =	ssyncadd.s32 $0xFFFFC000  }
0x76: {  	[tilespmem:s16], [sflag:$0x1] =	stream.indirect.gather [hbm4b:s5+s15], $0x80, s26, s15, $0xb8;
	[tilespmem:$0x1F800] =	vst v63  }
0x77: {  	_ =	swait.ge [sflag:s20], $0x4000  }
0x78: {  	[sflag:s20] =	ssyncset.done $0x0  }
.Ltmp4:
0x79: {  	s26 =	sadd.s32 $0x2880, s25;
	[sflag:s20] =	ssyncadd.s32 $0xFFFFC000;
	(pc) =	sbr.rel @p1 .LBB2_10-.Ltmp4, $4  }
0x7a: {  	[spmem:s3] =	stream.indirect.scatter.add.f32 [tilespmem:s17], [sflag:$0x3], $0x80, s26, s15, $0xb8;
	[tilespmem:$0x1F800] =	vst v63  }
0x7b: {  	_ =	swait.ge [sflag:s12], $0x4000  }
0x7c: {  	[sflag:s12] =	ssyncset.done $0x0  }
0x7d: {  	s25 =	sadd.s32 $0x1580, s25;
	[sflag:s12] =	ssyncadd.s32 $0xFFFFC000  }
.Ltmp5:
0x7e: {  	_ = 	snop;
	(pc) =	sbr.rel .LBB2_11-.Ltmp5, $1  }
0x7f: {  	_ =	sdelay $0x3  }
.LBB2_2:
0x80: {  	[tilespmem:s16], [sflag:$0x1] =	stream.indirect.gather [hbm4b:s1+s15], $0x80, s24, s15, $0xb8;
	[tilespmem:$0x1F800] =	vst v63  }
0x81: {  	_ = 	snop  }
0x82: {  	[tilespmem:s17], [sflag:$0x2] =	stream.indirect.gather [hbm4b:s1+s15], $0x80, s15, s15, $0xb8;
	[tilespmem:$0x1F800] =	vst v63  }
0x83: {  	_ = 	snop  }
0x84: {  	[tilespmem:s18], [sflag:$0x3] =	stream.linear.gather [hbm4b:s8+s24], $0x1400, $0x38;
	[tilespmem:$0x1F800] =	vst v63  }
0x85: {  	_ =	swait.ge [sflag:s12], $0x1400  }
0x86: {  	[sflag:s12] =	ssyncset.done $0x0  }
0x87: {  	[sflag:s12] =	ssyncadd.s32 $0xFFFFEC00  }
0x88: {  	_ =	swait.ge [sflag:s19], $0x4000  }
0x89: {  	[sflag:s19] =	ssyncset.done $0x0  }
0x8a: {  	s29 =	simm.s32 $0x2800;
	[sflag:s19] =	ssyncadd.s32 $0xFFFFC000  }
0x8b: {  	[spmem:s3] =	stream.indirect.scatter.add.f32 [tilespmem:s16], [sflag:$0x3], $0x80, s29, s15, $0xb8;
	[tilespmem:$0x1F800] =	vst v63  }
0x8c: {  	_ =	swait.ge [sflag:s12], $0x4000  }
0x8d: {  	[sflag:s12] =	ssyncset.done $0x0  }
0x8e: {  	s30 =	simm.s32 $0x100;
	[sflag:s12] =	ssyncadd.s32 $0xFFFFC000  }
0x8f: {  	[tilespmem:s16], [sflag:$0x1] =	stream.indirect.gather [hbm4b:s1+s15], $0x80, s30, s15, $0xb8;
	[tilespmem:$0x1F800] =	vst v63  }
0x90: {  	_ =	swait.ge [sflag:s20], $0x4000  }
0x91: {  	[sflag:s20] =	ssyncset.done $0x0  }
0x92: {  	s31 =	simm.s32 $0x2880;
	[sflag:s20] =	ssyncadd.s32 $0xFFFFC000  }
0x93: {  	[spmem:s3] =	stream.indirect.scatter.add.f32 [tilespmem:s17], [sflag:$0x3], $0x80, s31, s15, $0xb8;
	[tilespmem:$0x1F800] =	vst v63  }
0x94: {  	_ =	swait.ge [sflag:s12], $0x4000  }
0x95: {  	[sflag:s12] =	ssyncset.done $0x0  }
0x96: {  	s25 =	simm.s32 $0x180;
	s24 =	simm.s32 $0x400;
	[sflag:s12] =	ssyncadd.s32 $0xFFFFC000  }
.LBB2_3:
0x97: {  	[tilespmem:s17], [sflag:$0x2] =	stream.indirect.gather [hbm4b:s1+s15], $0x80, s25, s15, $0xb8;
	[tilespmem:$0x1F800] =	vst v63  }
0x98: {  	s25 =	smov.u32 s24  }
0x99: {  	p1 =	sne.s32 s24, $0x4C00;
	s24 =	sadd.s32 $0x400, s24;
	_ =	swait.ge [sflag:s19], $0x4000  }
0x9a: {  	s25 =	sshra.s32 s25, $0x2;
	[sflag:s19] =	ssyncset.done $0x0  }
0x9b: {  	s26 =	sadd.s32 $0x2800, s25;
	[sflag:s19] =	ssyncadd.s32 $0xFFFFC000  }
0x9c: {  	[spmem:s3] =	stream.indirect.scatter.add.f32 [tilespmem:s16], [sflag:$0x3], $0x80, s26, s15, $0xb8;
	[tilespmem:$0x1F800] =	vst v63  }
0x9d: {  	_ =	swait.ge [sflag:s12], $0x4000  }
0x9e: {  	[sflag:s12] =	ssyncset.done $0x0  }
0x9f: {  	s26 =	sadd.s32 $0x100, s25;
	[sflag:s12] =	ssyncadd.s32 $0xFFFFC000  }
0xa0: {  	[tilespmem:s16], [sflag:$0x1] =	stream.indirect.gather [hbm4b:s1+s15], $0x80, s26, s15, $0xb8;
	[tilespmem:$0x1F800] =	vst v63  }
0xa1: {  	_ =	swait.ge [sflag:s20], $0x4000  }
0xa2: {  	[sflag:s20] =	ssyncset.done $0x0  }
.Ltmp6:
0xa3: {  	s26 =	sadd.s32 $0x2880, s25;
	[sflag:s20] =	ssyncadd.s32 $0xFFFFC000;
	(pc) =	sbr.rel @p1 .LBB2_3-.Ltmp6, $4  }
0xa4: {  	[spmem:s3] =	stream.indirect.scatter.add.f32 [tilespmem:s17], [sflag:$0x3], $0x80, s26, s15, $0xb8;
	[tilespmem:$0x1F800] =	vst v63  }
0xa5: {  	_ =	swait.ge [sflag:s12], $0x4000  }
0xa6: {  	[sflag:s12] =	ssyncset.done $0x0  }
0xa7: {  	s25 =	sadd.s32 $0x180, s25;
	[sflag:s12] =	ssyncadd.s32 $0xFFFFC000  }
0xa8: {  	[tilespmem:s17], [sflag:$0x2] =	stream.indirect.gather [hbm4b:s1+s15], $0x80, s25, s15, $0xb8;
	[tilespmem:$0x1F800] =	vst v63  }
0xa9: {  	s24 =	simm.s32 $0x0  }
0xaa: {  	[tilespmem:s18], [sflag:$0x3] =	stream.linear.gather [hbm4b:s9+s24], $0x1400, $0x38;
	[tilespmem:$0x1F800] =	vst v63  }
0xab: {  	_ =	swait.ge [sflag:s12], $0x1400  }
0xac: {  	[sflag:s12] =	ssyncset.done $0x0  }
0xad: {  	[sflag:s12] =	ssyncadd.s32 $0xFFFFEC00  }
0xae: {  	_ =	swait.ge [sflag:s19], $0x4000  }
0xaf: {  	[sflag:s19] =	ssyncset.done $0x0  }
0xb0: {  	s29 =	simm.s32 $0x2800;
	[sflag:s19] =	ssyncadd.s32 $0xFFFFC000  }
0xb1: {  	[spmem:s3] =	stream.indirect.scatter.add.f32 [tilespmem:s16], [sflag:$0x3], $0x80, s29, s15, $0xb8;
	[tilespmem:$0x1F800] =	vst v63  }
0xb2: {  	_ =	swait.ge [sflag:s12], $0x4000  }
0xb3: {  	[sflag:s12] =	ssyncset.done $0x0  }
0xb4: {  	s30 =	simm.s32 $0x1500;
	[sflag:s12] =	ssyncadd.s32 $0xFFFFC000  }
0xb5: {  	[tilespmem:s16], [sflag:$0x1] =	stream.indirect.gather [hbm4b:s1+s15], $0x80, s30, s15, $0xb8;
	[tilespmem:$0x1F800] =	vst v63  }
0xb6: {  	_ =	swait.ge [sflag:s20], $0x4000  }
0xb7: {  	[sflag:s20] =	ssyncset.done $0x0  }
0xb8: {  	s31 =	simm.s32 $0x2880;
	[sflag:s20] =	ssyncadd.s32 $0xFFFFC000  }
0xb9: {  	[spmem:s3] =	stream.indirect.scatter.add.f32 [tilespmem:s17], [sflag:$0x3], $0x80, s31, s15, $0xb8;
	[tilespmem:$0x1F800] =	vst v63  }
0xba: {  	_ =	swait.ge [sflag:s12], $0x4000  }
0xbb: {  	[sflag:s12] =	ssyncset.done $0x0  }
0xbc: {  	s25 =	simm.s32 $0x1580;
	s24 =	simm.s32 $0x400;
	[sflag:s12] =	ssyncadd.s32 $0xFFFFC000  }
.LBB2_5:
0xbd: {  	[tilespmem:s17], [sflag:$0x2] =	stream.indirect.gather [hbm4b:s1+s15], $0x80, s25, s15, $0xb8;
	[tilespmem:$0x1F800] =	vst v63  }
0xbe: {  	s25 =	smov.u32 s24  }
0xbf: {  	p1 =	seq.s32 s24, $0x4800;
	s24 =	sadd.s32 $0x400, s24;
	_ =	swait.ge [sflag:s19], $0x4000  }
0xc0: {  	s25 =	sshra.s32 s25, $0x2;
	[sflag:s19] =	ssyncset.done $0x0  }
0xc1: {  	s26 =	sadd.s32 $0x2800, s25;
	[sflag:s19] =	ssyncadd.s32 $0xFFFFC000  }
0xc2: {  	[spmem:s3] =	stream.indirect.scatter.add.f32 [tilespmem:s16], [sflag:$0x3], $0x80, s26, s15, $0xb8;
	[tilespmem:$0x1F800] =	vst v63  }
0xc3: {  	_ =	swait.ge [sflag:s12], $0x4000  }
0xc4: {  	[sflag:s12] =	ssyncset.done $0x0  }
0xc5: {  	s26 =	sadd.s32 $0x1500, s25;
	[sflag:s12] =	ssyncadd.s32 $0xFFFFC000  }
0xc6: {  	[tilespmem:s16], [sflag:$0x1] =	stream.indirect.gather [hbm4b:s1+s15], $0x80, s26, s15, $0xb8;
	[tilespmem:$0x1F800] =	vst v63  }
0xc7: {  	_ =	swait.ge [sflag:s20], $0x4000  }
0xc8: {  	[sflag:s20] =	ssyncset.done $0x0  }
.Ltmp7:
0xc9: {  	s26 =	sadd.s32 $0x2880, s25;
	[sflag:s20] =	ssyncadd.s32 $0xFFFFC000;
	(pc) =	sbr.rel @!p1 .LBB2_5-.Ltmp7, $4  }
0xca: {  	[spmem:s3] =	stream.indirect.scatter.add.f32 [tilespmem:s17], [sflag:$0x3], $0x80, s26, s15, $0xb8;
	[tilespmem:$0x1F800] =	vst v63  }
0xcb: {  	_ =	swait.ge [sflag:s12], $0x4000  }
0xcc: {  	[sflag:s12] =	ssyncset.done $0x0  }
0xcd: {  	s25 =	sadd.s32 $0x1580, s25;
	[sflag:s12] =	ssyncadd.s32 $0xFFFFC000  }
.Ltmp8:
0xce: {  	(pc) =	sbr.rel .LBB2_12-.Ltmp8, $2  }
0xcf: {  	_ =	sdelay $0x2  }
0xd0: {  	[tilespmem:s17], [sflag:$0x2] =	stream.indirect.gather [hbm4b:s1+s15], $0x80, s25, s15, $0xb8;
	[tilespmem:$0x1F800] =	vst v63  }
.LBB2_13:
0xd1: {  	_ =	sfence.sel $0x180000  }
0xd2: {  	[bflag:$0x0] =	sbarrier.arrive $0xFFFF  }
0xd3: {  	p0 =	sne.s32 s0, $0x0;
	_ =	strace $0x9000004D  }
0xd4: {  	s0 =	sadd.s32 @!p0 $0x100000, s2;
	[bflag:$0x2] =	sbarrier.arrive $0xFFFF  }
0xd5: {  	[sflag:s0] =	ssyncadd.tile.s32 @!p0 $0x1;
	_ =	shalt  }
.Lfunc_end2:
_tile_overlayer_lowered:
.L_overlay_start_2:
0xd6: {  	(tag) =	ssettag $0x2  }
0xd7: {  	s0 =	rddreg [dreg:$0x0];
	s2 =	stileid.u32  }
0xd8: {  	s1 =	rddreg [dreg:$0x1];
	p0 =	sne.s32 s2, $0x0  }
0xd9: {  	s3 =	rddreg [dreg:$0x2];
	[bflag:$0x3] =	sbarrier.arrive $0xFFFF;
	s2 =	simm.s32 @!p0 $0x1C03  }
0xda: {  	[timem:s3], [sflag:s2] =	dma.local @!p0 [hbm:s0], s1  }
0xdb: {  	s0 =	simm.s32 @!p0 $0x3  }
0xdc: {  	_ =	swait.ge @!p0 [sflag:s0], s1  }
0xdd: {  	s1 =	ssub.s32 @!p0 $0x0, s1;
	[sflag:s0] =	ssyncset.done @!p0 $0x0  }
0xde: {  	[sflag:s0] =	ssyncadd.s32 @!p0 s1  }
0xdf: {  	[bflag:$0x3] =	sbarrier.arrive $0xFFFF  }
0xe0: {  	_ =	shalt  }

// kernel: kernel.9.cloned.1.call-start
scs
__scs_entry_jumppad:
0x0: {  	(pc) =	sbr.rel $0x88, $3  }
0x1: {  	(tag) =	ssettag $0x0;
	lr =	simm.s32 $0x1  }
0x2: {  	[smem:$0x3F82] =	sst lr;
	_ =	strace $0xD0000000  }
0x3: {  	_ = 	snop  }
0x4: {  	_ = 	snop  }
0x5: {  	_ = 	snop  }
0x6: {  	_ = 	snop  }
0x7: {  	_ = 	snop  }
__scs_overlays_trampoline_lowered:
0x8: {  	[smem:$0x3F91] =	sst s0  }
0x9: {  	[smem:$0x3F92] =	sst s1  }
0xa: {  	[smem:$0x3F93] =	sst s2  }
0xb: {  	[smem:$0x3F94] =	sst s3  }
0xc: {  	[smem:$0x3F95] =	sst s4  }
0xd: {  	[smem:$0x3F96] =	sst s5  }
0xe: {  	[smem:$0x3F97] =	sst s6  }
0xf: {  	[smem:$0x3F98] =	sst s7  }
0x10: {  	[smem:$0x3F99] =	sst s8  }
0x11: {  	[smem:$0x3F9A] =	sst s9;
	s0 =	simm.s32 @!p0 $0x0  }
0x12: {  	s1 =	sld [smem:$0x3F80];
	s0 =	simm.s32 @p0 $0x1  }
0x13: {  	[smem:$0x3F9B] =	sst s0;
	s0 =	simm.s32 @!p1 $0x0  }
0x14: {  	s2 =	sld [smem:$0x3F7F];
	s0 =	simm.s32 @p1 $0x1  }
0x15: {  	[smem:$0x3F9C] =	sst s0;
	s0 =	simm.s32 @!p2 $0x0  }
0x16: {  	s3 =	sld [smem:$0x3FDB];
	s0 =	simm.s32 @p2 $0x1  }
0x17: {  	s4 =	simm.s32 $0x1BF5;
	[smem:$0x3F9E] =	sst s0  }
0x18: {  	s0 =	sld [smem:$0x3F81];
	_ =	swait.ge [sflag:s4], $0x0  }
0x19: {  	s7 =	sld [smem:$0x3F82]  }
0x1a: {  	s8 =	sadd.s32 $0xFFFFE003, lr  }
0x1b: {  	s9 =	sadd.s32 $0xFFFFFEF7, lr;
	s5 =	simm.s32 $0xFFFFFFFF;
	p2 =	slt.u32 s8, $0xFFFFF086  }
0x1c: {  	p1 =	slt.u32 s9, $0xF7A;
	s5 =	simm.s32 @!p2 $0x0  }
0x1d: {  	s5 =	simm.s32 @p1 $0x1;
	p0 =	seq.s32 s7, s2  }
0x1e: {  	s7 =	smul.u32 @!p0 $0xF7A, s2;
	p2 =	seq.s32 @!p0 s5, $0x0  }
0x1f: {  	s9 =	smul.u32 $0xF7A, s1;
	s8 =	simm.s32 @!p0 $0x1BF5;
	p2 =	por !p2, p0  }
0x20: {  	[sflag:s8] =	ssyncset.s32 @!p0 $0xFFFFF086;
	s6 =	sadd.s32 @!p0 s3, s7;
	s7 =	simm.s32 @!p0 $0x108  }
0x21: {  	s3 =	sadd.s32 s3, s9;
	s6 =	sadd.s32 @!p0 $0x88, s6;
	s7 =	simm.s32 @p2 $0x1082  }
0x22: {  	[simem:s7], [sflag:s8] =	dma.local @!p0 [hbm:s6], $0xF7A  }
0x23: {  	s9 =	sor.u32 $0xD0000000, s2;
	s6 =	simm.s32 $0x108;
	_ =	swait.ge @!p0 [sflag:s8], $0x0  }
0x24: {  	s3 =	sadd.s32 $0x88, s3;
	s6 =	simm.s32 @!p1 $0x1082;
	[sflag:s4] =	ssyncset.s32 $0xFFFFF086  }
0x25: {  	[simem:s6], [sflag:s4] =	dma.local [hbm:s3], $0xF7A  }
0x26: {  	[smem:$0x3F82] =	sst s1;
	(tag) =	ssettag s2;
	_ =	strace s9  }
0x27: {  	s1 =	sld [smem:$0x3F92]  }
0x28: {  	s2 =	sld [smem:$0x3F93]  }
0x29: {  	s4 =	sld [smem:$0x3F95]  }
0x2a: {  	p0 =	seq.s32 s5, $0x0;
	s5 =	sld [smem:$0x3F96]  }
0x2b: {  	s6 =	sld [smem:$0x3F97]  }
0x2c: {  	s7 =	sld [smem:$0x3F98]  }
0x2d: {  	s3 =	simm.s32 $0x108;
	s8 =	sld [smem:$0x3F99]  }
0x2e: {  	s3 =	simm.s32 @!p0 $0x1082;
	s9 =	sld [smem:$0x3F9A]  }
0x2f: {  	lr =	sadd.s32 s0, s3;
	s0 =	sld [smem:$0x3F91]  }
0x30: {  	s3 =	sld [smem:$0x3F94]  }
0x31: {  	[smem:$0x3F9D] =	sst s10  }
0x32: {  	s10 =	sld [smem:$0x3F9B];
	_ =	sdelay $0x3  }
0x33: {  	p0 =	seq.s32 s10, $0x1;
	s10 =	sld [smem:$0x3F9D];
	_ =	sdelay $0x3  }
0x34: {  	[smem:$0x3F9D] =	sst s10  }
0x35: {  	s10 =	sld [smem:$0x3F9C];
	_ =	sdelay $0x3  }
0x36: {  	p1 =	seq.s32 s10, $0x1;
	s10 =	sld [smem:$0x3F9D];
	_ =	sdelay $0x3  }
0x37: {  	[smem:$0x3F9D] =	sst s10  }
0x38: {  	s10 =	sld [smem:$0x3F9E]  }
0x39: {  	_ = 	snop;
	(pc) =	sbr.ind lr, $3  }
0x3a: {  	_ = 	snop  }
0x3b: {  	_ = 	snop  }
0x3c: {  	p2 =	seq.s32 s10, $0x1;
	s10 =	sld [smem:$0x3F9D]  }
0x3d: {  	_ =	shalt  }
0x3e: {  	_ =	shalt  }
0x3f: {  	_ =	shalt  }
0x40: {  	_ =	shalt  }
0x41: {  	_ =	shalt  }
0x42: {  	_ =	shalt  }
0x43: {  	_ =	shalt  }
0x44: {  	_ =	shalt  }
0x45: {  	_ =	shalt  }
0x46: {  	_ =	shalt  }
0x47: {  	_ =	shalt  }
0x48: {  	_ =	shalt  }
0x49: {  	_ =	shalt  }
0x4a: {  	_ =	shalt  }
0x4b: {  	_ =	shalt  }
0x4c: {  	_ =	shalt  }
0x4d: {  	_ =	shalt  }
0x4e: {  	_ =	shalt  }
0x4f: {  	_ =	shalt  }
0x50: {  	_ =	shalt  }
0x51: {  	_ =	shalt  }
0x52: {  	_ =	shalt  }
0x53: {  	_ =	shalt  }
0x54: {  	_ =	shalt  }
0x55: {  	_ =	shalt  }
0x56: {  	_ =	shalt  }
0x57: {  	_ =	shalt  }
0x58: {  	_ =	shalt  }
0x59: {  	_ =	shalt  }
0x5a: {  	_ =	shalt  }
0x5b: {  	_ =	shalt  }
0x5c: {  	_ =	shalt  }
0x5d: {  	_ =	shalt  }
0x5e: {  	_ =	shalt  }
0x5f: {  	_ =	shalt  }
0x60: {  	_ =	shalt  }
0x61: {  	_ =	shalt  }
0x62: {  	_ =	shalt  }
0x63: {  	_ =	shalt  }
0x64: {  	_ =	shalt  }
0x65: {  	_ =	shalt  }
0x66: {  	_ =	shalt  }
0x67: {  	_ =	shalt  }
0x68: {  	_ =	shalt  }
0x69: {  	_ =	shalt  }
0x6a: {  	_ =	shalt  }
0x6b: {  	_ =	shalt  }
0x6c: {  	_ =	shalt  }
0x6d: {  	_ =	shalt  }
0x6e: {  	_ =	shalt  }
0x6f: {  	_ =	shalt  }
0x70: {  	_ =	shalt  }
0x71: {  	_ =	shalt  }
0x72: {  	_ =	shalt  }
0x73: {  	_ =	shalt  }
0x74: {  	_ =	shalt  }
0x75: {  	_ =	shalt  }
0x76: {  	_ =	shalt  }
0x77: {  	_ =	shalt  }
0x78: {  	_ =	shalt  }
0x79: {  	_ =	shalt  }
0x7a: {  	_ =	shalt  }
0x7b: {  	_ =	shalt  }
0x7c: {  	_ =	shalt  }
0x7d: {  	_ =	shalt  }
0x7e: {  	_ =	shalt  }
0x7f: {  	_ =	shalt  }
0x80: {  	_ =	shalt  }
0x81: {  	_ =	shalt  }
0x82: {  	_ =	shalt  }
0x83: {  	_ =	shalt  }
0x84: {  	_ =	shalt  }
0x85: {  	_ =	shalt  }
0x86: {  	_ =	shalt  }
0x87: {  	_ =	shalt  }
.Lfunc_end0:
.L_simem_size_0:
called_computation_lowered:
.L_overlay_start_0:
0x88: {  	s2 =	sld [smem:$0x3FD9]  }
0x89: {  	s3 =	sld [smem:$0x3FFE];
	_ =	sdelay $0x1  }
0x8a: {  	s1 =	srdreg.scid  }
0x8b: {  	s0 =	sand.u32 $0x1, s1  }
0x8c: {  	s17 =	sshll.u32 s0, $0xA;
	s2 =	sadd.s32 s3, s2  }
0x8d: {  	s2 =	sadd.s32 s2, s17  }
0x8e: {  	[smem:$0x3FA9] =	sst s2  }
0x8f: {  	_ = 	snop  }
0x90: {  	s2 =	sld [smem:$0x3FD0];
	(tm) =	ssettm $0x1  }
0x91: {  	s18 =	sld [smem:$0x3FFB];
	_ =	sdelay $0x3  }
0x92: {  	_ =	strace s18  }
0x93: {  	s3 =	sld [smem:$0x3FFC];
	_ =	sdelay $0x3  }
0x94: {  	_ =	strace s3  }
0x95: {  	s3 =	sld [smem:$0x3FFD];
	_ =	sdelay $0x3  }
0x96: {  	_ =	strace s3  }
0x97: {  	_ =	strace $0x8FFFFFFF  }
0x98: {  	s19 =	sld [smem:$0x3FDB];
	_ =	sdelay $0x1  }
0x99: {  	s4 =	simm.s32 $_scs_section_size  }
0x9a: {  	s5 =	simm.s32 $_size__tile_overlayer_lowered;
	s6 =	simm.s32 $_tile_overlayer_lowered  }
0x9b: {  	s22 =	simm.s32 $0x1BFF;
	s21 =	sshll.u32 s6, $0x1;
	s3 =	sadd.s32 s4, s19  }
0x9c: {  	s7 =	simm.s32 $0x0;
	s20 =	sshll.u32 s5, $0x1;
	s5 =	sadd.s32 s21, s3  }
0x9d: {  	[timem:s7], [sflag:s22] =	dma.local [hbm:s5], s20  }
0x9e: {  	_ =	swait.ge [sflag:s22], s20  }
0x9f: {  	s4 =	ssub.s32 $0x0, s20;
	[sflag:s22] =	ssyncset.done $0x0  }
0xa0: {  	[sflag:s22] =	ssyncadd.s32 s4;
	_ =	sdelay $0x1  }
0xa1: {  	s23 =	simm.s32 $0x1B8B  }
0xa2: {  	_ =	swait.ge [sflag:s23], $0x1  }
0xa3: {  	[sflag:s23] =	ssyncset.done $0x0  }
0xa4: {  	s25 =	simm.s32 $0x1B8E;
	s24 =	sld [smem:$0x3FFE];
	[sflag:s23] =	ssyncadd.s32 $0xFFFFFFFF  }
0xa5: {  	s26 =	simm.s32 $execute0_lowered;
	[smem:$0x3FD2] =	sst s25  }
0xa6: {  	s5 =	sshll.u32 s26, $0x1;
	_ =	strace $0x80000046;
	[dreg:$0x1] =	wrdreg $0xFFFFFFFF  }
0xa7: {  	s28 =	simm.s32 $_size_execute0_lowered;
	s3 =	sadd.s32 s3, s5;
	[dreg:$0x0] =	wrdreg $0x0  }
0xa8: {  	s5 =	sshll.u32 s28, $0x1;
	[dreg:$0x2] =	wrdreg s3  }
0xa9: {  	[dreg:$0x3] =	wrdreg s5  }
0xaa: {  	[dreg:$0x4] =	wrdreg $0xC0  }
0xab: {  	_ =	task [dreg:s7], $0x5FFFF  }
0xac: {  	[dreg:$0x1] =	wrdreg $0xFFFFFFFF  }
0xad: {  	[dreg:$0x0] =	wrdreg $0x60  }
0xae: {  	[dreg:$0x2] =	wrdreg s24  }
0xaf: {  	[dreg:$0x3] =	wrdreg s2  }
0xb0: {  	[dreg:$0x4] =	wrdreg $0xBC000  }
0xb1: {  	[dreg:$0x5] =	wrdreg $0x9  }
0xb2: {  	_ =	task.clear_ibuf [dreg:s7], $0x6FFFF;
	_ =	strace $0x90000046  }
0xb3: {  	s29 =	simm.s32 $0x9;
	_ =	strace $0x80000048  }
0xb4: {  	_ =	swait.ge [sflag:s29], $0x1  }
0xb5: {  	[sflag:s29] =	ssyncadd.s32 $0xFFFFFFFF  }
0xb6: {  	_ =	strace $0x90000048  }
0xb7: {  	_ =	sfence  }
0xb8: {  	s30 =	sld [smem:$0x0];
	_ =	sdelay $0x2  }
0xb9: {  	s31 =	sshll.u32 s1, $0xD;
	s1 =	sshrl.u32 s1, $0x2  }
0xba: {  	s3 =	sand.u32 $0x4000, s31;
	s1 =	sadd.s32 s1, s30  }
0xbb: {  	s0 =	sor.u32 s3, s0;
	s1 =	sshll.u32 s1, $0x11  }
0xbc: {  	s0 =	sor.u32 s1, s0  }
0xbd: {  	s0 =	sadd.s32 $0x8F2B, s0  }
0xbe: {  	[sflag:s0] =	ssyncadd.remote.s32 $0x1  }
0xbf: {  	_ =	sfence.sel $0xFFFF  }
0xc0: {  	[dreg:$0x0] =	wrdreg $0xFFFFFFFF;
	(pc) =	sbr.abs _section_cstart, $3  }
0xc1: {  	[dreg:$0x1] =	wrdreg $0xFFFFFFFF  }
0xc2: {  	_ =	task.clear_ibuf [dreg:s7], $0x2FFFF;
	_ =	strace $0x9FFFFFFF  }
0xc3: {  	(tm) =	ssettm $0x7FFFFFFF  }
tec
execute0_lowered:
.L_overlay_start_1:
0x0: {  	(tag) =	ssettag $0x1  }
0x1: {  	s7 =	rddreg [dreg:$0x0]  }
0x2: {  	s2 =	rddreg [dreg:$0x1]  }
0x3: {  	s0 =	stileid.u32;
	s1 =	srdreg.scid  }
0x4: {  	s3 =	rddreg [dreg:$0x2];
	s4 =	simm.s32 $0x0;
	s15 =	simm.s32 $0x80  }
0x5: {  	s16 =	simm.s32 $0x3C00;
	s17 =	simm.s32 $0x7C00;
	s18 =	simm.s32 $0x2800  }
0x6: {  	s19 =	simm.s32 $0x1;
	s20 =	simm.s32 $0x2;
	s21 =	simm.s32 $0x3B00  }
0x7: {  	s22 =	simm.s32 $0x3B80;
	s23 =	simm.s32 $0x0;
	s6 =	smul.u32 $0x2800, s0  }
0x8: {  	s8 =	sand.u32 $0x1, s1;
	s1 =	rddreg [dreg:$0x3];
	s10 =	smul.u32 $0x13C00, s0  }
0x9: {  	[smem:$0x7FF] =	sst s4;
	s5 =	sadd.s32 $0x6200, s7;
	s28 =	smul.u32 $0x4F000, s0  }
0xa: {  	s31 =	sshll.u32 s0, $0x6;
	s9 =	smul.u32 $0x13C000, s8;
	_ =	strace $0x80000047  }
0xb: {  	s12 =	ssub.s32 $0x2, s8;
	p0 =	seq.s32 s8, $0x1;
	s6 =	sshrl.u32 s6, $0x3  }
0xc: {  	s29 =	sshrl.u32 s12, $0x1;
	s30 =	sshrl.u32 s28, $0x2;
	s11 =	sadd.s32 s6, s7  }
.Ltmp0:
0xd: {  	s9 =	sadd.s32 s10, s9;
	s6 =	sadd.s32 $0x37400, s7;
	(pc) =	sbr.rel .LBB2_1-.Ltmp0, $4  }
0xe: {  	s12 =	ssub.s32 s12, s29;
	s14 =	sadd.s32 s30, s3;
	s9 =	sshrl.u32 s9, $0x3  }
0xf: {  	s8 =	sadd.s32 $0x32400, s11;
	s14 =	sshrl.u32 s14, $0x3;
	s13 =	sadd.s32 s9, s7  }
0x10: {  	s7 =	sadd.s32 $0x2D400, s11;
	s9 =	sadd.s32 $0x32680, s11;
	s11 =	smax.u32 s12, $0x1  }
0x11: {  	s12 =	simm.s32 $0x3;
	s10 =	sadd.s32 $0x39C00, s13;
	s13 =	sor.u32 $0x1C03, s31  }
.LBB2_11:
0x12: {  	[tilespmem:s17], [sflag:$0x2] =	stream.indirect.gather [hbm4b:s2+s15], $0x80, s25, s15, $0xb8;
	[tilespmem:$0x1F800] =	vst v63  }
.LBB2_12:
0x13: {  	_ =	swait.ge [sflag:s19], $0x4000  }
0x14: {  	[sflag:s19] =	ssyncset.done $0x0  }
0x15: {  	[sflag:s19] =	ssyncadd.s32 $0xFFFFC000  }
0x16: {  	[spmem:s3] =	stream.indirect.scatter.add.f32 [tilespmem:s16], [sflag:$0x3], $0x80, s21, s15, $0xb8;
	[tilespmem:$0x1F800] =	vst v63  }
0x17: {  	_ =	swait.ge [sflag:s12], $0x4000  }
0x18: {  	[sflag:s12] =	ssyncset.done $0x0  }
0x19: {  	[sflag:s12] =	ssyncadd.s32 $0xFFFFC000  }
0x1a: {  	_ =	swait.ge [sflag:s20], $0x4000  }
0x1b: {  	[sflag:s20] =	ssyncset.done $0x0  }
0x1c: {  	[sflag:s20] =	ssyncadd.s32 $0xFFFFC000  }
0x1d: {  	[spmem:s3] =	stream.indirect.scatter.add.f32 [tilespmem:s17], [sflag:$0x3], $0x80, s22, s15, $0xb8;
	[tilespmem:$0x1F800] =	vst v63  }
0x1e: {  	_ =	swait.ge [sflag:s12], $0x4000  }
0x1f: {  	s23 =	sadd.s32 $0x1, s23;
	[sflag:s12] =	ssyncset.done $0x0  }
0x20: {  	p1 =	sne.s32 s23, s11;
	[sflag:s12] =	ssyncadd.s32 $0xFFFFC000  }
.Ltmp1:
0x21: {  	[bflag:$0x0] =	sbarrier.arrive $0xFFFF;
	(pc) =	sbr.rel @!p1 .LBB2_13-.Ltmp1, $4  }
0x22: {  	[hbm:s10], [sflag:s13] =	dma.local [spmem:s14], $0x2780  }
0x23: {  	_ =	swait.ge [sflag:s12], $0x2780  }
0x24: {  	[sflag:s12] =	ssyncset.done $0x0  }
0x25: {  	[sflag:s12] =	ssyncadd.s32 $0xFFFFD880  }
.LBB2_1:
0x26: {  	[tilespmem:s4], [sflag:$0x3] =	stream.linear.gather [hbm4b:s7+s4], $0x2800, $0x38;
	[tilespmem:$0x1F800] =	vst v63  }
0x27: {  	_ =	swait.ge [sflag:s12], $0x2800  }
0x28: {  	[sflag:s12] =	ssyncset.done $0x0  }
0x29: {  	[sflag:s12] =	ssyncadd.s32 $0xFFFFD800  }
0x2a: {  	[spmem:s14], [sflag:s13] =	dma.local [hbm:s6], $0x2780  }
.Ltmp2:
0x2b: {  	_ =	swait.ge [sflag:s12], $0x2780;
	(pc) =	sbr.rel @!p0 .LBB2_2-.Ltmp2, $4  }
0x2c: {  	[sflag:s12] =	ssyncset.done $0x0  }
0x2d: {  	[sflag:s12] =	ssyncadd.s32 $0xFFFFD880  }
0x2e: {  	[bflag:$0x0] =	sbarrier.arrive $0xFFFF  }
0x2f: {  	s24 =	simm.s32 $0x0  }
0x30: {  	[tilespmem:s16], [sflag:$0x1] =	stream.indirect.gather [hbm4b:s2+s15], $0x80, s24, s15, $0xb8;
	[tilespmem:$0x1F800] =	vst v63  }
0x31: {  	_ = 	snop  }
0x32: {  	[tilespmem:s17], [sflag:$0x2] =	stream.indirect.gather [hbm4b:s2+s15], $0x80, s15, s15, $0xb8;
	[tilespmem:$0x1F800] =	vst v63  }
0x33: {  	_ = 	snop  }
0x34: {  	[tilespmem:s18], [sflag:$0x3] =	stream.linear.gather [hbm4b:s8+s24], $0x1400, $0x38;
	[tilespmem:$0x1F800] =	vst v63  }
0x35: {  	_ =	swait.ge [sflag:s12], $0x1400  }
0x36: {  	[sflag:s12] =	ssyncset.done $0x0  }
0x37: {  	[sflag:s12] =	ssyncadd.s32 $0xFFFFEC00  }
0x38: {  	_ =	swait.ge [sflag:s19], $0x4000  }
0x39: {  	[sflag:s19] =	ssyncset.done $0x0  }
0x3a: {  	s29 =	simm.s32 $0x2800;
	[sflag:s19] =	ssyncadd.s32 $0xFFFFC000  }
0x3b: {  	[spmem:s3] =	stream.indirect.scatter.add.f32 [tilespmem:s16], [sflag:$0x3], $0x80, s29, s15, $0xb8;
	[tilespmem:$0x1F800] =	vst v63  }
0x3c: {  	_ =	swait.ge [sflag:s12], $0x4000  }
0x3d: {  	[sflag:s12] =	ssyncset.done $0x0  }
0x3e: {  	s30 =	simm.s32 $0x100;
	[sflag:s12] =	ssyncadd.s32 $0xFFFFC000  }
0x3f: {  	[tilespmem:s16], [sflag:$0x1] =	stream.indirect.gather [hbm4b:s2+s15], $0x80, s30, s15, $0xb8;
	[tilespmem:$0x1F800] =	vst v63  }
0x40: {  	_ =	swait.ge [sflag:s20], $0x4000  }
0x41: {  	[sflag:s20] =	ssyncset.done $0x0  }
0x42: {  	s31 =	simm.s32 $0x2880;
	[sflag:s20] =	ssyncadd.s32 $0xFFFFC000  }
0x43: {  	[spmem:s3] =	stream.indirect.scatter.add.f32 [tilespmem:s17], [sflag:$0x3], $0x80, s31, s15, $0xb8;
	[tilespmem:$0x1F800] =	vst v63  }
0x44: {  	_ =	swait.ge [sflag:s12], $0x4000  }
0x45: {  	[sflag:s12] =	ssyncset.done $0x0  }
0x46: {  	s25 =	simm.s32 $0x180;
	s24 =	simm.s32 $0x400;
	[sflag:s12] =	ssyncadd.s32 $0xFFFFC000  }
.LBB2_8:
0x47: {  	[tilespmem:s17], [sflag:$0x2] =	stream.indirect.gather [hbm4b:s2+s15], $0x80, s25, s15, $0xb8;
	[tilespmem:$0x1F800] =	vst v63  }
0x48: {  	s25 =	smov.u32 s24  }
0x49: {  	p1 =	sne.s32 s24, $0x4C00;
	s24 =	sadd.s32 $0x400, s24;
	_ =	swait.ge [sflag:s19], $0x4000  }
0x4a: {  	s25 =	sshra.s32 s25, $0x2;
	[sflag:s19] =	ssyncset.done $0x0  }
0x4b: {  	s26 =	sadd.s32 $0x2800, s25;
	[sflag:s19] =	ssyncadd.s32 $0xFFFFC000  }
0x4c: {  	[spmem:s3] =	stream.indirect.scatter.add.f32 [tilespmem:s16], [sflag:$0x3], $0x80, s26, s15, $0xb8;
	[tilespmem:$0x1F800] =	vst v63  }
0x4d: {  	_ =	swait.ge [sflag:s12], $0x4000  }
0x4e: {  	[sflag:s12] =	ssyncset.done $0x0  }
0x4f: {  	s26 =	sadd.s32 $0x100, s25;
	[sflag:s12] =	ssyncadd.s32 $0xFFFFC000  }
0x50: {  	[tilespmem:s16], [sflag:$0x1] =	stream.indirect.gather [hbm4b:s2+s15], $0x80, s26, s15, $0xb8;
	[tilespmem:$0x1F800] =	vst v63  }
0x51: {  	_ =	swait.ge [sflag:s20], $0x4000  }
0x52: {  	[sflag:s20] =	ssyncset.done $0x0  }
.Ltmp3:
0x53: {  	s26 =	sadd.s32 $0x2880, s25;
	[sflag:s20] =	ssyncadd.s32 $0xFFFFC000;
	(pc) =	sbr.rel @p1 .LBB2_8-.Ltmp3, $4  }
0x54: {  	[spmem:s3] =	stream.indirect.scatter.add.f32 [tilespmem:s17], [sflag:$0x3], $0x80, s26, s15, $0xb8;
	[tilespmem:$0x1F800] =	vst v63  }
0x55: {  	_ =	swait.ge [sflag:s12], $0x4000  }
0x56: {  	[sflag:s12] =	ssyncset.done $0x0  }
0x57: {  	s25 =	sadd.s32 $0x180, s25;
	[sflag:s12] =	ssyncadd.s32 $0xFFFFC000  }
0x58: {  	[tilespmem:s17], [sflag:$0x2] =	stream.indirect.gather [hbm4b:s2+s15], $0x80, s25, s15, $0xb8;
	[tilespmem:$0x1F800] =	vst v63  }
0x59: {  	s24 =	simm.s32 $0x0  }
0x5a: {  	[tilespmem:s18], [sflag:$0x3] =	stream.linear.gather [hbm4b:s9+s24], $0x1400, $0x38;
	[tilespmem:$0x1F800] =	vst v63  }
0x5b: {  	_ =	swait.ge [sflag:s12], $0x1400  }
0x5c: {  	[sflag:s12] =	ssyncset.done $0x0  }
0x5d: {  	[sflag:s12] =	ssyncadd.s32 $0xFFFFEC00  }
0x5e: {  	_ =	swait.ge [sflag:s19], $0x4000  }
0x5f: {  	[sflag:s19] =	ssyncset.done $0x0  }
0x60: {  	s29 =	simm.s32 $0x2800;
	[sflag:s19] =	ssyncadd.s32 $0xFFFFC000  }
0x61: {  	[spmem:s3] =	stream.indirect.scatter.add.f32 [tilespmem:s16], [sflag:$0x3], $0x80, s29, s15, $0xb8;
	[tilespmem:$0x1F800] =	vst v63  }
0x62: {  	_ =	swait.ge [sflag:s12], $0x4000  }
0x63: {  	[sflag:s12] =	ssyncset.done $0x0  }
0x64: {  	s30 =	simm.s32 $0x1500;
	[sflag:s12] =	ssyncadd.s32 $0xFFFFC000  }
0x65: {  	[tilespmem:s16], [sflag:$0x1] =	stream.indirect.gather [hbm4b:s2+s15], $0x80, s30, s15, $0xb8;
	[tilespmem:$0x1F800] =	vst v63  }
0x66: {  	_ =	swait.ge [sflag:s20], $0x4000  }
0x67: {  	[sflag:s20] =	ssyncset.done $0x0  }
0x68: {  	s31 =	simm.s32 $0x2880;
	[sflag:s20] =	ssyncadd.s32 $0xFFFFC000  }
0x69: {  	[spmem:s3] =	stream.indirect.scatter.add.f32 [tilespmem:s17], [sflag:$0x3], $0x80, s31, s15, $0xb8;
	[tilespmem:$0x1F800] =	vst v63  }
0x6a: {  	_ =	swait.ge [sflag:s12], $0x4000  }
0x6b: {  	[sflag:s12] =	ssyncset.done $0x0  }
0x6c: {  	s25 =	simm.s32 $0x1580;
	s24 =	simm.s32 $0x400;
	[sflag:s12] =	ssyncadd.s32 $0xFFFFC000  }
.LBB2_10:
0x6d: {  	[tilespmem:s17], [sflag:$0x2] =	stream.indirect.gather [hbm4b:s2+s15], $0x80, s25, s15, $0xb8;
	[tilespmem:$0x1F800] =	vst v63  }
0x6e: {  	s25 =	smov.u32 s24  }
0x6f: {  	p1 =	sne.s32 s24, $0x4800;
	s24 =	sadd.s32 $0x400, s24;
	_ =	swait.ge [sflag:s19], $0x4000  }
0x70: {  	s25 =	sshra.s32 s25, $0x2;
	[sflag:s19] =	ssyncset.done $0x0  }
0x71: {  	s26 =	sadd.s32 $0x2800, s25;
	[sflag:s19] =	ssyncadd.s32 $0xFFFFC000  }
0x72: {  	[spmem:s3] =	stream.indirect.scatter.add.f32 [tilespmem:s16], [sflag:$0x3], $0x80, s26, s15, $0xb8;
	[tilespmem:$0x1F800] =	vst v63  }
0x73: {  	_ =	swait.ge [sflag:s12], $0x4000  }
0x74: {  	[sflag:s12] =	ssyncset.done $0x0  }
0x75: {  	s26 =	sadd.s32 $0x1500, s25;
	[sflag:s12] =	ssyncadd.s32 $0xFFFFC000  }
0x76: {  	[tilespmem:s16], [sflag:$0x1] =	stream.indirect.gather [hbm4b:s2+s15], $0x80, s26, s15, $0xb8;
	[tilespmem:$0x1F800] =	vst v63  }
0x77: {  	_ =	swait.ge [sflag:s20], $0x4000  }
0x78: {  	[sflag:s20] =	ssyncset.done $0x0  }
.Ltmp4:
0x79: {  	s26 =	sadd.s32 $0x2880, s25;
	[sflag:s20] =	ssyncadd.s32 $0xFFFFC000;
	(pc) =	sbr.rel @p1 .LBB2_10-.Ltmp4, $4  }
0x7a: {  	[spmem:s3] =	stream.indirect.scatter.add.f32 [tilespmem:s17], [sflag:$0x3], $0x80, s26, s15, $0xb8;
	[tilespmem:$0x1F800] =	vst v63  }
0x7b: {  	_ =	swait.ge [sflag:s12], $0x4000  }
0x7c: {  	[sflag:s12] =	ssyncset.done $0x0  }
0x7d: {  	s25 =	sadd.s32 $0x1580, s25;
	[sflag:s12] =	ssyncadd.s32 $0xFFFFC000  }
.Ltmp5:
0x7e: {  	_ = 	snop;
	(pc) =	sbr.rel .LBB2_11-.Ltmp5, $1  }
0x7f: {  	_ =	sdelay $0x3  }
.LBB2_2:
0x80: {  	[tilespmem:s16], [sflag:$0x1] =	stream.indirect.gather [hbm4b:s5+s15], $0x80, s24, s15, $0xb8;
	[tilespmem:$0x1F800] =	vst v63  }
0x81: {  	_ = 	snop  }
0x82: {  	[tilespmem:s17], [sflag:$0x2] =	stream.indirect.gather [hbm4b:s5+s15], $0x80, s15, s15, $0xb8;
	[tilespmem:$0x1F800] =	vst v63  }
0x83: {  	_ = 	snop  }
0x84: {  	[tilespmem:s18], [sflag:$0x3] =	stream.linear.gather [hbm4b:s8+s24], $0x1400, $0x38;
	[tilespmem:$0x1F800] =	vst v63  }
0x85: {  	_ =	swait.ge [sflag:s12], $0x1400  }
0x86: {  	[sflag:s12] =	ssyncset.done $0x0  }
0x87: {  	[sflag:s12] =	ssyncadd.s32 $0xFFFFEC00  }
0x88: {  	_ =	swait.ge [sflag:s19], $0x4000  }
0x89: {  	[sflag:s19] =	ssyncset.done $0x0  }
0x8a: {  	s29 =	simm.s32 $0x2800;
	[sflag:s19] =	ssyncadd.s32 $0xFFFFC000  }
0x8b: {  	[spmem:s3] =	stream.indirect.scatter.add.f32 [tilespmem:s16], [sflag:$0x3], $0x80, s29, s15, $0xb8;
	[tilespmem:$0x1F800] =	vst v63  }
0x8c: {  	_ =	swait.ge [sflag:s12], $0x4000  }
0x8d: {  	[sflag:s12] =	ssyncset.done $0x0  }
0x8e: {  	s30 =	simm.s32 $0x100;
	[sflag:s12] =	ssyncadd.s32 $0xFFFFC000  }
0x8f: {  	[tilespmem:s16], [sflag:$0x1] =	stream.indirect.gather [hbm4b:s5+s15], $0x80, s30, s15, $0xb8;
	[tilespmem:$0x1F800] =	vst v63  }
0x90: {  	_ =	swait.ge [sflag:s20], $0x4000  }
0x91: {  	[sflag:s20] =	ssyncset.done $0x0  }
0x92: {  	s31 =	simm.s32 $0x2880;
	[sflag:s20] =	ssyncadd.s32 $0xFFFFC000  }
0x93: {  	[spmem:s3] =	stream.indirect.scatter.add.f32 [tilespmem:s17], [sflag:$0x3], $0x80, s31, s15, $0xb8;
	[tilespmem:$0x1F800] =	vst v63  }
0x94: {  	_ =	swait.ge [sflag:s12], $0x4000  }
0x95: {  	[sflag:s12] =	ssyncset.done $0x0  }
0x96: {  	s25 =	simm.s32 $0x180;
	s24 =	simm.s32 $0x400;
	[sflag:s12] =	ssyncadd.s32 $0xFFFFC000  }
.LBB2_3:
0x97: {  	[tilespmem:s17], [sflag:$0x2] =	stream.indirect.gather [hbm4b:s5+s15], $0x80, s25, s15, $0xb8;
	[tilespmem:$0x1F800] =	vst v63  }
0x98: {  	s25 =	smov.u32 s24  }
0x99: {  	p1 =	sne.s32 s24, $0x4C00;
	s24 =	sadd.s32 $0x400, s24;
	_ =	swait.ge [sflag:s19], $0x4000  }
0x9a: {  	s25 =	sshra.s32 s25, $0x2;
	[sflag:s19] =	ssyncset.done $0x0  }
0x9b: {  	s26 =	sadd.s32 $0x2800, s25;
	[sflag:s19] =	ssyncadd.s32 $0xFFFFC000  }
0x9c: {  	[spmem:s3] =	stream.indirect.scatter.add.f32 [tilespmem:s16], [sflag:$0x3], $0x80, s26, s15, $0xb8;
	[tilespmem:$0x1F800] =	vst v63  }
0x9d: {  	_ =	swait.ge [sflag:s12], $0x4000  }
0x9e: {  	[sflag:s12] =	ssyncset.done $0x0  }
0x9f: {  	s26 =	sadd.s32 $0x100, s25;
	[sflag:s12] =	ssyncadd.s32 $0xFFFFC000  }
0xa0: {  	[tilespmem:s16], [sflag:$0x1] =	stream.indirect.gather [hbm4b:s5+s15], $0x80, s26, s15, $0xb8;
	[tilespmem:$0x1F800] =	vst v63  }
0xa1: {  	_ =	swait.ge [sflag:s20], $0x4000  }
0xa2: {  	[sflag:s20] =	ssyncset.done $0x0  }
.Ltmp6:
0xa3: {  	s26 =	sadd.s32 $0x2880, s25;
	[sflag:s20] =	ssyncadd.s32 $0xFFFFC000;
	(pc) =	sbr.rel @p1 .LBB2_3-.Ltmp6, $4  }
0xa4: {  	[spmem:s3] =	stream.indirect.scatter.add.f32 [tilespmem:s17], [sflag:$0x3], $0x80, s26, s15, $0xb8;
	[tilespmem:$0x1F800] =	vst v63  }
0xa5: {  	_ =	swait.ge [sflag:s12], $0x4000  }
0xa6: {  	[sflag:s12] =	ssyncset.done $0x0  }
0xa7: {  	s25 =	sadd.s32 $0x180, s25;
	[sflag:s12] =	ssyncadd.s32 $0xFFFFC000  }
0xa8: {  	[tilespmem:s17], [sflag:$0x2] =	stream.indirect.gather [hbm4b:s5+s15], $0x80, s25, s15, $0xb8;
	[tilespmem:$0x1F800] =	vst v63  }
0xa9: {  	s24 =	simm.s32 $0x0  }
0xaa: {  	[tilespmem:s18], [sflag:$0x3] =	stream.linear.gather [hbm4b:s9+s24], $0x1400, $0x38;
	[tilespmem:$0x1F800] =	vst v63  }
0xab: {  	_ =	swait.ge [sflag:s12], $0x1400  }
0xac: {  	[sflag:s12] =	ssyncset.done $0x0  }
0xad: {  	[sflag:s12] =	ssyncadd.s32 $0xFFFFEC00  }
0xae: {  	_ =	swait.ge [sflag:s19], $0x4000  }
0xaf: {  	[sflag:s19] =	ssyncset.done $0x0  }
0xb0: {  	s29 =	simm.s32 $0x2800;
	[sflag:s19] =	ssyncadd.s32 $0xFFFFC000  }
0xb1: {  	[spmem:s3] =	stream.indirect.scatter.add.f32 [tilespmem:s16], [sflag:$0x3], $0x80, s29, s15, $0xb8;
	[tilespmem:$0x1F800] =	vst v63  }
0xb2: {  	_ =	swait.ge [sflag:s12], $0x4000  }
0xb3: {  	[sflag:s12] =	ssyncset.done $0x0  }
0xb4: {  	s30 =	simm.s32 $0x1500;
	[sflag:s12] =	ssyncadd.s32 $0xFFFFC000  }
0xb5: {  	[tilespmem:s16], [sflag:$0x1] =	stream.indirect.gather [hbm4b:s5+s15], $0x80, s30, s15, $0xb8;
	[tilespmem:$0x1F800] =	vst v63  }
0xb6: {  	_ =	swait.ge [sflag:s20], $0x4000  }
0xb7: {  	[sflag:s20] =	ssyncset.done $0x0  }
0xb8: {  	s31 =	simm.s32 $0x2880;
	[sflag:s20] =	ssyncadd.s32 $0xFFFFC000  }
0xb9: {  	[spmem:s3] =	stream.indirect.scatter.add.f32 [tilespmem:s17], [sflag:$0x3], $0x80, s31, s15, $0xb8;
	[tilespmem:$0x1F800] =	vst v63  }
0xba: {  	_ =	swait.ge [sflag:s12], $0x4000  }
0xbb: {  	[sflag:s12] =	ssyncset.done $0x0  }
0xbc: {  	s25 =	simm.s32 $0x1580;
	s24 =	simm.s32 $0x400;
	[sflag:s12] =	ssyncadd.s32 $0xFFFFC000  }
.LBB2_5:
0xbd: {  	[tilespmem:s17], [sflag:$0x2] =	stream.indirect.gather [hbm4b:s5+s15], $0x80, s25, s15, $0xb8;
	[tilespmem:$0x1F800] =	vst v63  }
0xbe: {  	s25 =	smov.u32 s24  }
0xbf: {  	p1 =	seq.s32 s24, $0x4800;
	s24 =	sadd.s32 $0x400, s24;
	_ =	swait.ge [sflag:s19], $0x4000  }
0xc0: {  	s25 =	sshra.s32 s25, $0x2;
	[sflag:s19] =	ssyncset.done $0x0  }
0xc1: {  	s26 =	sadd.s32 $0x2800, s25;
	[sflag:s19] =	ssyncadd.s32 $0xFFFFC000  }
0xc2: {  	[spmem:s3] =	stream.indirect.scatter.add.f32 [tilespmem:s16], [sflag:$0x3], $0x80, s26, s15, $0xb8;
	[tilespmem:$0x1F800] =	vst v63  }
0xc3: {  	_ =	swait.ge [sflag:s12], $0x4000  }
0xc4: {  	[sflag:s12] =	ssyncset.done $0x0  }
0xc5: {  	s26 =	sadd.s32 $0x1500, s25;
	[sflag:s12] =	ssyncadd.s32 $0xFFFFC000  }
0xc6: {  	[tilespmem:s16], [sflag:$0x1] =	stream.indirect.gather [hbm4b:s5+s15], $0x80, s26, s15, $0xb8;
	[tilespmem:$0x1F800] =	vst v63  }
0xc7: {  	_ =	swait.ge [sflag:s20], $0x4000  }
0xc8: {  	[sflag:s20] =	ssyncset.done $0x0  }
.Ltmp7:
0xc9: {  	s26 =	sadd.s32 $0x2880, s25;
	[sflag:s20] =	ssyncadd.s32 $0xFFFFC000;
	(pc) =	sbr.rel @!p1 .LBB2_5-.Ltmp7, $4  }
0xca: {  	[spmem:s3] =	stream.indirect.scatter.add.f32 [tilespmem:s17], [sflag:$0x3], $0x80, s26, s15, $0xb8;
	[tilespmem:$0x1F800] =	vst v63  }
0xcb: {  	_ =	swait.ge [sflag:s12], $0x4000  }
0xcc: {  	[sflag:s12] =	ssyncset.done $0x0  }
0xcd: {  	s25 =	sadd.s32 $0x1580, s25;
	[sflag:s12] =	ssyncadd.s32 $0xFFFFC000  }
.Ltmp8:
0xce: {  	(pc) =	sbr.rel .LBB2_12-.Ltmp8, $2  }
0xcf: {  	_ =	sdelay $0x2  }
0xd0: {  	[tilespmem:s17], [sflag:$0x2] =	stream.indirect.gather [hbm4b:s5+s15], $0x80, s25, s15, $0xb8;
	[tilespmem:$0x1F800] =	vst v63  }
.LBB2_13:
0xd1: {  	_ =	sfence.sel $0x180000  }
0xd2: {  	[bflag:$0x0] =	sbarrier.arrive $0xFFFF  }
0xd3: {  	p0 =	sne.s32 s0, $0x0;
	_ =	strace $0x90000047  }
0xd4: {  	s0 =	sadd.s32 @!p0 $0x100000, s1;
	[bflag:$0x2] =	sbarrier.arrive $0xFFFF  }
0xd5: {  	[sflag:s0] =	ssyncadd.tile.s32 @!p0 $0x1;
	_ =	shalt  }
.Lfunc_end2:
_tile_overlayer_lowered:
.L_overlay_start_2:
0xd6: {  	(tag) =	ssettag $0x2  }
0xd7: {  	s0 =	rddreg [dreg:$0x0];
	s2 =	stileid.u32  }
0xd8: {  	s1 =	rddreg [dreg:$0x1];
	p0 =	sne.s32 s2, $0x0  }
0xd9: {  	s3 =	rddreg [dreg:$0x2];
	[bflag:$0x3] =	sbarrier.arrive $0xFFFF;
	s2 =	simm.s32 @!p0 $0x1C03  }
0xda: {  	[timem:s3], [sflag:s2] =	dma.local @!p0 [hbm:s0], s1  }
0xdb: {  	s0 =	simm.s32 @!p0 $0x3  }
0xdc: {  	_ =	swait.ge @!p0 [sflag:s0], s1  }
0xdd: {  	s1 =	ssub.s32 @!p0 $0x0, s1;
	[sflag:s0] =	ssyncset.done @!p0 $0x0  }
0xde: {  	[sflag:s0] =	ssyncadd.s32 @!p0 s1  }
0xdf: {  	[bflag:$0x3] =	sbarrier.arrive $0xFFFF  }
0xe0: {  	_ =	shalt  }

</sc_bundles>
